<compile_context>
chip_gen: v7x
topology: tpu7x:2x2x1
jax: 0.10.2.dev20260603
libtpu: 0.0.44.dev20260713+nightly
codegen_flags: <defaults>
</compile_context>

<pallas_src>
import functools

import jax
import jax.numpy as jnp
from jax import lax
from jax.experimental import pallas as pl
from jax.experimental.pallas import tpu as pltpu
from jax.experimental.pallas import tpu_sc as plsc

_B, _D, _C, _K = 32, 128, 1000000, 64
_S = 16384
_NBLK = -(-_C // _S)
_CP = _NBLK * _S
_CHUNK = 128
_NCHUNK = _CP // _CHUNK
_NEG = -3.0e38
_BIGI = 0x7FFFFFFF
_GCH = 64
_NFULLG = _C // (_GCH * _CHUNK)
_NCAP = 4096
_PCAP = 4096
_NB = 128
_NC, _NS = 2, 16


def _phase_a_body(q_ref, k_ref, scores_ref, cmax_ref):
    i = pl.program_id(0)
    q = q_ref[...]
    k = k_ref[...]
    s = jax.lax.dot_general(
        q, k, (((1,), (1,)), ((), ())),
        preferred_element_type=jnp.float32)
    col = i * _S + jax.lax.broadcasted_iota(jnp.int32, (_B, _S), 1)
    s = jnp.where(col < _C, s, _NEG)
    s3 = s.reshape(_B, _S // _CHUNK, _CHUNK)
    scores_ref[...] = s3
    cmax_ref[...] = jnp.max(s3, axis=2)


_phase_a = pl.pallas_call(
    _phase_a_body,
    grid=(_NBLK,),
    in_specs=[
        pl.BlockSpec((_B, _D), lambda i: (0, 0)),
        pl.BlockSpec((_S, _D), lambda i: (i, 0)),
    ],
    out_specs=[
        pl.BlockSpec((_B, _S // _CHUNK, _CHUNK), lambda i: (0, i, 0)),
        pl.BlockSpec((_B, _S // _CHUNK), lambda i: (0, i)),
    ],
    out_shape=[
        jax.ShapeDtypeStruct((_B, _NCHUNK, _CHUNK), jnp.float32),
        jax.ShapeDtypeStruct((_B, _NCHUNK), jnp.float32),
    ],
    compiler_params=pltpu.CompilerParams(
        dimension_semantics=("arbitrary",),
    ),
)


@functools.partial(
    pl.kernel,
    mesh=plsc.VectorSubcoreMesh(core_axis_name="c", subcore_axis_name="s"),
    out_type=jax.ShapeDtypeStruct((_B, _K, _D), jnp.float32),
    scratch_types=[
        pltpu.VMEM((_NCHUNK,), jnp.float32),
        pltpu.VMEM((_NCAP + 128,), jnp.int32),
        pltpu.VMEM((_NB, _CHUNK), jnp.float32),
        pltpu.VMEM((_PCAP + 128,), jnp.float32),
        pltpu.VMEM((_PCAP + 128,), jnp.int32),
        pltpu.VMEM((_K,), jnp.int32),
        pltpu.VMEM((_K, _D), jnp.float32),
        pltpu.VMEM((16,), jnp.int32),
        pltpu.VMEM((16,), jnp.float32),
        pltpu.VMEM((16,), jnp.int32),
        pltpu.SemaphoreType.DMA,
    ],
)
def _phase_b(scores2d_hbm, cmax_hbm, v_hbm, out_hbm,
             cmax_v, ids_v, buf_v, cv_v, ci_v, ti_v, vrows_v,
             pend_v, pcv_v, pci_v, sem):
    r = lax.axis_index("s") * _NC + lax.axis_index("c")
    row_base = r * _NCHUNK
    lane = lax.iota(jnp.int32, 16)

    _dnums = lax.GatherDimensionNumbers(
        offset_dims=(), collapsed_slice_dims=(0,), start_index_map=(0,))

    def _lane_shuf(x, k):
        return lax.gather(x, (lane ^ k)[:, None], _dnums, slice_sizes=(1,),
                          mode=lax.GatherScatterMode.PROMISE_IN_BOUNDS)

    def _lanemax(x):
        for k in (8, 4, 2, 1):
            x = jnp.maximum(x, _lane_shuf(x, k))
        return x[0]

    def _lanemin(x):
        for k in (8, 4, 2, 1):
            x = jnp.minimum(x, _lane_shuf(x, k))
        return x[0]

    pltpu.sync_copy(cmax_hbm.at[r], cmax_v)

    def _grp(g, tau):
        m = cmax_v[pl.ds(g * _GCH, 16)]
        for j in range(1, _GCH // 16):
            m = jnp.maximum(m, cmax_v[pl.ds(g * _GCH + j * 16, 16)])
        return jnp.minimum(tau, _lanemax(m))
    tau = lax.fori_loop(0, _NFULLG, _grp, jnp.float32(3.0e38))

    def _fill_ids(i, c):
        ids_v[pl.ds(i * 16, 16)] = row_base + i * 16 + lane
        return c
    lax.fori_loop(0, (_NCAP + 128) // 16, _fill_ids, 0)

    def _fill_cand(i, c):
        cv_v[pl.ds(i * 16, 16)] = jnp.full((16,), _NEG, jnp.float32)
        ci_v[pl.ds(i * 16, 16)] = jnp.full((16,), _BIGI, jnp.int32)
        return c
    lax.fori_loop(0, (_PCAP + 128) // 16, _fill_cand, 0)

    safe_ids = row_base + lane
    pend_v[pl.ds(0, 16)] = safe_ids

    def _sel(i, off):
        def _ins(off):
            v = cmax_v[pl.ds(i * 16, 16)]
            pend = pend_v[pl.ds(0, 16)]
            for l in range(16):
                sc = v[l]
                ok = (sc >= tau) & (off < _NCAP)
                tgt = jnp.where(ok, lax.rem(off, 16), jnp.int32(16))
                pend = jnp.where(lane == tgt, row_base + i * 16 + l, pend)
                noff = off + jnp.where(ok, jnp.int32(1), jnp.int32(0))

                @pl.when(ok & (lax.rem(noff, 16) == 0))
                def _():
                    ids_v[pl.ds(noff - 16, 16)] = pend
                off = noff
            pend_v[pl.ds(0, 16)] = pend
            return off

        v = cmax_v[pl.ds(i * 16, 16)]
        return lax.cond(_lanemax(v) >= tau, _ins, lambda o: o, off)

    n_chunks = lax.fori_loop(0, _NCHUNK // 16, _sel, jnp.int32(0))

    @pl.when(lax.rem(n_chunks, 16) != 0)
    def _():
        ids_v[pl.ds((n_chunks // 16) * 16, 16)] = pend_v[pl.ds(0, 16)]

    n_batch = (n_chunks + _NB - 1) // _NB

    pcv_v[pl.ds(0, 16)] = jnp.full((16,), _NEG, jnp.float32)
    pci_v[pl.ds(0, 16)] = safe_ids

    def _batch(b, off2):
        pltpu.async_copy(
            scores2d_hbm.at[ids_v.at[pl.ds(b * _NB, _NB)]], buf_v, sem,
        ).wait()
        jlim = jnp.minimum(n_chunks - b * _NB, _NB)

        def _chunk(j, off2):
            abs_id = ids_v[pl.ds(b * _NB + j, 16)][0]
            col0 = (abs_id - row_base) * _CHUNK

            def _vstep(v, off2):
                val = buf_v[j, pl.ds(v * 16, 16)]

                def _ins(off2):
                    pv = pcv_v[pl.ds(0, 16)]
                    pi = pci_v[pl.ds(0, 16)]
                    for l in range(16):
                        sc = val[l]
                        ok = (sc >= tau) & (off2 < _PCAP)
                        tgt = jnp.where(ok, lax.rem(off2, 16), jnp.int32(16))
                        gidx = col0 + v * 16 + l
                        pv = jnp.where(lane == tgt, sc, pv)
                        pi = jnp.where(lane == tgt, gidx, pi)
                        noff = off2 + jnp.where(ok, jnp.int32(1), jnp.int32(0))

                        @pl.when(ok & (lax.rem(noff, 16) == 0))
                        def _():
                            cv_v[pl.ds(noff - 16, 16)] = pv
                            ci_v[pl.ds(noff - 16, 16)] = pi
                        off2 = noff
                    pcv_v[pl.ds(0, 16)] = pv
                    pci_v[pl.ds(0, 16)] = pi
                    return off2

                return lax.cond(_lanemax(val) >= tau, _ins,
                                lambda o: o, off2)

            return lax.fori_loop(0, _CHUNK // 16, _vstep, off2)
        return lax.fori_loop(0, jlim, _chunk, off2)

    n_cand = lax.fori_loop(0, n_batch, _batch, jnp.int32(0))

    @pl.when(lax.rem(n_cand, 16) != 0)
    def _():
        cv_v[pl.ds((n_cand // 16) * 16, 16)] = pcv_v[pl.ds(0, 16)]
        ci_v[pl.ds((n_cand // 16) * 16, 16)] = pci_v[pl.ds(0, 16)]

    nv4 = ((jnp.minimum(n_cand, jnp.int32(_PCAP)) + 15) // 16 + 3) // 4

    def _round(t, acc):
        def _mx(i, m):
            for u in range(4):
                m = jnp.maximum(m, cv_v[pl.ds((i * 4 + u) * 16, 16)])
            return m
        mvec = lax.fori_loop(0, nv4, _mx, jnp.full((16,), _NEG, jnp.float32))
        mx = _lanemax(mvec)

        def _mi(i, mi):
            for u in range(4):
                hit = cv_v[pl.ds((i * 4 + u) * 16, 16)] == mx
                mi = jnp.minimum(mi, jnp.where(
                    hit, ci_v[pl.ds((i * 4 + u) * 16, 16)], jnp.int32(_BIGI)))
            return mi
        ivec = lax.fori_loop(0, nv4, _mi, jnp.full((16,), _BIGI, jnp.int32))
        ix = _lanemin(ivec)

        def _clr(i, c):
            for u in range(4):
                vv = cv_v[pl.ds((i * 4 + u) * 16, 16)]
                cc = ci_v[pl.ds((i * 4 + u) * 16, 16)]
                cv_v[pl.ds((i * 4 + u) * 16, 16)] = jnp.where(
                    vv == mx, jnp.where(cc == ix, jnp.float32(_NEG), vv), vv)
            return c
        lax.fori_loop(0, nv4, _clr, 0)

        acc = jnp.where(lane == lax.rem(t, 16), ix, acc)

        @pl.when(lax.rem(t, 16) == 15)
        def _():
            ti_v[pl.ds((t // 16) * 16, 16)] = acc
        return acc

    lax.fori_loop(0, _K, _round, jnp.full((16,), 0, jnp.int32))

    pltpu.async_copy(v_hbm.at[ti_v], vrows_v, sem).wait()
    pltpu.sync_copy(vrows_v, out_hbm.at[r])


def kernel(query, K_bank, V_bank, topk):
    del topk
    scores, cmax = _phase_a(query, K_bank)
    scores2d = scores.reshape(_B * _NCHUNK, _CHUNK)
    return _phase_b(scores2d, cmax, V_bank)

# --- scband reference (transcript-rebuilt; emitter-appended) ---
"""Pipeline reference for scband-memory-bank-67216238182775 (READ-ONLY COPY).

The authoritative reference and input builder live on the scoring server;
editing this copy changes nothing except your own understanding.
"""

import jax, jax.numpy as jnp
import numpy as np

B = 32
D = 128
CAPACITY = 1000000
TOPK = 64


def setup_inputs(seed: int = 0) -> dict:
    key = jax.random.key(seed)
    k1, k2, k3 = jax.random.split(key, 3)
    query = jax.random.normal(k1, (B, D), dtype=jnp.float32)
    # MemoryBank buffers: assume the bank is fully filled (filled == capacity)
    # with non-trivial contents so read() performs real retrieval.
    K_bank = jax.random.normal(k2, (CAPACITY, D), dtype=jnp.float32) * 0.02
    V_bank = jax.random.normal(k3, (CAPACITY, D), dtype=jnp.float32) * 0.02
    return {"query": query, "K_bank": K_bank, "V_bank": V_bank, "topk": TOPK}


def reference(query, K_bank, V_bank, topk):
    # MemoryBank.read with n_filled == capacity:
    #   scores = query @ K_active.T                      [B, C]
    #   top_indices = topk(scores, k, dim=1).indices      [B, k]
    #   h_t = gather(V_active, top_indices)               [B, k, D]
    # k == topk <= n_filled, so no zero-padding branch is taken.
    scores = query @ K_bank.T  # [B, C]
    scores = scores + jnp.zeros((), dtype=scores.dtype) * topk
    _, top_indices = jax.lax.top_k(scores, TOPK)  # [B, topk]
    h_t = jnp.take(V_bank, top_indices, axis=0)  # [B, topk, D]
    # usage update side-effect (no_grad in torch): computed for fidelity of the
    # read path's arithmetic, but the forward output is h_t.
    _usage_update = scores.sum(axis=0)
    return h_t

if __name__ == "__main__":
    import jax
    _d = setup_inputs()
    print(jax.jit(kernel)(*tuple(_d.values())))

</pallas_src>

<mosaic_0001>
#map = affine_map<(d0, d1) -> (0, 0)>
#map1 = affine_map<(d0, d1) -> (0, 0, 0)>
module attributes {stable_mosaic.version = 14 : i64} {
  func.func @_phase_b(%arg0: i32, %arg1: i32, %arg2: memref<253952x128xf32, #tpu.memory_space<hbm>>, %arg3: memref<32x7936xf32, #tpu.memory_space<hbm>>, %arg4: memref<1000000x128xf32, #tpu.memory_space<hbm>>, %arg5: memref<32x64x128xf32, #tpu.memory_space<hbm>>, %arg6: memref<7936xf32, #tpu.memory_space<vmem>>, %arg7: memref<4224xi32, #tpu.memory_space<vmem>>, %arg8: memref<128x128xf32, #tpu.memory_space<vmem>>, %arg9: memref<4224xf32, #tpu.memory_space<vmem>>, %arg10: memref<4224xi32, #tpu.memory_space<vmem>>, %arg11: memref<64xi32, #tpu.memory_space<vmem>>, %arg12: memref<64x128xf32, #tpu.memory_space<vmem>>, %arg13: memref<16xi32, #tpu.memory_space<vmem>>, %arg14: memref<16xf32, #tpu.memory_space<vmem>>, %arg15: memref<16xi32, #tpu.memory_space<vmem>>, %arg16: memref<!tpu.dma_semaphore, #tpu.memory_space<semaphore_mem>>) attributes {dimension_semantics = [#tpu.dimension_semantics<core_parallel>, #tpu.dimension_semantics<subcore_parallel>], iteration_bounds = array<i64: 2, 16>, scalar_prefetch = 0 : i64, scratch_operands = 11 : i64, tpu.core_type = #tpu.core_type<sc_vector_subcore>, window_params = [{transform_indices = #map}, {transform_indices = #map}, {transform_indices = #map}, {transform_indices = #map1}]} {
    %mul3A = arith.constant 2 : i32
    %mul3A_0 = arith.muli %arg1, %mul3A : i32
    %add3A = arith.addi %mul3A_0, %arg0 : i32
    %mul3A_1 = arith.constant 7936 : i32
    %mul3A_2 = arith.muli %add3A, %mul3A_1 : i32
    %iota3A = tpu.iota {dimensions = array<i32: 0>} : vector<16xi32>
    "tpu.region"() ({
      %run_scoped3A = tpu.sem_alloc : memref<!tpu.dma_semaphore, #tpu.memory_space<semaphore_mem>>
      %dma_start3A_150 = arith.constant 0 : i32
      %dma_start3A_151 = tpu.memref_slice %arg3[%add3A, %dma_start3A_150] : memref<32x7936xf32, #tpu.memory_space<hbm>> -> memref<1x7936xf32, #tpu.memory_space<hbm>>
      %dma_start3A_152 = tpu.memref_squeeze %dma_start3A_151 : memref<1x7936xf32, #tpu.memory_space<hbm>> -> memref<7936xf32, #tpu.memory_space<hbm>>
      %dma_start3A_153 = arith.constant 0 : i32
      %dma_start3A_154 = tpu.memref_slice %arg3[%add3A, %dma_start3A_153] : memref<32x7936xf32, #tpu.memory_space<hbm>> -> memref<1x7936xf32, #tpu.memory_space<hbm>>
      %dma_start3A_155 = tpu.memref_squeeze %dma_start3A_154 : memref<1x7936xf32, #tpu.memory_space<hbm>> -> memref<7936xf32, #tpu.memory_space<hbm>>
      tpu.enqueue_dma source(%dma_start3A_155 : memref<7936xf32, #tpu.memory_space<hbm>>) target(%arg6 : memref<7936xf32, #tpu.memory_space<vmem>>) target_semaphore(%run_scoped3A : memref<!tpu.dma_semaphore, #tpu.memory_space<semaphore_mem>>)
      %dma_wait3A_156 = arith.constant 0 : i32
      %dma_wait3A_157 = tpu.memref_slice %arg3[%add3A, %dma_wait3A_156] : memref<32x7936xf32, #tpu.memory_space<hbm>> -> memref<1x7936xf32, #tpu.memory_space<hbm>>
      %dma_wait3A_158 = tpu.memref_squeeze %dma_wait3A_157 : memref<1x7936xf32, #tpu.memory_space<hbm>> -> memref<7936xf32, #tpu.memory_space<hbm>>
      %dma_wait3A_159 = arith.constant 0 : i32
      %dma_wait3A_160 = tpu.memref_slice %arg3[%add3A, %dma_wait3A_159] : memref<32x7936xf32, #tpu.memory_space<hbm>> -> memref<1x7936xf32, #tpu.memory_space<hbm>>
      %dma_wait3A_161 = tpu.memref_squeeze %dma_wait3A_160 : memref<1x7936xf32, #tpu.memory_space<hbm>> -> memref<7936xf32, #tpu.memory_space<hbm>>
      tpu.wait_dma2 semaphore(%run_scoped3A : memref<!tpu.dma_semaphore, #tpu.memory_space<semaphore_mem>>) src(%dma_wait3A_161 : memref<7936xf32, #tpu.memory_space<hbm>>) dst(%arg6 : memref<7936xf32, #tpu.memory_space<vmem>>)
      tpu.yield
    }) : () -> ()
    %scan3A = arith.constant 3.000000e+38 : f32
    %scan3A_3 = arith.constant 0 : i32
    %scan3A_4 = arith.constant 122 : i32
    %scan3A_5 = arith.addi %scan3A_3, %scan3A_4 : i32
    %scan3A_6 = arith.constant 1 : i32
    %scan3A_7 = scf.for %scan3A_150 = %scan3A_3 to %scan3A_5 step %scan3A_6 iter_args(%scan3A_151 = %scan3A) -> (f32)  : i32 {
      %mul3A_152 = arith.constant 64 : i32
      %mul3A_153 = arith.muli %scan3A_150, %mul3A_152 : i32
      %get3A = arith.index_cast %mul3A_153 : i32 to index
      %get3A_154 = tpu.vector_load %arg6[%get3A] {strides = array<i32>} : memref<7936xf32, #tpu.memory_space<vmem>>, vector<16xf32>,
      %get3A_155 = vector.shape_cast %get3A_154 : vector<16xf32> to vector<16xf32>
      %mul3A_156 = arith.constant 64 : i32
      %mul3A_157 = arith.muli %scan3A_150, %mul3A_156 : i32
      %add3A_158 = arith.constant 16 : i32
      %add3A_159 = arith.addi %mul3A_157, %add3A_158 : i32
      %get3A_160 = arith.index_cast %add3A_159 : i32 to index
      %get3A_161 = tpu.vector_load %arg6[%get3A_160] {strides = array<i32>} : memref<7936xf32, #tpu.memory_space<vmem>>, vector<16xf32>,
      %get3A_162 = vector.shape_cast %get3A_161 : vector<16xf32> to vector<16xf32>
      %max3A = arith.maximumf %get3A_155, %get3A_162 : vector<16xf32>
      %mul3A_163 = arith.constant 64 : i32
      %mul3A_164 = arith.muli %scan3A_150, %mul3A_163 : i32
      %add3A_165 = arith.constant 32 : i32
      %add3A_166 = arith.addi %mul3A_164, %add3A_165 : i32
      %get3A_167 = arith.index_cast %add3A_166 : i32 to index
      %get3A_168 = tpu.vector_load %arg6[%get3A_167] {strides = array<i32>} : memref<7936xf32, #tpu.memory_space<vmem>>, vector<16xf32>,
      %get3A_169 = vector.shape_cast %get3A_168 : vector<16xf32> to vector<16xf32>
      %max3A_170 = arith.maximumf %max3A, %get3A_169 : vector<16xf32>
      %mul3A_171 = arith.constant 64 : i32
      %mul3A_172 = arith.muli %scan3A_150, %mul3A_171 : i32
      %add3A_173 = arith.constant 48 : i32
      %add3A_174 = arith.addi %mul3A_172, %add3A_173 : i32
      %get3A_175 = arith.index_cast %add3A_174 : i32 to index
      %get3A_176 = tpu.vector_load %arg6[%get3A_175] {strides = array<i32>} : memref<7936xf32, #tpu.memory_space<vmem>>, vector<16xf32>,
      %get3A_177 = vector.shape_cast %get3A_176 : vector<16xf32> to vector<16xf32>
      %max3A_178 = arith.maximumf %max3A_170, %get3A_177 : vector<16xf32>
      %xor3A = arith.constant 8 : i32
      %xor3A_179 = vector.broadcast %xor3A : i32 to vector<16xi32>
      %xor3A_180 = arith.xori %iota3A, %xor3A_179 : vector<16xi32>
      %broadcast_in_dim3A_181 = vector.shape_cast %xor3A_180 : vector<16xi32> to vector<16x1xi32>
      %gather3A = vector.shape_cast %broadcast_in_dim3A_181 : vector<16x1xi32> to vector<16xi32>
      %gather3A_182 = tpu.dynamic_gather %max3A_178[%gather3A] in [0] : vector<16xf32>, vector<16xi32> -> vector<16xf32>
      %max3A_183 = arith.maximumf %max3A_178, %gather3A_182 : vector<16xf32>
      %xor3A_184 = arith.constant 4 : i32
      %xor3A_185 = vector.broadcast %xor3A_184 : i32 to vector<16xi32>
      %xor3A_186 = arith.xori %iota3A, %xor3A_185 : vector<16xi32>
      %broadcast_in_dim3A_187 = vector.shape_cast %xor3A_186 : vector<16xi32> to vector<16x1xi32>
      %gather3A_188 = vector.shape_cast %broadcast_in_dim3A_187 : vector<16x1xi32> to vector<16xi32>
      %gather3A_189 = tpu.dynamic_gather %max3A_183[%gather3A_188] in [0] : vector<16xf32>, vector<16xi32> -> vector<16xf32>
      %max3A_190 = arith.maximumf %max3A_183, %gather3A_189 : vector<16xf32>
      %xor3A_191 = arith.constant 2 : i32
      %xor3A_192 = vector.broadcast %xor3A_191 : i32 to vector<16xi32>
      %xor3A_193 = arith.xori %iota3A, %xor3A_192 : vector<16xi32>
      %broadcast_in_dim3A_194 = vector.shape_cast %xor3A_193 : vector<16xi32> to vector<16x1xi32>
      %gather3A_195 = vector.shape_cast %broadcast_in_dim3A_194 : vector<16x1xi32> to vector<16xi32>
      %gather3A_196 = tpu.dynamic_gather %max3A_190[%gather3A_195] in [0] : vector<16xf32>, vector<16xi32> -> vector<16xf32>
      %max3A_197 = arith.maximumf %max3A_190, %gather3A_196 : vector<16xf32>
      %xor3A_198 = arith.constant 1 : i32
      %xor3A_199 = vector.broadcast %xor3A_198 : i32 to vector<16xi32>
      %xor3A_200 = arith.xori %iota3A, %xor3A_199 : vector<16xi32>
      %broadcast_in_dim3A_201 = vector.shape_cast %xor3A_200 : vector<16xi32> to vector<16x1xi32>
      %gather3A_202 = vector.shape_cast %broadcast_in_dim3A_201 : vector<16x1xi32> to vector<16xi32>
      %gather3A_203 = tpu.dynamic_gather %max3A_197[%gather3A_202] in [0] : vector<16xf32>, vector<16xi32> -> vector<16xf32>
      %max3A_204 = arith.maximumf %max3A_197, %gather3A_203 : vector<16xf32>
      %slice3A = vector.extract_strided_slice %max3A_204 {offsets = [0], sizes = [1], strides = [1]} : vector<16xf32> to vector<1xf32>
      %squeeze3A = vector.extract %slice3A[0] : f32 from vector<1xf32>
      %min3A_205 = arith.minimumf %scan3A_151, %squeeze3A : f32
      scf.yield %min3A_205 : f32
    }
    %scan3A_8 = arith.constant 122 : i32
    %scan3A_9 = arith.constant 0 : i32
    %scan3A_10 = arith.constant 0 : i32
    %scan3A_11 = arith.constant 264 : i32
    %scan3A_12 = arith.addi %scan3A_10, %scan3A_11 : i32
    %scan3A_13 = arith.constant 1 : i32
    scf.for %scan3A_150 = %scan3A_10 to %scan3A_12 step %scan3A_13  : i32 {
      %mul3A_151 = arith.constant 16 : i32
      %mul3A_152 = arith.muli %scan3A_150, %mul3A_151 : i32
      %add3A_153 = arith.addi %mul3A_2, %mul3A_152 : i32
      %add3A_154 = vector.broadcast %add3A_153 : i32 to vector<16xi32>
      %add3A_155 = arith.addi %add3A_154, %iota3A : vector<16xi32>
      %mul3A_156 = arith.constant 16 : i32
      %mul3A_157 = arith.muli %scan3A_150, %mul3A_156 : i32
      %swap3A_158 = arith.index_cast %mul3A_157 : i32 to index
      %swap3A_159 = tpu.vector_load %arg7[%swap3A_158] {strides = array<i32>} : memref<4224xi32, #tpu.memory_space<vmem>>, vector<16xi32>,
      %swap3A_160 = vector.shape_cast %swap3A_159 : vector<16xi32> to vector<16xi32>
      %swap3A_161 = vector.shape_cast %add3A_155 : vector<16xi32> to vector<16xi32>
      tpu.vector_store %arg7[%swap3A_158], %swap3A_161 {strides = array<i32>} : memref<4224xi32, #tpu.memory_space<vmem>>, vector<16xi32>,
    }
    %scan3A_14 = arith.constant 264 : i32
    %scan3A_15 = arith.constant 0 : i32
    %scan3A_16 = arith.constant 0 : i32
    %scan3A_17 = arith.constant 264 : i32
    %scan3A_18 = arith.addi %scan3A_16, %scan3A_17 : i32
    %scan3A_19 = arith.constant 1 : i32
    scf.for %scan3A_150 = %scan3A_16 to %scan3A_18 step %scan3A_19  : i32 {
      %broadcast_in_dim3A_151 = arith.constant -3.000000e+38 : f32
      %broadcast_in_dim3A_152 = vector.broadcast %broadcast_in_dim3A_151 : f32 to vector<16xf32>
      %mul3A_153 = arith.constant 16 : i32
      %mul3A_154 = arith.muli %scan3A_150, %mul3A_153 : i32
      %swap3A_155 = arith.index_cast %mul3A_154 : i32 to index
      %swap3A_156 = tpu.vector_load %arg9[%swap3A_155] {strides = array<i32>} : memref<4224xf32, #tpu.memory_space<vmem>>, vector<16xf32>,
      %swap3A_157 = vector.shape_cast %swap3A_156 : vector<16xf32> to vector<16xf32>
      %swap3A_158 = vector.shape_cast %broadcast_in_dim3A_152 : vector<16xf32> to vector<16xf32>
      tpu.vector_store %arg9[%swap3A_155], %swap3A_158 {strides = array<i32>} : memref<4224xf32, #tpu.memory_space<vmem>>, vector<16xf32>,
      %broadcast_in_dim3A_159 = arith.constant 2147483647 : i32
      %broadcast_in_dim3A_160 = vector.broadcast %broadcast_in_dim3A_159 : i32 to vector<16xi32>
      %mul3A_161 = arith.constant 16 : i32
      %mul3A_162 = arith.muli %scan3A_150, %mul3A_161 : i32
      %swap3A_163 = arith.index_cast %mul3A_162 : i32 to index
      %swap3A_164 = tpu.vector_load %arg10[%swap3A_163] {strides = array<i32>} : memref<4224xi32, #tpu.memory_space<vmem>>, vector<16xi32>,
      %swap3A_165 = vector.shape_cast %swap3A_164 : vector<16xi32> to vector<16xi32>
      %swap3A_166 = vector.shape_cast %broadcast_in_dim3A_160 : vector<16xi32> to vector<16xi32>
      tpu.vector_store %arg10[%swap3A_163], %swap3A_166 {strides = array<i32>} : memref<4224xi32, #tpu.memory_space<vmem>>, vector<16xi32>,
    }
    %scan3A_20 = arith.constant 264 : i32
    %add3A_21 = vector.broadcast %mul3A_2 : i32 to vector<16xi32>
    %add3A_22 = arith.addi %add3A_21, %iota3A : vector<16xi32>
    %swap3A = arith.constant 0 : index
    %swap3A_23 = tpu.vector_load %arg13[%swap3A] {strides = array<i32>} : memref<16xi32, #tpu.memory_space<vmem>>, vector<16xi32>,
    %swap3A_24 = vector.shape_cast %swap3A_23 : vector<16xi32> to vector<16xi32>
    %swap3A_25 = vector.shape_cast %add3A_22 : vector<16xi32> to vector<16xi32>
    tpu.vector_store %arg13[%swap3A], %swap3A_25 {strides = array<i32>} : memref<16xi32, #tpu.memory_space<vmem>>, vector<16xi32>,
    %scan3A_26 = arith.constant 0 : i32
    %scan3A_27 = arith.constant 0 : i32
    %scan3A_28 = arith.constant 496 : i32
    %scan3A_29 = arith.addi %scan3A_27, %scan3A_28 : i32
    %scan3A_30 = arith.constant 1 : i32
    %scan3A_31 = scf.for %scan3A_150 = %scan3A_27 to %scan3A_29 step %scan3A_30 iter_args(%scan3A_151 = %scan3A_26) -> (i32)  : i32 {
      %mul3A_152 = arith.constant 16 : i32
      %mul3A_153 = arith.muli %scan3A_150, %mul3A_152 : i32
      %get3A = arith.index_cast %mul3A_153 : i32 to index
      %get3A_154 = tpu.vector_load %arg6[%get3A] {strides = array<i32>} : memref<7936xf32, #tpu.memory_space<vmem>>, vector<16xf32>,
      %get3A_155 = vector.shape_cast %get3A_154 : vector<16xf32> to vector<16xf32>
      %xor3A = arith.constant 8 : i32
      %xor3A_156 = vector.broadcast %xor3A : i32 to vector<16xi32>
      %xor3A_157 = arith.xori %iota3A, %xor3A_156 : vector<16xi32>
      %broadcast_in_dim3A_158 = vector.shape_cast %xor3A_157 : vector<16xi32> to vector<16x1xi32>
      %gather3A = vector.shape_cast %broadcast_in_dim3A_158 : vector<16x1xi32> to vector<16xi32>
      %gather3A_159 = tpu.dynamic_gather %get3A_155[%gather3A] in [0] : vector<16xf32>, vector<16xi32> -> vector<16xf32>
      %max3A = arith.maximumf %get3A_155, %gather3A_159 : vector<16xf32>
      %xor3A_160 = arith.constant 4 : i32
      %xor3A_161 = vector.broadcast %xor3A_160 : i32 to vector<16xi32>
      %xor3A_162 = arith.xori %iota3A, %xor3A_161 : vector<16xi32>
      %broadcast_in_dim3A_163 = vector.shape_cast %xor3A_162 : vector<16xi32> to vector<16x1xi32>
      %gather3A_164 = vector.shape_cast %broadcast_in_dim3A_163 : vector<16x1xi32> to vector<16xi32>
      %gather3A_165 = tpu.dynamic_gather %max3A[%gather3A_164] in [0] : vector<16xf32>, vector<16xi32> -> vector<16xf32>
      %max3A_166 = arith.maximumf %max3A, %gather3A_165 : vector<16xf32>
      %xor3A_167 = arith.constant 2 : i32
      %xor3A_168 = vector.broadcast %xor3A_167 : i32 to vector<16xi32>
      %xor3A_169 = arith.xori %iota3A, %xor3A_168 : vector<16xi32>
      %broadcast_in_dim3A_170 = vector.shape_cast %xor3A_169 : vector<16xi32> to vector<16x1xi32>
      %gather3A_171 = vector.shape_cast %broadcast_in_dim3A_170 : vector<16x1xi32> to vector<16xi32>
      %gather3A_172 = tpu.dynamic_gather %max3A_166[%gather3A_171] in [0] : vector<16xf32>, vector<16xi32> -> vector<16xf32>
      %max3A_173 = arith.maximumf %max3A_166, %gather3A_172 : vector<16xf32>
      %xor3A_174 = arith.constant 1 : i32
      %xor3A_175 = vector.broadcast %xor3A_174 : i32 to vector<16xi32>
      %xor3A_176 = arith.xori %iota3A, %xor3A_175 : vector<16xi32>
      %broadcast_in_dim3A_177 = vector.shape_cast %xor3A_176 : vector<16xi32> to vector<16x1xi32>
      %gather3A_178 = vector.shape_cast %broadcast_in_dim3A_177 : vector<16x1xi32> to vector<16xi32>
      %gather3A_179 = tpu.dynamic_gather %max3A_173[%gather3A_178] in [0] : vector<16xf32>, vector<16xi32> -> vector<16xf32>
      %max3A_180 = arith.maximumf %max3A_173, %gather3A_179 : vector<16xf32>
      %slice3A = vector.extract_strided_slice %max3A_180 {offsets = [0], sizes = [1], strides = [1]} : vector<16xf32> to vector<1xf32>
      %squeeze3A = vector.extract %slice3A[0] : f32 from vector<1xf32>
      %ge3A = arith.cmpf oge, %squeeze3A, %scan3A_7 : f32
      %convert_element_type3A_181 = arith.extui %ge3A : i1 to i32
      %cond3A_182 = arith.constant 0 : i32
      %cond3A_183 = arith.cmpi ne, %convert_element_type3A_181, %cond3A_182 : i32
      %cond3A_184 = scf.if %cond3A_183 -> (i32) {
        %mul3A_185 = arith.constant 16 : i32
        %mul3A_186 = arith.muli %scan3A_150, %mul3A_185 : i32
        %get3A_187 = arith.index_cast %mul3A_186 : i32 to index
        %get3A_188 = tpu.vector_load %arg6[%get3A_187] {strides = array<i32>} : memref<7936xf32, #tpu.memory_space<vmem>>, vector<16xf32>,
        %get3A_189 = vector.shape_cast %get3A_188 : vector<16xf32> to vector<16xf32>
        %get3A_190 = arith.constant 0 : index
        %get3A_191 = tpu.vector_load %arg13[%get3A_190] {strides = array<i32>} : memref<16xi32, #tpu.memory_space<vmem>>, vector<16xi32>,
        %get3A_192 = vector.shape_cast %get3A_191 : vector<16xi32> to vector<16xi32>
        %slice3A_193 = vector.extract_strided_slice %get3A_189 {offsets = [0], sizes = [1], strides = [1]} : vector<16xf32> to vector<1xf32>
        %squeeze3A_194 = vector.extract %slice3A_193[0] : f32 from vector<1xf32>
        %ge3A_195 = arith.cmpf oge, %squeeze3A_194, %scan3A_7 : f32
        %lt3A = arith.constant 4096 : i32
        %lt3A_196 = arith.cmpi slt, %scan3A_151, %lt3A : i32
        %and3A_197 = arith.andi %ge3A_195, %lt3A_196 : i1
        %rem3A_198 = arith.constant 16 : i32
        %rem3A_199 = arith.remsi %scan3A_151, %rem3A_198 : i32
        %jit3A_200 = arith.constant 16 : i32
        %select_n3A_201 = arith.select %and3A_197, %rem3A_199, %jit3A_200 : i32
        %eq3A = vector.broadcast %select_n3A_201 : i32 to vector<16xi32>
        %eq3A_202 = arith.cmpi eq, %iota3A, %eq3A : vector<16xi32>
        %mul3A_203 = arith.constant 16 : i32
        %mul3A_204 = arith.muli %scan3A_150, %mul3A_203 : i32
        %add3A_205 = arith.addi %mul3A_2, %mul3A_204 : i32
        %add3A_206 = arith.constant 0 : i32
        %add3A_207 = arith.addi %add3A_205, %add3A_206 : i32
        %broadcast_in_dim3A_208 = vector.broadcast %add3A_207 : i32 to vector<16xi32>
        %select_n3A_209 = arith.select %eq3A_202, %broadcast_in_dim3A_208, %get3A_192 : vector<16xi1>, vector<16xi32>
        %jit3A_210 = arith.constant 1 : i32
        %jit3A_211 = arith.constant 0 : i32
        %select_n3A_212 = arith.select %and3A_197, %jit3A_210, %jit3A_211 : i32
        %add3A_213 = arith.addi %scan3A_151, %select_n3A_212 : i32
        %rem3A_214 = arith.constant 16 : i32
        %rem3A_215 = arith.remsi %add3A_213, %rem3A_214 : i32
        %eq3A_216 = arith.constant 0 : i32
        %eq3A_217 = arith.cmpi eq, %rem3A_215, %eq3A_216 : i32
        %and3A_218 = arith.andi %and3A_197, %eq3A_217 : i1
        %convert_element_type3A_219 = arith.extui %and3A_218 : i1 to i32
        %cond3A_220 = arith.constant 0 : i32
        %cond3A_221 = arith.cmpi ne, %convert_element_type3A_219, %cond3A_220 : i32
        scf.if %cond3A_221 {
          %sub3A_691 = arith.constant 16 : i32
          %sub3A_692 = arith.subi %add3A_213, %sub3A_691 : i32
          %swap3A_693 = arith.index_cast %sub3A_692 : i32 to index
          %swap3A_694 = tpu.vector_load %arg7[%swap3A_693] {strides = array<i32>} : memref<4224xi32, #tpu.memory_space<vmem>>, vector<16xi32>,
          %swap3A_695 = vector.shape_cast %swap3A_694 : vector<16xi32> to vector<16xi32>
          %swap3A_696 = vector.shape_cast %select_n3A_209 : vector<16xi32> to vector<16xi32>
          tpu.vector_store %arg7[%swap3A_693], %swap3A_696 {strides = array<i32>} : memref<4224xi32, #tpu.memory_space<vmem>>, vector<16xi32>,
        } else {
        }
        %slice3A_222 = vector.extract_strided_slice %get3A_189 {offsets = [1], sizes = [1], strides = [1]} : vector<16xf32> to vector<1xf32>
        %squeeze3A_223 = vector.extract %slice3A_222[0] : f32 from vector<1xf32>
        %ge3A_224 = arith.cmpf oge, %squeeze3A_223, %scan3A_7 : f32
        %lt3A_225 = arith.constant 4096 : i32
        %lt3A_226 = arith.cmpi slt, %add3A_213, %lt3A_225 : i32
        %and3A_227 = arith.andi %ge3A_224, %lt3A_226 : i1
        %rem3A_228 = arith.constant 16 : i32
        %rem3A_229 = arith.remsi %add3A_213, %rem3A_228 : i32
        %jit3A_230 = arith.constant 16 : i32
        %select_n3A_231 = arith.select %and3A_227, %rem3A_229, %jit3A_230 : i32
        %eq3A_232 = vector.broadcast %select_n3A_231 : i32 to vector<16xi32>
        %eq3A_233 = arith.cmpi eq, %iota3A, %eq3A_232 : vector<16xi32>
        %mul3A_234 = arith.constant 16 : i32
        %mul3A_235 = arith.muli %scan3A_150, %mul3A_234 : i32
        %add3A_236 = arith.addi %mul3A_2, %mul3A_235 : i32
        %add3A_237 = arith.constant 1 : i32
        %add3A_238 = arith.addi %add3A_236, %add3A_237 : i32
        %broadcast_in_dim3A_239 = vector.broadcast %add3A_238 : i32 to vector<16xi32>
        %select_n3A_240 = arith.select %eq3A_233, %broadcast_in_dim3A_239, %select_n3A_209 : vector<16xi1>, vector<16xi32>
        %jit3A_241 = arith.constant 1 : i32
        %jit3A_242 = arith.constant 0 : i32
        %select_n3A_243 = arith.select %and3A_227, %jit3A_241, %jit3A_242 : i32
        %add3A_244 = arith.addi %add3A_213, %select_n3A_243 : i32
        %rem3A_245 = arith.constant 16 : i32
        %rem3A_246 = arith.remsi %add3A_244, %rem3A_245 : i32
        %eq3A_247 = arith.constant 0 : i32
        %eq3A_248 = arith.cmpi eq, %rem3A_246, %eq3A_247 : i32
        %and3A_249 = arith.andi %and3A_227, %eq3A_248 : i1
        %convert_element_type3A_250 = arith.extui %and3A_249 : i1 to i32
        %cond3A_251 = arith.constant 0 : i32
        %cond3A_252 = arith.cmpi ne, %convert_element_type3A_250, %cond3A_251 : i32
        scf.if %cond3A_252 {
          %sub3A_691 = arith.constant 16 : i32
          %sub3A_692 = arith.subi %add3A_244, %sub3A_691 : i32
          %swap3A_693 = arith.index_cast %sub3A_692 : i32 to index
          %swap3A_694 = tpu.vector_load %arg7[%swap3A_693] {strides = array<i32>} : memref<4224xi32, #tpu.memory_space<vmem>>, vector<16xi32>,
          %swap3A_695 = vector.shape_cast %swap3A_694 : vector<16xi32> to vector<16xi32>
          %swap3A_696 = vector.shape_cast %select_n3A_240 : vector<16xi32> to vector<16xi32>
          tpu.vector_store %arg7[%swap3A_693], %swap3A_696 {strides = array<i32>} : memref<4224xi32, #tpu.memory_space<vmem>>, vector<16xi32>,
        } else {
        }
        %slice3A_253 = vector.extract_strided_slice %get3A_189 {offsets = [2], sizes = [1], strides = [1]} : vector<16xf32> to vector<1xf32>
        %squeeze3A_254 = vector.extract %slice3A_253[0] : f32 from vector<1xf32>
        %ge3A_255 = arith.cmpf oge, %squeeze3A_254, %scan3A_7 : f32
        %lt3A_256 = arith.constant 4096 : i32
        %lt3A_257 = arith.cmpi slt, %add3A_244, %lt3A_256 : i32
        %and3A_258 = arith.andi %ge3A_255, %lt3A_257 : i1
        %rem3A_259 = arith.constant 16 : i32
        %rem3A_260 = arith.remsi %add3A_244, %rem3A_259 : i32
        %jit3A_261 = arith.constant 16 : i32
        %select_n3A_262 = arith.select %and3A_258, %rem3A_260, %jit3A_261 : i32
        %eq3A_263 = vector.broadcast %select_n3A_262 : i32 to vector<16xi32>
        %eq3A_264 = arith.cmpi eq, %iota3A, %eq3A_263 : vector<16xi32>
        %mul3A_265 = arith.constant 16 : i32
        %mul3A_266 = arith.muli %scan3A_150, %mul3A_265 : i32
        %add3A_267 = arith.addi %mul3A_2, %mul3A_266 : i32
        %add3A_268 = arith.constant 2 : i32
        %add3A_269 = arith.addi %add3A_267, %add3A_268 : i32
        %broadcast_in_dim3A_270 = vector.broadcast %add3A_269 : i32 to vector<16xi32>
        %select_n3A_271 = arith.select %eq3A_264, %broadcast_in_dim3A_270, %select_n3A_240 : vector<16xi1>, vector<16xi32>
        %jit3A_272 = arith.constant 1 : i32
        %jit3A_273 = arith.constant 0 : i32
        %select_n3A_274 = arith.select %and3A_258, %jit3A_272, %jit3A_273 : i32
        %add3A_275 = arith.addi %add3A_244, %select_n3A_274 : i32
        %rem3A_276 = arith.constant 16 : i32
        %rem3A_277 = arith.remsi %add3A_275, %rem3A_276 : i32
        %eq3A_278 = arith.constant 0 : i32
        %eq3A_279 = arith.cmpi eq, %rem3A_277, %eq3A_278 : i32
        %and3A_280 = arith.andi %and3A_258, %eq3A_279 : i1
        %convert_element_type3A_281 = arith.extui %and3A_280 : i1 to i32
        %cond3A_282 = arith.constant 0 : i32
        %cond3A_283 = arith.cmpi ne, %convert_element_type3A_281, %cond3A_282 : i32
        scf.if %cond3A_283 {
          %sub3A_691 = arith.constant 16 : i32
          %sub3A_692 = arith.subi %add3A_275, %sub3A_691 : i32
          %swap3A_693 = arith.index_cast %sub3A_692 : i32 to index
          %swap3A_694 = tpu.vector_load %arg7[%swap3A_693] {strides = array<i32>} : memref<4224xi32, #tpu.memory_space<vmem>>, vector<16xi32>,
          %swap3A_695 = vector.shape_cast %swap3A_694 : vector<16xi32> to vector<16xi32>
          %swap3A_696 = vector.shape_cast %select_n3A_271 : vector<16xi32> to vector<16xi32>
          tpu.vector_store %arg7[%swap3A_693], %swap3A_696 {strides = array<i32>} : memref<4224xi32, #tpu.memory_space<vmem>>, vector<16xi32>,
        } else {
        }
        %slice3A_284 = vector.extract_strided_slice %get3A_189 {offsets = [3], sizes = [1], strides = [1]} : vector<16xf32> to vector<1xf32>
        %squeeze3A_285 = vector.extract %slice3A_284[0] : f32 from vector<1xf32>
        %ge3A_286 = arith.cmpf oge, %squeeze3A_285, %scan3A_7 : f32
        %lt3A_287 = arith.constant 4096 : i32
        %lt3A_288 = arith.cmpi slt, %add3A_275, %lt3A_287 : i32
        %and3A_289 = arith.andi %ge3A_286, %lt3A_288 : i1
        %rem3A_290 = arith.constant 16 : i32
        %rem3A_291 = arith.remsi %add3A_275, %rem3A_290 : i32
        %jit3A_292 = arith.constant 16 : i32
        %select_n3A_293 = arith.select %and3A_289, %rem3A_291, %jit3A_292 : i32
        %eq3A_294 = vector.broadcast %select_n3A_293 : i32 to vector<16xi32>
        %eq3A_295 = arith.cmpi eq, %iota3A, %eq3A_294 : vector<16xi32>
        %mul3A_296 = arith.constant 16 : i32
        %mul3A_297 = arith.muli %scan3A_150, %mul3A_296 : i32
        %add3A_298 = arith.addi %mul3A_2, %mul3A_297 : i32
        %add3A_299 = arith.constant 3 : i32
        %add3A_300 = arith.addi %add3A_298, %add3A_299 : i32
        %broadcast_in_dim3A_301 = vector.broadcast %add3A_300 : i32 to vector<16xi32>
        %select_n3A_302 = arith.select %eq3A_295, %broadcast_in_dim3A_301, %select_n3A_271 : vector<16xi1>, vector<16xi32>
        %jit3A_303 = arith.constant 1 : i32
        %jit3A_304 = arith.constant 0 : i32
        %select_n3A_305 = arith.select %and3A_289, %jit3A_303, %jit3A_304 : i32
        %add3A_306 = arith.addi %add3A_275, %select_n3A_305 : i32
        %rem3A_307 = arith.constant 16 : i32
        %rem3A_308 = arith.remsi %add3A_306, %rem3A_307 : i32
        %eq3A_309 = arith.constant 0 : i32
        %eq3A_310 = arith.cmpi eq, %rem3A_308, %eq3A_309 : i32
        %and3A_311 = arith.andi %and3A_289, %eq3A_310 : i1
        %convert_element_type3A_312 = arith.extui %and3A_311 : i1 to i32
        %cond3A_313 = arith.constant 0 : i32
        %cond3A_314 = arith.cmpi ne, %convert_element_type3A_312, %cond3A_313 : i32
        scf.if %cond3A_314 {
          %sub3A_691 = arith.constant 16 : i32
          %sub3A_692 = arith.subi %add3A_306, %sub3A_691 : i32
          %swap3A_693 = arith.index_cast %sub3A_692 : i32 to index
          %swap3A_694 = tpu.vector_load %arg7[%swap3A_693] {strides = array<i32>} : memref<4224xi32, #tpu.memory_space<vmem>>, vector<16xi32>,
          %swap3A_695 = vector.shape_cast %swap3A_694 : vector<16xi32> to vector<16xi32>
          %swap3A_696 = vector.shape_cast %select_n3A_302 : vector<16xi32> to vector<16xi32>
          tpu.vector_store %arg7[%swap3A_693], %swap3A_696 {strides = array<i32>} : memref<4224xi32, #tpu.memory_space<vmem>>, vector<16xi32>,
        } else {
        }
        %slice3A_315 = vector.extract_strided_slice %get3A_189 {offsets = [4], sizes = [1], strides = [1]} : vector<16xf32> to vector<1xf32>
        %squeeze3A_316 = vector.extract %slice3A_315[0] : f32 from vector<1xf32>
        %ge3A_317 = arith.cmpf oge, %squeeze3A_316, %scan3A_7 : f32
        %lt3A_318 = arith.constant 4096 : i32
        %lt3A_319 = arith.cmpi slt, %add3A_306, %lt3A_318 : i32
        %and3A_320 = arith.andi %ge3A_317, %lt3A_319 : i1
        %rem3A_321 = arith.constant 16 : i32
        %rem3A_322 = arith.remsi %add3A_306, %rem3A_321 : i32
        %jit3A_323 = arith.constant 16 : i32
        %select_n3A_324 = arith.select %and3A_320, %rem3A_322, %jit3A_323 : i32
        %eq3A_325 = vector.broadcast %select_n3A_324 : i32 to vector<16xi32>
        %eq3A_326 = arith.cmpi eq, %iota3A, %eq3A_325 : vector<16xi32>
        %mul3A_327 = arith.constant 16 : i32
        %mul3A_328 = arith.muli %scan3A_150, %mul3A_327 : i32
        %add3A_329 = arith.addi %mul3A_2, %mul3A_328 : i32
        %add3A_330 = arith.constant 4 : i32
        %add3A_331 = arith.addi %add3A_329, %add3A_330 : i32
        %broadcast_in_dim3A_332 = vector.broadcast %add3A_331 : i32 to vector<16xi32>
        %select_n3A_333 = arith.select %eq3A_326, %broadcast_in_dim3A_332, %select_n3A_302 : vector<16xi1>, vector<16xi32>
        %jit3A_334 = arith.constant 1 : i32
        %jit3A_335 = arith.constant 0 : i32
        %select_n3A_336 = arith.select %and3A_320, %jit3A_334, %jit3A_335 : i32
        %add3A_337 = arith.addi %add3A_306, %select_n3A_336 : i32
        %rem3A_338 = arith.constant 16 : i32
        %rem3A_339 = arith.remsi %add3A_337, %rem3A_338 : i32
        %eq3A_340 = arith.constant 0 : i32
        %eq3A_341 = arith.cmpi eq, %rem3A_339, %eq3A_340 : i32
        %and3A_342 = arith.andi %and3A_320, %eq3A_341 : i1
        %convert_element_type3A_343 = arith.extui %and3A_342 : i1 to i32
        %cond3A_344 = arith.constant 0 : i32
        %cond3A_345 = arith.cmpi ne, %convert_element_type3A_343, %cond3A_344 : i32
        scf.if %cond3A_345 {
          %sub3A_691 = arith.constant 16 : i32
          %sub3A_692 = arith.subi %add3A_337, %sub3A_691 : i32
          %swap3A_693 = arith.index_cast %sub3A_692 : i32 to index
          %swap3A_694 = tpu.vector_load %arg7[%swap3A_693] {strides = array<i32>} : memref<4224xi32, #tpu.memory_space<vmem>>, vector<16xi32>,
          %swap3A_695 = vector.shape_cast %swap3A_694 : vector<16xi32> to vector<16xi32>
          %swap3A_696 = vector.shape_cast %select_n3A_333 : vector<16xi32> to vector<16xi32>
          tpu.vector_store %arg7[%swap3A_693], %swap3A_696 {strides = array<i32>} : memref<4224xi32, #tpu.memory_space<vmem>>, vector<16xi32>,
        } else {
        }
        %slice3A_346 = vector.extract_strided_slice %get3A_189 {offsets = [5], sizes = [1], strides = [1]} : vector<16xf32> to vector<1xf32>
        %squeeze3A_347 = vector.extract %slice3A_346[0] : f32 from vector<1xf32>
        %ge3A_348 = arith.cmpf oge, %squeeze3A_347, %scan3A_7 : f32
        %lt3A_349 = arith.constant 4096 : i32
        %lt3A_350 = arith.cmpi slt, %add3A_337, %lt3A_349 : i32
        %and3A_351 = arith.andi %ge3A_348, %lt3A_350 : i1
        %rem3A_352 = arith.constant 16 : i32
        %rem3A_353 = arith.remsi %add3A_337, %rem3A_352 : i32
        %jit3A_354 = arith.constant 16 : i32
        %select_n3A_355 = arith.select %and3A_351, %rem3A_353, %jit3A_354 : i32
        %eq3A_356 = vector.broadcast %select_n3A_355 : i32 to vector<16xi32>
        %eq3A_357 = arith.cmpi eq, %iota3A, %eq3A_356 : vector<16xi32>
        %mul3A_358 = arith.constant 16 : i32
        %mul3A_359 = arith.muli %scan3A_150, %mul3A_358 : i32
        %add3A_360 = arith.addi %mul3A_2, %mul3A_359 : i32
        %add3A_361 = arith.constant 5 : i32
        %add3A_362 = arith.addi %add3A_360, %add3A_361 : i32
        %broadcast_in_dim3A_363 = vector.broadcast %add3A_362 : i32 to vector<16xi32>
        %select_n3A_364 = arith.select %eq3A_357, %broadcast_in_dim3A_363, %select_n3A_333 : vector<16xi1>, vector<16xi32>
        %jit3A_365 = arith.constant 1 : i32
        %jit3A_366 = arith.constant 0 : i32
        %select_n3A_367 = arith.select %and3A_351, %jit3A_365, %jit3A_366 : i32
        %add3A_368 = arith.addi %add3A_337, %select_n3A_367 : i32
        %rem3A_369 = arith.constant 16 : i32
        %rem3A_370 = arith.remsi %add3A_368, %rem3A_369 : i32
        %eq3A_371 = arith.constant 0 : i32
        %eq3A_372 = arith.cmpi eq, %rem3A_370, %eq3A_371 : i32
        %and3A_373 = arith.andi %and3A_351, %eq3A_372 : i1
        %convert_element_type3A_374 = arith.extui %and3A_373 : i1 to i32
        %cond3A_375 = arith.constant 0 : i32
        %cond3A_376 = arith.cmpi ne, %convert_element_type3A_374, %cond3A_375 : i32
        scf.if %cond3A_376 {
          %sub3A_691 = arith.constant 16 : i32
          %sub3A_692 = arith.subi %add3A_368, %sub3A_691 : i32
          %swap3A_693 = arith.index_cast %sub3A_692 : i32 to index
          %swap3A_694 = tpu.vector_load %arg7[%swap3A_693] {strides = array<i32>} : memref<4224xi32, #tpu.memory_space<vmem>>, vector<16xi32>,
          %swap3A_695 = vector.shape_cast %swap3A_694 : vector<16xi32> to vector<16xi32>
          %swap3A_696 = vector.shape_cast %select_n3A_364 : vector<16xi32> to vector<16xi32>
          tpu.vector_store %arg7[%swap3A_693], %swap3A_696 {strides = array<i32>} : memref<4224xi32, #tpu.memory_space<vmem>>, vector<16xi32>,
        } else {
        }
        %slice3A_377 = vector.extract_strided_slice %get3A_189 {offsets = [6], sizes = [1], strides = [1]} : vector<16xf32> to vector<1xf32>
        %squeeze3A_378 = vector.extract %slice3A_377[0] : f32 from vector<1xf32>
        %ge3A_379 = arith.cmpf oge, %squeeze3A_378, %scan3A_7 : f32
        %lt3A_380 = arith.constant 4096 : i32
        %lt3A_381 = arith.cmpi slt, %add3A_368, %lt3A_380 : i32
        %and3A_382 = arith.andi %ge3A_379, %lt3A_381 : i1
        %rem3A_383 = arith.constant 16 : i32
        %rem3A_384 = arith.remsi %add3A_368, %rem3A_383 : i32
        %jit3A_385 = arith.constant 16 : i32
        %select_n3A_386 = arith.select %and3A_382, %rem3A_384, %jit3A_385 : i32
        %eq3A_387 = vector.broadcast %select_n3A_386 : i32 to vector<16xi32>
        %eq3A_388 = arith.cmpi eq, %iota3A, %eq3A_387 : vector<16xi32>
        %mul3A_389 = arith.constant 16 : i32
        %mul3A_390 = arith.muli %scan3A_150, %mul3A_389 : i32
        %add3A_391 = arith.addi %mul3A_2, %mul3A_390 : i32
        %add3A_392 = arith.constant 6 : i32
        %add3A_393 = arith.addi %add3A_391, %add3A_392 : i32
        %broadcast_in_dim3A_394 = vector.broadcast %add3A_393 : i32 to vector<16xi32>
        %select_n3A_395 = arith.select %eq3A_388, %broadcast_in_dim3A_394, %select_n3A_364 : vector<16xi1>, vector<16xi32>
        %jit3A_396 = arith.constant 1 : i32
        %jit3A_397 = arith.constant 0 : i32
        %select_n3A_398 = arith.select %and3A_382, %jit3A_396, %jit3A_397 : i32
        %add3A_399 = arith.addi %add3A_368, %select_n3A_398 : i32
        %rem3A_400 = arith.constant 16 : i32
        %rem3A_401 = arith.remsi %add3A_399, %rem3A_400 : i32
        %eq3A_402 = arith.constant 0 : i32
        %eq3A_403 = arith.cmpi eq, %rem3A_401, %eq3A_402 : i32
        %and3A_404 = arith.andi %and3A_382, %eq3A_403 : i1
        %convert_element_type3A_405 = arith.extui %and3A_404 : i1 to i32
        %cond3A_406 = arith.constant 0 : i32
        %cond3A_407 = arith.cmpi ne, %convert_element_type3A_405, %cond3A_406 : i32
        scf.if %cond3A_407 {
          %sub3A_691 = arith.constant 16 : i32
          %sub3A_692 = arith.subi %add3A_399, %sub3A_691 : i32
          %swap3A_693 = arith.index_cast %sub3A_692 : i32 to index
          %swap3A_694 = tpu.vector_load %arg7[%swap3A_693] {strides = array<i32>} : memref<4224xi32, #tpu.memory_space<vmem>>, vector<16xi32>,
          %swap3A_695 = vector.shape_cast %swap3A_694 : vector<16xi32> to vector<16xi32>
          %swap3A_696 = vector.shape_cast %select_n3A_395 : vector<16xi32> to vector<16xi32>
          tpu.vector_store %arg7[%swap3A_693], %swap3A_696 {strides = array<i32>} : memref<4224xi32, #tpu.memory_space<vmem>>, vector<16xi32>,
        } else {
        }
        %slice3A_408 = vector.extract_strided_slice %get3A_189 {offsets = [7], sizes = [1], strides = [1]} : vector<16xf32> to vector<1xf32>
        %squeeze3A_409 = vector.extract %slice3A_408[0] : f32 from vector<1xf32>
        %ge3A_410 = arith.cmpf oge, %squeeze3A_409, %scan3A_7 : f32
        %lt3A_411 = arith.constant 4096 : i32
        %lt3A_412 = arith.cmpi slt, %add3A_399, %lt3A_411 : i32
        %and3A_413 = arith.andi %ge3A_410, %lt3A_412 : i1
        %rem3A_414 = arith.constant 16 : i32
        %rem3A_415 = arith.remsi %add3A_399, %rem3A_414 : i32
        %jit3A_416 = arith.constant 16 : i32
        %select_n3A_417 = arith.select %and3A_413, %rem3A_415, %jit3A_416 : i32
        %eq3A_418 = vector.broadcast %select_n3A_417 : i32 to vector<16xi32>
        %eq3A_419 = arith.cmpi eq, %iota3A, %eq3A_418 : vector<16xi32>
        %mul3A_420 = arith.constant 16 : i32
        %mul3A_421 = arith.muli %scan3A_150, %mul3A_420 : i32
        %add3A_422 = arith.addi %mul3A_2, %mul3A_421 : i32
        %add3A_423 = arith.constant 7 : i32
        %add3A_424 = arith.addi %add3A_422, %add3A_423 : i32
        %broadcast_in_dim3A_425 = vector.broadcast %add3A_424 : i32 to vector<16xi32>
        %select_n3A_426 = arith.select %eq3A_419, %broadcast_in_dim3A_425, %select_n3A_395 : vector<16xi1>, vector<16xi32>
        %jit3A_427 = arith.constant 1 : i32
        %jit3A_428 = arith.constant 0 : i32
        %select_n3A_429 = arith.select %and3A_413, %jit3A_427, %jit3A_428 : i32
        %add3A_430 = arith.addi %add3A_399, %select_n3A_429 : i32
        %rem3A_431 = arith.constant 16 : i32
        %rem3A_432 = arith.remsi %add3A_430, %rem3A_431 : i32
        %eq3A_433 = arith.constant 0 : i32
        %eq3A_434 = arith.cmpi eq, %rem3A_432, %eq3A_433 : i32
        %and3A_435 = arith.andi %and3A_413, %eq3A_434 : i1
        %convert_element_type3A_436 = arith.extui %and3A_435 : i1 to i32
        %cond3A_437 = arith.constant 0 : i32
        %cond3A_438 = arith.cmpi ne, %convert_element_type3A_436, %cond3A_437 : i32
        scf.if %cond3A_438 {
          %sub3A_691 = arith.constant 16 : i32
          %sub3A_692 = arith.subi %add3A_430, %sub3A_691 : i32
          %swap3A_693 = arith.index_cast %sub3A_692 : i32 to index
          %swap3A_694 = tpu.vector_load %arg7[%swap3A_693] {strides = array<i32>} : memref<4224xi32, #tpu.memory_space<vmem>>, vector<16xi32>,
          %swap3A_695 = vector.shape_cast %swap3A_694 : vector<16xi32> to vector<16xi32>
          %swap3A_696 = vector.shape_cast %select_n3A_426 : vector<16xi32> to vector<16xi32>
          tpu.vector_store %arg7[%swap3A_693], %swap3A_696 {strides = array<i32>} : memref<4224xi32, #tpu.memory_space<vmem>>, vector<16xi32>,
        } else {
        }
        %slice3A_439 = vector.extract_strided_slice %get3A_189 {offsets = [8], sizes = [1], strides = [1]} : vector<16xf32> to vector<1xf32>
        %squeeze3A_440 = vector.extract %slice3A_439[0] : f32 from vector<1xf32>
        %ge3A_441 = arith.cmpf oge, %squeeze3A_440, %scan3A_7 : f32
        %lt3A_442 = arith.constant 4096 : i32
        %lt3A_443 = arith.cmpi slt, %add3A_430, %lt3A_442 : i32
        %and3A_444 = arith.andi %ge3A_441, %lt3A_443 : i1
        %rem3A_445 = arith.constant 16 : i32
        %rem3A_446 = arith.remsi %add3A_430, %rem3A_445 : i32
        %jit3A_447 = arith.constant 16 : i32
        %select_n3A_448 = arith.select %and3A_444, %rem3A_446, %jit3A_447 : i32
        %eq3A_449 = vector.broadcast %select_n3A_448 : i32 to vector<16xi32>
        %eq3A_450 = arith.cmpi eq, %iota3A, %eq3A_449 : vector<16xi32>
        %mul3A_451 = arith.constant 16 : i32
        %mul3A_452 = arith.muli %scan3A_150, %mul3A_451 : i32
        %add3A_453 = arith.addi %mul3A_2, %mul3A_452 : i32
        %add3A_454 = arith.constant 8 : i32
        %add3A_455 = arith.addi %add3A_453, %add3A_454 : i32
        %broadcast_in_dim3A_456 = vector.broadcast %add3A_455 : i32 to vector<16xi32>
        %select_n3A_457 = arith.select %eq3A_450, %broadcast_in_dim3A_456, %select_n3A_426 : vector<16xi1>, vector<16xi32>
        %jit3A_458 = arith.constant 1 : i32
        %jit3A_459 = arith.constant 0 : i32
        %select_n3A_460 = arith.select %and3A_444, %jit3A_458, %jit3A_459 : i32
        %add3A_461 = arith.addi %add3A_430, %select_n3A_460 : i32
        %rem3A_462 = arith.constant 16 : i32
        %rem3A_463 = arith.remsi %add3A_461, %rem3A_462 : i32
        %eq3A_464 = arith.constant 0 : i32
        %eq3A_465 = arith.cmpi eq, %rem3A_463, %eq3A_464 : i32
        %and3A_466 = arith.andi %and3A_444, %eq3A_465 : i1
        %convert_element_type3A_467 = arith.extui %and3A_466 : i1 to i32
        %cond3A_468 = arith.constant 0 : i32
        %cond3A_469 = arith.cmpi ne, %convert_element_type3A_467, %cond3A_468 : i32
        scf.if %cond3A_469 {
          %sub3A_691 = arith.constant 16 : i32
          %sub3A_692 = arith.subi %add3A_461, %sub3A_691 : i32
          %swap3A_693 = arith.index_cast %sub3A_692 : i32 to index
          %swap3A_694 = tpu.vector_load %arg7[%swap3A_693] {strides = array<i32>} : memref<4224xi32, #tpu.memory_space<vmem>>, vector<16xi32>,
          %swap3A_695 = vector.shape_cast %swap3A_694 : vector<16xi32> to vector<16xi32>
          %swap3A_696 = vector.shape_cast %select_n3A_457 : vector<16xi32> to vector<16xi32>
          tpu.vector_store %arg7[%swap3A_693], %swap3A_696 {strides = array<i32>} : memref<4224xi32, #tpu.memory_space<vmem>>, vector<16xi32>,
        } else {
        }
        %slice3A_470 = vector.extract_strided_slice %get3A_189 {offsets = [9], sizes = [1], strides = [1]} : vector<16xf32> to vector<1xf32>
        %squeeze3A_471 = vector.extract %slice3A_470[0] : f32 from vector<1xf32>
        %ge3A_472 = arith.cmpf oge, %squeeze3A_471, %scan3A_7 : f32
        %lt3A_473 = arith.constant 4096 : i32
        %lt3A_474 = arith.cmpi slt, %add3A_461, %lt3A_473 : i32
        %and3A_475 = arith.andi %ge3A_472, %lt3A_474 : i1
        %rem3A_476 = arith.constant 16 : i32
        %rem3A_477 = arith.remsi %add3A_461, %rem3A_476 : i32
        %jit3A_478 = arith.constant 16 : i32
        %select_n3A_479 = arith.select %and3A_475, %rem3A_477, %jit3A_478 : i32
        %eq3A_480 = vector.broadcast %select_n3A_479 : i32 to vector<16xi32>
        %eq3A_481 = arith.cmpi eq, %iota3A, %eq3A_480 : vector<16xi32>
        %mul3A_482 = arith.constant 16 : i32
        %mul3A_483 = arith.muli %scan3A_150, %mul3A_482 : i32
        %add3A_484 = arith.addi %mul3A_2, %mul3A_483 : i32
        %add3A_485 = arith.constant 9 : i32
        %add3A_486 = arith.addi %add3A_484, %add3A_485 : i32
        %broadcast_in_dim3A_487 = vector.broadcast %add3A_486 : i32 to vector<16xi32>
        %select_n3A_488 = arith.select %eq3A_481, %broadcast_in_dim3A_487, %select_n3A_457 : vector<16xi1>, vector<16xi32>
        %jit3A_489 = arith.constant 1 : i32
        %jit3A_490 = arith.constant 0 : i32
        %select_n3A_491 = arith.select %and3A_475, %jit3A_489, %jit3A_490 : i32
        %add3A_492 = arith.addi %add3A_461, %select_n3A_491 : i32
        %rem3A_493 = arith.constant 16 : i32
        %rem3A_494 = arith.remsi %add3A_492, %rem3A_493 : i32
        %eq3A_495 = arith.constant 0 : i32
        %eq3A_496 = arith.cmpi eq, %rem3A_494, %eq3A_495 : i32
        %and3A_497 = arith.andi %and3A_475, %eq3A_496 : i1
        %convert_element_type3A_498 = arith.extui %and3A_497 : i1 to i32
        %cond3A_499 = arith.constant 0 : i32
        %cond3A_500 = arith.cmpi ne, %convert_element_type3A_498, %cond3A_499 : i32
        scf.if %cond3A_500 {
          %sub3A_691 = arith.constant 16 : i32
          %sub3A_692 = arith.subi %add3A_492, %sub3A_691 : i32
          %swap3A_693 = arith.index_cast %sub3A_692 : i32 to index
          %swap3A_694 = tpu.vector_load %arg7[%swap3A_693] {strides = array<i32>} : memref<4224xi32, #tpu.memory_space<vmem>>, vector<16xi32>,
          %swap3A_695 = vector.shape_cast %swap3A_694 : vector<16xi32> to vector<16xi32>
          %swap3A_696 = vector.shape_cast %select_n3A_488 : vector<16xi32> to vector<16xi32>
          tpu.vector_store %arg7[%swap3A_693], %swap3A_696 {strides = array<i32>} : memref<4224xi32, #tpu.memory_space<vmem>>, vector<16xi32>,
        } else {
        }
        %slice3A_501 = vector.extract_strided_slice %get3A_189 {offsets = [10], sizes = [1], strides = [1]} : vector<16xf32> to vector<1xf32>
        %squeeze3A_502 = vector.extract %slice3A_501[0] : f32 from vector<1xf32>
        %ge3A_503 = arith.cmpf oge, %squeeze3A_502, %scan3A_7 : f32
        %lt3A_504 = arith.constant 4096 : i32
        %lt3A_505 = arith.cmpi slt, %add3A_492, %lt3A_504 : i32
        %and3A_506 = arith.andi %ge3A_503, %lt3A_505 : i1
        %rem3A_507 = arith.constant 16 : i32
        %rem3A_508 = arith.remsi %add3A_492, %rem3A_507 : i32
        %jit3A_509 = arith.constant 16 : i32
        %select_n3A_510 = arith.select %and3A_506, %rem3A_508, %jit3A_509 : i32
        %eq3A_511 = vector.broadcast %select_n3A_510 : i32 to vector<16xi32>
        %eq3A_512 = arith.cmpi eq, %iota3A, %eq3A_511 : vector<16xi32>
        %mul3A_513 = arith.constant 16 : i32
        %mul3A_514 = arith.muli %scan3A_150, %mul3A_513 : i32
        %add3A_515 = arith.addi %mul3A_2, %mul3A_514 : i32
        %add3A_516 = arith.constant 10 : i32
        %add3A_517 = arith.addi %add3A_515, %add3A_516 : i32
        %broadcast_in_dim3A_518 = vector.broadcast %add3A_517 : i32 to vector<16xi32>
        %select_n3A_519 = arith.select %eq3A_512, %broadcast_in_dim3A_518, %select_n3A_488 : vector<16xi1>, vector<16xi32>
        %jit3A_520 = arith.constant 1 : i32
        %jit3A_521 = arith.constant 0 : i32
        %select_n3A_522 = arith.select %and3A_506, %jit3A_520, %jit3A_521 : i32
        %add3A_523 = arith.addi %add3A_492, %select_n3A_522 : i32
        %rem3A_524 = arith.constant 16 : i32
        %rem3A_525 = arith.remsi %add3A_523, %rem3A_524 : i32
        %eq3A_526 = arith.constant 0 : i32
        %eq3A_527 = arith.cmpi eq, %rem3A_525, %eq3A_526 : i32
        %and3A_528 = arith.andi %and3A_506, %eq3A_527 : i1
        %convert_element_type3A_529 = arith.extui %and3A_528 : i1 to i32
        %cond3A_530 = arith.constant 0 : i32
        %cond3A_531 = arith.cmpi ne, %convert_element_type3A_529, %cond3A_530 : i32
        scf.if %cond3A_531 {
          %sub3A_691 = arith.constant 16 : i32
          %sub3A_692 = arith.subi %add3A_523, %sub3A_691 : i32
          %swap3A_693 = arith.index_cast %sub3A_692 : i32 to index
          %swap3A_694 = tpu.vector_load %arg7[%swap3A_693] {strides = array<i32>} : memref<4224xi32, #tpu.memory_space<vmem>>, vector<16xi32>,
          %swap3A_695 = vector.shape_cast %swap3A_694 : vector<16xi32> to vector<16xi32>
          %swap3A_696 = vector.shape_cast %select_n3A_519 : vector<16xi32> to vector<16xi32>
          tpu.vector_store %arg7[%swap3A_693], %swap3A_696 {strides = array<i32>} : memref<4224xi32, #tpu.memory_space<vmem>>, vector<16xi32>,
        } else {
        }
        %slice3A_532 = vector.extract_strided_slice %get3A_189 {offsets = [11], sizes = [1], strides = [1]} : vector<16xf32> to vector<1xf32>
        %squeeze3A_533 = vector.extract %slice3A_532[0] : f32 from vector<1xf32>
        %ge3A_534 = arith.cmpf oge, %squeeze3A_533, %scan3A_7 : f32
        %lt3A_535 = arith.constant 4096 : i32
        %lt3A_536 = arith.cmpi slt, %add3A_523, %lt3A_535 : i32
        %and3A_537 = arith.andi %ge3A_534, %lt3A_536 : i1
        %rem3A_538 = arith.constant 16 : i32
        %rem3A_539 = arith.remsi %add3A_523, %rem3A_538 : i32
        %jit3A_540 = arith.constant 16 : i32
        %select_n3A_541 = arith.select %and3A_537, %rem3A_539, %jit3A_540 : i32
        %eq3A_542 = vector.broadcast %select_n3A_541 : i32 to vector<16xi32>
        %eq3A_543 = arith.cmpi eq, %iota3A, %eq3A_542 : vector<16xi32>
        %mul3A_544 = arith.constant 16 : i32
        %mul3A_545 = arith.muli %scan3A_150, %mul3A_544 : i32
        %add3A_546 = arith.addi %mul3A_2, %mul3A_545 : i32
        %add3A_547 = arith.constant 11 : i32
        %add3A_548 = arith.addi %add3A_546, %add3A_547 : i32
        %broadcast_in_dim3A_549 = vector.broadcast %add3A_548 : i32 to vector<16xi32>
        %select_n3A_550 = arith.select %eq3A_543, %broadcast_in_dim3A_549, %select_n3A_519 : vector<16xi1>, vector<16xi32>
        %jit3A_551 = arith.constant 1 : i32
        %jit3A_552 = arith.constant 0 : i32
        %select_n3A_553 = arith.select %and3A_537, %jit3A_551, %jit3A_552 : i32
        %add3A_554 = arith.addi %add3A_523, %select_n3A_553 : i32
        %rem3A_555 = arith.constant 16 : i32
        %rem3A_556 = arith.remsi %add3A_554, %rem3A_555 : i32
        %eq3A_557 = arith.constant 0 : i32
        %eq3A_558 = arith.cmpi eq, %rem3A_556, %eq3A_557 : i32
        %and3A_559 = arith.andi %and3A_537, %eq3A_558 : i1
        %convert_element_type3A_560 = arith.extui %and3A_559 : i1 to i32
        %cond3A_561 = arith.constant 0 : i32
        %cond3A_562 = arith.cmpi ne, %convert_element_type3A_560, %cond3A_561 : i32
        scf.if %cond3A_562 {
          %sub3A_691 = arith.constant 16 : i32
          %sub3A_692 = arith.subi %add3A_554, %sub3A_691 : i32
          %swap3A_693 = arith.index_cast %sub3A_692 : i32 to index
          %swap3A_694 = tpu.vector_load %arg7[%swap3A_693] {strides = array<i32>} : memref<4224xi32, #tpu.memory_space<vmem>>, vector<16xi32>,
          %swap3A_695 = vector.shape_cast %swap3A_694 : vector<16xi32> to vector<16xi32>
          %swap3A_696 = vector.shape_cast %select_n3A_550 : vector<16xi32> to vector<16xi32>
          tpu.vector_store %arg7[%swap3A_693], %swap3A_696 {strides = array<i32>} : memref<4224xi32, #tpu.memory_space<vmem>>, vector<16xi32>,
        } else {
        }
        %slice3A_563 = vector.extract_strided_slice %get3A_189 {offsets = [12], sizes = [1], strides = [1]} : vector<16xf32> to vector<1xf32>
        %squeeze3A_564 = vector.extract %slice3A_563[0] : f32 from vector<1xf32>
        %ge3A_565 = arith.cmpf oge, %squeeze3A_564, %scan3A_7 : f32
        %lt3A_566 = arith.constant 4096 : i32
        %lt3A_567 = arith.cmpi slt, %add3A_554, %lt3A_566 : i32
        %and3A_568 = arith.andi %ge3A_565, %lt3A_567 : i1
        %rem3A_569 = arith.constant 16 : i32
        %rem3A_570 = arith.remsi %add3A_554, %rem3A_569 : i32
        %jit3A_571 = arith.constant 16 : i32
        %select_n3A_572 = arith.select %and3A_568, %rem3A_570, %jit3A_571 : i32
        %eq3A_573 = vector.broadcast %select_n3A_572 : i32 to vector<16xi32>
        %eq3A_574 = arith.cmpi eq, %iota3A, %eq3A_573 : vector<16xi32>
        %mul3A_575 = arith.constant 16 : i32
        %mul3A_576 = arith.muli %scan3A_150, %mul3A_575 : i32
        %add3A_577 = arith.addi %mul3A_2, %mul3A_576 : i32
        %add3A_578 = arith.constant 12 : i32
        %add3A_579 = arith.addi %add3A_577, %add3A_578 : i32
        %broadcast_in_dim3A_580 = vector.broadcast %add3A_579 : i32 to vector<16xi32>
        %select_n3A_581 = arith.select %eq3A_574, %broadcast_in_dim3A_580, %select_n3A_550 : vector<16xi1>, vector<16xi32>
        %jit3A_582 = arith.constant 1 : i32
        %jit3A_583 = arith.constant 0 : i32
        %select_n3A_584 = arith.select %and3A_568, %jit3A_582, %jit3A_583 : i32
        %add3A_585 = arith.addi %add3A_554, %select_n3A_584 : i32
        %rem3A_586 = arith.constant 16 : i32
        %rem3A_587 = arith.remsi %add3A_585, %rem3A_586 : i32
        %eq3A_588 = arith.constant 0 : i32
        %eq3A_589 = arith.cmpi eq, %rem3A_587, %eq3A_588 : i32
        %and3A_590 = arith.andi %and3A_568, %eq3A_589 : i1
        %convert_element_type3A_591 = arith.extui %and3A_590 : i1 to i32
        %cond3A_592 = arith.constant 0 : i32
        %cond3A_593 = arith.cmpi ne, %convert_element_type3A_591, %cond3A_592 : i32
        scf.if %cond3A_593 {
          %sub3A_691 = arith.constant 16 : i32
          %sub3A_692 = arith.subi %add3A_585, %sub3A_691 : i32
          %swap3A_693 = arith.index_cast %sub3A_692 : i32 to index
          %swap3A_694 = tpu.vector_load %arg7[%swap3A_693] {strides = array<i32>} : memref<4224xi32, #tpu.memory_space<vmem>>, vector<16xi32>,
          %swap3A_695 = vector.shape_cast %swap3A_694 : vector<16xi32> to vector<16xi32>
          %swap3A_696 = vector.shape_cast %select_n3A_581 : vector<16xi32> to vector<16xi32>
          tpu.vector_store %arg7[%swap3A_693], %swap3A_696 {strides = array<i32>} : memref<4224xi32, #tpu.memory_space<vmem>>, vector<16xi32>,
        } else {
        }
        %slice3A_594 = vector.extract_strided_slice %get3A_189 {offsets = [13], sizes = [1], strides = [1]} : vector<16xf32> to vector<1xf32>
        %squeeze3A_595 = vector.extract %slice3A_594[0] : f32 from vector<1xf32>
        %ge3A_596 = arith.cmpf oge, %squeeze3A_595, %scan3A_7 : f32
        %lt3A_597 = arith.constant 4096 : i32
        %lt3A_598 = arith.cmpi slt, %add3A_585, %lt3A_597 : i32
        %and3A_599 = arith.andi %ge3A_596, %lt3A_598 : i1
        %rem3A_600 = arith.constant 16 : i32
        %rem3A_601 = arith.remsi %add3A_585, %rem3A_600 : i32
        %jit3A_602 = arith.constant 16 : i32
        %select_n3A_603 = arith.select %and3A_599, %rem3A_601, %jit3A_602 : i32
        %eq3A_604 = vector.broadcast %select_n3A_603 : i32 to vector<16xi32>
        %eq3A_605 = arith.cmpi eq, %iota3A, %eq3A_604 : vector<16xi32>
        %mul3A_606 = arith.constant 16 : i32
        %mul3A_607 = arith.muli %scan3A_150, %mul3A_606 : i32
        %add3A_608 = arith.addi %mul3A_2, %mul3A_607 : i32
        %add3A_609 = arith.constant 13 : i32
        %add3A_610 = arith.addi %add3A_608, %add3A_609 : i32
        %broadcast_in_dim3A_611 = vector.broadcast %add3A_610 : i32 to vector<16xi32>
        %select_n3A_612 = arith.select %eq3A_605, %broadcast_in_dim3A_611, %select_n3A_581 : vector<16xi1>, vector<16xi32>
        %jit3A_613 = arith.constant 1 : i32
        %jit3A_614 = arith.constant 0 : i32
        %select_n3A_615 = arith.select %and3A_599, %jit3A_613, %jit3A_614 : i32
        %add3A_616 = arith.addi %add3A_585, %select_n3A_615 : i32
        %rem3A_617 = arith.constant 16 : i32
        %rem3A_618 = arith.remsi %add3A_616, %rem3A_617 : i32
        %eq3A_619 = arith.constant 0 : i32
        %eq3A_620 = arith.cmpi eq, %rem3A_618, %eq3A_619 : i32
        %and3A_621 = arith.andi %and3A_599, %eq3A_620 : i1
        %convert_element_type3A_622 = arith.extui %and3A_621 : i1 to i32
        %cond3A_623 = arith.constant 0 : i32
        %cond3A_624 = arith.cmpi ne, %convert_element_type3A_622, %cond3A_623 : i32
        scf.if %cond3A_624 {
          %sub3A_691 = arith.constant 16 : i32
          %sub3A_692 = arith.subi %add3A_616, %sub3A_691 : i32
          %swap3A_693 = arith.index_cast %sub3A_692 : i32 to index
          %swap3A_694 = tpu.vector_load %arg7[%swap3A_693] {strides = array<i32>} : memref<4224xi32, #tpu.memory_space<vmem>>, vector<16xi32>,
          %swap3A_695 = vector.shape_cast %swap3A_694 : vector<16xi32> to vector<16xi32>
          %swap3A_696 = vector.shape_cast %select_n3A_612 : vector<16xi32> to vector<16xi32>
          tpu.vector_store %arg7[%swap3A_693], %swap3A_696 {strides = array<i32>} : memref<4224xi32, #tpu.memory_space<vmem>>, vector<16xi32>,
        } else {
        }
        %slice3A_625 = vector.extract_strided_slice %get3A_189 {offsets = [14], sizes = [1], strides = [1]} : vector<16xf32> to vector<1xf32>
        %squeeze3A_626 = vector.extract %slice3A_625[0] : f32 from vector<1xf32>
        %ge3A_627 = arith.cmpf oge, %squeeze3A_626, %scan3A_7 : f32
        %lt3A_628 = arith.constant 4096 : i32
        %lt3A_629 = arith.cmpi slt, %add3A_616, %lt3A_628 : i32
        %and3A_630 = arith.andi %ge3A_627, %lt3A_629 : i1
        %rem3A_631 = arith.constant 16 : i32
        %rem3A_632 = arith.remsi %add3A_616, %rem3A_631 : i32
        %jit3A_633 = arith.constant 16 : i32
        %select_n3A_634 = arith.select %and3A_630, %rem3A_632, %jit3A_633 : i32
        %eq3A_635 = vector.broadcast %select_n3A_634 : i32 to vector<16xi32>
        %eq3A_636 = arith.cmpi eq, %iota3A, %eq3A_635 : vector<16xi32>
        %mul3A_637 = arith.constant 16 : i32
        %mul3A_638 = arith.muli %scan3A_150, %mul3A_637 : i32
        %add3A_639 = arith.addi %mul3A_2, %mul3A_638 : i32
        %add3A_640 = arith.constant 14 : i32
        %add3A_641 = arith.addi %add3A_639, %add3A_640 : i32
        %broadcast_in_dim3A_642 = vector.broadcast %add3A_641 : i32 to vector<16xi32>
        %select_n3A_643 = arith.select %eq3A_636, %broadcast_in_dim3A_642, %select_n3A_612 : vector<16xi1>, vector<16xi32>
        %jit3A_644 = arith.constant 1 : i32
        %jit3A_645 = arith.constant 0 : i32
        %select_n3A_646 = arith.select %and3A_630, %jit3A_644, %jit3A_645 : i32
        %add3A_647 = arith.addi %add3A_616, %select_n3A_646 : i32
        %rem3A_648 = arith.constant 16 : i32
        %rem3A_649 = arith.remsi %add3A_647, %rem3A_648 : i32
        %eq3A_650 = arith.constant 0 : i32
        %eq3A_651 = arith.cmpi eq, %rem3A_649, %eq3A_650 : i32
        %and3A_652 = arith.andi %and3A_630, %eq3A_651 : i1
        %convert_element_type3A_653 = arith.extui %and3A_652 : i1 to i32
        %cond3A_654 = arith.constant 0 : i32
        %cond3A_655 = arith.cmpi ne, %convert_element_type3A_653, %cond3A_654 : i32
        scf.if %cond3A_655 {
          %sub3A_691 = arith.constant 16 : i32
          %sub3A_692 = arith.subi %add3A_647, %sub3A_691 : i32
          %swap3A_693 = arith.index_cast %sub3A_692 : i32 to index
          %swap3A_694 = tpu.vector_load %arg7[%swap3A_693] {strides = array<i32>} : memref<4224xi32, #tpu.memory_space<vmem>>, vector<16xi32>,
          %swap3A_695 = vector.shape_cast %swap3A_694 : vector<16xi32> to vector<16xi32>
          %swap3A_696 = vector.shape_cast %select_n3A_643 : vector<16xi32> to vector<16xi32>
          tpu.vector_store %arg7[%swap3A_693], %swap3A_696 {strides = array<i32>} : memref<4224xi32, #tpu.memory_space<vmem>>, vector<16xi32>,
        } else {
        }
        %slice3A_656 = vector.extract_strided_slice %get3A_189 {offsets = [15], sizes = [1], strides = [1]} : vector<16xf32> to vector<1xf32>
        %squeeze3A_657 = vector.extract %slice3A_656[0] : f32 from vector<1xf32>
        %ge3A_658 = arith.cmpf oge, %squeeze3A_657, %scan3A_7 : f32
        %lt3A_659 = arith.constant 4096 : i32
        %lt3A_660 = arith.cmpi slt, %add3A_647, %lt3A_659 : i32
        %and3A_661 = arith.andi %ge3A_658, %lt3A_660 : i1
        %rem3A_662 = arith.constant 16 : i32
        %rem3A_663 = arith.remsi %add3A_647, %rem3A_662 : i32
        %jit3A_664 = arith.constant 16 : i32
        %select_n3A_665 = arith.select %and3A_661, %rem3A_663, %jit3A_664 : i32
        %eq3A_666 = vector.broadcast %select_n3A_665 : i32 to vector<16xi32>
        %eq3A_667 = arith.cmpi eq, %iota3A, %eq3A_666 : vector<16xi32>
        %mul3A_668 = arith.constant 16 : i32
        %mul3A_669 = arith.muli %scan3A_150, %mul3A_668 : i32
        %add3A_670 = arith.addi %mul3A_2, %mul3A_669 : i32
        %add3A_671 = arith.constant 15 : i32
        %add3A_672 = arith.addi %add3A_670, %add3A_671 : i32
        %broadcast_in_dim3A_673 = vector.broadcast %add3A_672 : i32 to vector<16xi32>
        %select_n3A_674 = arith.select %eq3A_667, %broadcast_in_dim3A_673, %select_n3A_643 : vector<16xi1>, vector<16xi32>
        %jit3A_675 = arith.constant 1 : i32
        %jit3A_676 = arith.constant 0 : i32
        %select_n3A_677 = arith.select %and3A_661, %jit3A_675, %jit3A_676 : i32
        %add3A_678 = arith.addi %add3A_647, %select_n3A_677 : i32
        %rem3A_679 = arith.constant 16 : i32
        %rem3A_680 = arith.remsi %add3A_678, %rem3A_679 : i32
        %eq3A_681 = arith.constant 0 : i32
        %eq3A_682 = arith.cmpi eq, %rem3A_680, %eq3A_681 : i32
        %and3A_683 = arith.andi %and3A_661, %eq3A_682 : i1
        %convert_element_type3A_684 = arith.extui %and3A_683 : i1 to i32
        %cond3A_685 = arith.constant 0 : i32
        %cond3A_686 = arith.cmpi ne, %convert_element_type3A_684, %cond3A_685 : i32
        scf.if %cond3A_686 {
          %sub3A_691 = arith.constant 16 : i32
          %sub3A_692 = arith.subi %add3A_678, %sub3A_691 : i32
          %swap3A_693 = arith.index_cast %sub3A_692 : i32 to index
          %swap3A_694 = tpu.vector_load %arg7[%swap3A_693] {strides = array<i32>} : memref<4224xi32, #tpu.memory_space<vmem>>, vector<16xi32>,
          %swap3A_695 = vector.shape_cast %swap3A_694 : vector<16xi32> to vector<16xi32>
          %swap3A_696 = vector.shape_cast %select_n3A_674 : vector<16xi32> to vector<16xi32>
          tpu.vector_store %arg7[%swap3A_693], %swap3A_696 {strides = array<i32>} : memref<4224xi32, #tpu.memory_space<vmem>>, vector<16xi32>,
        } else {
        }
        %swap3A_687 = arith.constant 0 : index
        %swap3A_688 = tpu.vector_load %arg13[%swap3A_687] {strides = array<i32>} : memref<16xi32, #tpu.memory_space<vmem>>, vector<16xi32>,
        %swap3A_689 = vector.shape_cast %swap3A_688 : vector<16xi32> to vector<16xi32>
        %swap3A_690 = vector.shape_cast %select_n3A_674 : vector<16xi32> to vector<16xi32>
        tpu.vector_store %arg13[%swap3A_687], %swap3A_690 {strides = array<i32>} : memref<16xi32, #tpu.memory_space<vmem>>, vector<16xi32>,
        scf.yield %add3A_678 : i32
      } else {
        scf.yield %scan3A_151 : i32
      }
      scf.yield %cond3A_184 : i32
    }
    %scan3A_32 = arith.constant 496 : i32
    %rem3A = arith.constant 16 : i32
    %rem3A_33 = arith.remsi %scan3A_31, %rem3A : i32
    %ne3A = arith.constant 0 : i32
    %ne3A_34 = arith.cmpi ne, %rem3A_33, %ne3A : i32
    %convert_element_type3A = arith.extui %ne3A_34 : i1 to i32
    %cond3A = arith.constant 0 : i32
    %cond3A_35 = arith.cmpi ne, %convert_element_type3A, %cond3A : i32
    scf.if %cond3A_35 {
      %get3A = arith.constant 0 : index
      %get3A_150 = tpu.vector_load %arg13[%get3A] {strides = array<i32>} : memref<16xi32, #tpu.memory_space<vmem>>, vector<16xi32>,
      %get3A_151 = vector.shape_cast %get3A_150 : vector<16xi32> to vector<16xi32>
      %jit3A_152 = arith.constant 16 : i32
      %div3A_153 = arith.divsi %scan3A_31, %jit3A_152 : i32
      %sign3A_154 = arith.constant 0 : i32
      %sign3A_155 = arith.cmpi sgt, %scan3A_31, %sign3A_154 : i32
      %sign3A_156 = arith.extui %sign3A_155 : i1 to i32
      %sign3A_157 = arith.constant 0 : i32
      %sign3A_158 = arith.cmpi slt, %scan3A_31, %sign3A_157 : i32
      %sign3A_159 = arith.extui %sign3A_158 : i1 to i32
      %sign3A_160 = arith.subi %sign3A_156, %sign3A_159 : i32
      %sign3A_161 = arith.constant 0 : i32
      %sign3A_162 = arith.cmpi sgt, %jit3A_152, %sign3A_161 : i32
      %sign3A_163 = arith.extui %sign3A_162 : i1 to i32
      %sign3A_164 = arith.constant 0 : i32
      %sign3A_165 = arith.cmpi slt, %jit3A_152, %sign3A_164 : i32
      %sign3A_166 = arith.extui %sign3A_165 : i1 to i32
      %sign3A_167 = arith.subi %sign3A_163, %sign3A_166 : i32
      %ne3A_168 = arith.cmpi ne, %sign3A_160, %sign3A_167 : i32
      %rem3A_169 = arith.remsi %scan3A_31, %jit3A_152 : i32
      %ne3A_170 = arith.constant 0 : i32
      %ne3A_171 = arith.cmpi ne, %rem3A_169, %ne3A_170 : i32
      %and3A_172 = arith.andi %ne3A_168, %ne3A_171 : i1
      %sub3A_173 = arith.constant 1 : i32
      %sub3A_174 = arith.subi %div3A_153, %sub3A_173 : i32
      %select_n3A_175 = arith.select %and3A_172, %sub3A_174, %div3A_153 : i32
      %mul3A_176 = arith.constant 16 : i32
      %mul3A_177 = arith.muli %select_n3A_175, %mul3A_176 : i32
      %swap3A_178 = arith.index_cast %mul3A_177 : i32 to index
      %swap3A_179 = tpu.vector_load %arg7[%swap3A_178] {strides = array<i32>} : memref<4224xi32, #tpu.memory_space<vmem>>, vector<16xi32>,
      %swap3A_180 = vector.shape_cast %swap3A_179 : vector<16xi32> to vector<16xi32>
      %swap3A_181 = vector.shape_cast %get3A_151 : vector<16xi32> to vector<16xi32>
      tpu.vector_store %arg7[%swap3A_178], %swap3A_181 {strides = array<i32>} : memref<4224xi32, #tpu.memory_space<vmem>>, vector<16xi32>,
    } else {
    }
    %add3A_36 = arith.constant 128 : i32
    %add3A_37 = arith.addi %scan3A_31, %add3A_36 : i32
    %sub3A = arith.constant 1 : i32
    %sub3A_38 = arith.subi %add3A_37, %sub3A : i32
    %jit3A = arith.constant 128 : i32
    %div3A = arith.divsi %sub3A_38, %jit3A : i32
    %sign3A = arith.constant 0 : i32
    %sign3A_39 = arith.cmpi sgt, %sub3A_38, %sign3A : i32
    %sign3A_40 = arith.extui %sign3A_39 : i1 to i32
    %sign3A_41 = arith.constant 0 : i32
    %sign3A_42 = arith.cmpi slt, %sub3A_38, %sign3A_41 : i32
    %sign3A_43 = arith.extui %sign3A_42 : i1 to i32
    %sign3A_44 = arith.subi %sign3A_40, %sign3A_43 : i32
    %sign3A_45 = arith.constant 0 : i32
    %sign3A_46 = arith.cmpi sgt, %jit3A, %sign3A_45 : i32
    %sign3A_47 = arith.extui %sign3A_46 : i1 to i32
    %sign3A_48 = arith.constant 0 : i32
    %sign3A_49 = arith.cmpi slt, %jit3A, %sign3A_48 : i32
    %sign3A_50 = arith.extui %sign3A_49 : i1 to i32
    %sign3A_51 = arith.subi %sign3A_47, %sign3A_50 : i32
    %ne3A_52 = arith.cmpi ne, %sign3A_44, %sign3A_51 : i32
    %rem3A_53 = arith.remsi %sub3A_38, %jit3A : i32
    %ne3A_54 = arith.constant 0 : i32
    %ne3A_55 = arith.cmpi ne, %rem3A_53, %ne3A_54 : i32
    %and3A = arith.andi %ne3A_52, %ne3A_55 : i1
    %sub3A_56 = arith.constant 1 : i32
    %sub3A_57 = arith.subi %div3A, %sub3A_56 : i32
    %select_n3A = arith.select %and3A, %sub3A_57, %div3A : i32
    %broadcast_in_dim3A = arith.constant -3.000000e+38 : f32
    %broadcast_in_dim3A_58 = vector.broadcast %broadcast_in_dim3A : f32 to vector<16xf32>
    %swap3A_59 = arith.constant 0 : index
    %swap3A_60 = tpu.vector_load %arg14[%swap3A_59] {strides = array<i32>} : memref<16xf32, #tpu.memory_space<vmem>>, vector<16xf32>,
    %swap3A_61 = vector.shape_cast %swap3A_60 : vector<16xf32> to vector<16xf32>
    %swap3A_62 = vector.shape_cast %broadcast_in_dim3A_58 : vector<16xf32> to vector<16xf32>
    tpu.vector_store %arg14[%swap3A_59], %swap3A_62 {strides = array<i32>} : memref<16xf32, #tpu.memory_space<vmem>>, vector<16xf32>,
    %swap3A_63 = arith.constant 0 : index
    %swap3A_64 = tpu.vector_load %arg15[%swap3A_63] {strides = array<i32>} : memref<16xi32, #tpu.memory_space<vmem>>, vector<16xi32>,
    %swap3A_65 = vector.shape_cast %swap3A_64 : vector<16xi32> to vector<16xi32>
    %swap3A_66 = vector.shape_cast %add3A_22 : vector<16xi32> to vector<16xi32>
    tpu.vector_store %arg15[%swap3A_63], %swap3A_66 {strides = array<i32>} : memref<16xi32, #tpu.memory_space<vmem>>, vector<16xi32>,
    %while3A = arith.constant 0 : i32
    %while3A_67 = arith.constant 0 : i32
    %while3A_68 = arith.subi %select_n3A, %while3A : i32
    %while3A_69 = arith.addi %while3A, %while3A_68 : i32
    %while3A_70 = arith.constant 1 : i32
    %while3A_71 = arith.divsi %while3A_68, %while3A_70 : i32
    %while3A_72 = arith.muli %while3A_71, %while3A_70 : i32
    %while3A_73 = arith.addi %while3A, %while3A_72 : i32
    %while3A_74 = arith.constant 1 : i32
    %while3A_75 = scf.for %while3A_150 = %while3A to %while3A_73 step %while3A_74 iter_args(%while3A_151 = %while3A_67) -> (i32)  : i32 {
      %mul3A_152 = arith.constant 128 : i32
      %mul3A_153 = arith.muli %while3A_150, %mul3A_152 : i32
      %dma_start3A_154 = tpu.memref_slice %arg7[%mul3A_153] : memref<4224xi32, #tpu.memory_space<vmem>> -> memref<128xi32, #tpu.memory_space<vmem>>
      %dma_start3A_155 = arith.constant 0 : i32
      %dma_start3A_156 = arith.constant 0 : i32
      %dma_start3A_157 = tpu.memref_slice %arg2[%dma_start3A_155, %dma_start3A_156] : memref<253952x128xf32, #tpu.memory_space<hbm>> -> memref<253952x128xf32, #tpu.memory_space<hbm>>
      tpu.enqueue_indirect_dma source(%dma_start3A_157 : memref<253952x128xf32, #tpu.memory_space<hbm>>) target(%arg8 : memref<128x128xf32, #tpu.memory_space<vmem>>) offsets(%dma_start3A_154 : memref<128xi32, #tpu.memory_space<vmem>>) semaphore(%arg16 : memref<!tpu.dma_semaphore, #tpu.memory_space<semaphore_mem>>)
      %dma_wait3A_158 = tpu.memref_slice %arg7[%mul3A_153] : memref<4224xi32, #tpu.memory_space<vmem>> -> memref<128xi32, #tpu.memory_space<vmem>>
      %dma_wait3A_159 = arith.constant 0 : i32
      %dma_wait3A_160 = arith.constant 0 : i32
      %dma_wait3A_161 = tpu.memref_slice %arg2[%dma_wait3A_159, %dma_wait3A_160] : memref<253952x128xf32, #tpu.memory_space<hbm>> -> memref<253952x128xf32, #tpu.memory_space<hbm>>
      tpu.wait_indirect_dma semaphore(%arg16 : memref<!tpu.dma_semaphore, #tpu.memory_space<semaphore_mem>>) src(%dma_wait3A_161 : memref<253952x128xf32, #tpu.memory_space<hbm>>) dst(%arg8 : memref<128x128xf32, #tpu.memory_space<vmem>>)
      %mul3A_162 = arith.constant 128 : i32
      %mul3A_163 = arith.muli %while3A_150, %mul3A_162 : i32
      %sub3A_164 = arith.subi %scan3A_31, %mul3A_163 : i32
      %min3A_165 = arith.constant 128 : i32
      %min3A_166 = arith.minsi %sub3A_164, %min3A_165 : i32
      %while3A_167 = arith.constant 0 : i32
      %while3A_168 = arith.subi %min3A_166, %while3A_167 : i32
      %while3A_169 = arith.addi %while3A_167, %while3A_168 : i32
      %while3A_170 = arith.constant 1 : i32
      %while3A_171 = arith.divsi %while3A_168, %while3A_170 : i32
      %while3A_172 = arith.muli %while3A_171, %while3A_170 : i32
      %while3A_173 = arith.addi %while3A_167, %while3A_172 : i32
      %while3A_174 = arith.constant 1 : i32
      %while3A_175 = scf.for %while3A_178 = %while3A_167 to %while3A_173 step %while3A_174 iter_args(%while3A_179 = %while3A_151) -> (i32)  : i32 {
        %mul3A_180 = arith.constant 128 : i32
        %mul3A_181 = arith.muli %while3A_150, %mul3A_180 : i32
        %add3A_182 = arith.addi %mul3A_181, %while3A_178 : i32
        %get3A = arith.index_cast %add3A_182 : i32 to index
        %get3A_183 = tpu.vector_load %arg7[%get3A] {strides = array<i32>} : memref<4224xi32, #tpu.memory_space<vmem>>, vector<16xi32>,
        %get3A_184 = vector.shape_cast %get3A_183 : vector<16xi32> to vector<16xi32>
        %slice3A = vector.extract_strided_slice %get3A_184 {offsets = [0], sizes = [1], strides = [1]} : vector<16xi32> to vector<1xi32>
        %squeeze3A = vector.extract %slice3A[0] : i32 from vector<1xi32>
        %sub3A_185 = arith.subi %squeeze3A, %mul3A_2 : i32
        %mul3A_186 = arith.constant 128 : i32
        %mul3A_187 = arith.muli %sub3A_185, %mul3A_186 : i32
        %scan3A_188 = arith.constant 0 : i32
        %scan3A_189 = arith.constant 8 : i32
        %scan3A_190 = arith.addi %scan3A_188, %scan3A_189 : i32
        %scan3A_191 = arith.constant 1 : i32
        %scan3A_192 = scf.for %scan3A_194 = %scan3A_188 to %scan3A_190 step %scan3A_191 iter_args(%scan3A_195 = %while3A_179) -> (i32)  : i32 {
          %mul3A_196 = arith.constant 16 : i32
          %mul3A_197 = arith.muli %scan3A_194, %mul3A_196 : i32
          %get3A_198 = arith.index_cast %while3A_178 : i32 to index
          %get3A_199 = arith.index_cast %mul3A_197 : i32 to index
          %get3A_200 = tpu.vector_load %arg8[%get3A_198, %get3A_199] {strides = array<i32>} : memref<128x128xf32, #tpu.memory_space<vmem>>, vector<1x16xf32>,
          %get3A_201 = vector.shape_cast %get3A_200 : vector<1x16xf32> to vector<16xf32>
          %xor3A = arith.constant 8 : i32
          %xor3A_202 = vector.broadcast %xor3A : i32 to vector<16xi32>
          %xor3A_203 = arith.xori %iota3A, %xor3A_202 : vector<16xi32>
          %broadcast_in_dim3A_204 = vector.shape_cast %xor3A_203 : vector<16xi32> to vector<16x1xi32>
          %gather3A = vector.shape_cast %broadcast_in_dim3A_204 : vector<16x1xi32> to vector<16xi32>
          %gather3A_205 = tpu.dynamic_gather %get3A_201[%gather3A] in [0] : vector<16xf32>, vector<16xi32> -> vector<16xf32>
          %max3A = arith.maximumf %get3A_201, %gather3A_205 : vector<16xf32>
          %xor3A_206 = arith.constant 4 : i32
          %xor3A_207 = vector.broadcast %xor3A_206 : i32 to vector<16xi32>
          %xor3A_208 = arith.xori %iota3A, %xor3A_207 : vector<16xi32>
          %broadcast_in_dim3A_209 = vector.shape_cast %xor3A_208 : vector<16xi32> to vector<16x1xi32>
          %gather3A_210 = vector.shape_cast %broadcast_in_dim3A_209 : vector<16x1xi32> to vector<16xi32>
          %gather3A_211 = tpu.dynamic_gather %max3A[%gather3A_210] in [0] : vector<16xf32>, vector<16xi32> -> vector<16xf32>
          %max3A_212 = arith.maximumf %max3A, %gather3A_211 : vector<16xf32>
          %xor3A_213 = arith.constant 2 : i32
          %xor3A_214 = vector.broadcast %xor3A_213 : i32 to vector<16xi32>
          %xor3A_215 = arith.xori %iota3A, %xor3A_214 : vector<16xi32>
          %broadcast_in_dim3A_216 = vector.shape_cast %xor3A_215 : vector<16xi32> to vector<16x1xi32>
          %gather3A_217 = vector.shape_cast %broadcast_in_dim3A_216 : vector<16x1xi32> to vector<16xi32>
          %gather3A_218 = tpu.dynamic_gather %max3A_212[%gather3A_217] in [0] : vector<16xf32>, vector<16xi32> -> vector<16xf32>
          %max3A_219 = arith.maximumf %max3A_212, %gather3A_218 : vector<16xf32>
          %xor3A_220 = arith.constant 1 : i32
          %xor3A_221 = vector.broadcast %xor3A_220 : i32 to vector<16xi32>
          %xor3A_222 = arith.xori %iota3A, %xor3A_221 : vector<16xi32>
          %broadcast_in_dim3A_223 = vector.shape_cast %xor3A_222 : vector<16xi32> to vector<16x1xi32>
          %gather3A_224 = vector.shape_cast %broadcast_in_dim3A_223 : vector<16x1xi32> to vector<16xi32>
          %gather3A_225 = tpu.dynamic_gather %max3A_219[%gather3A_224] in [0] : vector<16xf32>, vector<16xi32> -> vector<16xf32>
          %max3A_226 = arith.maximumf %max3A_219, %gather3A_225 : vector<16xf32>
          %slice3A_227 = vector.extract_strided_slice %max3A_226 {offsets = [0], sizes = [1], strides = [1]} : vector<16xf32> to vector<1xf32>
          %squeeze3A_228 = vector.extract %slice3A_227[0] : f32 from vector<1xf32>
          %ge3A = arith.cmpf oge, %squeeze3A_228, %scan3A_7 : f32
          %convert_element_type3A_229 = arith.extui %ge3A : i1 to i32
          %cond3A_230 = arith.constant 0 : i32
          %cond3A_231 = arith.cmpi ne, %convert_element_type3A_229, %cond3A_230 : i32
          %cond3A_232 = scf.if %cond3A_231 -> (i32) {
            %get3A_233 = arith.constant 0 : index
            %get3A_234 = tpu.vector_load %arg14[%get3A_233] {strides = array<i32>} : memref<16xf32, #tpu.memory_space<vmem>>, vector<16xf32>,
            %get3A_235 = vector.shape_cast %get3A_234 : vector<16xf32> to vector<16xf32>
            %get3A_236 = arith.constant 0 : index
            %get3A_237 = tpu.vector_load %arg15[%get3A_236] {strides = array<i32>} : memref<16xi32, #tpu.memory_space<vmem>>, vector<16xi32>,
            %get3A_238 = vector.shape_cast %get3A_237 : vector<16xi32> to vector<16xi32>
            %slice3A_239 = vector.extract_strided_slice %get3A_201 {offsets = [0], sizes = [1], strides = [1]} : vector<16xf32> to vector<1xf32>
            %squeeze3A_240 = vector.extract %slice3A_239[0] : f32 from vector<1xf32>
            %ge3A_241 = arith.cmpf oge, %squeeze3A_240, %scan3A_7 : f32
            %lt3A = arith.constant 4096 : i32
            %lt3A_242 = arith.cmpi slt, %scan3A_195, %lt3A : i32
            %and3A_243 = arith.andi %ge3A_241, %lt3A_242 : i1
            %rem3A_244 = arith.constant 16 : i32
            %rem3A_245 = arith.remsi %scan3A_195, %rem3A_244 : i32
            %jit3A_246 = arith.constant 16 : i32
            %select_n3A_247 = arith.select %and3A_243, %rem3A_245, %jit3A_246 : i32
            %mul3A_248 = arith.constant 16 : i32
            %mul3A_249 = arith.muli %scan3A_194, %mul3A_248 : i32
            %add3A_250 = arith.addi %mul3A_187, %mul3A_249 : i32
            %add3A_251 = arith.constant 0 : i32
            %add3A_252 = arith.addi %add3A_250, %add3A_251 : i32
            %eq3A = vector.broadcast %select_n3A_247 : i32 to vector<16xi32>
            %eq3A_253 = arith.cmpi eq, %iota3A, %eq3A : vector<16xi32>
            %broadcast_in_dim3A_254 = vector.broadcast %squeeze3A_240 : f32 to vector<16xf32>
            %select_n3A_255 = arith.select %eq3A_253, %broadcast_in_dim3A_254, %get3A_235 : vector<16xi1>, vector<16xf32>
            %eq3A_256 = vector.broadcast %select_n3A_247 : i32 to vector<16xi32>
            %eq3A_257 = arith.cmpi eq, %iota3A, %eq3A_256 : vector<16xi32>
            %broadcast_in_dim3A_258 = vector.broadcast %add3A_252 : i32 to vector<16xi32>
            %select_n3A_259 = arith.select %eq3A_257, %broadcast_in_dim3A_258, %get3A_238 : vector<16xi1>, vector<16xi32>
            %jit3A_260 = arith.constant 1 : i32
            %jit3A_261 = arith.constant 0 : i32
            %select_n3A_262 = arith.select %and3A_243, %jit3A_260, %jit3A_261 : i32
            %add3A_263 = arith.addi %scan3A_195, %select_n3A_262 : i32
            %rem3A_264 = arith.constant 16 : i32
            %rem3A_265 = arith.remsi %add3A_263, %rem3A_264 : i32
            %eq3A_266 = arith.constant 0 : i32
            %eq3A_267 = arith.cmpi eq, %rem3A_265, %eq3A_266 : i32
            %and3A_268 = arith.andi %and3A_243, %eq3A_267 : i1
            %convert_element_type3A_269 = arith.extui %and3A_268 : i1 to i32
            %cond3A_270 = arith.constant 0 : i32
            %cond3A_271 = arith.cmpi ne, %convert_element_type3A_269, %cond3A_270 : i32
            scf.if %cond3A_271 {
              %sub3A_805 = arith.constant 16 : i32
              %sub3A_806 = arith.subi %add3A_263, %sub3A_805 : i32
              %swap3A_807 = arith.index_cast %sub3A_806 : i32 to index
              %swap3A_808 = tpu.vector_load %arg9[%swap3A_807] {strides = array<i32>} : memref<4224xf32, #tpu.memory_space<vmem>>, vector<16xf32>,
              %swap3A_809 = vector.shape_cast %swap3A_808 : vector<16xf32> to vector<16xf32>
              %swap3A_810 = vector.shape_cast %select_n3A_255 : vector<16xf32> to vector<16xf32>
              tpu.vector_store %arg9[%swap3A_807], %swap3A_810 {strides = array<i32>} : memref<4224xf32, #tpu.memory_space<vmem>>, vector<16xf32>,
              %sub3A_811 = arith.constant 16 : i32
              %sub3A_812 = arith.subi %add3A_263, %sub3A_811 : i32
              %swap3A_813 = arith.index_cast %sub3A_812 : i32 to index
              %swap3A_814 = tpu.vector_load %arg10[%swap3A_813] {strides = array<i32>} : memref<4224xi32, #tpu.memory_space<vmem>>, vector<16xi32>,
              %swap3A_815 = vector.shape_cast %swap3A_814 : vector<16xi32> to vector<16xi32>
              %swap3A_816 = vector.shape_cast %select_n3A_259 : vector<16xi32> to vector<16xi32>
              tpu.vector_store %arg10[%swap3A_813], %swap3A_816 {strides = array<i32>} : memref<4224xi32, #tpu.memory_space<vmem>>, vector<16xi32>,
            } else {
            }
            %slice3A_272 = vector.extract_strided_slice %get3A_201 {offsets = [1], sizes = [1], strides = [1]} : vector<16xf32> to vector<1xf32>
            %squeeze3A_273 = vector.extract %slice3A_272[0] : f32 from vector<1xf32>
            %ge3A_274 = arith.cmpf oge, %squeeze3A_273, %scan3A_7 : f32
            %lt3A_275 = arith.constant 4096 : i32
            %lt3A_276 = arith.cmpi slt, %add3A_263, %lt3A_275 : i32
            %and3A_277 = arith.andi %ge3A_274, %lt3A_276 : i1
            %rem3A_278 = arith.constant 16 : i32
            %rem3A_279 = arith.remsi %add3A_263, %rem3A_278 : i32
            %jit3A_280 = arith.constant 16 : i32
            %select_n3A_281 = arith.select %and3A_277, %rem3A_279, %jit3A_280 : i32
            %mul3A_282 = arith.constant 16 : i32
            %mul3A_283 = arith.muli %scan3A_194, %mul3A_282 : i32
            %add3A_284 = arith.addi %mul3A_187, %mul3A_283 : i32
            %add3A_285 = arith.constant 1 : i32
            %add3A_286 = arith.addi %add3A_284, %add3A_285 : i32
            %eq3A_287 = vector.broadcast %select_n3A_281 : i32 to vector<16xi32>
            %eq3A_288 = arith.cmpi eq, %iota3A, %eq3A_287 : vector<16xi32>
            %broadcast_in_dim3A_289 = vector.broadcast %squeeze3A_273 : f32 to vector<16xf32>
            %select_n3A_290 = arith.select %eq3A_288, %broadcast_in_dim3A_289, %select_n3A_255 : vector<16xi1>, vector<16xf32>
            %eq3A_291 = vector.broadcast %select_n3A_281 : i32 to vector<16xi32>
            %eq3A_292 = arith.cmpi eq, %iota3A, %eq3A_291 : vector<16xi32>
            %broadcast_in_dim3A_293 = vector.broadcast %add3A_286 : i32 to vector<16xi32>
            %select_n3A_294 = arith.select %eq3A_292, %broadcast_in_dim3A_293, %select_n3A_259 : vector<16xi1>, vector<16xi32>
            %jit3A_295 = arith.constant 1 : i32
            %jit3A_296 = arith.constant 0 : i32
            %select_n3A_297 = arith.select %and3A_277, %jit3A_295, %jit3A_296 : i32
            %add3A_298 = arith.addi %add3A_263, %select_n3A_297 : i32
            %rem3A_299 = arith.constant 16 : i32
            %rem3A_300 = arith.remsi %add3A_298, %rem3A_299 : i32
            %eq3A_301 = arith.constant 0 : i32
            %eq3A_302 = arith.cmpi eq, %rem3A_300, %eq3A_301 : i32
            %and3A_303 = arith.andi %and3A_277, %eq3A_302 : i1
            %convert_element_type3A_304 = arith.extui %and3A_303 : i1 to i32
            %cond3A_305 = arith.constant 0 : i32
            %cond3A_306 = arith.cmpi ne, %convert_element_type3A_304, %cond3A_305 : i32
            scf.if %cond3A_306 {
              %sub3A_805 = arith.constant 16 : i32
              %sub3A_806 = arith.subi %add3A_298, %sub3A_805 : i32
              %swap3A_807 = arith.index_cast %sub3A_806 : i32 to index
              %swap3A_808 = tpu.vector_load %arg9[%swap3A_807] {strides = array<i32>} : memref<4224xf32, #tpu.memory_space<vmem>>, vector<16xf32>,
              %swap3A_809 = vector.shape_cast %swap3A_808 : vector<16xf32> to vector<16xf32>
              %swap3A_810 = vector.shape_cast %select_n3A_290 : vector<16xf32> to vector<16xf32>
              tpu.vector_store %arg9[%swap3A_807], %swap3A_810 {strides = array<i32>} : memref<4224xf32, #tpu.memory_space<vmem>>, vector<16xf32>,
              %sub3A_811 = arith.constant 16 : i32
              %sub3A_812 = arith.subi %add3A_298, %sub3A_811 : i32
              %swap3A_813 = arith.index_cast %sub3A_812 : i32 to index
              %swap3A_814 = tpu.vector_load %arg10[%swap3A_813] {strides = array<i32>} : memref<4224xi32, #tpu.memory_space<vmem>>, vector<16xi32>,
              %swap3A_815 = vector.shape_cast %swap3A_814 : vector<16xi32> to vector<16xi32>
              %swap3A_816 = vector.shape_cast %select_n3A_294 : vector<16xi32> to vector<16xi32>
              tpu.vector_store %arg10[%swap3A_813], %swap3A_816 {strides = array<i32>} : memref<4224xi32, #tpu.memory_space<vmem>>, vector<16xi32>,
            } else {
            }
            %slice3A_307 = vector.extract_strided_slice %get3A_201 {offsets = [2], sizes = [1], strides = [1]} : vector<16xf32> to vector<1xf32>
            %squeeze3A_308 = vector.extract %slice3A_307[0] : f32 from vector<1xf32>
            %ge3A_309 = arith.cmpf oge, %squeeze3A_308, %scan3A_7 : f32
            %lt3A_310 = arith.constant 4096 : i32
            %lt3A_311 = arith.cmpi slt, %add3A_298, %lt3A_310 : i32
            %and3A_312 = arith.andi %ge3A_309, %lt3A_311 : i1
            %rem3A_313 = arith.constant 16 : i32
            %rem3A_314 = arith.remsi %add3A_298, %rem3A_313 : i32
            %jit3A_315 = arith.constant 16 : i32
            %select_n3A_316 = arith.select %and3A_312, %rem3A_314, %jit3A_315 : i32
            %mul3A_317 = arith.constant 16 : i32
            %mul3A_318 = arith.muli %scan3A_194, %mul3A_317 : i32
            %add3A_319 = arith.addi %mul3A_187, %mul3A_318 : i32
            %add3A_320 = arith.constant 2 : i32
            %add3A_321 = arith.addi %add3A_319, %add3A_320 : i32
            %eq3A_322 = vector.broadcast %select_n3A_316 : i32 to vector<16xi32>
            %eq3A_323 = arith.cmpi eq, %iota3A, %eq3A_322 : vector<16xi32>
            %broadcast_in_dim3A_324 = vector.broadcast %squeeze3A_308 : f32 to vector<16xf32>
            %select_n3A_325 = arith.select %eq3A_323, %broadcast_in_dim3A_324, %select_n3A_290 : vector<16xi1>, vector<16xf32>
            %eq3A_326 = vector.broadcast %select_n3A_316 : i32 to vector<16xi32>
            %eq3A_327 = arith.cmpi eq, %iota3A, %eq3A_326 : vector<16xi32>
            %broadcast_in_dim3A_328 = vector.broadcast %add3A_321 : i32 to vector<16xi32>
            %select_n3A_329 = arith.select %eq3A_327, %broadcast_in_dim3A_328, %select_n3A_294 : vector<16xi1>, vector<16xi32>
            %jit3A_330 = arith.constant 1 : i32
            %jit3A_331 = arith.constant 0 : i32
            %select_n3A_332 = arith.select %and3A_312, %jit3A_330, %jit3A_331 : i32
            %add3A_333 = arith.addi %add3A_298, %select_n3A_332 : i32
            %rem3A_334 = arith.constant 16 : i32
            %rem3A_335 = arith.remsi %add3A_333, %rem3A_334 : i32
            %eq3A_336 = arith.constant 0 : i32
            %eq3A_337 = arith.cmpi eq, %rem3A_335, %eq3A_336 : i32
            %and3A_338 = arith.andi %and3A_312, %eq3A_337 : i1
            %convert_element_type3A_339 = arith.extui %and3A_338 : i1 to i32
            %cond3A_340 = arith.constant 0 : i32
            %cond3A_341 = arith.cmpi ne, %convert_element_type3A_339, %cond3A_340 : i32
            scf.if %cond3A_341 {
              %sub3A_805 = arith.constant 16 : i32
              %sub3A_806 = arith.subi %add3A_333, %sub3A_805 : i32
              %swap3A_807 = arith.index_cast %sub3A_806 : i32 to index
              %swap3A_808 = tpu.vector_load %arg9[%swap3A_807] {strides = array<i32>} : memref<4224xf32, #tpu.memory_space<vmem>>, vector<16xf32>,
              %swap3A_809 = vector.shape_cast %swap3A_808 : vector<16xf32> to vector<16xf32>
              %swap3A_810 = vector.shape_cast %select_n3A_325 : vector<16xf32> to vector<16xf32>
              tpu.vector_store %arg9[%swap3A_807], %swap3A_810 {strides = array<i32>} : memref<4224xf32, #tpu.memory_space<vmem>>, vector<16xf32>,
              %sub3A_811 = arith.constant 16 : i32
              %sub3A_812 = arith.subi %add3A_333, %sub3A_811 : i32
              %swap3A_813 = arith.index_cast %sub3A_812 : i32 to index
              %swap3A_814 = tpu.vector_load %arg10[%swap3A_813] {strides = array<i32>} : memref<4224xi32, #tpu.memory_space<vmem>>, vector<16xi32>,
              %swap3A_815 = vector.shape_cast %swap3A_814 : vector<16xi32> to vector<16xi32>
              %swap3A_816 = vector.shape_cast %select_n3A_329 : vector<16xi32> to vector<16xi32>
              tpu.vector_store %arg10[%swap3A_813], %swap3A_816 {strides = array<i32>} : memref<4224xi32, #tpu.memory_space<vmem>>, vector<16xi32>,
            } else {
            }
            %slice3A_342 = vector.extract_strided_slice %get3A_201 {offsets = [3], sizes = [1], strides = [1]} : vector<16xf32> to vector<1xf32>
            %squeeze3A_343 = vector.extract %slice3A_342[0] : f32 from vector<1xf32>
            %ge3A_344 = arith.cmpf oge, %squeeze3A_343, %scan3A_7 : f32
            %lt3A_345 = arith.constant 4096 : i32
            %lt3A_346 = arith.cmpi slt, %add3A_333, %lt3A_345 : i32
            %and3A_347 = arith.andi %ge3A_344, %lt3A_346 : i1
            %rem3A_348 = arith.constant 16 : i32
            %rem3A_349 = arith.remsi %add3A_333, %rem3A_348 : i32
            %jit3A_350 = arith.constant 16 : i32
            %select_n3A_351 = arith.select %and3A_347, %rem3A_349, %jit3A_350 : i32
            %mul3A_352 = arith.constant 16 : i32
            %mul3A_353 = arith.muli %scan3A_194, %mul3A_352 : i32
            %add3A_354 = arith.addi %mul3A_187, %mul3A_353 : i32
            %add3A_355 = arith.constant 3 : i32
            %add3A_356 = arith.addi %add3A_354, %add3A_355 : i32
            %eq3A_357 = vector.broadcast %select_n3A_351 : i32 to vector<16xi32>
            %eq3A_358 = arith.cmpi eq, %iota3A, %eq3A_357 : vector<16xi32>
            %broadcast_in_dim3A_359 = vector.broadcast %squeeze3A_343 : f32 to vector<16xf32>
            %select_n3A_360 = arith.select %eq3A_358, %broadcast_in_dim3A_359, %select_n3A_325 : vector<16xi1>, vector<16xf32>
            %eq3A_361 = vector.broadcast %select_n3A_351 : i32 to vector<16xi32>
            %eq3A_362 = arith.cmpi eq, %iota3A, %eq3A_361 : vector<16xi32>
            %broadcast_in_dim3A_363 = vector.broadcast %add3A_356 : i32 to vector<16xi32>
            %select_n3A_364 = arith.select %eq3A_362, %broadcast_in_dim3A_363, %select_n3A_329 : vector<16xi1>, vector<16xi32>
            %jit3A_365 = arith.constant 1 : i32
            %jit3A_366 = arith.constant 0 : i32
            %select_n3A_367 = arith.select %and3A_347, %jit3A_365, %jit3A_366 : i32
            %add3A_368 = arith.addi %add3A_333, %select_n3A_367 : i32
            %rem3A_369 = arith.constant 16 : i32
            %rem3A_370 = arith.remsi %add3A_368, %rem3A_369 : i32
            %eq3A_371 = arith.constant 0 : i32
            %eq3A_372 = arith.cmpi eq, %rem3A_370, %eq3A_371 : i32
            %and3A_373 = arith.andi %and3A_347, %eq3A_372 : i1
            %convert_element_type3A_374 = arith.extui %and3A_373 : i1 to i32
            %cond3A_375 = arith.constant 0 : i32
            %cond3A_376 = arith.cmpi ne, %convert_element_type3A_374, %cond3A_375 : i32
            scf.if %cond3A_376 {
              %sub3A_805 = arith.constant 16 : i32
              %sub3A_806 = arith.subi %add3A_368, %sub3A_805 : i32
              %swap3A_807 = arith.index_cast %sub3A_806 : i32 to index
              %swap3A_808 = tpu.vector_load %arg9[%swap3A_807] {strides = array<i32>} : memref<4224xf32, #tpu.memory_space<vmem>>, vector<16xf32>,
              %swap3A_809 = vector.shape_cast %swap3A_808 : vector<16xf32> to vector<16xf32>
              %swap3A_810 = vector.shape_cast %select_n3A_360 : vector<16xf32> to vector<16xf32>
              tpu.vector_store %arg9[%swap3A_807], %swap3A_810 {strides = array<i32>} : memref<4224xf32, #tpu.memory_space<vmem>>, vector<16xf32>,
              %sub3A_811 = arith.constant 16 : i32
              %sub3A_812 = arith.subi %add3A_368, %sub3A_811 : i32
              %swap3A_813 = arith.index_cast %sub3A_812 : i32 to index
              %swap3A_814 = tpu.vector_load %arg10[%swap3A_813] {strides = array<i32>} : memref<4224xi32, #tpu.memory_space<vmem>>, vector<16xi32>,
              %swap3A_815 = vector.shape_cast %swap3A_814 : vector<16xi32> to vector<16xi32>
              %swap3A_816 = vector.shape_cast %select_n3A_364 : vector<16xi32> to vector<16xi32>
              tpu.vector_store %arg10[%swap3A_813], %swap3A_816 {strides = array<i32>} : memref<4224xi32, #tpu.memory_space<vmem>>, vector<16xi32>,
            } else {
            }
            %slice3A_377 = vector.extract_strided_slice %get3A_201 {offsets = [4], sizes = [1], strides = [1]} : vector<16xf32> to vector<1xf32>
            %squeeze3A_378 = vector.extract %slice3A_377[0] : f32 from vector<1xf32>
            %ge3A_379 = arith.cmpf oge, %squeeze3A_378, %scan3A_7 : f32
            %lt3A_380 = arith.constant 4096 : i32
            %lt3A_381 = arith.cmpi slt, %add3A_368, %lt3A_380 : i32
            %and3A_382 = arith.andi %ge3A_379, %lt3A_381 : i1
            %rem3A_383 = arith.constant 16 : i32
            %rem3A_384 = arith.remsi %add3A_368, %rem3A_383 : i32
            %jit3A_385 = arith.constant 16 : i32
            %select_n3A_386 = arith.select %and3A_382, %rem3A_384, %jit3A_385 : i32
            %mul3A_387 = arith.constant 16 : i32
            %mul3A_388 = arith.muli %scan3A_194, %mul3A_387 : i32
            %add3A_389 = arith.addi %mul3A_187, %mul3A_388 : i32
            %add3A_390 = arith.constant 4 : i32
            %add3A_391 = arith.addi %add3A_389, %add3A_390 : i32
            %eq3A_392 = vector.broadcast %select_n3A_386 : i32 to vector<16xi32>
            %eq3A_393 = arith.cmpi eq, %iota3A, %eq3A_392 : vector<16xi32>
            %broadcast_in_dim3A_394 = vector.broadcast %squeeze3A_378 : f32 to vector<16xf32>
            %select_n3A_395 = arith.select %eq3A_393, %broadcast_in_dim3A_394, %select_n3A_360 : vector<16xi1>, vector<16xf32>
            %eq3A_396 = vector.broadcast %select_n3A_386 : i32 to vector<16xi32>
            %eq3A_397 = arith.cmpi eq, %iota3A, %eq3A_396 : vector<16xi32>
            %broadcast_in_dim3A_398 = vector.broadcast %add3A_391 : i32 to vector<16xi32>
            %select_n3A_399 = arith.select %eq3A_397, %broadcast_in_dim3A_398, %select_n3A_364 : vector<16xi1>, vector<16xi32>
            %jit3A_400 = arith.constant 1 : i32
            %jit3A_401 = arith.constant 0 : i32
            %select_n3A_402 = arith.select %and3A_382, %jit3A_400, %jit3A_401 : i32
            %add3A_403 = arith.addi %add3A_368, %select_n3A_402 : i32
            %rem3A_404 = arith.constant 16 : i32
            %rem3A_405 = arith.remsi %add3A_403, %rem3A_404 : i32
            %eq3A_406 = arith.constant 0 : i32
            %eq3A_407 = arith.cmpi eq, %rem3A_405, %eq3A_406 : i32
            %and3A_408 = arith.andi %and3A_382, %eq3A_407 : i1
            %convert_element_type3A_409 = arith.extui %and3A_408 : i1 to i32
            %cond3A_410 = arith.constant 0 : i32
            %cond3A_411 = arith.cmpi ne, %convert_element_type3A_409, %cond3A_410 : i32
            scf.if %cond3A_411 {
              %sub3A_805 = arith.constant 16 : i32
              %sub3A_806 = arith.subi %add3A_403, %sub3A_805 : i32
              %swap3A_807 = arith.index_cast %sub3A_806 : i32 to index
              %swap3A_808 = tpu.vector_load %arg9[%swap3A_807] {strides = array<i32>} : memref<4224xf32, #tpu.memory_space<vmem>>, vector<16xf32>,
              %swap3A_809 = vector.shape_cast %swap3A_808 : vector<16xf32> to vector<16xf32>
              %swap3A_810 = vector.shape_cast %select_n3A_395 : vector<16xf32> to vector<16xf32>
              tpu.vector_store %arg9[%swap3A_807], %swap3A_810 {strides = array<i32>} : memref<4224xf32, #tpu.memory_space<vmem>>, vector<16xf32>,
              %sub3A_811 = arith.constant 16 : i32
              %sub3A_812 = arith.subi %add3A_403, %sub3A_811 : i32
              %swap3A_813 = arith.index_cast %sub3A_812 : i32 to index
              %swap3A_814 = tpu.vector_load %arg10[%swap3A_813] {strides = array<i32>} : memref<4224xi32, #tpu.memory_space<vmem>>, vector<16xi32>,
              %swap3A_815 = vector.shape_cast %swap3A_814 : vector<16xi32> to vector<16xi32>
              %swap3A_816 = vector.shape_cast %select_n3A_399 : vector<16xi32> to vector<16xi32>
              tpu.vector_store %arg10[%swap3A_813], %swap3A_816 {strides = array<i32>} : memref<4224xi32, #tpu.memory_space<vmem>>, vector<16xi32>,
            } else {
            }
            %slice3A_412 = vector.extract_strided_slice %get3A_201 {offsets = [5], sizes = [1], strides = [1]} : vector<16xf32> to vector<1xf32>
            %squeeze3A_413 = vector.extract %slice3A_412[0] : f32 from vector<1xf32>
            %ge3A_414 = arith.cmpf oge, %squeeze3A_413, %scan3A_7 : f32
            %lt3A_415 = arith.constant 4096 : i32
            %lt3A_416 = arith.cmpi slt, %add3A_403, %lt3A_415 : i32
            %and3A_417 = arith.andi %ge3A_414, %lt3A_416 : i1
            %rem3A_418 = arith.constant 16 : i32
            %rem3A_419 = arith.remsi %add3A_403, %rem3A_418 : i32
            %jit3A_420 = arith.constant 16 : i32
            %select_n3A_421 = arith.select %and3A_417, %rem3A_419, %jit3A_420 : i32
            %mul3A_422 = arith.constant 16 : i32
            %mul3A_423 = arith.muli %scan3A_194, %mul3A_422 : i32
            %add3A_424 = arith.addi %mul3A_187, %mul3A_423 : i32
            %add3A_425 = arith.constant 5 : i32
            %add3A_426 = arith.addi %add3A_424, %add3A_425 : i32
            %eq3A_427 = vector.broadcast %select_n3A_421 : i32 to vector<16xi32>
            %eq3A_428 = arith.cmpi eq, %iota3A, %eq3A_427 : vector<16xi32>
            %broadcast_in_dim3A_429 = vector.broadcast %squeeze3A_413 : f32 to vector<16xf32>
            %select_n3A_430 = arith.select %eq3A_428, %broadcast_in_dim3A_429, %select_n3A_395 : vector<16xi1>, vector<16xf32>
            %eq3A_431 = vector.broadcast %select_n3A_421 : i32 to vector<16xi32>
            %eq3A_432 = arith.cmpi eq, %iota3A, %eq3A_431 : vector<16xi32>
            %broadcast_in_dim3A_433 = vector.broadcast %add3A_426 : i32 to vector<16xi32>
            %select_n3A_434 = arith.select %eq3A_432, %broadcast_in_dim3A_433, %select_n3A_399 : vector<16xi1>, vector<16xi32>
            %jit3A_435 = arith.constant 1 : i32
            %jit3A_436 = arith.constant 0 : i32
            %select_n3A_437 = arith.select %and3A_417, %jit3A_435, %jit3A_436 : i32
            %add3A_438 = arith.addi %add3A_403, %select_n3A_437 : i32
            %rem3A_439 = arith.constant 16 : i32
            %rem3A_440 = arith.remsi %add3A_438, %rem3A_439 : i32
            %eq3A_441 = arith.constant 0 : i32
            %eq3A_442 = arith.cmpi eq, %rem3A_440, %eq3A_441 : i32
            %and3A_443 = arith.andi %and3A_417, %eq3A_442 : i1
            %convert_element_type3A_444 = arith.extui %and3A_443 : i1 to i32
            %cond3A_445 = arith.constant 0 : i32
            %cond3A_446 = arith.cmpi ne, %convert_element_type3A_444, %cond3A_445 : i32
            scf.if %cond3A_446 {
              %sub3A_805 = arith.constant 16 : i32
              %sub3A_806 = arith.subi %add3A_438, %sub3A_805 : i32
              %swap3A_807 = arith.index_cast %sub3A_806 : i32 to index
              %swap3A_808 = tpu.vector_load %arg9[%swap3A_807] {strides = array<i32>} : memref<4224xf32, #tpu.memory_space<vmem>>, vector<16xf32>,
              %swap3A_809 = vector.shape_cast %swap3A_808 : vector<16xf32> to vector<16xf32>
              %swap3A_810 = vector.shape_cast %select_n3A_430 : vector<16xf32> to vector<16xf32>
              tpu.vector_store %arg9[%swap3A_807], %swap3A_810 {strides = array<i32>} : memref<4224xf32, #tpu.memory_space<vmem>>, vector<16xf32>,
              %sub3A_811 = arith.constant 16 : i32
              %sub3A_812 = arith.subi %add3A_438, %sub3A_811 : i32
              %swap3A_813 = arith.index_cast %sub3A_812 : i32 to index
              %swap3A_814 = tpu.vector_load %arg10[%swap3A_813] {strides = array<i32>} : memref<4224xi32, #tpu.memory_space<vmem>>, vector<16xi32>,
              %swap3A_815 = vector.shape_cast %swap3A_814 : vector<16xi32> to vector<16xi32>
              %swap3A_816 = vector.shape_cast %select_n3A_434 : vector<16xi32> to vector<16xi32>
              tpu.vector_store %arg10[%swap3A_813], %swap3A_816 {strides = array<i32>} : memref<4224xi32, #tpu.memory_space<vmem>>, vector<16xi32>,
            } else {
            }
            %slice3A_447 = vector.extract_strided_slice %get3A_201 {offsets = [6], sizes = [1], strides = [1]} : vector<16xf32> to vector<1xf32>
            %squeeze3A_448 = vector.extract %slice3A_447[0] : f32 from vector<1xf32>
            %ge3A_449 = arith.cmpf oge, %squeeze3A_448, %scan3A_7 : f32
            %lt3A_450 = arith.constant 4096 : i32
            %lt3A_451 = arith.cmpi slt, %add3A_438, %lt3A_450 : i32
            %and3A_452 = arith.andi %ge3A_449, %lt3A_451 : i1
            %rem3A_453 = arith.constant 16 : i32
            %rem3A_454 = arith.remsi %add3A_438, %rem3A_453 : i32
            %jit3A_455 = arith.constant 16 : i32
            %select_n3A_456 = arith.select %and3A_452, %rem3A_454, %jit3A_455 : i32
            %mul3A_457 = arith.constant 16 : i32
            %mul3A_458 = arith.muli %scan3A_194, %mul3A_457 : i32
            %add3A_459 = arith.addi %mul3A_187, %mul3A_458 : i32
            %add3A_460 = arith.constant 6 : i32
            %add3A_461 = arith.addi %add3A_459, %add3A_460 : i32
            %eq3A_462 = vector.broadcast %select_n3A_456 : i32 to vector<16xi32>
            %eq3A_463 = arith.cmpi eq, %iota3A, %eq3A_462 : vector<16xi32>
            %broadcast_in_dim3A_464 = vector.broadcast %squeeze3A_448 : f32 to vector<16xf32>
            %select_n3A_465 = arith.select %eq3A_463, %broadcast_in_dim3A_464, %select_n3A_430 : vector<16xi1>, vector<16xf32>
            %eq3A_466 = vector.broadcast %select_n3A_456 : i32 to vector<16xi32>
            %eq3A_467 = arith.cmpi eq, %iota3A, %eq3A_466 : vector<16xi32>
            %broadcast_in_dim3A_468 = vector.broadcast %add3A_461 : i32 to vector<16xi32>
            %select_n3A_469 = arith.select %eq3A_467, %broadcast_in_dim3A_468, %select_n3A_434 : vector<16xi1>, vector<16xi32>
            %jit3A_470 = arith.constant 1 : i32
            %jit3A_471 = arith.constant 0 : i32
            %select_n3A_472 = arith.select %and3A_452, %jit3A_470, %jit3A_471 : i32
            %add3A_473 = arith.addi %add3A_438, %select_n3A_472 : i32
            %rem3A_474 = arith.constant 16 : i32
            %rem3A_475 = arith.remsi %add3A_473, %rem3A_474 : i32
            %eq3A_476 = arith.constant 0 : i32
            %eq3A_477 = arith.cmpi eq, %rem3A_475, %eq3A_476 : i32
            %and3A_478 = arith.andi %and3A_452, %eq3A_477 : i1
            %convert_element_type3A_479 = arith.extui %and3A_478 : i1 to i32
            %cond3A_480 = arith.constant 0 : i32
            %cond3A_481 = arith.cmpi ne, %convert_element_type3A_479, %cond3A_480 : i32
            scf.if %cond3A_481 {
              %sub3A_805 = arith.constant 16 : i32
              %sub3A_806 = arith.subi %add3A_473, %sub3A_805 : i32
              %swap3A_807 = arith.index_cast %sub3A_806 : i32 to index
              %swap3A_808 = tpu.vector_load %arg9[%swap3A_807] {strides = array<i32>} : memref<4224xf32, #tpu.memory_space<vmem>>, vector<16xf32>,
              %swap3A_809 = vector.shape_cast %swap3A_808 : vector<16xf32> to vector<16xf32>
              %swap3A_810 = vector.shape_cast %select_n3A_465 : vector<16xf32> to vector<16xf32>
              tpu.vector_store %arg9[%swap3A_807], %swap3A_810 {strides = array<i32>} : memref<4224xf32, #tpu.memory_space<vmem>>, vector<16xf32>,
              %sub3A_811 = arith.constant 16 : i32
              %sub3A_812 = arith.subi %add3A_473, %sub3A_811 : i32
              %swap3A_813 = arith.index_cast %sub3A_812 : i32 to index
              %swap3A_814 = tpu.vector_load %arg10[%swap3A_813] {strides = array<i32>} : memref<4224xi32, #tpu.memory_space<vmem>>, vector<16xi32>,
              %swap3A_815 = vector.shape_cast %swap3A_814 : vector<16xi32> to vector<16xi32>
              %swap3A_816 = vector.shape_cast %select_n3A_469 : vector<16xi32> to vector<16xi32>
              tpu.vector_store %arg10[%swap3A_813], %swap3A_816 {strides = array<i32>} : memref<4224xi32, #tpu.memory_space<vmem>>, vector<16xi32>,
            } else {
            }
            %slice3A_482 = vector.extract_strided_slice %get3A_201 {offsets = [7], sizes = [1], strides = [1]} : vector<16xf32> to vector<1xf32>
            %squeeze3A_483 = vector.extract %slice3A_482[0] : f32 from vector<1xf32>
            %ge3A_484 = arith.cmpf oge, %squeeze3A_483, %scan3A_7 : f32
            %lt3A_485 = arith.constant 4096 : i32
            %lt3A_486 = arith.cmpi slt, %add3A_473, %lt3A_485 : i32
            %and3A_487 = arith.andi %ge3A_484, %lt3A_486 : i1
            %rem3A_488 = arith.constant 16 : i32
            %rem3A_489 = arith.remsi %add3A_473, %rem3A_488 : i32
            %jit3A_490 = arith.constant 16 : i32
            %select_n3A_491 = arith.select %and3A_487, %rem3A_489, %jit3A_490 : i32
            %mul3A_492 = arith.constant 16 : i32
            %mul3A_493 = arith.muli %scan3A_194, %mul3A_492 : i32
            %add3A_494 = arith.addi %mul3A_187, %mul3A_493 : i32
            %add3A_495 = arith.constant 7 : i32
            %add3A_496 = arith.addi %add3A_494, %add3A_495 : i32
            %eq3A_497 = vector.broadcast %select_n3A_491 : i32 to vector<16xi32>
            %eq3A_498 = arith.cmpi eq, %iota3A, %eq3A_497 : vector<16xi32>
            %broadcast_in_dim3A_499 = vector.broadcast %squeeze3A_483 : f32 to vector<16xf32>
            %select_n3A_500 = arith.select %eq3A_498, %broadcast_in_dim3A_499, %select_n3A_465 : vector<16xi1>, vector<16xf32>
            %eq3A_501 = vector.broadcast %select_n3A_491 : i32 to vector<16xi32>
            %eq3A_502 = arith.cmpi eq, %iota3A, %eq3A_501 : vector<16xi32>
            %broadcast_in_dim3A_503 = vector.broadcast %add3A_496 : i32 to vector<16xi32>
            %select_n3A_504 = arith.select %eq3A_502, %broadcast_in_dim3A_503, %select_n3A_469 : vector<16xi1>, vector<16xi32>
            %jit3A_505 = arith.constant 1 : i32
            %jit3A_506 = arith.constant 0 : i32
            %select_n3A_507 = arith.select %and3A_487, %jit3A_505, %jit3A_506 : i32
            %add3A_508 = arith.addi %add3A_473, %select_n3A_507 : i32
            %rem3A_509 = arith.constant 16 : i32
            %rem3A_510 = arith.remsi %add3A_508, %rem3A_509 : i32
            %eq3A_511 = arith.constant 0 : i32
            %eq3A_512 = arith.cmpi eq, %rem3A_510, %eq3A_511 : i32
            %and3A_513 = arith.andi %and3A_487, %eq3A_512 : i1
            %convert_element_type3A_514 = arith.extui %and3A_513 : i1 to i32
            %cond3A_515 = arith.constant 0 : i32
            %cond3A_516 = arith.cmpi ne, %convert_element_type3A_514, %cond3A_515 : i32
            scf.if %cond3A_516 {
              %sub3A_805 = arith.constant 16 : i32
              %sub3A_806 = arith.subi %add3A_508, %sub3A_805 : i32
              %swap3A_807 = arith.index_cast %sub3A_806 : i32 to index
              %swap3A_808 = tpu.vector_load %arg9[%swap3A_807] {strides = array<i32>} : memref<4224xf32, #tpu.memory_space<vmem>>, vector<16xf32>,
              %swap3A_809 = vector.shape_cast %swap3A_808 : vector<16xf32> to vector<16xf32>
              %swap3A_810 = vector.shape_cast %select_n3A_500 : vector<16xf32> to vector<16xf32>
              tpu.vector_store %arg9[%swap3A_807], %swap3A_810 {strides = array<i32>} : memref<4224xf32, #tpu.memory_space<vmem>>, vector<16xf32>,
              %sub3A_811 = arith.constant 16 : i32
              %sub3A_812 = arith.subi %add3A_508, %sub3A_811 : i32
              %swap3A_813 = arith.index_cast %sub3A_812 : i32 to index
              %swap3A_814 = tpu.vector_load %arg10[%swap3A_813] {strides = array<i32>} : memref<4224xi32, #tpu.memory_space<vmem>>, vector<16xi32>,
              %swap3A_815 = vector.shape_cast %swap3A_814 : vector<16xi32> to vector<16xi32>
              %swap3A_816 = vector.shape_cast %select_n3A_504 : vector<16xi32> to vector<16xi32>
              tpu.vector_store %arg10[%swap3A_813], %swap3A_816 {strides = array<i32>} : memref<4224xi32, #tpu.memory_space<vmem>>, vector<16xi32>,
            } else {
            }
            %slice3A_517 = vector.extract_strided_slice %get3A_201 {offsets = [8], sizes = [1], strides = [1]} : vector<16xf32> to vector<1xf32>
            %squeeze3A_518 = vector.extract %slice3A_517[0] : f32 from vector<1xf32>
            %ge3A_519 = arith.cmpf oge, %squeeze3A_518, %scan3A_7 : f32
            %lt3A_520 = arith.constant 4096 : i32
            %lt3A_521 = arith.cmpi slt, %add3A_508, %lt3A_520 : i32
            %and3A_522 = arith.andi %ge3A_519, %lt3A_521 : i1
            %rem3A_523 = arith.constant 16 : i32
            %rem3A_524 = arith.remsi %add3A_508, %rem3A_523 : i32
            %jit3A_525 = arith.constant 16 : i32
            %select_n3A_526 = arith.select %and3A_522, %rem3A_524, %jit3A_525 : i32
            %mul3A_527 = arith.constant 16 : i32
            %mul3A_528 = arith.muli %scan3A_194, %mul3A_527 : i32
            %add3A_529 = arith.addi %mul3A_187, %mul3A_528 : i32
            %add3A_530 = arith.constant 8 : i32
            %add3A_531 = arith.addi %add3A_529, %add3A_530 : i32
            %eq3A_532 = vector.broadcast %select_n3A_526 : i32 to vector<16xi32>
            %eq3A_533 = arith.cmpi eq, %iota3A, %eq3A_532 : vector<16xi32>
            %broadcast_in_dim3A_534 = vector.broadcast %squeeze3A_518 : f32 to vector<16xf32>
            %select_n3A_535 = arith.select %eq3A_533, %broadcast_in_dim3A_534, %select_n3A_500 : vector<16xi1>, vector<16xf32>
            %eq3A_536 = vector.broadcast %select_n3A_526 : i32 to vector<16xi32>
            %eq3A_537 = arith.cmpi eq, %iota3A, %eq3A_536 : vector<16xi32>
            %broadcast_in_dim3A_538 = vector.broadcast %add3A_531 : i32 to vector<16xi32>
            %select_n3A_539 = arith.select %eq3A_537, %broadcast_in_dim3A_538, %select_n3A_504 : vector<16xi1>, vector<16xi32>
            %jit3A_540 = arith.constant 1 : i32
            %jit3A_541 = arith.constant 0 : i32
            %select_n3A_542 = arith.select %and3A_522, %jit3A_540, %jit3A_541 : i32
            %add3A_543 = arith.addi %add3A_508, %select_n3A_542 : i32
            %rem3A_544 = arith.constant 16 : i32
            %rem3A_545 = arith.remsi %add3A_543, %rem3A_544 : i32
            %eq3A_546 = arith.constant 0 : i32
            %eq3A_547 = arith.cmpi eq, %rem3A_545, %eq3A_546 : i32
            %and3A_548 = arith.andi %and3A_522, %eq3A_547 : i1
            %convert_element_type3A_549 = arith.extui %and3A_548 : i1 to i32
            %cond3A_550 = arith.constant 0 : i32
            %cond3A_551 = arith.cmpi ne, %convert_element_type3A_549, %cond3A_550 : i32
            scf.if %cond3A_551 {
              %sub3A_805 = arith.constant 16 : i32
              %sub3A_806 = arith.subi %add3A_543, %sub3A_805 : i32
              %swap3A_807 = arith.index_cast %sub3A_806 : i32 to index
              %swap3A_808 = tpu.vector_load %arg9[%swap3A_807] {strides = array<i32>} : memref<4224xf32, #tpu.memory_space<vmem>>, vector<16xf32>,
              %swap3A_809 = vector.shape_cast %swap3A_808 : vector<16xf32> to vector<16xf32>
              %swap3A_810 = vector.shape_cast %select_n3A_535 : vector<16xf32> to vector<16xf32>
              tpu.vector_store %arg9[%swap3A_807], %swap3A_810 {strides = array<i32>} : memref<4224xf32, #tpu.memory_space<vmem>>, vector<16xf32>,
              %sub3A_811 = arith.constant 16 : i32
              %sub3A_812 = arith.subi %add3A_543, %sub3A_811 : i32
              %swap3A_813 = arith.index_cast %sub3A_812 : i32 to index
              %swap3A_814 = tpu.vector_load %arg10[%swap3A_813] {strides = array<i32>} : memref<4224xi32, #tpu.memory_space<vmem>>, vector<16xi32>,
              %swap3A_815 = vector.shape_cast %swap3A_814 : vector<16xi32> to vector<16xi32>
              %swap3A_816 = vector.shape_cast %select_n3A_539 : vector<16xi32> to vector<16xi32>
              tpu.vector_store %arg10[%swap3A_813], %swap3A_816 {strides = array<i32>} : memref<4224xi32, #tpu.memory_space<vmem>>, vector<16xi32>,
            } else {
            }
            %slice3A_552 = vector.extract_strided_slice %get3A_201 {offsets = [9], sizes = [1], strides = [1]} : vector<16xf32> to vector<1xf32>
            %squeeze3A_553 = vector.extract %slice3A_552[0] : f32 from vector<1xf32>
            %ge3A_554 = arith.cmpf oge, %squeeze3A_553, %scan3A_7 : f32
            %lt3A_555 = arith.constant 4096 : i32
            %lt3A_556 = arith.cmpi slt, %add3A_543, %lt3A_555 : i32
            %and3A_557 = arith.andi %ge3A_554, %lt3A_556 : i1
            %rem3A_558 = arith.constant 16 : i32
            %rem3A_559 = arith.remsi %add3A_543, %rem3A_558 : i32
            %jit3A_560 = arith.constant 16 : i32
            %select_n3A_561 = arith.select %and3A_557, %rem3A_559, %jit3A_560 : i32
            %mul3A_562 = arith.constant 16 : i32
            %mul3A_563 = arith.muli %scan3A_194, %mul3A_562 : i32
            %add3A_564 = arith.addi %mul3A_187, %mul3A_563 : i32
            %add3A_565 = arith.constant 9 : i32
            %add3A_566 = arith.addi %add3A_564, %add3A_565 : i32
            %eq3A_567 = vector.broadcast %select_n3A_561 : i32 to vector<16xi32>
            %eq3A_568 = arith.cmpi eq, %iota3A, %eq3A_567 : vector<16xi32>
            %broadcast_in_dim3A_569 = vector.broadcast %squeeze3A_553 : f32 to vector<16xf32>
            %select_n3A_570 = arith.select %eq3A_568, %broadcast_in_dim3A_569, %select_n3A_535 : vector<16xi1>, vector<16xf32>
            %eq3A_571 = vector.broadcast %select_n3A_561 : i32 to vector<16xi32>
            %eq3A_572 = arith.cmpi eq, %iota3A, %eq3A_571 : vector<16xi32>
            %broadcast_in_dim3A_573 = vector.broadcast %add3A_566 : i32 to vector<16xi32>
            %select_n3A_574 = arith.select %eq3A_572, %broadcast_in_dim3A_573, %select_n3A_539 : vector<16xi1>, vector<16xi32>
            %jit3A_575 = arith.constant 1 : i32
            %jit3A_576 = arith.constant 0 : i32
            %select_n3A_577 = arith.select %and3A_557, %jit3A_575, %jit3A_576 : i32
            %add3A_578 = arith.addi %add3A_543, %select_n3A_577 : i32
            %rem3A_579 = arith.constant 16 : i32
            %rem3A_580 = arith.remsi %add3A_578, %rem3A_579 : i32
            %eq3A_581 = arith.constant 0 : i32
            %eq3A_582 = arith.cmpi eq, %rem3A_580, %eq3A_581 : i32
            %and3A_583 = arith.andi %and3A_557, %eq3A_582 : i1
            %convert_element_type3A_584 = arith.extui %and3A_583 : i1 to i32
            %cond3A_585 = arith.constant 0 : i32
            %cond3A_586 = arith.cmpi ne, %convert_element_type3A_584, %cond3A_585 : i32
            scf.if %cond3A_586 {
              %sub3A_805 = arith.constant 16 : i32
              %sub3A_806 = arith.subi %add3A_578, %sub3A_805 : i32
              %swap3A_807 = arith.index_cast %sub3A_806 : i32 to index
              %swap3A_808 = tpu.vector_load %arg9[%swap3A_807] {strides = array<i32>} : memref<4224xf32, #tpu.memory_space<vmem>>, vector<16xf32>,
              %swap3A_809 = vector.shape_cast %swap3A_808 : vector<16xf32> to vector<16xf32>
              %swap3A_810 = vector.shape_cast %select_n3A_570 : vector<16xf32> to vector<16xf32>
              tpu.vector_store %arg9[%swap3A_807], %swap3A_810 {strides = array<i32>} : memref<4224xf32, #tpu.memory_space<vmem>>, vector<16xf32>,
              %sub3A_811 = arith.constant 16 : i32
              %sub3A_812 = arith.subi %add3A_578, %sub3A_811 : i32
              %swap3A_813 = arith.index_cast %sub3A_812 : i32 to index
              %swap3A_814 = tpu.vector_load %arg10[%swap3A_813] {strides = array<i32>} : memref<4224xi32, #tpu.memory_space<vmem>>, vector<16xi32>,
              %swap3A_815 = vector.shape_cast %swap3A_814 : vector<16xi32> to vector<16xi32>
              %swap3A_816 = vector.shape_cast %select_n3A_574 : vector<16xi32> to vector<16xi32>
              tpu.vector_store %arg10[%swap3A_813], %swap3A_816 {strides = array<i32>} : memref<4224xi32, #tpu.memory_space<vmem>>, vector<16xi32>,
            } else {
            }
            %slice3A_587 = vector.extract_strided_slice %get3A_201 {offsets = [10], sizes = [1], strides = [1]} : vector<16xf32> to vector<1xf32>
            %squeeze3A_588 = vector.extract %slice3A_587[0] : f32 from vector<1xf32>
            %ge3A_589 = arith.cmpf oge, %squeeze3A_588, %scan3A_7 : f32
            %lt3A_590 = arith.constant 4096 : i32
            %lt3A_591 = arith.cmpi slt, %add3A_578, %lt3A_590 : i32
            %and3A_592 = arith.andi %ge3A_589, %lt3A_591 : i1
            %rem3A_593 = arith.constant 16 : i32
            %rem3A_594 = arith.remsi %add3A_578, %rem3A_593 : i32
            %jit3A_595 = arith.constant 16 : i32
            %select_n3A_596 = arith.select %and3A_592, %rem3A_594, %jit3A_595 : i32
            %mul3A_597 = arith.constant 16 : i32
            %mul3A_598 = arith.muli %scan3A_194, %mul3A_597 : i32
            %add3A_599 = arith.addi %mul3A_187, %mul3A_598 : i32
            %add3A_600 = arith.constant 10 : i32
            %add3A_601 = arith.addi %add3A_599, %add3A_600 : i32
            %eq3A_602 = vector.broadcast %select_n3A_596 : i32 to vector<16xi32>
            %eq3A_603 = arith.cmpi eq, %iota3A, %eq3A_602 : vector<16xi32>
            %broadcast_in_dim3A_604 = vector.broadcast %squeeze3A_588 : f32 to vector<16xf32>
            %select_n3A_605 = arith.select %eq3A_603, %broadcast_in_dim3A_604, %select_n3A_570 : vector<16xi1>, vector<16xf32>
            %eq3A_606 = vector.broadcast %select_n3A_596 : i32 to vector<16xi32>
            %eq3A_607 = arith.cmpi eq, %iota3A, %eq3A_606 : vector<16xi32>
            %broadcast_in_dim3A_608 = vector.broadcast %add3A_601 : i32 to vector<16xi32>
            %select_n3A_609 = arith.select %eq3A_607, %broadcast_in_dim3A_608, %select_n3A_574 : vector<16xi1>, vector<16xi32>
            %jit3A_610 = arith.constant 1 : i32
            %jit3A_611 = arith.constant 0 : i32
            %select_n3A_612 = arith.select %and3A_592, %jit3A_610, %jit3A_611 : i32
            %add3A_613 = arith.addi %add3A_578, %select_n3A_612 : i32
            %rem3A_614 = arith.constant 16 : i32
            %rem3A_615 = arith.remsi %add3A_613, %rem3A_614 : i32
            %eq3A_616 = arith.constant 0 : i32
            %eq3A_617 = arith.cmpi eq, %rem3A_615, %eq3A_616 : i32
            %and3A_618 = arith.andi %and3A_592, %eq3A_617 : i1
            %convert_element_type3A_619 = arith.extui %and3A_618 : i1 to i32
            %cond3A_620 = arith.constant 0 : i32
            %cond3A_621 = arith.cmpi ne, %convert_element_type3A_619, %cond3A_620 : i32
            scf.if %cond3A_621 {
              %sub3A_805 = arith.constant 16 : i32
              %sub3A_806 = arith.subi %add3A_613, %sub3A_805 : i32
              %swap3A_807 = arith.index_cast %sub3A_806 : i32 to index
              %swap3A_808 = tpu.vector_load %arg9[%swap3A_807] {strides = array<i32>} : memref<4224xf32, #tpu.memory_space<vmem>>, vector<16xf32>,
              %swap3A_809 = vector.shape_cast %swap3A_808 : vector<16xf32> to vector<16xf32>
              %swap3A_810 = vector.shape_cast %select_n3A_605 : vector<16xf32> to vector<16xf32>
              tpu.vector_store %arg9[%swap3A_807], %swap3A_810 {strides = array<i32>} : memref<4224xf32, #tpu.memory_space<vmem>>, vector<16xf32>,
              %sub3A_811 = arith.constant 16 : i32
              %sub3A_812 = arith.subi %add3A_613, %sub3A_811 : i32
              %swap3A_813 = arith.index_cast %sub3A_812 : i32 to index
              %swap3A_814 = tpu.vector_load %arg10[%swap3A_813] {strides = array<i32>} : memref<4224xi32, #tpu.memory_space<vmem>>, vector<16xi32>,
              %swap3A_815 = vector.shape_cast %swap3A_814 : vector<16xi32> to vector<16xi32>
              %swap3A_816 = vector.shape_cast %select_n3A_609 : vector<16xi32> to vector<16xi32>
              tpu.vector_store %arg10[%swap3A_813], %swap3A_816 {strides = array<i32>} : memref<4224xi32, #tpu.memory_space<vmem>>, vector<16xi32>,
            } else {
            }
            %slice3A_622 = vector.extract_strided_slice %get3A_201 {offsets = [11], sizes = [1], strides = [1]} : vector<16xf32> to vector<1xf32>
            %squeeze3A_623 = vector.extract %slice3A_622[0] : f32 from vector<1xf32>
            %ge3A_624 = arith.cmpf oge, %squeeze3A_623, %scan3A_7 : f32
            %lt3A_625 = arith.constant 4096 : i32
            %lt3A_626 = arith.cmpi slt, %add3A_613, %lt3A_625 : i32
            %and3A_627 = arith.andi %ge3A_624, %lt3A_626 : i1
            %rem3A_628 = arith.constant 16 : i32
            %rem3A_629 = arith.remsi %add3A_613, %rem3A_628 : i32
            %jit3A_630 = arith.constant 16 : i32
            %select_n3A_631 = arith.select %and3A_627, %rem3A_629, %jit3A_630 : i32
            %mul3A_632 = arith.constant 16 : i32
            %mul3A_633 = arith.muli %scan3A_194, %mul3A_632 : i32
            %add3A_634 = arith.addi %mul3A_187, %mul3A_633 : i32
            %add3A_635 = arith.constant 11 : i32
            %add3A_636 = arith.addi %add3A_634, %add3A_635 : i32
            %eq3A_637 = vector.broadcast %select_n3A_631 : i32 to vector<16xi32>
            %eq3A_638 = arith.cmpi eq, %iota3A, %eq3A_637 : vector<16xi32>
            %broadcast_in_dim3A_639 = vector.broadcast %squeeze3A_623 : f32 to vector<16xf32>
            %select_n3A_640 = arith.select %eq3A_638, %broadcast_in_dim3A_639, %select_n3A_605 : vector<16xi1>, vector<16xf32>
            %eq3A_641 = vector.broadcast %select_n3A_631 : i32 to vector<16xi32>
            %eq3A_642 = arith.cmpi eq, %iota3A, %eq3A_641 : vector<16xi32>
            %broadcast_in_dim3A_643 = vector.broadcast %add3A_636 : i32 to vector<16xi32>
            %select_n3A_644 = arith.select %eq3A_642, %broadcast_in_dim3A_643, %select_n3A_609 : vector<16xi1>, vector<16xi32>
            %jit3A_645 = arith.constant 1 : i32
            %jit3A_646 = arith.constant 0 : i32
            %select_n3A_647 = arith.select %and3A_627, %jit3A_645, %jit3A_646 : i32
            %add3A_648 = arith.addi %add3A_613, %select_n3A_647 : i32
            %rem3A_649 = arith.constant 16 : i32
            %rem3A_650 = arith.remsi %add3A_648, %rem3A_649 : i32
            %eq3A_651 = arith.constant 0 : i32
            %eq3A_652 = arith.cmpi eq, %rem3A_650, %eq3A_651 : i32
            %and3A_653 = arith.andi %and3A_627, %eq3A_652 : i1
            %convert_element_type3A_654 = arith.extui %and3A_653 : i1 to i32
            %cond3A_655 = arith.constant 0 : i32
            %cond3A_656 = arith.cmpi ne, %convert_element_type3A_654, %cond3A_655 : i32
            scf.if %cond3A_656 {
              %sub3A_805 = arith.constant 16 : i32
              %sub3A_806 = arith.subi %add3A_648, %sub3A_805 : i32
              %swap3A_807 = arith.index_cast %sub3A_806 : i32 to index
              %swap3A_808 = tpu.vector_load %arg9[%swap3A_807] {strides = array<i32>} : memref<4224xf32, #tpu.memory_space<vmem>>, vector<16xf32>,
              %swap3A_809 = vector.shape_cast %swap3A_808 : vector<16xf32> to vector<16xf32>
              %swap3A_810 = vector.shape_cast %select_n3A_640 : vector<16xf32> to vector<16xf32>
              tpu.vector_store %arg9[%swap3A_807], %swap3A_810 {strides = array<i32>} : memref<4224xf32, #tpu.memory_space<vmem>>, vector<16xf32>,
              %sub3A_811 = arith.constant 16 : i32
              %sub3A_812 = arith.subi %add3A_648, %sub3A_811 : i32
              %swap3A_813 = arith.index_cast %sub3A_812 : i32 to index
              %swap3A_814 = tpu.vector_load %arg10[%swap3A_813] {strides = array<i32>} : memref<4224xi32, #tpu.memory_space<vmem>>, vector<16xi32>,
              %swap3A_815 = vector.shape_cast %swap3A_814 : vector<16xi32> to vector<16xi32>
              %swap3A_816 = vector.shape_cast %select_n3A_644 : vector<16xi32> to vector<16xi32>
              tpu.vector_store %arg10[%swap3A_813], %swap3A_816 {strides = array<i32>} : memref<4224xi32, #tpu.memory_space<vmem>>, vector<16xi32>,
            } else {
            }
            %slice3A_657 = vector.extract_strided_slice %get3A_201 {offsets = [12], sizes = [1], strides = [1]} : vector<16xf32> to vector<1xf32>
            %squeeze3A_658 = vector.extract %slice3A_657[0] : f32 from vector<1xf32>
            %ge3A_659 = arith.cmpf oge, %squeeze3A_658, %scan3A_7 : f32
            %lt3A_660 = arith.constant 4096 : i32
            %lt3A_661 = arith.cmpi slt, %add3A_648, %lt3A_660 : i32
            %and3A_662 = arith.andi %ge3A_659, %lt3A_661 : i1
            %rem3A_663 = arith.constant 16 : i32
            %rem3A_664 = arith.remsi %add3A_648, %rem3A_663 : i32
            %jit3A_665 = arith.constant 16 : i32
            %select_n3A_666 = arith.select %and3A_662, %rem3A_664, %jit3A_665 : i32
            %mul3A_667 = arith.constant 16 : i32
            %mul3A_668 = arith.muli %scan3A_194, %mul3A_667 : i32
            %add3A_669 = arith.addi %mul3A_187, %mul3A_668 : i32
            %add3A_670 = arith.constant 12 : i32
            %add3A_671 = arith.addi %add3A_669, %add3A_670 : i32
            %eq3A_672 = vector.broadcast %select_n3A_666 : i32 to vector<16xi32>
            %eq3A_673 = arith.cmpi eq, %iota3A, %eq3A_672 : vector<16xi32>
            %broadcast_in_dim3A_674 = vector.broadcast %squeeze3A_658 : f32 to vector<16xf32>
            %select_n3A_675 = arith.select %eq3A_673, %broadcast_in_dim3A_674, %select_n3A_640 : vector<16xi1>, vector<16xf32>
            %eq3A_676 = vector.broadcast %select_n3A_666 : i32 to vector<16xi32>
            %eq3A_677 = arith.cmpi eq, %iota3A, %eq3A_676 : vector<16xi32>
            %broadcast_in_dim3A_678 = vector.broadcast %add3A_671 : i32 to vector<16xi32>
            %select_n3A_679 = arith.select %eq3A_677, %broadcast_in_dim3A_678, %select_n3A_644 : vector<16xi1>, vector<16xi32>
            %jit3A_680 = arith.constant 1 : i32
            %jit3A_681 = arith.constant 0 : i32
            %select_n3A_682 = arith.select %and3A_662, %jit3A_680, %jit3A_681 : i32
            %add3A_683 = arith.addi %add3A_648, %select_n3A_682 : i32
            %rem3A_684 = arith.constant 16 : i32
            %rem3A_685 = arith.remsi %add3A_683, %rem3A_684 : i32
            %eq3A_686 = arith.constant 0 : i32
            %eq3A_687 = arith.cmpi eq, %rem3A_685, %eq3A_686 : i32
            %and3A_688 = arith.andi %and3A_662, %eq3A_687 : i1
            %convert_element_type3A_689 = arith.extui %and3A_688 : i1 to i32
            %cond3A_690 = arith.constant 0 : i32
            %cond3A_691 = arith.cmpi ne, %convert_element_type3A_689, %cond3A_690 : i32
            scf.if %cond3A_691 {
              %sub3A_805 = arith.constant 16 : i32
              %sub3A_806 = arith.subi %add3A_683, %sub3A_805 : i32
              %swap3A_807 = arith.index_cast %sub3A_806 : i32 to index
              %swap3A_808 = tpu.vector_load %arg9[%swap3A_807] {strides = array<i32>} : memref<4224xf32, #tpu.memory_space<vmem>>, vector<16xf32>,
              %swap3A_809 = vector.shape_cast %swap3A_808 : vector<16xf32> to vector<16xf32>
              %swap3A_810 = vector.shape_cast %select_n3A_675 : vector<16xf32> to vector<16xf32>
              tpu.vector_store %arg9[%swap3A_807], %swap3A_810 {strides = array<i32>} : memref<4224xf32, #tpu.memory_space<vmem>>, vector<16xf32>,
              %sub3A_811 = arith.constant 16 : i32
              %sub3A_812 = arith.subi %add3A_683, %sub3A_811 : i32
              %swap3A_813 = arith.index_cast %sub3A_812 : i32 to index
              %swap3A_814 = tpu.vector_load %arg10[%swap3A_813] {strides = array<i32>} : memref<4224xi32, #tpu.memory_space<vmem>>, vector<16xi32>,
              %swap3A_815 = vector.shape_cast %swap3A_814 : vector<16xi32> to vector<16xi32>
              %swap3A_816 = vector.shape_cast %select_n3A_679 : vector<16xi32> to vector<16xi32>
              tpu.vector_store %arg10[%swap3A_813], %swap3A_816 {strides = array<i32>} : memref<4224xi32, #tpu.memory_space<vmem>>, vector<16xi32>,
            } else {
            }
            %slice3A_692 = vector.extract_strided_slice %get3A_201 {offsets = [13], sizes = [1], strides = [1]} : vector<16xf32> to vector<1xf32>
            %squeeze3A_693 = vector.extract %slice3A_692[0] : f32 from vector<1xf32>
            %ge3A_694 = arith.cmpf oge, %squeeze3A_693, %scan3A_7 : f32
            %lt3A_695 = arith.constant 4096 : i32
            %lt3A_696 = arith.cmpi slt, %add3A_683, %lt3A_695 : i32
            %and3A_697 = arith.andi %ge3A_694, %lt3A_696 : i1
            %rem3A_698 = arith.constant 16 : i32
            %rem3A_699 = arith.remsi %add3A_683, %rem3A_698 : i32
            %jit3A_700 = arith.constant 16 : i32
            %select_n3A_701 = arith.select %and3A_697, %rem3A_699, %jit3A_700 : i32
            %mul3A_702 = arith.constant 16 : i32
            %mul3A_703 = arith.muli %scan3A_194, %mul3A_702 : i32
            %add3A_704 = arith.addi %mul3A_187, %mul3A_703 : i32
            %add3A_705 = arith.constant 13 : i32
            %add3A_706 = arith.addi %add3A_704, %add3A_705 : i32
            %eq3A_707 = vector.broadcast %select_n3A_701 : i32 to vector<16xi32>
            %eq3A_708 = arith.cmpi eq, %iota3A, %eq3A_707 : vector<16xi32>
            %broadcast_in_dim3A_709 = vector.broadcast %squeeze3A_693 : f32 to vector<16xf32>
            %select_n3A_710 = arith.select %eq3A_708, %broadcast_in_dim3A_709, %select_n3A_675 : vector<16xi1>, vector<16xf32>
            %eq3A_711 = vector.broadcast %select_n3A_701 : i32 to vector<16xi32>
            %eq3A_712 = arith.cmpi eq, %iota3A, %eq3A_711 : vector<16xi32>
            %broadcast_in_dim3A_713 = vector.broadcast %add3A_706 : i32 to vector<16xi32>
            %select_n3A_714 = arith.select %eq3A_712, %broadcast_in_dim3A_713, %select_n3A_679 : vector<16xi1>, vector<16xi32>
            %jit3A_715 = arith.constant 1 : i32
            %jit3A_716 = arith.constant 0 : i32
            %select_n3A_717 = arith.select %and3A_697, %jit3A_715, %jit3A_716 : i32
            %add3A_718 = arith.addi %add3A_683, %select_n3A_717 : i32
            %rem3A_719 = arith.constant 16 : i32
            %rem3A_720 = arith.remsi %add3A_718, %rem3A_719 : i32
            %eq3A_721 = arith.constant 0 : i32
            %eq3A_722 = arith.cmpi eq, %rem3A_720, %eq3A_721 : i32
            %and3A_723 = arith.andi %and3A_697, %eq3A_722 : i1
            %convert_element_type3A_724 = arith.extui %and3A_723 : i1 to i32
            %cond3A_725 = arith.constant 0 : i32
            %cond3A_726 = arith.cmpi ne, %convert_element_type3A_724, %cond3A_725 : i32
            scf.if %cond3A_726 {
              %sub3A_805 = arith.constant 16 : i32
              %sub3A_806 = arith.subi %add3A_718, %sub3A_805 : i32
              %swap3A_807 = arith.index_cast %sub3A_806 : i32 to index
              %swap3A_808 = tpu.vector_load %arg9[%swap3A_807] {strides = array<i32>} : memref<4224xf32, #tpu.memory_space<vmem>>, vector<16xf32>,
              %swap3A_809 = vector.shape_cast %swap3A_808 : vector<16xf32> to vector<16xf32>
              %swap3A_810 = vector.shape_cast %select_n3A_710 : vector<16xf32> to vector<16xf32>
              tpu.vector_store %arg9[%swap3A_807], %swap3A_810 {strides = array<i32>} : memref<4224xf32, #tpu.memory_space<vmem>>, vector<16xf32>,
              %sub3A_811 = arith.constant 16 : i32
              %sub3A_812 = arith.subi %add3A_718, %sub3A_811 : i32
              %swap3A_813 = arith.index_cast %sub3A_812 : i32 to index
              %swap3A_814 = tpu.vector_load %arg10[%swap3A_813] {strides = array<i32>} : memref<4224xi32, #tpu.memory_space<vmem>>, vector<16xi32>,
              %swap3A_815 = vector.shape_cast %swap3A_814 : vector<16xi32> to vector<16xi32>
              %swap3A_816 = vector.shape_cast %select_n3A_714 : vector<16xi32> to vector<16xi32>
              tpu.vector_store %arg10[%swap3A_813], %swap3A_816 {strides = array<i32>} : memref<4224xi32, #tpu.memory_space<vmem>>, vector<16xi32>,
            } else {
            }
            %slice3A_727 = vector.extract_strided_slice %get3A_201 {offsets = [14], sizes = [1], strides = [1]} : vector<16xf32> to vector<1xf32>
            %squeeze3A_728 = vector.extract %slice3A_727[0] : f32 from vector<1xf32>
            %ge3A_729 = arith.cmpf oge, %squeeze3A_728, %scan3A_7 : f32
            %lt3A_730 = arith.constant 4096 : i32
            %lt3A_731 = arith.cmpi slt, %add3A_718, %lt3A_730 : i32
            %and3A_732 = arith.andi %ge3A_729, %lt3A_731 : i1
            %rem3A_733 = arith.constant 16 : i32
            %rem3A_734 = arith.remsi %add3A_718, %rem3A_733 : i32
            %jit3A_735 = arith.constant 16 : i32
            %select_n3A_736 = arith.select %and3A_732, %rem3A_734, %jit3A_735 : i32
            %mul3A_737 = arith.constant 16 : i32
            %mul3A_738 = arith.muli %scan3A_194, %mul3A_737 : i32
            %add3A_739 = arith.addi %mul3A_187, %mul3A_738 : i32
            %add3A_740 = arith.constant 14 : i32
            %add3A_741 = arith.addi %add3A_739, %add3A_740 : i32
            %eq3A_742 = vector.broadcast %select_n3A_736 : i32 to vector<16xi32>
            %eq3A_743 = arith.cmpi eq, %iota3A, %eq3A_742 : vector<16xi32>
            %broadcast_in_dim3A_744 = vector.broadcast %squeeze3A_728 : f32 to vector<16xf32>
            %select_n3A_745 = arith.select %eq3A_743, %broadcast_in_dim3A_744, %select_n3A_710 : vector<16xi1>, vector<16xf32>
            %eq3A_746 = vector.broadcast %select_n3A_736 : i32 to vector<16xi32>
            %eq3A_747 = arith.cmpi eq, %iota3A, %eq3A_746 : vector<16xi32>
            %broadcast_in_dim3A_748 = vector.broadcast %add3A_741 : i32 to vector<16xi32>
            %select_n3A_749 = arith.select %eq3A_747, %broadcast_in_dim3A_748, %select_n3A_714 : vector<16xi1>, vector<16xi32>
            %jit3A_750 = arith.constant 1 : i32
            %jit3A_751 = arith.constant 0 : i32
            %select_n3A_752 = arith.select %and3A_732, %jit3A_750, %jit3A_751 : i32
            %add3A_753 = arith.addi %add3A_718, %select_n3A_752 : i32
            %rem3A_754 = arith.constant 16 : i32
            %rem3A_755 = arith.remsi %add3A_753, %rem3A_754 : i32
            %eq3A_756 = arith.constant 0 : i32
            %eq3A_757 = arith.cmpi eq, %rem3A_755, %eq3A_756 : i32
            %and3A_758 = arith.andi %and3A_732, %eq3A_757 : i1
            %convert_element_type3A_759 = arith.extui %and3A_758 : i1 to i32
            %cond3A_760 = arith.constant 0 : i32
            %cond3A_761 = arith.cmpi ne, %convert_element_type3A_759, %cond3A_760 : i32
            scf.if %cond3A_761 {
              %sub3A_805 = arith.constant 16 : i32
              %sub3A_806 = arith.subi %add3A_753, %sub3A_805 : i32
              %swap3A_807 = arith.index_cast %sub3A_806 : i32 to index
              %swap3A_808 = tpu.vector_load %arg9[%swap3A_807] {strides = array<i32>} : memref<4224xf32, #tpu.memory_space<vmem>>, vector<16xf32>,
              %swap3A_809 = vector.shape_cast %swap3A_808 : vector<16xf32> to vector<16xf32>
              %swap3A_810 = vector.shape_cast %select_n3A_745 : vector<16xf32> to vector<16xf32>
              tpu.vector_store %arg9[%swap3A_807], %swap3A_810 {strides = array<i32>} : memref<4224xf32, #tpu.memory_space<vmem>>, vector<16xf32>,
              %sub3A_811 = arith.constant 16 : i32
              %sub3A_812 = arith.subi %add3A_753, %sub3A_811 : i32
              %swap3A_813 = arith.index_cast %sub3A_812 : i32 to index
              %swap3A_814 = tpu.vector_load %arg10[%swap3A_813] {strides = array<i32>} : memref<4224xi32, #tpu.memory_space<vmem>>, vector<16xi32>,
              %swap3A_815 = vector.shape_cast %swap3A_814 : vector<16xi32> to vector<16xi32>
              %swap3A_816 = vector.shape_cast %select_n3A_749 : vector<16xi32> to vector<16xi32>
              tpu.vector_store %arg10[%swap3A_813], %swap3A_816 {strides = array<i32>} : memref<4224xi32, #tpu.memory_space<vmem>>, vector<16xi32>,
            } else {
            }
            %slice3A_762 = vector.extract_strided_slice %get3A_201 {offsets = [15], sizes = [1], strides = [1]} : vector<16xf32> to vector<1xf32>
            %squeeze3A_763 = vector.extract %slice3A_762[0] : f32 from vector<1xf32>
            %ge3A_764 = arith.cmpf oge, %squeeze3A_763, %scan3A_7 : f32
            %lt3A_765 = arith.constant 4096 : i32
            %lt3A_766 = arith.cmpi slt, %add3A_753, %lt3A_765 : i32
            %and3A_767 = arith.andi %ge3A_764, %lt3A_766 : i1
            %rem3A_768 = arith.constant 16 : i32
            %rem3A_769 = arith.remsi %add3A_753, %rem3A_768 : i32
            %jit3A_770 = arith.constant 16 : i32
            %select_n3A_771 = arith.select %and3A_767, %rem3A_769, %jit3A_770 : i32
            %mul3A_772 = arith.constant 16 : i32
            %mul3A_773 = arith.muli %scan3A_194, %mul3A_772 : i32
            %add3A_774 = arith.addi %mul3A_187, %mul3A_773 : i32
            %add3A_775 = arith.constant 15 : i32
            %add3A_776 = arith.addi %add3A_774, %add3A_775 : i32
            %eq3A_777 = vector.broadcast %select_n3A_771 : i32 to vector<16xi32>
            %eq3A_778 = arith.cmpi eq, %iota3A, %eq3A_777 : vector<16xi32>
            %broadcast_in_dim3A_779 = vector.broadcast %squeeze3A_763 : f32 to vector<16xf32>
            %select_n3A_780 = arith.select %eq3A_778, %broadcast_in_dim3A_779, %select_n3A_745 : vector<16xi1>, vector<16xf32>
            %eq3A_781 = vector.broadcast %select_n3A_771 : i32 to vector<16xi32>
            %eq3A_782 = arith.cmpi eq, %iota3A, %eq3A_781 : vector<16xi32>
            %broadcast_in_dim3A_783 = vector.broadcast %add3A_776 : i32 to vector<16xi32>
            %select_n3A_784 = arith.select %eq3A_782, %broadcast_in_dim3A_783, %select_n3A_749 : vector<16xi1>, vector<16xi32>
            %jit3A_785 = arith.constant 1 : i32
            %jit3A_786 = arith.constant 0 : i32
            %select_n3A_787 = arith.select %and3A_767, %jit3A_785, %jit3A_786 : i32
            %add3A_788 = arith.addi %add3A_753, %select_n3A_787 : i32
            %rem3A_789 = arith.constant 16 : i32
            %rem3A_790 = arith.remsi %add3A_788, %rem3A_789 : i32
            %eq3A_791 = arith.constant 0 : i32
            %eq3A_792 = arith.cmpi eq, %rem3A_790, %eq3A_791 : i32
            %and3A_793 = arith.andi %and3A_767, %eq3A_792 : i1
            %convert_element_type3A_794 = arith.extui %and3A_793 : i1 to i32
            %cond3A_795 = arith.constant 0 : i32
            %cond3A_796 = arith.cmpi ne, %convert_element_type3A_794, %cond3A_795 : i32
            scf.if %cond3A_796 {
              %sub3A_805 = arith.constant 16 : i32
              %sub3A_806 = arith.subi %add3A_788, %sub3A_805 : i32
              %swap3A_807 = arith.index_cast %sub3A_806 : i32 to index
              %swap3A_808 = tpu.vector_load %arg9[%swap3A_807] {strides = array<i32>} : memref<4224xf32, #tpu.memory_space<vmem>>, vector<16xf32>,
              %swap3A_809 = vector.shape_cast %swap3A_808 : vector<16xf32> to vector<16xf32>
              %swap3A_810 = vector.shape_cast %select_n3A_780 : vector<16xf32> to vector<16xf32>
              tpu.vector_store %arg9[%swap3A_807], %swap3A_810 {strides = array<i32>} : memref<4224xf32, #tpu.memory_space<vmem>>, vector<16xf32>,
              %sub3A_811 = arith.constant 16 : i32
              %sub3A_812 = arith.subi %add3A_788, %sub3A_811 : i32
              %swap3A_813 = arith.index_cast %sub3A_812 : i32 to index
              %swap3A_814 = tpu.vector_load %arg10[%swap3A_813] {strides = array<i32>} : memref<4224xi32, #tpu.memory_space<vmem>>, vector<16xi32>,
              %swap3A_815 = vector.shape_cast %swap3A_814 : vector<16xi32> to vector<16xi32>
              %swap3A_816 = vector.shape_cast %select_n3A_784 : vector<16xi32> to vector<16xi32>
              tpu.vector_store %arg10[%swap3A_813], %swap3A_816 {strides = array<i32>} : memref<4224xi32, #tpu.memory_space<vmem>>, vector<16xi32>,
            } else {
            }
            %swap3A_797 = arith.constant 0 : index
            %swap3A_798 = tpu.vector_load %arg14[%swap3A_797] {strides = array<i32>} : memref<16xf32, #tpu.memory_space<vmem>>, vector<16xf32>,
            %swap3A_799 = vector.shape_cast %swap3A_798 : vector<16xf32> to vector<16xf32>
            %swap3A_800 = vector.shape_cast %select_n3A_780 : vector<16xf32> to vector<16xf32>
            tpu.vector_store %arg14[%swap3A_797], %swap3A_800 {strides = array<i32>} : memref<16xf32, #tpu.memory_space<vmem>>, vector<16xf32>,
            %swap3A_801 = arith.constant 0 : index
            %swap3A_802 = tpu.vector_load %arg15[%swap3A_801] {strides = array<i32>} : memref<16xi32, #tpu.memory_space<vmem>>, vector<16xi32>,
            %swap3A_803 = vector.shape_cast %swap3A_802 : vector<16xi32> to vector<16xi32>
            %swap3A_804 = vector.shape_cast %select_n3A_784 : vector<16xi32> to vector<16xi32>
            tpu.vector_store %arg15[%swap3A_801], %swap3A_804 {strides = array<i32>} : memref<16xi32, #tpu.memory_space<vmem>>, vector<16xi32>,
            scf.yield %add3A_788 : i32
          } else {
            scf.yield %scan3A_195 : i32
          }
          scf.yield %cond3A_232 : i32
        }
        %scan3A_193 = arith.constant 8 : i32
        scf.yield %scan3A_192 : i32
      }
      %while3A_176 = arith.constant 1 : i32
      %while3A_177 = scf.for %while3A_178 = %while3A_173 to %while3A_169 step %while3A_176 iter_args(%while3A_179 = %while3A_175) -> (i32)  : i32 {
        %mul3A_180 = arith.constant 128 : i32
        %mul3A_181 = arith.muli %while3A_150, %mul3A_180 : i32
        %add3A_182 = arith.addi %mul3A_181, %while3A_178 : i32
        %get3A = arith.index_cast %add3A_182 : i32 to index
        %get3A_183 = tpu.vector_load %arg7[%get3A] {strides = array<i32>} : memref<4224xi32, #tpu.memory_space<vmem>>, vector<16xi32>,
        %get3A_184 = vector.shape_cast %get3A_183 : vector<16xi32> to vector<16xi32>
        %slice3A = vector.extract_strided_slice %get3A_184 {offsets = [0], sizes = [1], strides = [1]} : vector<16xi32> to vector<1xi32>
        %squeeze3A = vector.extract %slice3A[0] : i32 from vector<1xi32>
        %sub3A_185 = arith.subi %squeeze3A, %mul3A_2 : i32
        %mul3A_186 = arith.constant 128 : i32
        %mul3A_187 = arith.muli %sub3A_185, %mul3A_186 : i32
        %scan3A_188 = arith.constant 0 : i32
        %scan3A_189 = arith.constant 8 : i32
        %scan3A_190 = arith.addi %scan3A_188, %scan3A_189 : i32
        %scan3A_191 = arith.constant 1 : i32
        %scan3A_192 = scf.for %scan3A_194 = %scan3A_188 to %scan3A_190 step %scan3A_191 iter_args(%scan3A_195 = %while3A_179) -> (i32)  : i32 {
          %mul3A_196 = arith.constant 16 : i32
          %mul3A_197 = arith.muli %scan3A_194, %mul3A_196 : i32
          %get3A_198 = arith.index_cast %while3A_178 : i32 to index
          %get3A_199 = arith.index_cast %mul3A_197 : i32 to index
          %get3A_200 = tpu.vector_load %arg8[%get3A_198, %get3A_199] {strides = array<i32>} : memref<128x128xf32, #tpu.memory_space<vmem>>, vector<1x16xf32>,
          %get3A_201 = vector.shape_cast %get3A_200 : vector<1x16xf32> to vector<16xf32>
          %xor3A = arith.constant 8 : i32
          %xor3A_202 = vector.broadcast %xor3A : i32 to vector<16xi32>
          %xor3A_203 = arith.xori %iota3A, %xor3A_202 : vector<16xi32>
          %broadcast_in_dim3A_204 = vector.shape_cast %xor3A_203 : vector<16xi32> to vector<16x1xi32>
          %gather3A = vector.shape_cast %broadcast_in_dim3A_204 : vector<16x1xi32> to vector<16xi32>
          %gather3A_205 = tpu.dynamic_gather %get3A_201[%gather3A] in [0] : vector<16xf32>, vector<16xi32> -> vector<16xf32>
          %max3A = arith.maximumf %get3A_201, %gather3A_205 : vector<16xf32>
          %xor3A_206 = arith.constant 4 : i32
          %xor3A_207 = vector.broadcast %xor3A_206 : i32 to vector<16xi32>
          %xor3A_208 = arith.xori %iota3A, %xor3A_207 : vector<16xi32>
          %broadcast_in_dim3A_209 = vector.shape_cast %xor3A_208 : vector<16xi32> to vector<16x1xi32>
          %gather3A_210 = vector.shape_cast %broadcast_in_dim3A_209 : vector<16x1xi32> to vector<16xi32>
          %gather3A_211 = tpu.dynamic_gather %max3A[%gather3A_210] in [0] : vector<16xf32>, vector<16xi32> -> vector<16xf32>
          %max3A_212 = arith.maximumf %max3A, %gather3A_211 : vector<16xf32>
          %xor3A_213 = arith.constant 2 : i32
          %xor3A_214 = vector.broadcast %xor3A_213 : i32 to vector<16xi32>
          %xor3A_215 = arith.xori %iota3A, %xor3A_214 : vector<16xi32>
          %broadcast_in_dim3A_216 = vector.shape_cast %xor3A_215 : vector<16xi32> to vector<16x1xi32>
          %gather3A_217 = vector.shape_cast %broadcast_in_dim3A_216 : vector<16x1xi32> to vector<16xi32>
          %gather3A_218 = tpu.dynamic_gather %max3A_212[%gather3A_217] in [0] : vector<16xf32>, vector<16xi32> -> vector<16xf32>
          %max3A_219 = arith.maximumf %max3A_212, %gather3A_218 : vector<16xf32>
          %xor3A_220 = arith.constant 1 : i32
          %xor3A_221 = vector.broadcast %xor3A_220 : i32 to vector<16xi32>
          %xor3A_222 = arith.xori %iota3A, %xor3A_221 : vector<16xi32>
          %broadcast_in_dim3A_223 = vector.shape_cast %xor3A_222 : vector<16xi32> to vector<16x1xi32>
          %gather3A_224 = vector.shape_cast %broadcast_in_dim3A_223 : vector<16x1xi32> to vector<16xi32>
          %gather3A_225 = tpu.dynamic_gather %max3A_219[%gather3A_224] in [0] : vector<16xf32>, vector<16xi32> -> vector<16xf32>
          %max3A_226 = arith.maximumf %max3A_219, %gather3A_225 : vector<16xf32>
          %slice3A_227 = vector.extract_strided_slice %max3A_226 {offsets = [0], sizes = [1], strides = [1]} : vector<16xf32> to vector<1xf32>
          %squeeze3A_228 = vector.extract %slice3A_227[0] : f32 from vector<1xf32>
          %ge3A = arith.cmpf oge, %squeeze3A_228, %scan3A_7 : f32
          %convert_element_type3A_229 = arith.extui %ge3A : i1 to i32
          %cond3A_230 = arith.constant 0 : i32
          %cond3A_231 = arith.cmpi ne, %convert_element_type3A_229, %cond3A_230 : i32
          %cond3A_232 = scf.if %cond3A_231 -> (i32) {
            %get3A_233 = arith.constant 0 : index
            %get3A_234 = tpu.vector_load %arg14[%get3A_233] {strides = array<i32>} : memref<16xf32, #tpu.memory_space<vmem>>, vector<16xf32>,
            %get3A_235 = vector.shape_cast %get3A_234 : vector<16xf32> to vector<16xf32>
            %get3A_236 = arith.constant 0 : index
            %get3A_237 = tpu.vector_load %arg15[%get3A_236] {strides = array<i32>} : memref<16xi32, #tpu.memory_space<vmem>>, vector<16xi32>,
            %get3A_238 = vector.shape_cast %get3A_237 : vector<16xi32> to vector<16xi32>
            %slice3A_239 = vector.extract_strided_slice %get3A_201 {offsets = [0], sizes = [1], strides = [1]} : vector<16xf32> to vector<1xf32>
            %squeeze3A_240 = vector.extract %slice3A_239[0] : f32 from vector<1xf32>
            %ge3A_241 = arith.cmpf oge, %squeeze3A_240, %scan3A_7 : f32
            %lt3A = arith.constant 4096 : i32
            %lt3A_242 = arith.cmpi slt, %scan3A_195, %lt3A : i32
            %and3A_243 = arith.andi %ge3A_241, %lt3A_242 : i1
            %rem3A_244 = arith.constant 16 : i32
            %rem3A_245 = arith.remsi %scan3A_195, %rem3A_244 : i32
            %jit3A_246 = arith.constant 16 : i32
            %select_n3A_247 = arith.select %and3A_243, %rem3A_245, %jit3A_246 : i32
            %mul3A_248 = arith.constant 16 : i32
            %mul3A_249 = arith.muli %scan3A_194, %mul3A_248 : i32
            %add3A_250 = arith.addi %mul3A_187, %mul3A_249 : i32
            %add3A_251 = arith.constant 0 : i32
            %add3A_252 = arith.addi %add3A_250, %add3A_251 : i32
            %eq3A = vector.broadcast %select_n3A_247 : i32 to vector<16xi32>
            %eq3A_253 = arith.cmpi eq, %iota3A, %eq3A : vector<16xi32>
            %broadcast_in_dim3A_254 = vector.broadcast %squeeze3A_240 : f32 to vector<16xf32>
            %select_n3A_255 = arith.select %eq3A_253, %broadcast_in_dim3A_254, %get3A_235 : vector<16xi1>, vector<16xf32>
            %eq3A_256 = vector.broadcast %select_n3A_247 : i32 to vector<16xi32>
            %eq3A_257 = arith.cmpi eq, %iota3A, %eq3A_256 : vector<16xi32>
            %broadcast_in_dim3A_258 = vector.broadcast %add3A_252 : i32 to vector<16xi32>
            %select_n3A_259 = arith.select %eq3A_257, %broadcast_in_dim3A_258, %get3A_238 : vector<16xi1>, vector<16xi32>
            %jit3A_260 = arith.constant 1 : i32
            %jit3A_261 = arith.constant 0 : i32
            %select_n3A_262 = arith.select %and3A_243, %jit3A_260, %jit3A_261 : i32
            %add3A_263 = arith.addi %scan3A_195, %select_n3A_262 : i32
            %rem3A_264 = arith.constant 16 : i32
            %rem3A_265 = arith.remsi %add3A_263, %rem3A_264 : i32
            %eq3A_266 = arith.constant 0 : i32
            %eq3A_267 = arith.cmpi eq, %rem3A_265, %eq3A_266 : i32
            %and3A_268 = arith.andi %and3A_243, %eq3A_267 : i1
            %convert_element_type3A_269 = arith.extui %and3A_268 : i1 to i32
            %cond3A_270 = arith.constant 0 : i32
            %cond3A_271 = arith.cmpi ne, %convert_element_type3A_269, %cond3A_270 : i32
            scf.if %cond3A_271 {
              %sub3A_805 = arith.constant 16 : i32
              %sub3A_806 = arith.subi %add3A_263, %sub3A_805 : i32
              %swap3A_807 = arith.index_cast %sub3A_806 : i32 to index
              %swap3A_808 = tpu.vector_load %arg9[%swap3A_807] {strides = array<i32>} : memref<4224xf32, #tpu.memory_space<vmem>>, vector<16xf32>,
              %swap3A_809 = vector.shape_cast %swap3A_808 : vector<16xf32> to vector<16xf32>
              %swap3A_810 = vector.shape_cast %select_n3A_255 : vector<16xf32> to vector<16xf32>
              tpu.vector_store %arg9[%swap3A_807], %swap3A_810 {strides = array<i32>} : memref<4224xf32, #tpu.memory_space<vmem>>, vector<16xf32>,
              %sub3A_811 = arith.constant 16 : i32
              %sub3A_812 = arith.subi %add3A_263, %sub3A_811 : i32
              %swap3A_813 = arith.index_cast %sub3A_812 : i32 to index
              %swap3A_814 = tpu.vector_load %arg10[%swap3A_813] {strides = array<i32>} : memref<4224xi32, #tpu.memory_space<vmem>>, vector<16xi32>,
              %swap3A_815 = vector.shape_cast %swap3A_814 : vector<16xi32> to vector<16xi32>
              %swap3A_816 = vector.shape_cast %select_n3A_259 : vector<16xi32> to vector<16xi32>
              tpu.vector_store %arg10[%swap3A_813], %swap3A_816 {strides = array<i32>} : memref<4224xi32, #tpu.memory_space<vmem>>, vector<16xi32>,
            } else {
            }
            %slice3A_272 = vector.extract_strided_slice %get3A_201 {offsets = [1], sizes = [1], strides = [1]} : vector<16xf32> to vector<1xf32>
            %squeeze3A_273 = vector.extract %slice3A_272[0] : f32 from vector<1xf32>
            %ge3A_274 = arith.cmpf oge, %squeeze3A_273, %scan3A_7 : f32
            %lt3A_275 = arith.constant 4096 : i32
            %lt3A_276 = arith.cmpi slt, %add3A_263, %lt3A_275 : i32
            %and3A_277 = arith.andi %ge3A_274, %lt3A_276 : i1
            %rem3A_278 = arith.constant 16 : i32
            %rem3A_279 = arith.remsi %add3A_263, %rem3A_278 : i32
            %jit3A_280 = arith.constant 16 : i32
            %select_n3A_281 = arith.select %and3A_277, %rem3A_279, %jit3A_280 : i32
            %mul3A_282 = arith.constant 16 : i32
            %mul3A_283 = arith.muli %scan3A_194, %mul3A_282 : i32
            %add3A_284 = arith.addi %mul3A_187, %mul3A_283 : i32
            %add3A_285 = arith.constant 1 : i32
            %add3A_286 = arith.addi %add3A_284, %add3A_285 : i32
            %eq3A_287 = vector.broadcast %select_n3A_281 : i32 to vector<16xi32>
            %eq3A_288 = arith.cmpi eq, %iota3A, %eq3A_287 : vector<16xi32>
            %broadcast_in_dim3A_289 = vector.broadcast %squeeze3A_273 : f32 to vector<16xf32>
            %select_n3A_290 = arith.select %eq3A_288, %broadcast_in_dim3A_289, %select_n3A_255 : vector<16xi1>, vector<16xf32>
            %eq3A_291 = vector.broadcast %select_n3A_281 : i32 to vector<16xi32>
            %eq3A_292 = arith.cmpi eq, %iota3A, %eq3A_291 : vector<16xi32>
            %broadcast_in_dim3A_293 = vector.broadcast %add3A_286 : i32 to vector<16xi32>
            %select_n3A_294 = arith.select %eq3A_292, %broadcast_in_dim3A_293, %select_n3A_259 : vector<16xi1>, vector<16xi32>
            %jit3A_295 = arith.constant 1 : i32
            %jit3A_296 = arith.constant 0 : i32
            %select_n3A_297 = arith.select %and3A_277, %jit3A_295, %jit3A_296 : i32
            %add3A_298 = arith.addi %add3A_263, %select_n3A_297 : i32
            %rem3A_299 = arith.constant 16 : i32
            %rem3A_300 = arith.remsi %add3A_298, %rem3A_299 : i32
            %eq3A_301 = arith.constant 0 : i32
            %eq3A_302 = arith.cmpi eq, %rem3A_300, %eq3A_301 : i32
            %and3A_303 = arith.andi %and3A_277, %eq3A_302 : i1
            %convert_element_type3A_304 = arith.extui %and3A_303 : i1 to i32
            %cond3A_305 = arith.constant 0 : i32
            %cond3A_306 = arith.cmpi ne, %convert_element_type3A_304, %cond3A_305 : i32
            scf.if %cond3A_306 {
              %sub3A_805 = arith.constant 16 : i32
              %sub3A_806 = arith.subi %add3A_298, %sub3A_805 : i32
              %swap3A_807 = arith.index_cast %sub3A_806 : i32 to index
              %swap3A_808 = tpu.vector_load %arg9[%swap3A_807] {strides = array<i32>} : memref<4224xf32, #tpu.memory_space<vmem>>, vector<16xf32>,
              %swap3A_809 = vector.shape_cast %swap3A_808 : vector<16xf32> to vector<16xf32>
              %swap3A_810 = vector.shape_cast %select_n3A_290 : vector<16xf32> to vector<16xf32>
              tpu.vector_store %arg9[%swap3A_807], %swap3A_810 {strides = array<i32>} : memref<4224xf32, #tpu.memory_space<vmem>>, vector<16xf32>,
              %sub3A_811 = arith.constant 16 : i32
              %sub3A_812 = arith.subi %add3A_298, %sub3A_811 : i32
              %swap3A_813 = arith.index_cast %sub3A_812 : i32 to index
              %swap3A_814 = tpu.vector_load %arg10[%swap3A_813] {strides = array<i32>} : memref<4224xi32, #tpu.memory_space<vmem>>, vector<16xi32>,
              %swap3A_815 = vector.shape_cast %swap3A_814 : vector<16xi32> to vector<16xi32>
              %swap3A_816 = vector.shape_cast %select_n3A_294 : vector<16xi32> to vector<16xi32>
              tpu.vector_store %arg10[%swap3A_813], %swap3A_816 {strides = array<i32>} : memref<4224xi32, #tpu.memory_space<vmem>>, vector<16xi32>,
            } else {
            }
            %slice3A_307 = vector.extract_strided_slice %get3A_201 {offsets = [2], sizes = [1], strides = [1]} : vector<16xf32> to vector<1xf32>
            %squeeze3A_308 = vector.extract %slice3A_307[0] : f32 from vector<1xf32>
            %ge3A_309 = arith.cmpf oge, %squeeze3A_308, %scan3A_7 : f32
            %lt3A_310 = arith.constant 4096 : i32
            %lt3A_311 = arith.cmpi slt, %add3A_298, %lt3A_310 : i32
            %and3A_312 = arith.andi %ge3A_309, %lt3A_311 : i1
            %rem3A_313 = arith.constant 16 : i32
            %rem3A_314 = arith.remsi %add3A_298, %rem3A_313 : i32
            %jit3A_315 = arith.constant 16 : i32
            %select_n3A_316 = arith.select %and3A_312, %rem3A_314, %jit3A_315 : i32
            %mul3A_317 = arith.constant 16 : i32
            %mul3A_318 = arith.muli %scan3A_194, %mul3A_317 : i32
            %add3A_319 = arith.addi %mul3A_187, %mul3A_318 : i32
            %add3A_320 = arith.constant 2 : i32
            %add3A_321 = arith.addi %add3A_319, %add3A_320 : i32
            %eq3A_322 = vector.broadcast %select_n3A_316 : i32 to vector<16xi32>
            %eq3A_323 = arith.cmpi eq, %iota3A, %eq3A_322 : vector<16xi32>
            %broadcast_in_dim3A_324 = vector.broadcast %squeeze3A_308 : f32 to vector<16xf32>
            %select_n3A_325 = arith.select %eq3A_323, %broadcast_in_dim3A_324, %select_n3A_290 : vector<16xi1>, vector<16xf32>
            %eq3A_326 = vector.broadcast %select_n3A_316 : i32 to vector<16xi32>
            %eq3A_327 = arith.cmpi eq, %iota3A, %eq3A_326 : vector<16xi32>
            %broadcast_in_dim3A_328 = vector.broadcast %add3A_321 : i32 to vector<16xi32>
            %select_n3A_329 = arith.select %eq3A_327, %broadcast_in_dim3A_328, %select_n3A_294 : vector<16xi1>, vector<16xi32>
            %jit3A_330 = arith.constant 1 : i32
            %jit3A_331 = arith.constant 0 : i32
            %select_n3A_332 = arith.select %and3A_312, %jit3A_330, %jit3A_331 : i32
            %add3A_333 = arith.addi %add3A_298, %select_n3A_332 : i32
            %rem3A_334 = arith.constant 16 : i32
            %rem3A_335 = arith.remsi %add3A_333, %rem3A_334 : i32
            %eq3A_336 = arith.constant 0 : i32
            %eq3A_337 = arith.cmpi eq, %rem3A_335, %eq3A_336 : i32
            %and3A_338 = arith.andi %and3A_312, %eq3A_337 : i1
            %convert_element_type3A_339 = arith.extui %and3A_338 : i1 to i32
            %cond3A_340 = arith.constant 0 : i32
            %cond3A_341 = arith.cmpi ne, %convert_element_type3A_339, %cond3A_340 : i32
            scf.if %cond3A_341 {
              %sub3A_805 = arith.constant 16 : i32
              %sub3A_806 = arith.subi %add3A_333, %sub3A_805 : i32
              %swap3A_807 = arith.index_cast %sub3A_806 : i32 to index
              %swap3A_808 = tpu.vector_load %arg9[%swap3A_807] {strides = array<i32>} : memref<4224xf32, #tpu.memory_space<vmem>>, vector<16xf32>,
              %swap3A_809 = vector.shape_cast %swap3A_808 : vector<16xf32> to vector<16xf32>
              %swap3A_810 = vector.shape_cast %select_n3A_325 : vector<16xf32> to vector<16xf32>
              tpu.vector_store %arg9[%swap3A_807], %swap3A_810 {strides = array<i32>} : memref<4224xf32, #tpu.memory_space<vmem>>, vector<16xf32>,
              %sub3A_811 = arith.constant 16 : i32
              %sub3A_812 = arith.subi %add3A_333, %sub3A_811 : i32
              %swap3A_813 = arith.index_cast %sub3A_812 : i32 to index
              %swap3A_814 = tpu.vector_load %arg10[%swap3A_813] {strides = array<i32>} : memref<4224xi32, #tpu.memory_space<vmem>>, vector<16xi32>,
              %swap3A_815 = vector.shape_cast %swap3A_814 : vector<16xi32> to vector<16xi32>
              %swap3A_816 = vector.shape_cast %select_n3A_329 : vector<16xi32> to vector<16xi32>
              tpu.vector_store %arg10[%swap3A_813], %swap3A_816 {strides = array<i32>} : memref<4224xi32, #tpu.memory_space<vmem>>, vector<16xi32>,
            } else {
            }
            %slice3A_342 = vector.extract_strided_slice %get3A_201 {offsets = [3], sizes = [1], strides = [1]} : vector<16xf32> to vector<1xf32>
            %squeeze3A_343 = vector.extract %slice3A_342[0] : f32 from vector<1xf32>
            %ge3A_344 = arith.cmpf oge, %squeeze3A_343, %scan3A_7 : f32
            %lt3A_345 = arith.constant 4096 : i32
            %lt3A_346 = arith.cmpi slt, %add3A_333, %lt3A_345 : i32
            %and3A_347 = arith.andi %ge3A_344, %lt3A_346 : i1
            %rem3A_348 = arith.constant 16 : i32
            %rem3A_349 = arith.remsi %add3A_333, %rem3A_348 : i32
            %jit3A_350 = arith.constant 16 : i32
            %select_n3A_351 = arith.select %and3A_347, %rem3A_349, %jit3A_350 : i32
            %mul3A_352 = arith.constant 16 : i32
            %mul3A_353 = arith.muli %scan3A_194, %mul3A_352 : i32
            %add3A_354 = arith.addi %mul3A_187, %mul3A_353 : i32
            %add3A_355 = arith.constant 3 : i32
            %add3A_356 = arith.addi %add3A_354, %add3A_355 : i32
            %eq3A_357 = vector.broadcast %select_n3A_351 : i32 to vector<16xi32>
            %eq3A_358 = arith.cmpi eq, %iota3A, %eq3A_357 : vector<16xi32>
            %broadcast_in_dim3A_359 = vector.broadcast %squeeze3A_343 : f32 to vector<16xf32>
            %select_n3A_360 = arith.select %eq3A_358, %broadcast_in_dim3A_359, %select_n3A_325 : vector<16xi1>, vector<16xf32>
            %eq3A_361 = vector.broadcast %select_n3A_351 : i32 to vector<16xi32>
            %eq3A_362 = arith.cmpi eq, %iota3A, %eq3A_361 : vector<16xi32>
            %broadcast_in_dim3A_363 = vector.broadcast %add3A_356 : i32 to vector<16xi32>
            %select_n3A_364 = arith.select %eq3A_362, %broadcast_in_dim3A_363, %select_n3A_329 : vector<16xi1>, vector<16xi32>
            %jit3A_365 = arith.constant 1 : i32
            %jit3A_366 = arith.constant 0 : i32
            %select_n3A_367 = arith.select %and3A_347, %jit3A_365, %jit3A_366 : i32
            %add3A_368 = arith.addi %add3A_333, %select_n3A_367 : i32
            %rem3A_369 = arith.constant 16 : i32
            %rem3A_370 = arith.remsi %add3A_368, %rem3A_369 : i32
            %eq3A_371 = arith.constant 0 : i32
            %eq3A_372 = arith.cmpi eq, %rem3A_370, %eq3A_371 : i32
            %and3A_373 = arith.andi %and3A_347, %eq3A_372 : i1
            %convert_element_type3A_374 = arith.extui %and3A_373 : i1 to i32
            %cond3A_375 = arith.constant 0 : i32
            %cond3A_376 = arith.cmpi ne, %convert_element_type3A_374, %cond3A_375 : i32
            scf.if %cond3A_376 {
              %sub3A_805 = arith.constant 16 : i32
              %sub3A_806 = arith.subi %add3A_368, %sub3A_805 : i32
              %swap3A_807 = arith.index_cast %sub3A_806 : i32 to index
              %swap3A_808 = tpu.vector_load %arg9[%swap3A_807] {strides = array<i32>} : memref<4224xf32, #tpu.memory_space<vmem>>, vector<16xf32>,
              %swap3A_809 = vector.shape_cast %swap3A_808 : vector<16xf32> to vector<16xf32>
              %swap3A_810 = vector.shape_cast %select_n3A_360 : vector<16xf32> to vector<16xf32>
              tpu.vector_store %arg9[%swap3A_807], %swap3A_810 {strides = array<i32>} : memref<4224xf32, #tpu.memory_space<vmem>>, vector<16xf32>,
              %sub3A_811 = arith.constant 16 : i32
              %sub3A_812 = arith.subi %add3A_368, %sub3A_811 : i32
              %swap3A_813 = arith.index_cast %sub3A_812 : i32 to index
              %swap3A_814 = tpu.vector_load %arg10[%swap3A_813] {strides = array<i32>} : memref<4224xi32, #tpu.memory_space<vmem>>, vector<16xi32>,
              %swap3A_815 = vector.shape_cast %swap3A_814 : vector<16xi32> to vector<16xi32>
              %swap3A_816 = vector.shape_cast %select_n3A_364 : vector<16xi32> to vector<16xi32>
              tpu.vector_store %arg10[%swap3A_813], %swap3A_816 {strides = array<i32>} : memref<4224xi32, #tpu.memory_space<vmem>>, vector<16xi32>,
            } else {
            }
            %slice3A_377 = vector.extract_strided_slice %get3A_201 {offsets = [4], sizes = [1], strides = [1]} : vector<16xf32> to vector<1xf32>
            %squeeze3A_378 = vector.extract %slice3A_377[0] : f32 from vector<1xf32>
            %ge3A_379 = arith.cmpf oge, %squeeze3A_378, %scan3A_7 : f32
            %lt3A_380 = arith.constant 4096 : i32
            %lt3A_381 = arith.cmpi slt, %add3A_368, %lt3A_380 : i32
            %and3A_382 = arith.andi %ge3A_379, %lt3A_381 : i1
            %rem3A_383 = arith.constant 16 : i32
            %rem3A_384 = arith.remsi %add3A_368, %rem3A_383 : i32
            %jit3A_385 = arith.constant 16 : i32
            %select_n3A_386 = arith.select %and3A_382, %rem3A_384, %jit3A_385 : i32
            %mul3A_387 = arith.constant 16 : i32
            %mul3A_388 = arith.muli %scan3A_194, %mul3A_387 : i32
            %add3A_389 = arith.addi %mul3A_187, %mul3A_388 : i32
            %add3A_390 = arith.constant 4 : i32
            %add3A_391 = arith.addi %add3A_389, %add3A_390 : i32
            %eq3A_392 = vector.broadcast %select_n3A_386 : i32 to vector<16xi32>
            %eq3A_393 = arith.cmpi eq, %iota3A, %eq3A_392 : vector<16xi32>
            %broadcast_in_dim3A_394 = vector.broadcast %squeeze3A_378 : f32 to vector<16xf32>
            %select_n3A_395 = arith.select %eq3A_393, %broadcast_in_dim3A_394, %select_n3A_360 : vector<16xi1>, vector<16xf32>
            %eq3A_396 = vector.broadcast %select_n3A_386 : i32 to vector<16xi32>
            %eq3A_397 = arith.cmpi eq, %iota3A, %eq3A_396 : vector<16xi32>
            %broadcast_in_dim3A_398 = vector.broadcast %add3A_391 : i32 to vector<16xi32>
            %select_n3A_399 = arith.select %eq3A_397, %broadcast_in_dim3A_398, %select_n3A_364 : vector<16xi1>, vector<16xi32>
            %jit3A_400 = arith.constant 1 : i32
            %jit3A_401 = arith.constant 0 : i32
            %select_n3A_402 = arith.select %and3A_382, %jit3A_400, %jit3A_401 : i32
            %add3A_403 = arith.addi %add3A_368, %select_n3A_402 : i32
            %rem3A_404 = arith.constant 16 : i32
            %rem3A_405 = arith.remsi %add3A_403, %rem3A_404 : i32
            %eq3A_406 = arith.constant 0 : i32
            %eq3A_407 = arith.cmpi eq, %rem3A_405, %eq3A_406 : i32
            %and3A_408 = arith.andi %and3A_382, %eq3A_407 : i1
            %convert_element_type3A_409 = arith.extui %and3A_408 : i1 to i32
            %cond3A_410 = arith.constant 0 : i32
            %cond3A_411 = arith.cmpi ne, %convert_element_type3A_409, %cond3A_410 : i32
            scf.if %cond3A_411 {
              %sub3A_805 = arith.constant 16 : i32
              %sub3A_806 = arith.subi %add3A_403, %sub3A_805 : i32
              %swap3A_807 = arith.index_cast %sub3A_806 : i32 to index
              %swap3A_808 = tpu.vector_load %arg9[%swap3A_807] {strides = array<i32>} : memref<4224xf32, #tpu.memory_space<vmem>>, vector<16xf32>,
              %swap3A_809 = vector.shape_cast %swap3A_808 : vector<16xf32> to vector<16xf32>
              %swap3A_810 = vector.shape_cast %select_n3A_395 : vector<16xf32> to vector<16xf32>
              tpu.vector_store %arg9[%swap3A_807], %swap3A_810 {strides = array<i32>} : memref<4224xf32, #tpu.memory_space<vmem>>, vector<16xf32>,
              %sub3A_811 = arith.constant 16 : i32
              %sub3A_812 = arith.subi %add3A_403, %sub3A_811 : i32
              %swap3A_813 = arith.index_cast %sub3A_812 : i32 to index
              %swap3A_814 = tpu.vector_load %arg10[%swap3A_813] {strides = array<i32>} : memref<4224xi32, #tpu.memory_space<vmem>>, vector<16xi32>,
              %swap3A_815 = vector.shape_cast %swap3A_814 : vector<16xi32> to vector<16xi32>
              %swap3A_816 = vector.shape_cast %select_n3A_399 : vector<16xi32> to vector<16xi32>
              tpu.vector_store %arg10[%swap3A_813], %swap3A_816 {strides = array<i32>} : memref<4224xi32, #tpu.memory_space<vmem>>, vector<16xi32>,
            } else {
            }
            %slice3A_412 = vector.extract_strided_slice %get3A_201 {offsets = [5], sizes = [1], strides = [1]} : vector<16xf32> to vector<1xf32>
            %squeeze3A_413 = vector.extract %slice3A_412[0] : f32 from vector<1xf32>
            %ge3A_414 = arith.cmpf oge, %squeeze3A_413, %scan3A_7 : f32
            %lt3A_415 = arith.constant 4096 : i32
            %lt3A_416 = arith.cmpi slt, %add3A_403, %lt3A_415 : i32
            %and3A_417 = arith.andi %ge3A_414, %lt3A_416 : i1
            %rem3A_418 = arith.constant 16 : i32
            %rem3A_419 = arith.remsi %add3A_403, %rem3A_418 : i32
            %jit3A_420 = arith.constant 16 : i32
            %select_n3A_421 = arith.select %and3A_417, %rem3A_419, %jit3A_420 : i32
            %mul3A_422 = arith.constant 16 : i32
            %mul3A_423 = arith.muli %scan3A_194, %mul3A_422 : i32
            %add3A_424 = arith.addi %mul3A_187, %mul3A_423 : i32
            %add3A_425 = arith.constant 5 : i32
            %add3A_426 = arith.addi %add3A_424, %add3A_425 : i32
            %eq3A_427 = vector.broadcast %select_n3A_421 : i32 to vector<16xi32>
            %eq3A_428 = arith.cmpi eq, %iota3A, %eq3A_427 : vector<16xi32>
            %broadcast_in_dim3A_429 = vector.broadcast %squeeze3A_413 : f32 to vector<16xf32>
            %select_n3A_430 = arith.select %eq3A_428, %broadcast_in_dim3A_429, %select_n3A_395 : vector<16xi1>, vector<16xf32>
            %eq3A_431 = vector.broadcast %select_n3A_421 : i32 to vector<16xi32>
            %eq3A_432 = arith.cmpi eq, %iota3A, %eq3A_431 : vector<16xi32>
            %broadcast_in_dim3A_433 = vector.broadcast %add3A_426 : i32 to vector<16xi32>
            %select_n3A_434 = arith.select %eq3A_432, %broadcast_in_dim3A_433, %select_n3A_399 : vector<16xi1>, vector<16xi32>
            %jit3A_435 = arith.constant 1 : i32
            %jit3A_436 = arith.constant 0 : i32
            %select_n3A_437 = arith.select %and3A_417, %jit3A_435, %jit3A_436 : i32
            %add3A_438 = arith.addi %add3A_403, %select_n3A_437 : i32
            %rem3A_439 = arith.constant 16 : i32
            %rem3A_440 = arith.remsi %add3A_438, %rem3A_439 : i32
            %eq3A_441 = arith.constant 0 : i32
            %eq3A_442 = arith.cmpi eq, %rem3A_440, %eq3A_441 : i32
            %and3A_443 = arith.andi %and3A_417, %eq3A_442 : i1
            %convert_element_type3A_444 = arith.extui %and3A_443 : i1 to i32
            %cond3A_445 = arith.constant 0 : i32
            %cond3A_446 = arith.cmpi ne, %convert_element_type3A_444, %cond3A_445 : i32
            scf.if %cond3A_446 {
              %sub3A_805 = arith.constant 16 : i32
              %sub3A_806 = arith.subi %add3A_438, %sub3A_805 : i32
              %swap3A_807 = arith.index_cast %sub3A_806 : i32 to index
              %swap3A_808 = tpu.vector_load %arg9[%swap3A_807] {strides = array<i32>} : memref<4224xf32, #tpu.memory_space<vmem>>, vector<16xf32>,
              %swap3A_809 = vector.shape_cast %swap3A_808 : vector<16xf32> to vector<16xf32>
              %swap3A_810 = vector.shape_cast %select_n3A_430 : vector<16xf32> to vector<16xf32>
              tpu.vector_store %arg9[%swap3A_807], %swap3A_810 {strides = array<i32>} : memref<4224xf32, #tpu.memory_space<vmem>>, vector<16xf32>,
              %sub3A_811 = arith.constant 16 : i32
              %sub3A_812 = arith.subi %add3A_438, %sub3A_811 : i32
              %swap3A_813 = arith.index_cast %sub3A_812 : i32 to index
              %swap3A_814 = tpu.vector_load %arg10[%swap3A_813] {strides = array<i32>} : memref<4224xi32, #tpu.memory_space<vmem>>, vector<16xi32>,
              %swap3A_815 = vector.shape_cast %swap3A_814 : vector<16xi32> to vector<16xi32>
              %swap3A_816 = vector.shape_cast %select_n3A_434 : vector<16xi32> to vector<16xi32>
              tpu.vector_store %arg10[%swap3A_813], %swap3A_816 {strides = array<i32>} : memref<4224xi32, #tpu.memory_space<vmem>>, vector<16xi32>,
            } else {
            }
            %slice3A_447 = vector.extract_strided_slice %get3A_201 {offsets = [6], sizes = [1], strides = [1]} : vector<16xf32> to vector<1xf32>
            %squeeze3A_448 = vector.extract %slice3A_447[0] : f32 from vector<1xf32>
            %ge3A_449 = arith.cmpf oge, %squeeze3A_448, %scan3A_7 : f32
            %lt3A_450 = arith.constant 4096 : i32
            %lt3A_451 = arith.cmpi slt, %add3A_438, %lt3A_450 : i32
            %and3A_452 = arith.andi %ge3A_449, %lt3A_451 : i1
            %rem3A_453 = arith.constant 16 : i32
            %rem3A_454 = arith.remsi %add3A_438, %rem3A_453 : i32
            %jit3A_455 = arith.constant 16 : i32
            %select_n3A_456 = arith.select %and3A_452, %rem3A_454, %jit3A_455 : i32
            %mul3A_457 = arith.constant 16 : i32
            %mul3A_458 = arith.muli %scan3A_194, %mul3A_457 : i32
            %add3A_459 = arith.addi %mul3A_187, %mul3A_458 : i32
            %add3A_460 = arith.constant 6 : i32
            %add3A_461 = arith.addi %add3A_459, %add3A_460 : i32
            %eq3A_462 = vector.broadcast %select_n3A_456 : i32 to vector<16xi32>
            %eq3A_463 = arith.cmpi eq, %iota3A, %eq3A_462 : vector<16xi32>
            %broadcast_in_dim3A_464 = vector.broadcast %squeeze3A_448 : f32 to vector<16xf32>
            %select_n3A_465 = arith.select %eq3A_463, %broadcast_in_dim3A_464, %select_n3A_430 : vector<16xi1>, vector<16xf32>
            %eq3A_466 = vector.broadcast %select_n3A_456 : i32 to vector<16xi32>
            %eq3A_467 = arith.cmpi eq, %iota3A, %eq3A_466 : vector<16xi32>
            %broadcast_in_dim3A_468 = vector.broadcast %add3A_461 : i32 to vector<16xi32>
            %select_n3A_469 = arith.select %eq3A_467, %broadcast_in_dim3A_468, %select_n3A_434 : vector<16xi1>, vector<16xi32>
            %jit3A_470 = arith.constant 1 : i32
            %jit3A_471 = arith.constant 0 : i32
            %select_n3A_472 = arith.select %and3A_452, %jit3A_470, %jit3A_471 : i32
            %add3A_473 = arith.addi %add3A_438, %select_n3A_472 : i32
            %rem3A_474 = arith.constant 16 : i32
            %rem3A_475 = arith.remsi %add3A_473, %rem3A_474 : i32
            %eq3A_476 = arith.constant 0 : i32
            %eq3A_477 = arith.cmpi eq, %rem3A_475, %eq3A_476 : i32
            %and3A_478 = arith.andi %and3A_452, %eq3A_477 : i1
            %convert_element_type3A_479 = arith.extui %and3A_478 : i1 to i32
            %cond3A_480 = arith.constant 0 : i32
            %cond3A_481 = arith.cmpi ne, %convert_element_type3A_479, %cond3A_480 : i32
            scf.if %cond3A_481 {
              %sub3A_805 = arith.constant 16 : i32
              %sub3A_806 = arith.subi %add3A_473, %sub3A_805 : i32
              %swap3A_807 = arith.index_cast %sub3A_806 : i32 to index
              %swap3A_808 = tpu.vector_load %arg9[%swap3A_807] {strides = array<i32>} : memref<4224xf32, #tpu.memory_space<vmem>>, vector<16xf32>,
              %swap3A_809 = vector.shape_cast %swap3A_808 : vector<16xf32> to vector<16xf32>
              %swap3A_810 = vector.shape_cast %select_n3A_465 : vector<16xf32> to vector<16xf32>
              tpu.vector_store %arg9[%swap3A_807], %swap3A_810 {strides = array<i32>} : memref<4224xf32, #tpu.memory_space<vmem>>, vector<16xf32>,
              %sub3A_811 = arith.constant 16 : i32
              %sub3A_812 = arith.subi %add3A_473, %sub3A_811 : i32
              %swap3A_813 = arith.index_cast %sub3A_812 : i32 to index
              %swap3A_814 = tpu.vector_load %arg10[%swap3A_813] {strides = array<i32>} : memref<4224xi32, #tpu.memory_space<vmem>>, vector<16xi32>,
              %swap3A_815 = vector.shape_cast %swap3A_814 : vector<16xi32> to vector<16xi32>
              %swap3A_816 = vector.shape_cast %select_n3A_469 : vector<16xi32> to vector<16xi32>
              tpu.vector_store %arg10[%swap3A_813], %swap3A_816 {strides = array<i32>} : memref<4224xi32, #tpu.memory_space<vmem>>, vector<16xi32>,
            } else {
            }
            %slice3A_482 = vector.extract_strided_slice %get3A_201 {offsets = [7], sizes = [1], strides = [1]} : vector<16xf32> to vector<1xf32>
            %squeeze3A_483 = vector.extract %slice3A_482[0] : f32 from vector<1xf32>
            %ge3A_484 = arith.cmpf oge, %squeeze3A_483, %scan3A_7 : f32
            %lt3A_485 = arith.constant 4096 : i32
            %lt3A_486 = arith.cmpi slt, %add3A_473, %lt3A_485 : i32
            %and3A_487 = arith.andi %ge3A_484, %lt3A_486 : i1
            %rem3A_488 = arith.constant 16 : i32
            %rem3A_489 = arith.remsi %add3A_473, %rem3A_488 : i32
            %jit3A_490 = arith.constant 16 : i32
            %select_n3A_491 = arith.select %and3A_487, %rem3A_489, %jit3A_490 : i32
            %mul3A_492 = arith.constant 16 : i32
            %mul3A_493 = arith.muli %scan3A_194, %mul3A_492 : i32
            %add3A_494 = arith.addi %mul3A_187, %mul3A_493 : i32
            %add3A_495 = arith.constant 7 : i32
            %add3A_496 = arith.addi %add3A_494, %add3A_495 : i32
            %eq3A_497 = vector.broadcast %select_n3A_491 : i32 to vector<16xi32>
            %eq3A_498 = arith.cmpi eq, %iota3A, %eq3A_497 : vector<16xi32>
            %broadcast_in_dim3A_499 = vector.broadcast %squeeze3A_483 : f32 to vector<16xf32>
            %select_n3A_500 = arith.select %eq3A_498, %broadcast_in_dim3A_499, %select_n3A_465 : vector<16xi1>, vector<16xf32>
            %eq3A_501 = vector.broadcast %select_n3A_491 : i32 to vector<16xi32>
            %eq3A_502 = arith.cmpi eq, %iota3A, %eq3A_501 : vector<16xi32>
            %broadcast_in_dim3A_503 = vector.broadcast %add3A_496 : i32 to vector<16xi32>
            %select_n3A_504 = arith.select %eq3A_502, %broadcast_in_dim3A_503, %select_n3A_469 : vector<16xi1>, vector<16xi32>
            %jit3A_505 = arith.constant 1 : i32
            %jit3A_506 = arith.constant 0 : i32
            %select_n3A_507 = arith.select %and3A_487, %jit3A_505, %jit3A_506 : i32
            %add3A_508 = arith.addi %add3A_473, %select_n3A_507 : i32
            %rem3A_509 = arith.constant 16 : i32
            %rem3A_510 = arith.remsi %add3A_508, %rem3A_509 : i32
            %eq3A_511 = arith.constant 0 : i32
            %eq3A_512 = arith.cmpi eq, %rem3A_510, %eq3A_511 : i32
            %and3A_513 = arith.andi %and3A_487, %eq3A_512 : i1
            %convert_element_type3A_514 = arith.extui %and3A_513 : i1 to i32
            %cond3A_515 = arith.constant 0 : i32
            %cond3A_516 = arith.cmpi ne, %convert_element_type3A_514, %cond3A_515 : i32
            scf.if %cond3A_516 {
              %sub3A_805 = arith.constant 16 : i32
              %sub3A_806 = arith.subi %add3A_508, %sub3A_805 : i32
              %swap3A_807 = arith.index_cast %sub3A_806 : i32 to index
              %swap3A_808 = tpu.vector_load %arg9[%swap3A_807] {strides = array<i32>} : memref<4224xf32, #tpu.memory_space<vmem>>, vector<16xf32>,
              %swap3A_809 = vector.shape_cast %swap3A_808 : vector<16xf32> to vector<16xf32>
              %swap3A_810 = vector.shape_cast %select_n3A_500 : vector<16xf32> to vector<16xf32>
              tpu.vector_store %arg9[%swap3A_807], %swap3A_810 {strides = array<i32>} : memref<4224xf32, #tpu.memory_space<vmem>>, vector<16xf32>,
              %sub3A_811 = arith.constant 16 : i32
              %sub3A_812 = arith.subi %add3A_508, %sub3A_811 : i32
              %swap3A_813 = arith.index_cast %sub3A_812 : i32 to index
              %swap3A_814 = tpu.vector_load %arg10[%swap3A_813] {strides = array<i32>} : memref<4224xi32, #tpu.memory_space<vmem>>, vector<16xi32>,
              %swap3A_815 = vector.shape_cast %swap3A_814 : vector<16xi32> to vector<16xi32>
              %swap3A_816 = vector.shape_cast %select_n3A_504 : vector<16xi32> to vector<16xi32>
              tpu.vector_store %arg10[%swap3A_813], %swap3A_816 {strides = array<i32>} : memref<4224xi32, #tpu.memory_space<vmem>>, vector<16xi32>,
            } else {
            }
            %slice3A_517 = vector.extract_strided_slice %get3A_201 {offsets = [8], sizes = [1], strides = [1]} : vector<16xf32> to vector<1xf32>
            %squeeze3A_518 = vector.extract %slice3A_517[0] : f32 from vector<1xf32>
            %ge3A_519 = arith.cmpf oge, %squeeze3A_518, %scan3A_7 : f32
            %lt3A_520 = arith.constant 4096 : i32
            %lt3A_521 = arith.cmpi slt, %add3A_508, %lt3A_520 : i32
            %and3A_522 = arith.andi %ge3A_519, %lt3A_521 : i1
            %rem3A_523 = arith.constant 16 : i32
            %rem3A_524 = arith.remsi %add3A_508, %rem3A_523 : i32
            %jit3A_525 = arith.constant 16 : i32
            %select_n3A_526 = arith.select %and3A_522, %rem3A_524, %jit3A_525 : i32
            %mul3A_527 = arith.constant 16 : i32
            %mul3A_528 = arith.muli %scan3A_194, %mul3A_527 : i32
            %add3A_529 = arith.addi %mul3A_187, %mul3A_528 : i32
            %add3A_530 = arith.constant 8 : i32
            %add3A_531 = arith.addi %add3A_529, %add3A_530 : i32
            %eq3A_532 = vector.broadcast %select_n3A_526 : i32 to vector<16xi32>
            %eq3A_533 = arith.cmpi eq, %iota3A, %eq3A_532 : vector<16xi32>
            %broadcast_in_dim3A_534 = vector.broadcast %squeeze3A_518 : f32 to vector<16xf32>
            %select_n3A_535 = arith.select %eq3A_533, %broadcast_in_dim3A_534, %select_n3A_500 : vector<16xi1>, vector<16xf32>
            %eq3A_536 = vector.broadcast %select_n3A_526 : i32 to vector<16xi32>
            %eq3A_537 = arith.cmpi eq, %iota3A, %eq3A_536 : vector<16xi32>
            %broadcast_in_dim3A_538 = vector.broadcast %add3A_531 : i32 to vector<16xi32>
            %select_n3A_539 = arith.select %eq3A_537, %broadcast_in_dim3A_538, %select_n3A_504 : vector<16xi1>, vector<16xi32>
            %jit3A_540 = arith.constant 1 : i32
            %jit3A_541 = arith.constant 0 : i32
            %select_n3A_542 = arith.select %and3A_522, %jit3A_540, %jit3A_541 : i32
            %add3A_543 = arith.addi %add3A_508, %select_n3A_542 : i32
            %rem3A_544 = arith.constant 16 : i32
            %rem3A_545 = arith.remsi %add3A_543, %rem3A_544 : i32
            %eq3A_546 = arith.constant 0 : i32
            %eq3A_547 = arith.cmpi eq, %rem3A_545, %eq3A_546 : i32
            %and3A_548 = arith.andi %and3A_522, %eq3A_547 : i1
            %convert_element_type3A_549 = arith.extui %and3A_548 : i1 to i32
            %cond3A_550 = arith.constant 0 : i32
            %cond3A_551 = arith.cmpi ne, %convert_element_type3A_549, %cond3A_550 : i32
            scf.if %cond3A_551 {
              %sub3A_805 = arith.constant 16 : i32
              %sub3A_806 = arith.subi %add3A_543, %sub3A_805 : i32
              %swap3A_807 = arith.index_cast %sub3A_806 : i32 to index
              %swap3A_808 = tpu.vector_load %arg9[%swap3A_807] {strides = array<i32>} : memref<4224xf32, #tpu.memory_space<vmem>>, vector<16xf32>,
              %swap3A_809 = vector.shape_cast %swap3A_808 : vector<16xf32> to vector<16xf32>
              %swap3A_810 = vector.shape_cast %select_n3A_535 : vector<16xf32> to vector<16xf32>
              tpu.vector_store %arg9[%swap3A_807], %swap3A_810 {strides = array<i32>} : memref<4224xf32, #tpu.memory_space<vmem>>, vector<16xf32>,
              %sub3A_811 = arith.constant 16 : i32
              %sub3A_812 = arith.subi %add3A_543, %sub3A_811 : i32
              %swap3A_813 = arith.index_cast %sub3A_812 : i32 to index
              %swap3A_814 = tpu.vector_load %arg10[%swap3A_813] {strides = array<i32>} : memref<4224xi32, #tpu.memory_space<vmem>>, vector<16xi32>,
              %swap3A_815 = vector.shape_cast %swap3A_814 : vector<16xi32> to vector<16xi32>
              %swap3A_816 = vector.shape_cast %select_n3A_539 : vector<16xi32> to vector<16xi32>
              tpu.vector_store %arg10[%swap3A_813], %swap3A_816 {strides = array<i32>} : memref<4224xi32, #tpu.memory_space<vmem>>, vector<16xi32>,
            } else {
            }
            %slice3A_552 = vector.extract_strided_slice %get3A_201 {offsets = [9], sizes = [1], strides = [1]} : vector<16xf32> to vector<1xf32>
            %squeeze3A_553 = vector.extract %slice3A_552[0] : f32 from vector<1xf32>
            %ge3A_554 = arith.cmpf oge, %squeeze3A_553, %scan3A_7 : f32
            %lt3A_555 = arith.constant 4096 : i32
            %lt3A_556 = arith.cmpi slt, %add3A_543, %lt3A_555 : i32
            %and3A_557 = arith.andi %ge3A_554, %lt3A_556 : i1
            %rem3A_558 = arith.constant 16 : i32
            %rem3A_559 = arith.remsi %add3A_543, %rem3A_558 : i32
            %jit3A_560 = arith.constant 16 : i32
            %select_n3A_561 = arith.select %and3A_557, %rem3A_559, %jit3A_560 : i32
            %mul3A_562 = arith.constant 16 : i32
            %mul3A_563 = arith.muli %scan3A_194, %mul3A_562 : i32
            %add3A_564 = arith.addi %mul3A_187, %mul3A_563 : i32
            %add3A_565 = arith.constant 9 : i32
            %add3A_566 = arith.addi %add3A_564, %add3A_565 : i32
            %eq3A_567 = vector.broadcast %select_n3A_561 : i32 to vector<16xi32>
            %eq3A_568 = arith.cmpi eq, %iota3A, %eq3A_567 : vector<16xi32>
            %broadcast_in_dim3A_569 = vector.broadcast %squeeze3A_553 : f32 to vector<16xf32>
            %select_n3A_570 = arith.select %eq3A_568, %broadcast_in_dim3A_569, %select_n3A_535 : vector<16xi1>, vector<16xf32>
            %eq3A_571 = vector.broadcast %select_n3A_561 : i32 to vector<16xi32>
            %eq3A_572 = arith.cmpi eq, %iota3A, %eq3A_571 : vector<16xi32>
            %broadcast_in_dim3A_573 = vector.broadcast %add3A_566 : i32 to vector<16xi32>
            %select_n3A_574 = arith.select %eq3A_572, %broadcast_in_dim3A_573, %select_n3A_539 : vector<16xi1>, vector<16xi32>
            %jit3A_575 = arith.constant 1 : i32
            %jit3A_576 = arith.constant 0 : i32
            %select_n3A_577 = arith.select %and3A_557, %jit3A_575, %jit3A_576 : i32
            %add3A_578 = arith.addi %add3A_543, %select_n3A_577 : i32
            %rem3A_579 = arith.constant 16 : i32
            %rem3A_580 = arith.remsi %add3A_578, %rem3A_579 : i32
            %eq3A_581 = arith.constant 0 : i32
            %eq3A_582 = arith.cmpi eq, %rem3A_580, %eq3A_581 : i32
            %and3A_583 = arith.andi %and3A_557, %eq3A_582 : i1
            %convert_element_type3A_584 = arith.extui %and3A_583 : i1 to i32
            %cond3A_585 = arith.constant 0 : i32
            %cond3A_586 = arith.cmpi ne, %convert_element_type3A_584, %cond3A_585 : i32
            scf.if %cond3A_586 {
              %sub3A_805 = arith.constant 16 : i32
              %sub3A_806 = arith.subi %add3A_578, %sub3A_805 : i32
              %swap3A_807 = arith.index_cast %sub3A_806 : i32 to index
              %swap3A_808 = tpu.vector_load %arg9[%swap3A_807] {strides = array<i32>} : memref<4224xf32, #tpu.memory_space<vmem>>, vector<16xf32>,
              %swap3A_809 = vector.shape_cast %swap3A_808 : vector<16xf32> to vector<16xf32>
              %swap3A_810 = vector.shape_cast %select_n3A_570 : vector<16xf32> to vector<16xf32>
              tpu.vector_store %arg9[%swap3A_807], %swap3A_810 {strides = array<i32>} : memref<4224xf32, #tpu.memory_space<vmem>>, vector<16xf32>,
              %sub3A_811 = arith.constant 16 : i32
              %sub3A_812 = arith.subi %add3A_578, %sub3A_811 : i32
              %swap3A_813 = arith.index_cast %sub3A_812 : i32 to index
              %swap3A_814 = tpu.vector_load %arg10[%swap3A_813] {strides = array<i32>} : memref<4224xi32, #tpu.memory_space<vmem>>, vector<16xi32>,
              %swap3A_815 = vector.shape_cast %swap3A_814 : vector<16xi32> to vector<16xi32>
              %swap3A_816 = vector.shape_cast %select_n3A_574 : vector<16xi32> to vector<16xi32>
              tpu.vector_store %arg10[%swap3A_813], %swap3A_816 {strides = array<i32>} : memref<4224xi32, #tpu.memory_space<vmem>>, vector<16xi32>,
            } else {
            }
            %slice3A_587 = vector.extract_strided_slice %get3A_201 {offsets = [10], sizes = [1], strides = [1]} : vector<16xf32> to vector<1xf32>
            %squeeze3A_588 = vector.extract %slice3A_587[0] : f32 from vector<1xf32>
            %ge3A_589 = arith.cmpf oge, %squeeze3A_588, %scan3A_7 : f32
            %lt3A_590 = arith.constant 4096 : i32
            %lt3A_591 = arith.cmpi slt, %add3A_578, %lt3A_590 : i32
            %and3A_592 = arith.andi %ge3A_589, %lt3A_591 : i1
            %rem3A_593 = arith.constant 16 : i32
            %rem3A_594 = arith.remsi %add3A_578, %rem3A_593 : i32
            %jit3A_595 = arith.constant 16 : i32
            %select_n3A_596 = arith.select %and3A_592, %rem3A_594, %jit3A_595 : i32
            %mul3A_597 = arith.constant 16 : i32
            %mul3A_598 = arith.muli %scan3A_194, %mul3A_597 : i32
            %add3A_599 = arith.addi %mul3A_187, %mul3A_598 : i32
            %add3A_600 = arith.constant 10 : i32
            %add3A_601 = arith.addi %add3A_599, %add3A_600 : i32
            %eq3A_602 = vector.broadcast %select_n3A_596 : i32 to vector<16xi32>
            %eq3A_603 = arith.cmpi eq, %iota3A, %eq3A_602 : vector<16xi32>
            %broadcast_in_dim3A_604 = vector.broadcast %squeeze3A_588 : f32 to vector<16xf32>
            %select_n3A_605 = arith.select %eq3A_603, %broadcast_in_dim3A_604, %select_n3A_570 : vector<16xi1>, vector<16xf32>
            %eq3A_606 = vector.broadcast %select_n3A_596 : i32 to vector<16xi32>
            %eq3A_607 = arith.cmpi eq, %iota3A, %eq3A_606 : vector<16xi32>
            %broadcast_in_dim3A_608 = vector.broadcast %add3A_601 : i32 to vector<16xi32>
            %select_n3A_609 = arith.select %eq3A_607, %broadcast_in_dim3A_608, %select_n3A_574 : vector<16xi1>, vector<16xi32>
            %jit3A_610 = arith.constant 1 : i32
            %jit3A_611 = arith.constant 0 : i32
            %select_n3A_612 = arith.select %and3A_592, %jit3A_610, %jit3A_611 : i32
            %add3A_613 = arith.addi %add3A_578, %select_n3A_612 : i32
            %rem3A_614 = arith.constant 16 : i32
            %rem3A_615 = arith.remsi %add3A_613, %rem3A_614 : i32
            %eq3A_616 = arith.constant 0 : i32
            %eq3A_617 = arith.cmpi eq, %rem3A_615, %eq3A_616 : i32
            %and3A_618 = arith.andi %and3A_592, %eq3A_617 : i1
            %convert_element_type3A_619 = arith.extui %and3A_618 : i1 to i32
            %cond3A_620 = arith.constant 0 : i32
            %cond3A_621 = arith.cmpi ne, %convert_element_type3A_619, %cond3A_620 : i32
            scf.if %cond3A_621 {
              %sub3A_805 = arith.constant 16 : i32
              %sub3A_806 = arith.subi %add3A_613, %sub3A_805 : i32
              %swap3A_807 = arith.index_cast %sub3A_806 : i32 to index
              %swap3A_808 = tpu.vector_load %arg9[%swap3A_807] {strides = array<i32>} : memref<4224xf32, #tpu.memory_space<vmem>>, vector<16xf32>,
              %swap3A_809 = vector.shape_cast %swap3A_808 : vector<16xf32> to vector<16xf32>
              %swap3A_810 = vector.shape_cast %select_n3A_605 : vector<16xf32> to vector<16xf32>
              tpu.vector_store %arg9[%swap3A_807], %swap3A_810 {strides = array<i32>} : memref<4224xf32, #tpu.memory_space<vmem>>, vector<16xf32>,
              %sub3A_811 = arith.constant 16 : i32
              %sub3A_812 = arith.subi %add3A_613, %sub3A_811 : i32
              %swap3A_813 = arith.index_cast %sub3A_812 : i32 to index
              %swap3A_814 = tpu.vector_load %arg10[%swap3A_813] {strides = array<i32>} : memref<4224xi32, #tpu.memory_space<vmem>>, vector<16xi32>,
              %swap3A_815 = vector.shape_cast %swap3A_814 : vector<16xi32> to vector<16xi32>
              %swap3A_816 = vector.shape_cast %select_n3A_609 : vector<16xi32> to vector<16xi32>
              tpu.vector_store %arg10[%swap3A_813], %swap3A_816 {strides = array<i32>} : memref<4224xi32, #tpu.memory_space<vmem>>, vector<16xi32>,
            } else {
            }
            %slice3A_622 = vector.extract_strided_slice %get3A_201 {offsets = [11], sizes = [1], strides = [1]} : vector<16xf32> to vector<1xf32>
            %squeeze3A_623 = vector.extract %slice3A_622[0] : f32 from vector<1xf32>
            %ge3A_624 = arith.cmpf oge, %squeeze3A_623, %scan3A_7 : f32
            %lt3A_625 = arith.constant 4096 : i32
            %lt3A_626 = arith.cmpi slt, %add3A_613, %lt3A_625 : i32
            %and3A_627 = arith.andi %ge3A_624, %lt3A_626 : i1
            %rem3A_628 = arith.constant 16 : i32
            %rem3A_629 = arith.remsi %add3A_613, %rem3A_628 : i32
            %jit3A_630 = arith.constant 16 : i32
            %select_n3A_631 = arith.select %and3A_627, %rem3A_629, %jit3A_630 : i32
            %mul3A_632 = arith.constant 16 : i32
            %mul3A_633 = arith.muli %scan3A_194, %mul3A_632 : i32
            %add3A_634 = arith.addi %mul3A_187, %mul3A_633 : i32
            %add3A_635 = arith.constant 11 : i32
            %add3A_636 = arith.addi %add3A_634, %add3A_635 : i32
            %eq3A_637 = vector.broadcast %select_n3A_631 : i32 to vector<16xi32>
            %eq3A_638 = arith.cmpi eq, %iota3A, %eq3A_637 : vector<16xi32>
            %broadcast_in_dim3A_639 = vector.broadcast %squeeze3A_623 : f32 to vector<16xf32>
            %select_n3A_640 = arith.select %eq3A_638, %broadcast_in_dim3A_639, %select_n3A_605 : vector<16xi1>, vector<16xf32>
            %eq3A_641 = vector.broadcast %select_n3A_631 : i32 to vector<16xi32>
            %eq3A_642 = arith.cmpi eq, %iota3A, %eq3A_641 : vector<16xi32>
            %broadcast_in_dim3A_643 = vector.broadcast %add3A_636 : i32 to vector<16xi32>
            %select_n3A_644 = arith.select %eq3A_642, %broadcast_in_dim3A_643, %select_n3A_609 : vector<16xi1>, vector<16xi32>
            %jit3A_645 = arith.constant 1 : i32
            %jit3A_646 = arith.constant 0 : i32
            %select_n3A_647 = arith.select %and3A_627, %jit3A_645, %jit3A_646 : i32
            %add3A_648 = arith.addi %add3A_613, %select_n3A_647 : i32
            %rem3A_649 = arith.constant 16 : i32
            %rem3A_650 = arith.remsi %add3A_648, %rem3A_649 : i32
            %eq3A_651 = arith.constant 0 : i32
            %eq3A_652 = arith.cmpi eq, %rem3A_650, %eq3A_651 : i32
            %and3A_653 = arith.andi %and3A_627, %eq3A_652 : i1
            %convert_element_type3A_654 = arith.extui %and3A_653 : i1 to i32
            %cond3A_655 = arith.constant 0 : i32
            %cond3A_656 = arith.cmpi ne, %convert_element_type3A_654, %cond3A_655 : i32
            scf.if %cond3A_656 {
              %sub3A_805 = arith.constant 16 : i32
              %sub3A_806 = arith.subi %add3A_648, %sub3A_805 : i32
              %swap3A_807 = arith.index_cast %sub3A_806 : i32 to index
              %swap3A_808 = tpu.vector_load %arg9[%swap3A_807] {strides = array<i32>} : memref<4224xf32, #tpu.memory_space<vmem>>, vector<16xf32>,
              %swap3A_809 = vector.shape_cast %swap3A_808 : vector<16xf32> to vector<16xf32>
              %swap3A_810 = vector.shape_cast %select_n3A_640 : vector<16xf32> to vector<16xf32>
              tpu.vector_store %arg9[%swap3A_807], %swap3A_810 {strides = array<i32>} : memref<4224xf32, #tpu.memory_space<vmem>>, vector<16xf32>,
              %sub3A_811 = arith.constant 16 : i32
              %sub3A_812 = arith.subi %add3A_648, %sub3A_811 : i32
              %swap3A_813 = arith.index_cast %sub3A_812 : i32 to index
              %swap3A_814 = tpu.vector_load %arg10[%swap3A_813] {strides = array<i32>} : memref<4224xi32, #tpu.memory_space<vmem>>, vector<16xi32>,
              %swap3A_815 = vector.shape_cast %swap3A_814 : vector<16xi32> to vector<16xi32>
              %swap3A_816 = vector.shape_cast %select_n3A_644 : vector<16xi32> to vector<16xi32>
              tpu.vector_store %arg10[%swap3A_813], %swap3A_816 {strides = array<i32>} : memref<4224xi32, #tpu.memory_space<vmem>>, vector<16xi32>,
            } else {
            }
            %slice3A_657 = vector.extract_strided_slice %get3A_201 {offsets = [12], sizes = [1], strides = [1]} : vector<16xf32> to vector<1xf32>
            %squeeze3A_658 = vector.extract %slice3A_657[0] : f32 from vector<1xf32>
            %ge3A_659 = arith.cmpf oge, %squeeze3A_658, %scan3A_7 : f32
            %lt3A_660 = arith.constant 4096 : i32
            %lt3A_661 = arith.cmpi slt, %add3A_648, %lt3A_660 : i32
            %and3A_662 = arith.andi %ge3A_659, %lt3A_661 : i1
            %rem3A_663 = arith.constant 16 : i32
            %rem3A_664 = arith.remsi %add3A_648, %rem3A_663 : i32
            %jit3A_665 = arith.constant 16 : i32
            %select_n3A_666 = arith.select %and3A_662, %rem3A_664, %jit3A_665 : i32
            %mul3A_667 = arith.constant 16 : i32
            %mul3A_668 = arith.muli %scan3A_194, %mul3A_667 : i32
            %add3A_669 = arith.addi %mul3A_187, %mul3A_668 : i32
            %add3A_670 = arith.constant 12 : i32
            %add3A_671 = arith.addi %add3A_669, %add3A_670 : i32
            %eq3A_672 = vector.broadcast %select_n3A_666 : i32 to vector<16xi32>
            %eq3A_673 = arith.cmpi eq, %iota3A, %eq3A_672 : vector<16xi32>
            %broadcast_in_dim3A_674 = vector.broadcast %squeeze3A_658 : f32 to vector<16xf32>
            %select_n3A_675 = arith.select %eq3A_673, %broadcast_in_dim3A_674, %select_n3A_640 : vector<16xi1>, vector<16xf32>
            %eq3A_676 = vector.broadcast %select_n3A_666 : i32 to vector<16xi32>
            %eq3A_677 = arith.cmpi eq, %iota3A, %eq3A_676 : vector<16xi32>
            %broadcast_in_dim3A_678 = vector.broadcast %add3A_671 : i32 to vector<16xi32>
            %select_n3A_679 = arith.select %eq3A_677, %broadcast_in_dim3A_678, %select_n3A_644 : vector<16xi1>, vector<16xi32>
            %jit3A_680 = arith.constant 1 : i32
            %jit3A_681 = arith.constant 0 : i32
            %select_n3A_682 = arith.select %and3A_662, %jit3A_680, %jit3A_681 : i32
            %add3A_683 = arith.addi %add3A_648, %select_n3A_682 : i32
            %rem3A_684 = arith.constant 16 : i32
            %rem3A_685 = arith.remsi %add3A_683, %rem3A_684 : i32
            %eq3A_686 = arith.constant 0 : i32
            %eq3A_687 = arith.cmpi eq, %rem3A_685, %eq3A_686 : i32
            %and3A_688 = arith.andi %and3A_662, %eq3A_687 : i1
            %convert_element_type3A_689 = arith.extui %and3A_688 : i1 to i32
            %cond3A_690 = arith.constant 0 : i32
            %cond3A_691 = arith.cmpi ne, %convert_element_type3A_689, %cond3A_690 : i32
            scf.if %cond3A_691 {
              %sub3A_805 = arith.constant 16 : i32
              %sub3A_806 = arith.subi %add3A_683, %sub3A_805 : i32
              %swap3A_807 = arith.index_cast %sub3A_806 : i32 to index
              %swap3A_808 = tpu.vector_load %arg9[%swap3A_807] {strides = array<i32>} : memref<4224xf32, #tpu.memory_space<vmem>>, vector<16xf32>,
              %swap3A_809 = vector.shape_cast %swap3A_808 : vector<16xf32> to vector<16xf32>
              %swap3A_810 = vector.shape_cast %select_n3A_675 : vector<16xf32> to vector<16xf32>
              tpu.vector_store %arg9[%swap3A_807], %swap3A_810 {strides = array<i32>} : memref<4224xf32, #tpu.memory_space<vmem>>, vector<16xf32>,
              %sub3A_811 = arith.constant 16 : i32
              %sub3A_812 = arith.subi %add3A_683, %sub3A_811 : i32
              %swap3A_813 = arith.index_cast %sub3A_812 : i32 to index
              %swap3A_814 = tpu.vector_load %arg10[%swap3A_813] {strides = array<i32>} : memref<4224xi32, #tpu.memory_space<vmem>>, vector<16xi32>,
              %swap3A_815 = vector.shape_cast %swap3A_814 : vector<16xi32> to vector<16xi32>
              %swap3A_816 = vector.shape_cast %select_n3A_679 : vector<16xi32> to vector<16xi32>
              tpu.vector_store %arg10[%swap3A_813], %swap3A_816 {strides = array<i32>} : memref<4224xi32, #tpu.memory_space<vmem>>, vector<16xi32>,
            } else {
            }
            %slice3A_692 = vector.extract_strided_slice %get3A_201 {offsets = [13], sizes = [1], strides = [1]} : vector<16xf32> to vector<1xf32>
            %squeeze3A_693 = vector.extract %slice3A_692[0] : f32 from vector<1xf32>
            %ge3A_694 = arith.cmpf oge, %squeeze3A_693, %scan3A_7 : f32
            %lt3A_695 = arith.constant 4096 : i32
            %lt3A_696 = arith.cmpi slt, %add3A_683, %lt3A_695 : i32
            %and3A_697 = arith.andi %ge3A_694, %lt3A_696 : i1
            %rem3A_698 = arith.constant 16 : i32
            %rem3A_699 = arith.remsi %add3A_683, %rem3A_698 : i32
            %jit3A_700 = arith.constant 16 : i32
            %select_n3A_701 = arith.select %and3A_697, %rem3A_699, %jit3A_700 : i32
            %mul3A_702 = arith.constant 16 : i32
            %mul3A_703 = arith.muli %scan3A_194, %mul3A_702 : i32
            %add3A_704 = arith.addi %mul3A_187, %mul3A_703 : i32
            %add3A_705 = arith.constant 13 : i32
            %add3A_706 = arith.addi %add3A_704, %add3A_705 : i32
            %eq3A_707 = vector.broadcast %select_n3A_701 : i32 to vector<16xi32>
            %eq3A_708 = arith.cmpi eq, %iota3A, %eq3A_707 : vector<16xi32>
            %broadcast_in_dim3A_709 = vector.broadcast %squeeze3A_693 : f32 to vector<16xf32>
            %select_n3A_710 = arith.select %eq3A_708, %broadcast_in_dim3A_709, %select_n3A_675 : vector<16xi1>, vector<16xf32>
            %eq3A_711 = vector.broadcast %select_n3A_701 : i32 to vector<16xi32>
            %eq3A_712 = arith.cmpi eq, %iota3A, %eq3A_711 : vector<16xi32>
            %broadcast_in_dim3A_713 = vector.broadcast %add3A_706 : i32 to vector<16xi32>
            %select_n3A_714 = arith.select %eq3A_712, %broadcast_in_dim3A_713, %select_n3A_679 : vector<16xi1>, vector<16xi32>
            %jit3A_715 = arith.constant 1 : i32
            %jit3A_716 = arith.constant 0 : i32
            %select_n3A_717 = arith.select %and3A_697, %jit3A_715, %jit3A_716 : i32
            %add3A_718 = arith.addi %add3A_683, %select_n3A_717 : i32
            %rem3A_719 = arith.constant 16 : i32
            %rem3A_720 = arith.remsi %add3A_718, %rem3A_719 : i32
            %eq3A_721 = arith.constant 0 : i32
            %eq3A_722 = arith.cmpi eq, %rem3A_720, %eq3A_721 : i32
            %and3A_723 = arith.andi %and3A_697, %eq3A_722 : i1
            %convert_element_type3A_724 = arith.extui %and3A_723 : i1 to i32
            %cond3A_725 = arith.constant 0 : i32
            %cond3A_726 = arith.cmpi ne, %convert_element_type3A_724, %cond3A_725 : i32
            scf.if %cond3A_726 {
              %sub3A_805 = arith.constant 16 : i32
              %sub3A_806 = arith.subi %add3A_718, %sub3A_805 : i32
              %swap3A_807 = arith.index_cast %sub3A_806 : i32 to index
              %swap3A_808 = tpu.vector_load %arg9[%swap3A_807] {strides = array<i32>} : memref<4224xf32, #tpu.memory_space<vmem>>, vector<16xf32>,
              %swap3A_809 = vector.shape_cast %swap3A_808 : vector<16xf32> to vector<16xf32>
              %swap3A_810 = vector.shape_cast %select_n3A_710 : vector<16xf32> to vector<16xf32>
              tpu.vector_store %arg9[%swap3A_807], %swap3A_810 {strides = array<i32>} : memref<4224xf32, #tpu.memory_space<vmem>>, vector<16xf32>,
              %sub3A_811 = arith.constant 16 : i32
              %sub3A_812 = arith.subi %add3A_718, %sub3A_811 : i32
              %swap3A_813 = arith.index_cast %sub3A_812 : i32 to index
              %swap3A_814 = tpu.vector_load %arg10[%swap3A_813] {strides = array<i32>} : memref<4224xi32, #tpu.memory_space<vmem>>, vector<16xi32>,
              %swap3A_815 = vector.shape_cast %swap3A_814 : vector<16xi32> to vector<16xi32>
              %swap3A_816 = vector.shape_cast %select_n3A_714 : vector<16xi32> to vector<16xi32>
              tpu.vector_store %arg10[%swap3A_813], %swap3A_816 {strides = array<i32>} : memref<4224xi32, #tpu.memory_space<vmem>>, vector<16xi32>,
            } else {
            }
            %slice3A_727 = vector.extract_strided_slice %get3A_201 {offsets = [14], sizes = [1], strides = [1]} : vector<16xf32> to vector<1xf32>
            %squeeze3A_728 = vector.extract %slice3A_727[0] : f32 from vector<1xf32>
            %ge3A_729 = arith.cmpf oge, %squeeze3A_728, %scan3A_7 : f32
            %lt3A_730 = arith.constant 4096 : i32
            %lt3A_731 = arith.cmpi slt, %add3A_718, %lt3A_730 : i32
            %and3A_732 = arith.andi %ge3A_729, %lt3A_731 : i1
            %rem3A_733 = arith.constant 16 : i32
            %rem3A_734 = arith.remsi %add3A_718, %rem3A_733 : i32
            %jit3A_735 = arith.constant 16 : i32
            %select_n3A_736 = arith.select %and3A_732, %rem3A_734, %jit3A_735 : i32
            %mul3A_737 = arith.constant 16 : i32
            %mul3A_738 = arith.muli %scan3A_194, %mul3A_737 : i32
            %add3A_739 = arith.addi %mul3A_187, %mul3A_738 : i32
            %add3A_740 = arith.constant 14 : i32
            %add3A_741 = arith.addi %add3A_739, %add3A_740 : i32
            %eq3A_742 = vector.broadcast %select_n3A_736 : i32 to vector<16xi32>
            %eq3A_743 = arith.cmpi eq, %iota3A, %eq3A_742 : vector<16xi32>
            %broadcast_in_dim3A_744 = vector.broadcast %squeeze3A_728 : f32 to vector<16xf32>
            %select_n3A_745 = arith.select %eq3A_743, %broadcast_in_dim3A_744, %select_n3A_710 : vector<16xi1>, vector<16xf32>
            %eq3A_746 = vector.broadcast %select_n3A_736 : i32 to vector<16xi32>
            %eq3A_747 = arith.cmpi eq, %iota3A, %eq3A_746 : vector<16xi32>
            %broadcast_in_dim3A_748 = vector.broadcast %add3A_741 : i32 to vector<16xi32>
            %select_n3A_749 = arith.select %eq3A_747, %broadcast_in_dim3A_748, %select_n3A_714 : vector<16xi1>, vector<16xi32>
            %jit3A_750 = arith.constant 1 : i32
            %jit3A_751 = arith.constant 0 : i32
            %select_n3A_752 = arith.select %and3A_732, %jit3A_750, %jit3A_751 : i32
            %add3A_753 = arith.addi %add3A_718, %select_n3A_752 : i32
            %rem3A_754 = arith.constant 16 : i32
            %rem3A_755 = arith.remsi %add3A_753, %rem3A_754 : i32
            %eq3A_756 = arith.constant 0 : i32
            %eq3A_757 = arith.cmpi eq, %rem3A_755, %eq3A_756 : i32
            %and3A_758 = arith.andi %and3A_732, %eq3A_757 : i1
            %convert_element_type3A_759 = arith.extui %and3A_758 : i1 to i32
            %cond3A_760 = arith.constant 0 : i32
            %cond3A_761 = arith.cmpi ne, %convert_element_type3A_759, %cond3A_760 : i32
            scf.if %cond3A_761 {
              %sub3A_805 = arith.constant 16 : i32
              %sub3A_806 = arith.subi %add3A_753, %sub3A_805 : i32
              %swap3A_807 = arith.index_cast %sub3A_806 : i32 to index
              %swap3A_808 = tpu.vector_load %arg9[%swap3A_807] {strides = array<i32>} : memref<4224xf32, #tpu.memory_space<vmem>>, vector<16xf32>,
              %swap3A_809 = vector.shape_cast %swap3A_808 : vector<16xf32> to vector<16xf32>
              %swap3A_810 = vector.shape_cast %select_n3A_745 : vector<16xf32> to vector<16xf32>
              tpu.vector_store %arg9[%swap3A_807], %swap3A_810 {strides = array<i32>} : memref<4224xf32, #tpu.memory_space<vmem>>, vector<16xf32>,
              %sub3A_811 = arith.constant 16 : i32
              %sub3A_812 = arith.subi %add3A_753, %sub3A_811 : i32
              %swap3A_813 = arith.index_cast %sub3A_812 : i32 to index
              %swap3A_814 = tpu.vector_load %arg10[%swap3A_813] {strides = array<i32>} : memref<4224xi32, #tpu.memory_space<vmem>>, vector<16xi32>,
              %swap3A_815 = vector.shape_cast %swap3A_814 : vector<16xi32> to vector<16xi32>
              %swap3A_816 = vector.shape_cast %select_n3A_749 : vector<16xi32> to vector<16xi32>
              tpu.vector_store %arg10[%swap3A_813], %swap3A_816 {strides = array<i32>} : memref<4224xi32, #tpu.memory_space<vmem>>, vector<16xi32>,
            } else {
            }
            %slice3A_762 = vector.extract_strided_slice %get3A_201 {offsets = [15], sizes = [1], strides = [1]} : vector<16xf32> to vector<1xf32>
            %squeeze3A_763 = vector.extract %slice3A_762[0] : f32 from vector<1xf32>
            %ge3A_764 = arith.cmpf oge, %squeeze3A_763, %scan3A_7 : f32
            %lt3A_765 = arith.constant 4096 : i32
            %lt3A_766 = arith.cmpi slt, %add3A_753, %lt3A_765 : i32
            %and3A_767 = arith.andi %ge3A_764, %lt3A_766 : i1
            %rem3A_768 = arith.constant 16 : i32
            %rem3A_769 = arith.remsi %add3A_753, %rem3A_768 : i32
            %jit3A_770 = arith.constant 16 : i32
            %select_n3A_771 = arith.select %and3A_767, %rem3A_769, %jit3A_770 : i32
            %mul3A_772 = arith.constant 16 : i32
            %mul3A_773 = arith.muli %scan3A_194, %mul3A_772 : i32
            %add3A_774 = arith.addi %mul3A_187, %mul3A_773 : i32
            %add3A_775 = arith.constant 15 : i32
            %add3A_776 = arith.addi %add3A_774, %add3A_775 : i32
            %eq3A_777 = vector.broadcast %select_n3A_771 : i32 to vector<16xi32>
            %eq3A_778 = arith.cmpi eq, %iota3A, %eq3A_777 : vector<16xi32>
            %broadcast_in_dim3A_779 = vector.broadcast %squeeze3A_763 : f32 to vector<16xf32>
            %select_n3A_780 = arith.select %eq3A_778, %broadcast_in_dim3A_779, %select_n3A_745 : vector<16xi1>, vector<16xf32>
            %eq3A_781 = vector.broadcast %select_n3A_771 : i32 to vector<16xi32>
            %eq3A_782 = arith.cmpi eq, %iota3A, %eq3A_781 : vector<16xi32>
            %broadcast_in_dim3A_783 = vector.broadcast %add3A_776 : i32 to vector<16xi32>
            %select_n3A_784 = arith.select %eq3A_782, %broadcast_in_dim3A_783, %select_n3A_749 : vector<16xi1>, vector<16xi32>
            %jit3A_785 = arith.constant 1 : i32
            %jit3A_786 = arith.constant 0 : i32
            %select_n3A_787 = arith.select %and3A_767, %jit3A_785, %jit3A_786 : i32
            %add3A_788 = arith.addi %add3A_753, %select_n3A_787 : i32
            %rem3A_789 = arith.constant 16 : i32
            %rem3A_790 = arith.remsi %add3A_788, %rem3A_789 : i32
            %eq3A_791 = arith.constant 0 : i32
            %eq3A_792 = arith.cmpi eq, %rem3A_790, %eq3A_791 : i32
            %and3A_793 = arith.andi %and3A_767, %eq3A_792 : i1
            %convert_element_type3A_794 = arith.extui %and3A_793 : i1 to i32
            %cond3A_795 = arith.constant 0 : i32
            %cond3A_796 = arith.cmpi ne, %convert_element_type3A_794, %cond3A_795 : i32
            scf.if %cond3A_796 {
              %sub3A_805 = arith.constant 16 : i32
              %sub3A_806 = arith.subi %add3A_788, %sub3A_805 : i32
              %swap3A_807 = arith.index_cast %sub3A_806 : i32 to index
              %swap3A_808 = tpu.vector_load %arg9[%swap3A_807] {strides = array<i32>} : memref<4224xf32, #tpu.memory_space<vmem>>, vector<16xf32>,
              %swap3A_809 = vector.shape_cast %swap3A_808 : vector<16xf32> to vector<16xf32>
              %swap3A_810 = vector.shape_cast %select_n3A_780 : vector<16xf32> to vector<16xf32>
              tpu.vector_store %arg9[%swap3A_807], %swap3A_810 {strides = array<i32>} : memref<4224xf32, #tpu.memory_space<vmem>>, vector<16xf32>,
              %sub3A_811 = arith.constant 16 : i32
              %sub3A_812 = arith.subi %add3A_788, %sub3A_811 : i32
              %swap3A_813 = arith.index_cast %sub3A_812 : i32 to index
              %swap3A_814 = tpu.vector_load %arg10[%swap3A_813] {strides = array<i32>} : memref<4224xi32, #tpu.memory_space<vmem>>, vector<16xi32>,
              %swap3A_815 = vector.shape_cast %swap3A_814 : vector<16xi32> to vector<16xi32>
              %swap3A_816 = vector.shape_cast %select_n3A_784 : vector<16xi32> to vector<16xi32>
              tpu.vector_store %arg10[%swap3A_813], %swap3A_816 {strides = array<i32>} : memref<4224xi32, #tpu.memory_space<vmem>>, vector<16xi32>,
            } else {
            }
            %swap3A_797 = arith.constant 0 : index
            %swap3A_798 = tpu.vector_load %arg14[%swap3A_797] {strides = array<i32>} : memref<16xf32, #tpu.memory_space<vmem>>, vector<16xf32>,
            %swap3A_799 = vector.shape_cast %swap3A_798 : vector<16xf32> to vector<16xf32>
            %swap3A_800 = vector.shape_cast %select_n3A_780 : vector<16xf32> to vector<16xf32>
            tpu.vector_store %arg14[%swap3A_797], %swap3A_800 {strides = array<i32>} : memref<16xf32, #tpu.memory_space<vmem>>, vector<16xf32>,
            %swap3A_801 = arith.constant 0 : index
            %swap3A_802 = tpu.vector_load %arg15[%swap3A_801] {strides = array<i32>} : memref<16xi32, #tpu.memory_space<vmem>>, vector<16xi32>,
            %swap3A_803 = vector.shape_cast %swap3A_802 : vector<16xi32> to vector<16xi32>
            %swap3A_804 = vector.shape_cast %select_n3A_784 : vector<16xi32> to vector<16xi32>
            tpu.vector_store %arg15[%swap3A_801], %swap3A_804 {strides = array<i32>} : memref<16xi32, #tpu.memory_space<vmem>>, vector<16xi32>,
            scf.yield %add3A_788 : i32
          } else {
            scf.yield %scan3A_195 : i32
          }
          scf.yield %cond3A_232 : i32
        }
        %scan3A_193 = arith.constant 8 : i32
        scf.yield %scan3A_192 : i32
      }
      scf.yield %while3A_177 : i32
    }
    %while3A_76 = arith.constant 1 : i32
    %while3A_77 = scf.for %while3A_150 = %while3A_73 to %while3A_69 step %while3A_76 iter_args(%while3A_151 = %while3A_75) -> (i32)  : i32 {
      %mul3A_152 = arith.constant 128 : i32
      %mul3A_153 = arith.muli %while3A_150, %mul3A_152 : i32
      %dma_start3A_154 = tpu.memref_slice %arg7[%mul3A_153] : memref<4224xi32, #tpu.memory_space<vmem>> -> memref<128xi32, #tpu.memory_space<vmem>>
      %dma_start3A_155 = arith.constant 0 : i32
      %dma_start3A_156 = arith.constant 0 : i32
      %dma_start3A_157 = tpu.memref_slice %arg2[%dma_start3A_155, %dma_start3A_156] : memref<253952x128xf32, #tpu.memory_space<hbm>> -> memref<253952x128xf32, #tpu.memory_space<hbm>>
      tpu.enqueue_indirect_dma source(%dma_start3A_157 : memref<253952x128xf32, #tpu.memory_space<hbm>>) target(%arg8 : memref<128x128xf32, #tpu.memory_space<vmem>>) offsets(%dma_start3A_154 : memref<128xi32, #tpu.memory_space<vmem>>) semaphore(%arg16 : memref<!tpu.dma_semaphore, #tpu.memory_space<semaphore_mem>>)
      %dma_wait3A_158 = tpu.memref_slice %arg7[%mul3A_153] : memref<4224xi32, #tpu.memory_space<vmem>> -> memref<128xi32, #tpu.memory_space<vmem>>
      %dma_wait3A_159 = arith.constant 0 : i32
      %dma_wait3A_160 = arith.constant 0 : i32
      %dma_wait3A_161 = tpu.memref_slice %arg2[%dma_wait3A_159, %dma_wait3A_160] : memref<253952x128xf32, #tpu.memory_space<hbm>> -> memref<253952x128xf32, #tpu.memory_space<hbm>>
      tpu.wait_indirect_dma semaphore(%arg16 : memref<!tpu.dma_semaphore, #tpu.memory_space<semaphore_mem>>) src(%dma_wait3A_161 : memref<253952x128xf32, #tpu.memory_space<hbm>>) dst(%arg8 : memref<128x128xf32, #tpu.memory_space<vmem>>)
      %mul3A_162 = arith.constant 128 : i32
      %mul3A_163 = arith.muli %while3A_150, %mul3A_162 : i32
      %sub3A_164 = arith.subi %scan3A_31, %mul3A_163 : i32
      %min3A_165 = arith.constant 128 : i32
      %min3A_166 = arith.minsi %sub3A_164, %min3A_165 : i32
      %while3A_167 = arith.constant 0 : i32
      %while3A_168 = arith.subi %min3A_166, %while3A_167 : i32
      %while3A_169 = arith.addi %while3A_167, %while3A_168 : i32
      %while3A_170 = arith.constant 1 : i32
      %while3A_171 = arith.divsi %while3A_168, %while3A_170 : i32
      %while3A_172 = arith.muli %while3A_171, %while3A_170 : i32
      %while3A_173 = arith.addi %while3A_167, %while3A_172 : i32
      %while3A_174 = arith.constant 1 : i32
      %while3A_175 = scf.for %while3A_178 = %while3A_167 to %while3A_173 step %while3A_174 iter_args(%while3A_179 = %while3A_151) -> (i32)  : i32 {
        %mul3A_180 = arith.constant 128 : i32
        %mul3A_181 = arith.muli %while3A_150, %mul3A_180 : i32
        %add3A_182 = arith.addi %mul3A_181, %while3A_178 : i32
        %get3A = arith.index_cast %add3A_182 : i32 to index
        %get3A_183 = tpu.vector_load %arg7[%get3A] {strides = array<i32>} : memref<4224xi32, #tpu.memory_space<vmem>>, vector<16xi32>,
        %get3A_184 = vector.shape_cast %get3A_183 : vector<16xi32> to vector<16xi32>
        %slice3A = vector.extract_strided_slice %get3A_184 {offsets = [0], sizes = [1], strides = [1]} : vector<16xi32> to vector<1xi32>
        %squeeze3A = vector.extract %slice3A[0] : i32 from vector<1xi32>
        %sub3A_185 = arith.subi %squeeze3A, %mul3A_2 : i32
        %mul3A_186 = arith.constant 128 : i32
        %mul3A_187 = arith.muli %sub3A_185, %mul3A_186 : i32
        %scan3A_188 = arith.constant 0 : i32
        %scan3A_189 = arith.constant 8 : i32
        %scan3A_190 = arith.addi %scan3A_188, %scan3A_189 : i32
        %scan3A_191 = arith.constant 1 : i32
        %scan3A_192 = scf.for %scan3A_194 = %scan3A_188 to %scan3A_190 step %scan3A_191 iter_args(%scan3A_195 = %while3A_179) -> (i32)  : i32 {
          %mul3A_196 = arith.constant 16 : i32
          %mul3A_197 = arith.muli %scan3A_194, %mul3A_196 : i32
          %get3A_198 = arith.index_cast %while3A_178 : i32 to index
          %get3A_199 = arith.index_cast %mul3A_197 : i32 to index
          %get3A_200 = tpu.vector_load %arg8[%get3A_198, %get3A_199] {strides = array<i32>} : memref<128x128xf32, #tpu.memory_space<vmem>>, vector<1x16xf32>,
          %get3A_201 = vector.shape_cast %get3A_200 : vector<1x16xf32> to vector<16xf32>
          %xor3A = arith.constant 8 : i32
          %xor3A_202 = vector.broadcast %xor3A : i32 to vector<16xi32>
          %xor3A_203 = arith.xori %iota3A, %xor3A_202 : vector<16xi32>
          %broadcast_in_dim3A_204 = vector.shape_cast %xor3A_203 : vector<16xi32> to vector<16x1xi32>
          %gather3A = vector.shape_cast %broadcast_in_dim3A_204 : vector<16x1xi32> to vector<16xi32>
          %gather3A_205 = tpu.dynamic_gather %get3A_201[%gather3A] in [0] : vector<16xf32>, vector<16xi32> -> vector<16xf32>
          %max3A = arith.maximumf %get3A_201, %gather3A_205 : vector<16xf32>
          %xor3A_206 = arith.constant 4 : i32
          %xor3A_207 = vector.broadcast %xor3A_206 : i32 to vector<16xi32>
          %xor3A_208 = arith.xori %iota3A, %xor3A_207 : vector<16xi32>
          %broadcast_in_dim3A_209 = vector.shape_cast %xor3A_208 : vector<16xi32> to vector<16x1xi32>
          %gather3A_210 = vector.shape_cast %broadcast_in_dim3A_209 : vector<16x1xi32> to vector<16xi32>
          %gather3A_211 = tpu.dynamic_gather %max3A[%gather3A_210] in [0] : vector<16xf32>, vector<16xi32> -> vector<16xf32>
          %max3A_212 = arith.maximumf %max3A, %gather3A_211 : vector<16xf32>
          %xor3A_213 = arith.constant 2 : i32
          %xor3A_214 = vector.broadcast %xor3A_213 : i32 to vector<16xi32>
          %xor3A_215 = arith.xori %iota3A, %xor3A_214 : vector<16xi32>
          %broadcast_in_dim3A_216 = vector.shape_cast %xor3A_215 : vector<16xi32> to vector<16x1xi32>
          %gather3A_217 = vector.shape_cast %broadcast_in_dim3A_216 : vector<16x1xi32> to vector<16xi32>
          %gather3A_218 = tpu.dynamic_gather %max3A_212[%gather3A_217] in [0] : vector<16xf32>, vector<16xi32> -> vector<16xf32>
          %max3A_219 = arith.maximumf %max3A_212, %gather3A_218 : vector<16xf32>
          %xor3A_220 = arith.constant 1 : i32
          %xor3A_221 = vector.broadcast %xor3A_220 : i32 to vector<16xi32>
          %xor3A_222 = arith.xori %iota3A, %xor3A_221 : vector<16xi32>
          %broadcast_in_dim3A_223 = vector.shape_cast %xor3A_222 : vector<16xi32> to vector<16x1xi32>
          %gather3A_224 = vector.shape_cast %broadcast_in_dim3A_223 : vector<16x1xi32> to vector<16xi32>
          %gather3A_225 = tpu.dynamic_gather %max3A_219[%gather3A_224] in [0] : vector<16xf32>, vector<16xi32> -> vector<16xf32>
          %max3A_226 = arith.maximumf %max3A_219, %gather3A_225 : vector<16xf32>
          %slice3A_227 = vector.extract_strided_slice %max3A_226 {offsets = [0], sizes = [1], strides = [1]} : vector<16xf32> to vector<1xf32>
          %squeeze3A_228 = vector.extract %slice3A_227[0] : f32 from vector<1xf32>
          %ge3A = arith.cmpf oge, %squeeze3A_228, %scan3A_7 : f32
          %convert_element_type3A_229 = arith.extui %ge3A : i1 to i32
          %cond3A_230 = arith.constant 0 : i32
          %cond3A_231 = arith.cmpi ne, %convert_element_type3A_229, %cond3A_230 : i32
          %cond3A_232 = scf.if %cond3A_231 -> (i32) {
            %get3A_233 = arith.constant 0 : index
            %get3A_234 = tpu.vector_load %arg14[%get3A_233] {strides = array<i32>} : memref<16xf32, #tpu.memory_space<vmem>>, vector<16xf32>,
            %get3A_235 = vector.shape_cast %get3A_234 : vector<16xf32> to vector<16xf32>
            %get3A_236 = arith.constant 0 : index
            %get3A_237 = tpu.vector_load %arg15[%get3A_236] {strides = array<i32>} : memref<16xi32, #tpu.memory_space<vmem>>, vector<16xi32>,
            %get3A_238 = vector.shape_cast %get3A_237 : vector<16xi32> to vector<16xi32>
            %slice3A_239 = vector.extract_strided_slice %get3A_201 {offsets = [0], sizes = [1], strides = [1]} : vector<16xf32> to vector<1xf32>
            %squeeze3A_240 = vector.extract %slice3A_239[0] : f32 from vector<1xf32>
            %ge3A_241 = arith.cmpf oge, %squeeze3A_240, %scan3A_7 : f32
            %lt3A = arith.constant 4096 : i32
            %lt3A_242 = arith.cmpi slt, %scan3A_195, %lt3A : i32
            %and3A_243 = arith.andi %ge3A_241, %lt3A_242 : i1
            %rem3A_244 = arith.constant 16 : i32
            %rem3A_245 = arith.remsi %scan3A_195, %rem3A_244 : i32
            %jit3A_246 = arith.constant 16 : i32
            %select_n3A_247 = arith.select %and3A_243, %rem3A_245, %jit3A_246 : i32
            %mul3A_248 = arith.constant 16 : i32
            %mul3A_249 = arith.muli %scan3A_194, %mul3A_248 : i32
            %add3A_250 = arith.addi %mul3A_187, %mul3A_249 : i32
            %add3A_251 = arith.constant 0 : i32
            %add3A_252 = arith.addi %add3A_250, %add3A_251 : i32
            %eq3A = vector.broadcast %select_n3A_247 : i32 to vector<16xi32>
            %eq3A_253 = arith.cmpi eq, %iota3A, %eq3A : vector<16xi32>
            %broadcast_in_dim3A_254 = vector.broadcast %squeeze3A_240 : f32 to vector<16xf32>
            %select_n3A_255 = arith.select %eq3A_253, %broadcast_in_dim3A_254, %get3A_235 : vector<16xi1>, vector<16xf32>
            %eq3A_256 = vector.broadcast %select_n3A_247 : i32 to vector<16xi32>
            %eq3A_257 = arith.cmpi eq, %iota3A, %eq3A_256 : vector<16xi32>
            %broadcast_in_dim3A_258 = vector.broadcast %add3A_252 : i32 to vector<16xi32>
            %select_n3A_259 = arith.select %eq3A_257, %broadcast_in_dim3A_258, %get3A_238 : vector<16xi1>, vector<16xi32>
            %jit3A_260 = arith.constant 1 : i32
            %jit3A_261 = arith.constant 0 : i32
            %select_n3A_262 = arith.select %and3A_243, %jit3A_260, %jit3A_261 : i32
            %add3A_263 = arith.addi %scan3A_195, %select_n3A_262 : i32
            %rem3A_264 = arith.constant 16 : i32
            %rem3A_265 = arith.remsi %add3A_263, %rem3A_264 : i32
            %eq3A_266 = arith.constant 0 : i32
            %eq3A_267 = arith.cmpi eq, %rem3A_265, %eq3A_266 : i32
            %and3A_268 = arith.andi %and3A_243, %eq3A_267 : i1
            %convert_element_type3A_269 = arith.extui %and3A_268 : i1 to i32
            %cond3A_270 = arith.constant 0 : i32
            %cond3A_271 = arith.cmpi ne, %convert_element_type3A_269, %cond3A_270 : i32
            scf.if %cond3A_271 {
              %sub3A_805 = arith.constant 16 : i32
              %sub3A_806 = arith.subi %add3A_263, %sub3A_805 : i32
              %swap3A_807 = arith.index_cast %sub3A_806 : i32 to index
              %swap3A_808 = tpu.vector_load %arg9[%swap3A_807] {strides = array<i32>} : memref<4224xf32, #tpu.memory_space<vmem>>, vector<16xf32>,
              %swap3A_809 = vector.shape_cast %swap3A_808 : vector<16xf32> to vector<16xf32>
              %swap3A_810 = vector.shape_cast %select_n3A_255 : vector<16xf32> to vector<16xf32>
              tpu.vector_store %arg9[%swap3A_807], %swap3A_810 {strides = array<i32>} : memref<4224xf32, #tpu.memory_space<vmem>>, vector<16xf32>,
              %sub3A_811 = arith.constant 16 : i32
              %sub3A_812 = arith.subi %add3A_263, %sub3A_811 : i32
              %swap3A_813 = arith.index_cast %sub3A_812 : i32 to index
              %swap3A_814 = tpu.vector_load %arg10[%swap3A_813] {strides = array<i32>} : memref<4224xi32, #tpu.memory_space<vmem>>, vector<16xi32>,
              %swap3A_815 = vector.shape_cast %swap3A_814 : vector<16xi32> to vector<16xi32>
              %swap3A_816 = vector.shape_cast %select_n3A_259 : vector<16xi32> to vector<16xi32>
              tpu.vector_store %arg10[%swap3A_813], %swap3A_816 {strides = array<i32>} : memref<4224xi32, #tpu.memory_space<vmem>>, vector<16xi32>,
            } else {
            }
            %slice3A_272 = vector.extract_strided_slice %get3A_201 {offsets = [1], sizes = [1], strides = [1]} : vector<16xf32> to vector<1xf32>
            %squeeze3A_273 = vector.extract %slice3A_272[0] : f32 from vector<1xf32>
            %ge3A_274 = arith.cmpf oge, %squeeze3A_273, %scan3A_7 : f32
            %lt3A_275 = arith.constant 4096 : i32
            %lt3A_276 = arith.cmpi slt, %add3A_263, %lt3A_275 : i32
            %and3A_277 = arith.andi %ge3A_274, %lt3A_276 : i1
            %rem3A_278 = arith.constant 16 : i32
            %rem3A_279 = arith.remsi %add3A_263, %rem3A_278 : i32
            %jit3A_280 = arith.constant 16 : i32
            %select_n3A_281 = arith.select %and3A_277, %rem3A_279, %jit3A_280 : i32
            %mul3A_282 = arith.constant 16 : i32
            %mul3A_283 = arith.muli %scan3A_194, %mul3A_282 : i32
            %add3A_284 = arith.addi %mul3A_187, %mul3A_283 : i32
            %add3A_285 = arith.constant 1 : i32
            %add3A_286 = arith.addi %add3A_284, %add3A_285 : i32
            %eq3A_287 = vector.broadcast %select_n3A_281 : i32 to vector<16xi32>
            %eq3A_288 = arith.cmpi eq, %iota3A, %eq3A_287 : vector<16xi32>
            %broadcast_in_dim3A_289 = vector.broadcast %squeeze3A_273 : f32 to vector<16xf32>
            %select_n3A_290 = arith.select %eq3A_288, %broadcast_in_dim3A_289, %select_n3A_255 : vector<16xi1>, vector<16xf32>
            %eq3A_291 = vector.broadcast %select_n3A_281 : i32 to vector<16xi32>
            %eq3A_292 = arith.cmpi eq, %iota3A, %eq3A_291 : vector<16xi32>
            %broadcast_in_dim3A_293 = vector.broadcast %add3A_286 : i32 to vector<16xi32>
            %select_n3A_294 = arith.select %eq3A_292, %broadcast_in_dim3A_293, %select_n3A_259 : vector<16xi1>, vector<16xi32>
            %jit3A_295 = arith.constant 1 : i32
            %jit3A_296 = arith.constant 0 : i32
            %select_n3A_297 = arith.select %and3A_277, %jit3A_295, %jit3A_296 : i32
            %add3A_298 = arith.addi %add3A_263, %select_n3A_297 : i32
            %rem3A_299 = arith.constant 16 : i32
            %rem3A_300 = arith.remsi %add3A_298, %rem3A_299 : i32
            %eq3A_301 = arith.constant 0 : i32
            %eq3A_302 = arith.cmpi eq, %rem3A_300, %eq3A_301 : i32
            %and3A_303 = arith.andi %and3A_277, %eq3A_302 : i1
            %convert_element_type3A_304 = arith.extui %and3A_303 : i1 to i32
            %cond3A_305 = arith.constant 0 : i32
            %cond3A_306 = arith.cmpi ne, %convert_element_type3A_304, %cond3A_305 : i32
            scf.if %cond3A_306 {
              %sub3A_805 = arith.constant 16 : i32
              %sub3A_806 = arith.subi %add3A_298, %sub3A_805 : i32
              %swap3A_807 = arith.index_cast %sub3A_806 : i32 to index
              %swap3A_808 = tpu.vector_load %arg9[%swap3A_807] {strides = array<i32>} : memref<4224xf32, #tpu.memory_space<vmem>>, vector<16xf32>,
              %swap3A_809 = vector.shape_cast %swap3A_808 : vector<16xf32> to vector<16xf32>
              %swap3A_810 = vector.shape_cast %select_n3A_290 : vector<16xf32> to vector<16xf32>
              tpu.vector_store %arg9[%swap3A_807], %swap3A_810 {strides = array<i32>} : memref<4224xf32, #tpu.memory_space<vmem>>, vector<16xf32>,
              %sub3A_811 = arith.constant 16 : i32
              %sub3A_812 = arith.subi %add3A_298, %sub3A_811 : i32
              %swap3A_813 = arith.index_cast %sub3A_812 : i32 to index
              %swap3A_814 = tpu.vector_load %arg10[%swap3A_813] {strides = array<i32>} : memref<4224xi32, #tpu.memory_space<vmem>>, vector<16xi32>,
              %swap3A_815 = vector.shape_cast %swap3A_814 : vector<16xi32> to vector<16xi32>
              %swap3A_816 = vector.shape_cast %select_n3A_294 : vector<16xi32> to vector<16xi32>
              tpu.vector_store %arg10[%swap3A_813], %swap3A_816 {strides = array<i32>} : memref<4224xi32, #tpu.memory_space<vmem>>, vector<16xi32>,
            } else {
            }
            %slice3A_307 = vector.extract_strided_slice %get3A_201 {offsets = [2], sizes = [1], strides = [1]} : vector<16xf32> to vector<1xf32>
            %squeeze3A_308 = vector.extract %slice3A_307[0] : f32 from vector<1xf32>
            %ge3A_309 = arith.cmpf oge, %squeeze3A_308, %scan3A_7 : f32
            %lt3A_310 = arith.constant 4096 : i32
            %lt3A_311 = arith.cmpi slt, %add3A_298, %lt3A_310 : i32
            %and3A_312 = arith.andi %ge3A_309, %lt3A_311 : i1
            %rem3A_313 = arith.constant 16 : i32
            %rem3A_314 = arith.remsi %add3A_298, %rem3A_313 : i32
            %jit3A_315 = arith.constant 16 : i32
            %select_n3A_316 = arith.select %and3A_312, %rem3A_314, %jit3A_315 : i32
            %mul3A_317 = arith.constant 16 : i32
            %mul3A_318 = arith.muli %scan3A_194, %mul3A_317 : i32
            %add3A_319 = arith.addi %mul3A_187, %mul3A_318 : i32
            %add3A_320 = arith.constant 2 : i32
            %add3A_321 = arith.addi %add3A_319, %add3A_320 : i32
            %eq3A_322 = vector.broadcast %select_n3A_316 : i32 to vector<16xi32>
            %eq3A_323 = arith.cmpi eq, %iota3A, %eq3A_322 : vector<16xi32>
            %broadcast_in_dim3A_324 = vector.broadcast %squeeze3A_308 : f32 to vector<16xf32>
            %select_n3A_325 = arith.select %eq3A_323, %broadcast_in_dim3A_324, %select_n3A_290 : vector<16xi1>, vector<16xf32>
            %eq3A_326 = vector.broadcast %select_n3A_316 : i32 to vector<16xi32>
            %eq3A_327 = arith.cmpi eq, %iota3A, %eq3A_326 : vector<16xi32>
            %broadcast_in_dim3A_328 = vector.broadcast %add3A_321 : i32 to vector<16xi32>
            %select_n3A_329 = arith.select %eq3A_327, %broadcast_in_dim3A_328, %select_n3A_294 : vector<16xi1>, vector<16xi32>
            %jit3A_330 = arith.constant 1 : i32
            %jit3A_331 = arith.constant 0 : i32
            %select_n3A_332 = arith.select %and3A_312, %jit3A_330, %jit3A_331 : i32
            %add3A_333 = arith.addi %add3A_298, %select_n3A_332 : i32
            %rem3A_334 = arith.constant 16 : i32
            %rem3A_335 = arith.remsi %add3A_333, %rem3A_334 : i32
            %eq3A_336 = arith.constant 0 : i32
            %eq3A_337 = arith.cmpi eq, %rem3A_335, %eq3A_336 : i32
            %and3A_338 = arith.andi %and3A_312, %eq3A_337 : i1
            %convert_element_type3A_339 = arith.extui %and3A_338 : i1 to i32
            %cond3A_340 = arith.constant 0 : i32
            %cond3A_341 = arith.cmpi ne, %convert_element_type3A_339, %cond3A_340 : i32
            scf.if %cond3A_341 {
              %sub3A_805 = arith.constant 16 : i32
              %sub3A_806 = arith.subi %add3A_333, %sub3A_805 : i32
              %swap3A_807 = arith.index_cast %sub3A_806 : i32 to index
              %swap3A_808 = tpu.vector_load %arg9[%swap3A_807] {strides = array<i32>} : memref<4224xf32, #tpu.memory_space<vmem>>, vector<16xf32>,
              %swap3A_809 = vector.shape_cast %swap3A_808 : vector<16xf32> to vector<16xf32>
              %swap3A_810 = vector.shape_cast %select_n3A_325 : vector<16xf32> to vector<16xf32>
              tpu.vector_store %arg9[%swap3A_807], %swap3A_810 {strides = array<i32>} : memref<4224xf32, #tpu.memory_space<vmem>>, vector<16xf32>,
              %sub3A_811 = arith.constant 16 : i32
              %sub3A_812 = arith.subi %add3A_333, %sub3A_811 : i32
              %swap3A_813 = arith.index_cast %sub3A_812 : i32 to index
              %swap3A_814 = tpu.vector_load %arg10[%swap3A_813] {strides = array<i32>} : memref<4224xi32, #tpu.memory_space<vmem>>, vector<16xi32>,
              %swap3A_815 = vector.shape_cast %swap3A_814 : vector<16xi32> to vector<16xi32>
              %swap3A_816 = vector.shape_cast %select_n3A_329 : vector<16xi32> to vector<16xi32>
              tpu.vector_store %arg10[%swap3A_813], %swap3A_816 {strides = array<i32>} : memref<4224xi32, #tpu.memory_space<vmem>>, vector<16xi32>,
            } else {
            }
            %slice3A_342 = vector.extract_strided_slice %get3A_201 {offsets = [3], sizes = [1], strides = [1]} : vector<16xf32> to vector<1xf32>
            %squeeze3A_343 = vector.extract %slice3A_342[0] : f32 from vector<1xf32>
            %ge3A_344 = arith.cmpf oge, %squeeze3A_343, %scan3A_7 : f32
            %lt3A_345 = arith.constant 4096 : i32
            %lt3A_346 = arith.cmpi slt, %add3A_333, %lt3A_345 : i32
            %and3A_347 = arith.andi %ge3A_344, %lt3A_346 : i1
            %rem3A_348 = arith.constant 16 : i32
            %rem3A_349 = arith.remsi %add3A_333, %rem3A_348 : i32
            %jit3A_350 = arith.constant 16 : i32
            %select_n3A_351 = arith.select %and3A_347, %rem3A_349, %jit3A_350 : i32
            %mul3A_352 = arith.constant 16 : i32
            %mul3A_353 = arith.muli %scan3A_194, %mul3A_352 : i32
            %add3A_354 = arith.addi %mul3A_187, %mul3A_353 : i32
            %add3A_355 = arith.constant 3 : i32
            %add3A_356 = arith.addi %add3A_354, %add3A_355 : i32
            %eq3A_357 = vector.broadcast %select_n3A_351 : i32 to vector<16xi32>
            %eq3A_358 = arith.cmpi eq, %iota3A, %eq3A_357 : vector<16xi32>
            %broadcast_in_dim3A_359 = vector.broadcast %squeeze3A_343 : f32 to vector<16xf32>
            %select_n3A_360 = arith.select %eq3A_358, %broadcast_in_dim3A_359, %select_n3A_325 : vector<16xi1>, vector<16xf32>
            %eq3A_361 = vector.broadcast %select_n3A_351 : i32 to vector<16xi32>
            %eq3A_362 = arith.cmpi eq, %iota3A, %eq3A_361 : vector<16xi32>
            %broadcast_in_dim3A_363 = vector.broadcast %add3A_356 : i32 to vector<16xi32>
            %select_n3A_364 = arith.select %eq3A_362, %broadcast_in_dim3A_363, %select_n3A_329 : vector<16xi1>, vector<16xi32>
            %jit3A_365 = arith.constant 1 : i32
            %jit3A_366 = arith.constant 0 : i32
            %select_n3A_367 = arith.select %and3A_347, %jit3A_365, %jit3A_366 : i32
            %add3A_368 = arith.addi %add3A_333, %select_n3A_367 : i32
            %rem3A_369 = arith.constant 16 : i32
            %rem3A_370 = arith.remsi %add3A_368, %rem3A_369 : i32
            %eq3A_371 = arith.constant 0 : i32
            %eq3A_372 = arith.cmpi eq, %rem3A_370, %eq3A_371 : i32
            %and3A_373 = arith.andi %and3A_347, %eq3A_372 : i1
            %convert_element_type3A_374 = arith.extui %and3A_373 : i1 to i32
            %cond3A_375 = arith.constant 0 : i32
            %cond3A_376 = arith.cmpi ne, %convert_element_type3A_374, %cond3A_375 : i32
            scf.if %cond3A_376 {
              %sub3A_805 = arith.constant 16 : i32
              %sub3A_806 = arith.subi %add3A_368, %sub3A_805 : i32
              %swap3A_807 = arith.index_cast %sub3A_806 : i32 to index
              %swap3A_808 = tpu.vector_load %arg9[%swap3A_807] {strides = array<i32>} : memref<4224xf32, #tpu.memory_space<vmem>>, vector<16xf32>,
              %swap3A_809 = vector.shape_cast %swap3A_808 : vector<16xf32> to vector<16xf32>
              %swap3A_810 = vector.shape_cast %select_n3A_360 : vector<16xf32> to vector<16xf32>
              tpu.vector_store %arg9[%swap3A_807], %swap3A_810 {strides = array<i32>} : memref<4224xf32, #tpu.memory_space<vmem>>, vector<16xf32>,
              %sub3A_811 = arith.constant 16 : i32
              %sub3A_812 = arith.subi %add3A_368, %sub3A_811 : i32
              %swap3A_813 = arith.index_cast %sub3A_812 : i32 to index
              %swap3A_814 = tpu.vector_load %arg10[%swap3A_813] {strides = array<i32>} : memref<4224xi32, #tpu.memory_space<vmem>>, vector<16xi32>,
              %swap3A_815 = vector.shape_cast %swap3A_814 : vector<16xi32> to vector<16xi32>
              %swap3A_816 = vector.shape_cast %select_n3A_364 : vector<16xi32> to vector<16xi32>
              tpu.vector_store %arg10[%swap3A_813], %swap3A_816 {strides = array<i32>} : memref<4224xi32, #tpu.memory_space<vmem>>, vector<16xi32>,
            } else {
            }
            %slice3A_377 = vector.extract_strided_slice %get3A_201 {offsets = [4], sizes = [1], strides = [1]} : vector<16xf32> to vector<1xf32>
            %squeeze3A_378 = vector.extract %slice3A_377[0] : f32 from vector<1xf32>
            %ge3A_379 = arith.cmpf oge, %squeeze3A_378, %scan3A_7 : f32
            %lt3A_380 = arith.constant 4096 : i32
            %lt3A_381 = arith.cmpi slt, %add3A_368, %lt3A_380 : i32
            %and3A_382 = arith.andi %ge3A_379, %lt3A_381 : i1
            %rem3A_383 = arith.constant 16 : i32
            %rem3A_384 = arith.remsi %add3A_368, %rem3A_383 : i32
            %jit3A_385 = arith.constant 16 : i32
            %select_n3A_386 = arith.select %and3A_382, %rem3A_384, %jit3A_385 : i32
            %mul3A_387 = arith.constant 16 : i32
            %mul3A_388 = arith.muli %scan3A_194, %mul3A_387 : i32
            %add3A_389 = arith.addi %mul3A_187, %mul3A_388 : i32
            %add3A_390 = arith.constant 4 : i32
            %add3A_391 = arith.addi %add3A_389, %add3A_390 : i32
            %eq3A_392 = vector.broadcast %select_n3A_386 : i32 to vector<16xi32>
            %eq3A_393 = arith.cmpi eq, %iota3A, %eq3A_392 : vector<16xi32>
            %broadcast_in_dim3A_394 = vector.broadcast %squeeze3A_378 : f32 to vector<16xf32>
            %select_n3A_395 = arith.select %eq3A_393, %broadcast_in_dim3A_394, %select_n3A_360 : vector<16xi1>, vector<16xf32>
            %eq3A_396 = vector.broadcast %select_n3A_386 : i32 to vector<16xi32>
            %eq3A_397 = arith.cmpi eq, %iota3A, %eq3A_396 : vector<16xi32>
            %broadcast_in_dim3A_398 = vector.broadcast %add3A_391 : i32 to vector<16xi32>
            %select_n3A_399 = arith.select %eq3A_397, %broadcast_in_dim3A_398, %select_n3A_364 : vector<16xi1>, vector<16xi32>
            %jit3A_400 = arith.constant 1 : i32
            %jit3A_401 = arith.constant 0 : i32
            %select_n3A_402 = arith.select %and3A_382, %jit3A_400, %jit3A_401 : i32
            %add3A_403 = arith.addi %add3A_368, %select_n3A_402 : i32
            %rem3A_404 = arith.constant 16 : i32
            %rem3A_405 = arith.remsi %add3A_403, %rem3A_404 : i32
            %eq3A_406 = arith.constant 0 : i32
            %eq3A_407 = arith.cmpi eq, %rem3A_405, %eq3A_406 : i32
            %and3A_408 = arith.andi %and3A_382, %eq3A_407 : i1
            %convert_element_type3A_409 = arith.extui %and3A_408 : i1 to i32
            %cond3A_410 = arith.constant 0 : i32
            %cond3A_411 = arith.cmpi ne, %convert_element_type3A_409, %cond3A_410 : i32
            scf.if %cond3A_411 {
              %sub3A_805 = arith.constant 16 : i32
              %sub3A_806 = arith.subi %add3A_403, %sub3A_805 : i32
              %swap3A_807 = arith.index_cast %sub3A_806 : i32 to index
              %swap3A_808 = tpu.vector_load %arg9[%swap3A_807] {strides = array<i32>} : memref<4224xf32, #tpu.memory_space<vmem>>, vector<16xf32>,
              %swap3A_809 = vector.shape_cast %swap3A_808 : vector<16xf32> to vector<16xf32>
              %swap3A_810 = vector.shape_cast %select_n3A_395 : vector<16xf32> to vector<16xf32>
              tpu.vector_store %arg9[%swap3A_807], %swap3A_810 {strides = array<i32>} : memref<4224xf32, #tpu.memory_space<vmem>>, vector<16xf32>,
              %sub3A_811 = arith.constant 16 : i32
              %sub3A_812 = arith.subi %add3A_403, %sub3A_811 : i32
              %swap3A_813 = arith.index_cast %sub3A_812 : i32 to index
              %swap3A_814 = tpu.vector_load %arg10[%swap3A_813] {strides = array<i32>} : memref<4224xi32, #tpu.memory_space<vmem>>, vector<16xi32>,
              %swap3A_815 = vector.shape_cast %swap3A_814 : vector<16xi32> to vector<16xi32>
              %swap3A_816 = vector.shape_cast %select_n3A_399 : vector<16xi32> to vector<16xi32>
              tpu.vector_store %arg10[%swap3A_813], %swap3A_816 {strides = array<i32>} : memref<4224xi32, #tpu.memory_space<vmem>>, vector<16xi32>,
            } else {
            }
            %slice3A_412 = vector.extract_strided_slice %get3A_201 {offsets = [5], sizes = [1], strides = [1]} : vector<16xf32> to vector<1xf32>
            %squeeze3A_413 = vector.extract %slice3A_412[0] : f32 from vector<1xf32>
            %ge3A_414 = arith.cmpf oge, %squeeze3A_413, %scan3A_7 : f32
            %lt3A_415 = arith.constant 4096 : i32
            %lt3A_416 = arith.cmpi slt, %add3A_403, %lt3A_415 : i32
            %and3A_417 = arith.andi %ge3A_414, %lt3A_416 : i1
            %rem3A_418 = arith.constant 16 : i32
            %rem3A_419 = arith.remsi %add3A_403, %rem3A_418 : i32
            %jit3A_420 = arith.constant 16 : i32
            %select_n3A_421 = arith.select %and3A_417, %rem3A_419, %jit3A_420 : i32
            %mul3A_422 = arith.constant 16 : i32
            %mul3A_423 = arith.muli %scan3A_194, %mul3A_422 : i32
            %add3A_424 = arith.addi %mul3A_187, %mul3A_423 : i32
            %add3A_425 = arith.constant 5 : i32
            %add3A_426 = arith.addi %add3A_424, %add3A_425 : i32
            %eq3A_427 = vector.broadcast %select_n3A_421 : i32 to vector<16xi32>
            %eq3A_428 = arith.cmpi eq, %iota3A, %eq3A_427 : vector<16xi32>
            %broadcast_in_dim3A_429 = vector.broadcast %squeeze3A_413 : f32 to vector<16xf32>
            %select_n3A_430 = arith.select %eq3A_428, %broadcast_in_dim3A_429, %select_n3A_395 : vector<16xi1>, vector<16xf32>
            %eq3A_431 = vector.broadcast %select_n3A_421 : i32 to vector<16xi32>
            %eq3A_432 = arith.cmpi eq, %iota3A, %eq3A_431 : vector<16xi32>
            %broadcast_in_dim3A_433 = vector.broadcast %add3A_426 : i32 to vector<16xi32>
            %select_n3A_434 = arith.select %eq3A_432, %broadcast_in_dim3A_433, %select_n3A_399 : vector<16xi1>, vector<16xi32>
            %jit3A_435 = arith.constant 1 : i32
            %jit3A_436 = arith.constant 0 : i32
            %select_n3A_437 = arith.select %and3A_417, %jit3A_435, %jit3A_436 : i32
            %add3A_438 = arith.addi %add3A_403, %select_n3A_437 : i32
            %rem3A_439 = arith.constant 16 : i32
            %rem3A_440 = arith.remsi %add3A_438, %rem3A_439 : i32
            %eq3A_441 = arith.constant 0 : i32
            %eq3A_442 = arith.cmpi eq, %rem3A_440, %eq3A_441 : i32
            %and3A_443 = arith.andi %and3A_417, %eq3A_442 : i1
            %convert_element_type3A_444 = arith.extui %and3A_443 : i1 to i32
            %cond3A_445 = arith.constant 0 : i32
            %cond3A_446 = arith.cmpi ne, %convert_element_type3A_444, %cond3A_445 : i32
            scf.if %cond3A_446 {
              %sub3A_805 = arith.constant 16 : i32
              %sub3A_806 = arith.subi %add3A_438, %sub3A_805 : i32
              %swap3A_807 = arith.index_cast %sub3A_806 : i32 to index
              %swap3A_808 = tpu.vector_load %arg9[%swap3A_807] {strides = array<i32>} : memref<4224xf32, #tpu.memory_space<vmem>>, vector<16xf32>,
              %swap3A_809 = vector.shape_cast %swap3A_808 : vector<16xf32> to vector<16xf32>
              %swap3A_810 = vector.shape_cast %select_n3A_430 : vector<16xf32> to vector<16xf32>
              tpu.vector_store %arg9[%swap3A_807], %swap3A_810 {strides = array<i32>} : memref<4224xf32, #tpu.memory_space<vmem>>, vector<16xf32>,
              %sub3A_811 = arith.constant 16 : i32
              %sub3A_812 = arith.subi %add3A_438, %sub3A_811 : i32
              %swap3A_813 = arith.index_cast %sub3A_812 : i32 to index
              %swap3A_814 = tpu.vector_load %arg10[%swap3A_813] {strides = array<i32>} : memref<4224xi32, #tpu.memory_space<vmem>>, vector<16xi32>,
              %swap3A_815 = vector.shape_cast %swap3A_814 : vector<16xi32> to vector<16xi32>
              %swap3A_816 = vector.shape_cast %select_n3A_434 : vector<16xi32> to vector<16xi32>
              tpu.vector_store %arg10[%swap3A_813], %swap3A_816 {strides = array<i32>} : memref<4224xi32, #tpu.memory_space<vmem>>, vector<16xi32>,
            } else {
            }
            %slice3A_447 = vector.extract_strided_slice %get3A_201 {offsets = [6], sizes = [1], strides = [1]} : vector<16xf32> to vector<1xf32>
            %squeeze3A_448 = vector.extract %slice3A_447[0] : f32 from vector<1xf32>
            %ge3A_449 = arith.cmpf oge, %squeeze3A_448, %scan3A_7 : f32
            %lt3A_450 = arith.constant 4096 : i32
            %lt3A_451 = arith.cmpi slt, %add3A_438, %lt3A_450 : i32
            %and3A_452 = arith.andi %ge3A_449, %lt3A_451 : i1
            %rem3A_453 = arith.constant 16 : i32
            %rem3A_454 = arith.remsi %add3A_438, %rem3A_453 : i32
            %jit3A_455 = arith.constant 16 : i32
            %select_n3A_456 = arith.select %and3A_452, %rem3A_454, %jit3A_455 : i32
            %mul3A_457 = arith.constant 16 : i32
            %mul3A_458 = arith.muli %scan3A_194, %mul3A_457 : i32
            %add3A_459 = arith.addi %mul3A_187, %mul3A_458 : i32
            %add3A_460 = arith.constant 6 : i32
            %add3A_461 = arith.addi %add3A_459, %add3A_460 : i32
            %eq3A_462 = vector.broadcast %select_n3A_456 : i32 to vector<16xi32>
            %eq3A_463 = arith.cmpi eq, %iota3A, %eq3A_462 : vector<16xi32>
            %broadcast_in_dim3A_464 = vector.broadcast %squeeze3A_448 : f32 to vector<16xf32>
            %select_n3A_465 = arith.select %eq3A_463, %broadcast_in_dim3A_464, %select_n3A_430 : vector<16xi1>, vector<16xf32>
            %eq3A_466 = vector.broadcast %select_n3A_456 : i32 to vector<16xi32>
            %eq3A_467 = arith.cmpi eq, %iota3A, %eq3A_466 : vector<16xi32>
            %broadcast_in_dim3A_468 = vector.broadcast %add3A_461 : i32 to vector<16xi32>
            %select_n3A_469 = arith.select %eq3A_467, %broadcast_in_dim3A_468, %select_n3A_434 : vector<16xi1>, vector<16xi32>
            %jit3A_470 = arith.constant 1 : i32
            %jit3A_471 = arith.constant 0 : i32
            %select_n3A_472 = arith.select %and3A_452, %jit3A_470, %jit3A_471 : i32
            %add3A_473 = arith.addi %add3A_438, %select_n3A_472 : i32
            %rem3A_474 = arith.constant 16 : i32
            %rem3A_475 = arith.remsi %add3A_473, %rem3A_474 : i32
            %eq3A_476 = arith.constant 0 : i32
            %eq3A_477 = arith.cmpi eq, %rem3A_475, %eq3A_476 : i32
            %and3A_478 = arith.andi %and3A_452, %eq3A_477 : i1
            %convert_element_type3A_479 = arith.extui %and3A_478 : i1 to i32
            %cond3A_480 = arith.constant 0 : i32
            %cond3A_481 = arith.cmpi ne, %convert_element_type3A_479, %cond3A_480 : i32
            scf.if %cond3A_481 {
              %sub3A_805 = arith.constant 16 : i32
              %sub3A_806 = arith.subi %add3A_473, %sub3A_805 : i32
              %swap3A_807 = arith.index_cast %sub3A_806 : i32 to index
              %swap3A_808 = tpu.vector_load %arg9[%swap3A_807] {strides = array<i32>} : memref<4224xf32, #tpu.memory_space<vmem>>, vector<16xf32>,
              %swap3A_809 = vector.shape_cast %swap3A_808 : vector<16xf32> to vector<16xf32>
              %swap3A_810 = vector.shape_cast %select_n3A_465 : vector<16xf32> to vector<16xf32>
              tpu.vector_store %arg9[%swap3A_807], %swap3A_810 {strides = array<i32>} : memref<4224xf32, #tpu.memory_space<vmem>>, vector<16xf32>,
              %sub3A_811 = arith.constant 16 : i32
              %sub3A_812 = arith.subi %add3A_473, %sub3A_811 : i32
              %swap3A_813 = arith.index_cast %sub3A_812 : i32 to index
              %swap3A_814 = tpu.vector_load %arg10[%swap3A_813] {strides = array<i32>} : memref<4224xi32, #tpu.memory_space<vmem>>, vector<16xi32>,
              %swap3A_815 = vector.shape_cast %swap3A_814 : vector<16xi32> to vector<16xi32>
              %swap3A_816 = vector.shape_cast %select_n3A_469 : vector<16xi32> to vector<16xi32>
              tpu.vector_store %arg10[%swap3A_813], %swap3A_816 {strides = array<i32>} : memref<4224xi32, #tpu.memory_space<vmem>>, vector<16xi32>,
            } else {
            }
            %slice3A_482 = vector.extract_strided_slice %get3A_201 {offsets = [7], sizes = [1], strides = [1]} : vector<16xf32> to vector<1xf32>
            %squeeze3A_483 = vector.extract %slice3A_482[0] : f32 from vector<1xf32>
            %ge3A_484 = arith.cmpf oge, %squeeze3A_483, %scan3A_7 : f32
            %lt3A_485 = arith.constant 4096 : i32
            %lt3A_486 = arith.cmpi slt, %add3A_473, %lt3A_485 : i32
            %and3A_487 = arith.andi %ge3A_484, %lt3A_486 : i1
            %rem3A_488 = arith.constant 16 : i32
            %rem3A_489 = arith.remsi %add3A_473, %rem3A_488 : i32
            %jit3A_490 = arith.constant 16 : i32
            %select_n3A_491 = arith.select %and3A_487, %rem3A_489, %jit3A_490 : i32
            %mul3A_492 = arith.constant 16 : i32
            %mul3A_493 = arith.muli %scan3A_194, %mul3A_492 : i32
            %add3A_494 = arith.addi %mul3A_187, %mul3A_493 : i32
            %add3A_495 = arith.constant 7 : i32
            %add3A_496 = arith.addi %add3A_494, %add3A_495 : i32
            %eq3A_497 = vector.broadcast %select_n3A_491 : i32 to vector<16xi32>
            %eq3A_498 = arith.cmpi eq, %iota3A, %eq3A_497 : vector<16xi32>
            %broadcast_in_dim3A_499 = vector.broadcast %squeeze3A_483 : f32 to vector<16xf32>
            %select_n3A_500 = arith.select %eq3A_498, %broadcast_in_dim3A_499, %select_n3A_465 : vector<16xi1>, vector<16xf32>
            %eq3A_501 = vector.broadcast %select_n3A_491 : i32 to vector<16xi32>
            %eq3A_502 = arith.cmpi eq, %iota3A, %eq3A_501 : vector<16xi32>
            %broadcast_in_dim3A_503 = vector.broadcast %add3A_496 : i32 to vector<16xi32>
            %select_n3A_504 = arith.select %eq3A_502, %broadcast_in_dim3A_503, %select_n3A_469 : vector<16xi1>, vector<16xi32>
            %jit3A_505 = arith.constant 1 : i32
            %jit3A_506 = arith.constant 0 : i32
            %select_n3A_507 = arith.select %and3A_487, %jit3A_505, %jit3A_506 : i32
            %add3A_508 = arith.addi %add3A_473, %select_n3A_507 : i32
            %rem3A_509 = arith.constant 16 : i32
            %rem3A_510 = arith.remsi %add3A_508, %rem3A_509 : i32
            %eq3A_511 = arith.constant 0 : i32
            %eq3A_512 = arith.cmpi eq, %rem3A_510, %eq3A_511 : i32
            %and3A_513 = arith.andi %and3A_487, %eq3A_512 : i1
            %convert_element_type3A_514 = arith.extui %and3A_513 : i1 to i32
            %cond3A_515 = arith.constant 0 : i32
            %cond3A_516 = arith.cmpi ne, %convert_element_type3A_514, %cond3A_515 : i32
            scf.if %cond3A_516 {
              %sub3A_805 = arith.constant 16 : i32
              %sub3A_806 = arith.subi %add3A_508, %sub3A_805 : i32
              %swap3A_807 = arith.index_cast %sub3A_806 : i32 to index
              %swap3A_808 = tpu.vector_load %arg9[%swap3A_807] {strides = array<i32>} : memref<4224xf32, #tpu.memory_space<vmem>>, vector<16xf32>,
              %swap3A_809 = vector.shape_cast %swap3A_808 : vector<16xf32> to vector<16xf32>
              %swap3A_810 = vector.shape_cast %select_n3A_500 : vector<16xf32> to vector<16xf32>
              tpu.vector_store %arg9[%swap3A_807], %swap3A_810 {strides = array<i32>} : memref<4224xf32, #tpu.memory_space<vmem>>, vector<16xf32>,
              %sub3A_811 = arith.constant 16 : i32
              %sub3A_812 = arith.subi %add3A_508, %sub3A_811 : i32
              %swap3A_813 = arith.index_cast %sub3A_812 : i32 to index
              %swap3A_814 = tpu.vector_load %arg10[%swap3A_813] {strides = array<i32>} : memref<4224xi32, #tpu.memory_space<vmem>>, vector<16xi32>,
              %swap3A_815 = vector.shape_cast %swap3A_814 : vector<16xi32> to vector<16xi32>
              %swap3A_816 = vector.shape_cast %select_n3A_504 : vector<16xi32> to vector<16xi32>
              tpu.vector_store %arg10[%swap3A_813], %swap3A_816 {strides = array<i32>} : memref<4224xi32, #tpu.memory_space<vmem>>, vector<16xi32>,
            } else {
            }
            %slice3A_517 = vector.extract_strided_slice %get3A_201 {offsets = [8], sizes = [1], strides = [1]} : vector<16xf32> to vector<1xf32>
            %squeeze3A_518 = vector.extract %slice3A_517[0] : f32 from vector<1xf32>
            %ge3A_519 = arith.cmpf oge, %squeeze3A_518, %scan3A_7 : f32
            %lt3A_520 = arith.constant 4096 : i32
            %lt3A_521 = arith.cmpi slt, %add3A_508, %lt3A_520 : i32
            %and3A_522 = arith.andi %ge3A_519, %lt3A_521 : i1
            %rem3A_523 = arith.constant 16 : i32
            %rem3A_524 = arith.remsi %add3A_508, %rem3A_523 : i32
            %jit3A_525 = arith.constant 16 : i32
            %select_n3A_526 = arith.select %and3A_522, %rem3A_524, %jit3A_525 : i32
            %mul3A_527 = arith.constant 16 : i32
            %mul3A_528 = arith.muli %scan3A_194, %mul3A_527 : i32
            %add3A_529 = arith.addi %mul3A_187, %mul3A_528 : i32
            %add3A_530 = arith.constant 8 : i32
            %add3A_531 = arith.addi %add3A_529, %add3A_530 : i32
            %eq3A_532 = vector.broadcast %select_n3A_526 : i32 to vector<16xi32>
            %eq3A_533 = arith.cmpi eq, %iota3A, %eq3A_532 : vector<16xi32>
            %broadcast_in_dim3A_534 = vector.broadcast %squeeze3A_518 : f32 to vector<16xf32>
            %select_n3A_535 = arith.select %eq3A_533, %broadcast_in_dim3A_534, %select_n3A_500 : vector<16xi1>, vector<16xf32>
            %eq3A_536 = vector.broadcast %select_n3A_526 : i32 to vector<16xi32>
            %eq3A_537 = arith.cmpi eq, %iota3A, %eq3A_536 : vector<16xi32>
            %broadcast_in_dim3A_538 = vector.broadcast %add3A_531 : i32 to vector<16xi32>
            %select_n3A_539 = arith.select %eq3A_537, %broadcast_in_dim3A_538, %select_n3A_504 : vector<16xi1>, vector<16xi32>
            %jit3A_540 = arith.constant 1 : i32
            %jit3A_541 = arith.constant 0 : i32
            %select_n3A_542 = arith.select %and3A_522, %jit3A_540, %jit3A_541 : i32
            %add3A_543 = arith.addi %add3A_508, %select_n3A_542 : i32
            %rem3A_544 = arith.constant 16 : i32
            %rem3A_545 = arith.remsi %add3A_543, %rem3A_544 : i32
            %eq3A_546 = arith.constant 0 : i32
            %eq3A_547 = arith.cmpi eq, %rem3A_545, %eq3A_546 : i32
            %and3A_548 = arith.andi %and3A_522, %eq3A_547 : i1
            %convert_element_type3A_549 = arith.extui %and3A_548 : i1 to i32
            %cond3A_550 = arith.constant 0 : i32
            %cond3A_551 = arith.cmpi ne, %convert_element_type3A_549, %cond3A_550 : i32
            scf.if %cond3A_551 {
              %sub3A_805 = arith.constant 16 : i32
              %sub3A_806 = arith.subi %add3A_543, %sub3A_805 : i32
              %swap3A_807 = arith.index_cast %sub3A_806 : i32 to index
              %swap3A_808 = tpu.vector_load %arg9[%swap3A_807] {strides = array<i32>} : memref<4224xf32, #tpu.memory_space<vmem>>, vector<16xf32>,
              %swap3A_809 = vector.shape_cast %swap3A_808 : vector<16xf32> to vector<16xf32>
              %swap3A_810 = vector.shape_cast %select_n3A_535 : vector<16xf32> to vector<16xf32>
              tpu.vector_store %arg9[%swap3A_807], %swap3A_810 {strides = array<i32>} : memref<4224xf32, #tpu.memory_space<vmem>>, vector<16xf32>,
              %sub3A_811 = arith.constant 16 : i32
              %sub3A_812 = arith.subi %add3A_543, %sub3A_811 : i32
              %swap3A_813 = arith.index_cast %sub3A_812 : i32 to index
              %swap3A_814 = tpu.vector_load %arg10[%swap3A_813] {strides = array<i32>} : memref<4224xi32, #tpu.memory_space<vmem>>, vector<16xi32>,
              %swap3A_815 = vector.shape_cast %swap3A_814 : vector<16xi32> to vector<16xi32>
              %swap3A_816 = vector.shape_cast %select_n3A_539 : vector<16xi32> to vector<16xi32>
              tpu.vector_store %arg10[%swap3A_813], %swap3A_816 {strides = array<i32>} : memref<4224xi32, #tpu.memory_space<vmem>>, vector<16xi32>,
            } else {
            }
            %slice3A_552 = vector.extract_strided_slice %get3A_201 {offsets = [9], sizes = [1], strides = [1]} : vector<16xf32> to vector<1xf32>
            %squeeze3A_553 = vector.extract %slice3A_552[0] : f32 from vector<1xf32>
            %ge3A_554 = arith.cmpf oge, %squeeze3A_553, %scan3A_7 : f32
            %lt3A_555 = arith.constant 4096 : i32
            %lt3A_556 = arith.cmpi slt, %add3A_543, %lt3A_555 : i32
            %and3A_557 = arith.andi %ge3A_554, %lt3A_556 : i1
            %rem3A_558 = arith.constant 16 : i32
            %rem3A_559 = arith.remsi %add3A_543, %rem3A_558 : i32
            %jit3A_560 = arith.constant 16 : i32
            %select_n3A_561 = arith.select %and3A_557, %rem3A_559, %jit3A_560 : i32
            %mul3A_562 = arith.constant 16 : i32
            %mul3A_563 = arith.muli %scan3A_194, %mul3A_562 : i32
            %add3A_564 = arith.addi %mul3A_187, %mul3A_563 : i32
            %add3A_565 = arith.constant 9 : i32
            %add3A_566 = arith.addi %add3A_564, %add3A_565 : i32
            %eq3A_567 = vector.broadcast %select_n3A_561 : i32 to vector<16xi32>
            %eq3A_568 = arith.cmpi eq, %iota3A, %eq3A_567 : vector<16xi32>
            %broadcast_in_dim3A_569 = vector.broadcast %squeeze3A_553 : f32 to vector<16xf32>
            %select_n3A_570 = arith.select %eq3A_568, %broadcast_in_dim3A_569, %select_n3A_535 : vector<16xi1>, vector<16xf32>
            %eq3A_571 = vector.broadcast %select_n3A_561 : i32 to vector<16xi32>
            %eq3A_572 = arith.cmpi eq, %iota3A, %eq3A_571 : vector<16xi32>
            %broadcast_in_dim3A_573 = vector.broadcast %add3A_566 : i32 to vector<16xi32>
            %select_n3A_574 = arith.select %eq3A_572, %broadcast_in_dim3A_573, %select_n3A_539 : vector<16xi1>, vector<16xi32>
            %jit3A_575 = arith.constant 1 : i32
            %jit3A_576 = arith.constant 0 : i32
            %select_n3A_577 = arith.select %and3A_557, %jit3A_575, %jit3A_576 : i32
            %add3A_578 = arith.addi %add3A_543, %select_n3A_577 : i32
            %rem3A_579 = arith.constant 16 : i32
            %rem3A_580 = arith.remsi %add3A_578, %rem3A_579 : i32
            %eq3A_581 = arith.constant 0 : i32
            %eq3A_582 = arith.cmpi eq, %rem3A_580, %eq3A_581 : i32
            %and3A_583 = arith.andi %and3A_557, %eq3A_582 : i1
            %convert_element_type3A_584 = arith.extui %and3A_583 : i1 to i32
            %cond3A_585 = arith.constant 0 : i32
            %cond3A_586 = arith.cmpi ne, %convert_element_type3A_584, %cond3A_585 : i32
            scf.if %cond3A_586 {
              %sub3A_805 = arith.constant 16 : i32
              %sub3A_806 = arith.subi %add3A_578, %sub3A_805 : i32
              %swap3A_807 = arith.index_cast %sub3A_806 : i32 to index
              %swap3A_808 = tpu.vector_load %arg9[%swap3A_807] {strides = array<i32>} : memref<4224xf32, #tpu.memory_space<vmem>>, vector<16xf32>,
              %swap3A_809 = vector.shape_cast %swap3A_808 : vector<16xf32> to vector<16xf32>
              %swap3A_810 = vector.shape_cast %select_n3A_570 : vector<16xf32> to vector<16xf32>
              tpu.vector_store %arg9[%swap3A_807], %swap3A_810 {strides = array<i32>} : memref<4224xf32, #tpu.memory_space<vmem>>, vector<16xf32>,
              %sub3A_811 = arith.constant 16 : i32
              %sub3A_812 = arith.subi %add3A_578, %sub3A_811 : i32
              %swap3A_813 = arith.index_cast %sub3A_812 : i32 to index
              %swap3A_814 = tpu.vector_load %arg10[%swap3A_813] {strides = array<i32>} : memref<4224xi32, #tpu.memory_space<vmem>>, vector<16xi32>,
              %swap3A_815 = vector.shape_cast %swap3A_814 : vector<16xi32> to vector<16xi32>
              %swap3A_816 = vector.shape_cast %select_n3A_574 : vector<16xi32> to vector<16xi32>
              tpu.vector_store %arg10[%swap3A_813], %swap3A_816 {strides = array<i32>} : memref<4224xi32, #tpu.memory_space<vmem>>, vector<16xi32>,
            } else {
            }
            %slice3A_587 = vector.extract_strided_slice %get3A_201 {offsets = [10], sizes = [1], strides = [1]} : vector<16xf32> to vector<1xf32>
            %squeeze3A_588 = vector.extract %slice3A_587[0] : f32 from vector<1xf32>
            %ge3A_589 = arith.cmpf oge, %squeeze3A_588, %scan3A_7 : f32
            %lt3A_590 = arith.constant 4096 : i32
            %lt3A_591 = arith.cmpi slt, %add3A_578, %lt3A_590 : i32
            %and3A_592 = arith.andi %ge3A_589, %lt3A_591 : i1
            %rem3A_593 = arith.constant 16 : i32
            %rem3A_594 = arith.remsi %add3A_578, %rem3A_593 : i32
            %jit3A_595 = arith.constant 16 : i32
            %select_n3A_596 = arith.select %and3A_592, %rem3A_594, %jit3A_595 : i32
            %mul3A_597 = arith.constant 16 : i32
            %mul3A_598 = arith.muli %scan3A_194, %mul3A_597 : i32
            %add3A_599 = arith.addi %mul3A_187, %mul3A_598 : i32
            %add3A_600 = arith.constant 10 : i32
            %add3A_601 = arith.addi %add3A_599, %add3A_600 : i32
            %eq3A_602 = vector.broadcast %select_n3A_596 : i32 to vector<16xi32>
            %eq3A_603 = arith.cmpi eq, %iota3A, %eq3A_602 : vector<16xi32>
            %broadcast_in_dim3A_604 = vector.broadcast %squeeze3A_588 : f32 to vector<16xf32>
            %select_n3A_605 = arith.select %eq3A_603, %broadcast_in_dim3A_604, %select_n3A_570 : vector<16xi1>, vector<16xf32>
            %eq3A_606 = vector.broadcast %select_n3A_596 : i32 to vector<16xi32>
            %eq3A_607 = arith.cmpi eq, %iota3A, %eq3A_606 : vector<16xi32>
            %broadcast_in_dim3A_608 = vector.broadcast %add3A_601 : i32 to vector<16xi32>
            %select_n3A_609 = arith.select %eq3A_607, %broadcast_in_dim3A_608, %select_n3A_574 : vector<16xi1>, vector<16xi32>
            %jit3A_610 = arith.constant 1 : i32
            %jit3A_611 = arith.constant 0 : i32
            %select_n3A_612 = arith.select %and3A_592, %jit3A_610, %jit3A_611 : i32
            %add3A_613 = arith.addi %add3A_578, %select_n3A_612 : i32
            %rem3A_614 = arith.constant 16 : i32
            %rem3A_615 = arith.remsi %add3A_613, %rem3A_614 : i32
            %eq3A_616 = arith.constant 0 : i32
            %eq3A_617 = arith.cmpi eq, %rem3A_615, %eq3A_616 : i32
            %and3A_618 = arith.andi %and3A_592, %eq3A_617 : i1
            %convert_element_type3A_619 = arith.extui %and3A_618 : i1 to i32
            %cond3A_620 = arith.constant 0 : i32
            %cond3A_621 = arith.cmpi ne, %convert_element_type3A_619, %cond3A_620 : i32
            scf.if %cond3A_621 {
              %sub3A_805 = arith.constant 16 : i32
              %sub3A_806 = arith.subi %add3A_613, %sub3A_805 : i32
              %swap3A_807 = arith.index_cast %sub3A_806 : i32 to index
              %swap3A_808 = tpu.vector_load %arg9[%swap3A_807] {strides = array<i32>} : memref<4224xf32, #tpu.memory_space<vmem>>, vector<16xf32>,
              %swap3A_809 = vector.shape_cast %swap3A_808 : vector<16xf32> to vector<16xf32>
              %swap3A_810 = vector.shape_cast %select_n3A_605 : vector<16xf32> to vector<16xf32>
              tpu.vector_store %arg9[%swap3A_807], %swap3A_810 {strides = array<i32>} : memref<4224xf32, #tpu.memory_space<vmem>>, vector<16xf32>,
              %sub3A_811 = arith.constant 16 : i32
              %sub3A_812 = arith.subi %add3A_613, %sub3A_811 : i32
              %swap3A_813 = arith.index_cast %sub3A_812 : i32 to index
              %swap3A_814 = tpu.vector_load %arg10[%swap3A_813] {strides = array<i32>} : memref<4224xi32, #tpu.memory_space<vmem>>, vector<16xi32>,
              %swap3A_815 = vector.shape_cast %swap3A_814 : vector<16xi32> to vector<16xi32>
              %swap3A_816 = vector.shape_cast %select_n3A_609 : vector<16xi32> to vector<16xi32>
              tpu.vector_store %arg10[%swap3A_813], %swap3A_816 {strides = array<i32>} : memref<4224xi32, #tpu.memory_space<vmem>>, vector<16xi32>,
            } else {
            }
            %slice3A_622 = vector.extract_strided_slice %get3A_201 {offsets = [11], sizes = [1], strides = [1]} : vector<16xf32> to vector<1xf32>
            %squeeze3A_623 = vector.extract %slice3A_622[0] : f32 from vector<1xf32>
            %ge3A_624 = arith.cmpf oge, %squeeze3A_623, %scan3A_7 : f32
            %lt3A_625 = arith.constant 4096 : i32
            %lt3A_626 = arith.cmpi slt, %add3A_613, %lt3A_625 : i32
            %and3A_627 = arith.andi %ge3A_624, %lt3A_626 : i1
            %rem3A_628 = arith.constant 16 : i32
            %rem3A_629 = arith.remsi %add3A_613, %rem3A_628 : i32
            %jit3A_630 = arith.constant 16 : i32
            %select_n3A_631 = arith.select %and3A_627, %rem3A_629, %jit3A_630 : i32
            %mul3A_632 = arith.constant 16 : i32
            %mul3A_633 = arith.muli %scan3A_194, %mul3A_632 : i32
            %add3A_634 = arith.addi %mul3A_187, %mul3A_633 : i32
            %add3A_635 = arith.constant 11 : i32
            %add3A_636 = arith.addi %add3A_634, %add3A_635 : i32
            %eq3A_637 = vector.broadcast %select_n3A_631 : i32 to vector<16xi32>
            %eq3A_638 = arith.cmpi eq, %iota3A, %eq3A_637 : vector<16xi32>
            %broadcast_in_dim3A_639 = vector.broadcast %squeeze3A_623 : f32 to vector<16xf32>
            %select_n3A_640 = arith.select %eq3A_638, %broadcast_in_dim3A_639, %select_n3A_605 : vector<16xi1>, vector<16xf32>
            %eq3A_641 = vector.broadcast %select_n3A_631 : i32 to vector<16xi32>
            %eq3A_642 = arith.cmpi eq, %iota3A, %eq3A_641 : vector<16xi32>
            %broadcast_in_dim3A_643 = vector.broadcast %add3A_636 : i32 to vector<16xi32>
            %select_n3A_644 = arith.select %eq3A_642, %broadcast_in_dim3A_643, %select_n3A_609 : vector<16xi1>, vector<16xi32>
            %jit3A_645 = arith.constant 1 : i32
            %jit3A_646 = arith.constant 0 : i32
            %select_n3A_647 = arith.select %and3A_627, %jit3A_645, %jit3A_646 : i32
            %add3A_648 = arith.addi %add3A_613, %select_n3A_647 : i32
            %rem3A_649 = arith.constant 16 : i32
            %rem3A_650 = arith.remsi %add3A_648, %rem3A_649 : i32
            %eq3A_651 = arith.constant 0 : i32
            %eq3A_652 = arith.cmpi eq, %rem3A_650, %eq3A_651 : i32
            %and3A_653 = arith.andi %and3A_627, %eq3A_652 : i1
            %convert_element_type3A_654 = arith.extui %and3A_653 : i1 to i32
            %cond3A_655 = arith.constant 0 : i32
            %cond3A_656 = arith.cmpi ne, %convert_element_type3A_654, %cond3A_655 : i32
            scf.if %cond3A_656 {
              %sub3A_805 = arith.constant 16 : i32
              %sub3A_806 = arith.subi %add3A_648, %sub3A_805 : i32
              %swap3A_807 = arith.index_cast %sub3A_806 : i32 to index
              %swap3A_808 = tpu.vector_load %arg9[%swap3A_807] {strides = array<i32>} : memref<4224xf32, #tpu.memory_space<vmem>>, vector<16xf32>,
              %swap3A_809 = vector.shape_cast %swap3A_808 : vector<16xf32> to vector<16xf32>
              %swap3A_810 = vector.shape_cast %select_n3A_640 : vector<16xf32> to vector<16xf32>
              tpu.vector_store %arg9[%swap3A_807], %swap3A_810 {strides = array<i32>} : memref<4224xf32, #tpu.memory_space<vmem>>, vector<16xf32>,
              %sub3A_811 = arith.constant 16 : i32
              %sub3A_812 = arith.subi %add3A_648, %sub3A_811 : i32
              %swap3A_813 = arith.index_cast %sub3A_812 : i32 to index
              %swap3A_814 = tpu.vector_load %arg10[%swap3A_813] {strides = array<i32>} : memref<4224xi32, #tpu.memory_space<vmem>>, vector<16xi32>,
              %swap3A_815 = vector.shape_cast %swap3A_814 : vector<16xi32> to vector<16xi32>
              %swap3A_816 = vector.shape_cast %select_n3A_644 : vector<16xi32> to vector<16xi32>
              tpu.vector_store %arg10[%swap3A_813], %swap3A_816 {strides = array<i32>} : memref<4224xi32, #tpu.memory_space<vmem>>, vector<16xi32>,
            } else {
            }
            %slice3A_657 = vector.extract_strided_slice %get3A_201 {offsets = [12], sizes = [1], strides = [1]} : vector<16xf32> to vector<1xf32>
            %squeeze3A_658 = vector.extract %slice3A_657[0] : f32 from vector<1xf32>
            %ge3A_659 = arith.cmpf oge, %squeeze3A_658, %scan3A_7 : f32
            %lt3A_660 = arith.constant 4096 : i32
            %lt3A_661 = arith.cmpi slt, %add3A_648, %lt3A_660 : i32
            %and3A_662 = arith.andi %ge3A_659, %lt3A_661 : i1
            %rem3A_663 = arith.constant 16 : i32
            %rem3A_664 = arith.remsi %add3A_648, %rem3A_663 : i32
            %jit3A_665 = arith.constant 16 : i32
            %select_n3A_666 = arith.select %and3A_662, %rem3A_664, %jit3A_665 : i32
            %mul3A_667 = arith.constant 16 : i32
            %mul3A_668 = arith.muli %scan3A_194, %mul3A_667 : i32
            %add3A_669 = arith.addi %mul3A_187, %mul3A_668 : i32
            %add3A_670 = arith.constant 12 : i32
            %add3A_671 = arith.addi %add3A_669, %add3A_670 : i32
            %eq3A_672 = vector.broadcast %select_n3A_666 : i32 to vector<16xi32>
            %eq3A_673 = arith.cmpi eq, %iota3A, %eq3A_672 : vector<16xi32>
            %broadcast_in_dim3A_674 = vector.broadcast %squeeze3A_658 : f32 to vector<16xf32>
            %select_n3A_675 = arith.select %eq3A_673, %broadcast_in_dim3A_674, %select_n3A_640 : vector<16xi1>, vector<16xf32>
            %eq3A_676 = vector.broadcast %select_n3A_666 : i32 to vector<16xi32>
            %eq3A_677 = arith.cmpi eq, %iota3A, %eq3A_676 : vector<16xi32>
            %broadcast_in_dim3A_678 = vector.broadcast %add3A_671 : i32 to vector<16xi32>
            %select_n3A_679 = arith.select %eq3A_677, %broadcast_in_dim3A_678, %select_n3A_644 : vector<16xi1>, vector<16xi32>
            %jit3A_680 = arith.constant 1 : i32
            %jit3A_681 = arith.constant 0 : i32
            %select_n3A_682 = arith.select %and3A_662, %jit3A_680, %jit3A_681 : i32
            %add3A_683 = arith.addi %add3A_648, %select_n3A_682 : i32
            %rem3A_684 = arith.constant 16 : i32
            %rem3A_685 = arith.remsi %add3A_683, %rem3A_684 : i32
            %eq3A_686 = arith.constant 0 : i32
            %eq3A_687 = arith.cmpi eq, %rem3A_685, %eq3A_686 : i32
            %and3A_688 = arith.andi %and3A_662, %eq3A_687 : i1
            %convert_element_type3A_689 = arith.extui %and3A_688 : i1 to i32
            %cond3A_690 = arith.constant 0 : i32
            %cond3A_691 = arith.cmpi ne, %convert_element_type3A_689, %cond3A_690 : i32
            scf.if %cond3A_691 {
              %sub3A_805 = arith.constant 16 : i32
              %sub3A_806 = arith.subi %add3A_683, %sub3A_805 : i32
              %swap3A_807 = arith.index_cast %sub3A_806 : i32 to index
              %swap3A_808 = tpu.vector_load %arg9[%swap3A_807] {strides = array<i32>} : memref<4224xf32, #tpu.memory_space<vmem>>, vector<16xf32>,
              %swap3A_809 = vector.shape_cast %swap3A_808 : vector<16xf32> to vector<16xf32>
              %swap3A_810 = vector.shape_cast %select_n3A_675 : vector<16xf32> to vector<16xf32>
              tpu.vector_store %arg9[%swap3A_807], %swap3A_810 {strides = array<i32>} : memref<4224xf32, #tpu.memory_space<vmem>>, vector<16xf32>,
              %sub3A_811 = arith.constant 16 : i32
              %sub3A_812 = arith.subi %add3A_683, %sub3A_811 : i32
              %swap3A_813 = arith.index_cast %sub3A_812 : i32 to index
              %swap3A_814 = tpu.vector_load %arg10[%swap3A_813] {strides = array<i32>} : memref<4224xi32, #tpu.memory_space<vmem>>, vector<16xi32>,
              %swap3A_815 = vector.shape_cast %swap3A_814 : vector<16xi32> to vector<16xi32>
              %swap3A_816 = vector.shape_cast %select_n3A_679 : vector<16xi32> to vector<16xi32>
              tpu.vector_store %arg10[%swap3A_813], %swap3A_816 {strides = array<i32>} : memref<4224xi32, #tpu.memory_space<vmem>>, vector<16xi32>,
            } else {
            }
            %slice3A_692 = vector.extract_strided_slice %get3A_201 {offsets = [13], sizes = [1], strides = [1]} : vector<16xf32> to vector<1xf32>
            %squeeze3A_693 = vector.extract %slice3A_692[0] : f32 from vector<1xf32>
            %ge3A_694 = arith.cmpf oge, %squeeze3A_693, %scan3A_7 : f32
            %lt3A_695 = arith.constant 4096 : i32
            %lt3A_696 = arith.cmpi slt, %add3A_683, %lt3A_695 : i32
            %and3A_697 = arith.andi %ge3A_694, %lt3A_696 : i1
            %rem3A_698 = arith.constant 16 : i32
            %rem3A_699 = arith.remsi %add3A_683, %rem3A_698 : i32
            %jit3A_700 = arith.constant 16 : i32
            %select_n3A_701 = arith.select %and3A_697, %rem3A_699, %jit3A_700 : i32
            %mul3A_702 = arith.constant 16 : i32
            %mul3A_703 = arith.muli %scan3A_194, %mul3A_702 : i32
            %add3A_704 = arith.addi %mul3A_187, %mul3A_703 : i32
            %add3A_705 = arith.constant 13 : i32
            %add3A_706 = arith.addi %add3A_704, %add3A_705 : i32
            %eq3A_707 = vector.broadcast %select_n3A_701 : i32 to vector<16xi32>
            %eq3A_708 = arith.cmpi eq, %iota3A, %eq3A_707 : vector<16xi32>
            %broadcast_in_dim3A_709 = vector.broadcast %squeeze3A_693 : f32 to vector<16xf32>
            %select_n3A_710 = arith.select %eq3A_708, %broadcast_in_dim3A_709, %select_n3A_675 : vector<16xi1>, vector<16xf32>
            %eq3A_711 = vector.broadcast %select_n3A_701 : i32 to vector<16xi32>
            %eq3A_712 = arith.cmpi eq, %iota3A, %eq3A_711 : vector<16xi32>
            %broadcast_in_dim3A_713 = vector.broadcast %add3A_706 : i32 to vector<16xi32>
            %select_n3A_714 = arith.select %eq3A_712, %broadcast_in_dim3A_713, %select_n3A_679 : vector<16xi1>, vector<16xi32>
            %jit3A_715 = arith.constant 1 : i32
            %jit3A_716 = arith.constant 0 : i32
            %select_n3A_717 = arith.select %and3A_697, %jit3A_715, %jit3A_716 : i32
            %add3A_718 = arith.addi %add3A_683, %select_n3A_717 : i32
            %rem3A_719 = arith.constant 16 : i32
            %rem3A_720 = arith.remsi %add3A_718, %rem3A_719 : i32
            %eq3A_721 = arith.constant 0 : i32
            %eq3A_722 = arith.cmpi eq, %rem3A_720, %eq3A_721 : i32
            %and3A_723 = arith.andi %and3A_697, %eq3A_722 : i1
            %convert_element_type3A_724 = arith.extui %and3A_723 : i1 to i32
            %cond3A_725 = arith.constant 0 : i32
            %cond3A_726 = arith.cmpi ne, %convert_element_type3A_724, %cond3A_725 : i32
            scf.if %cond3A_726 {
              %sub3A_805 = arith.constant 16 : i32
              %sub3A_806 = arith.subi %add3A_718, %sub3A_805 : i32
              %swap3A_807 = arith.index_cast %sub3A_806 : i32 to index
              %swap3A_808 = tpu.vector_load %arg9[%swap3A_807] {strides = array<i32>} : memref<4224xf32, #tpu.memory_space<vmem>>, vector<16xf32>,
              %swap3A_809 = vector.shape_cast %swap3A_808 : vector<16xf32> to vector<16xf32>
              %swap3A_810 = vector.shape_cast %select_n3A_710 : vector<16xf32> to vector<16xf32>
              tpu.vector_store %arg9[%swap3A_807], %swap3A_810 {strides = array<i32>} : memref<4224xf32, #tpu.memory_space<vmem>>, vector<16xf32>,
              %sub3A_811 = arith.constant 16 : i32
              %sub3A_812 = arith.subi %add3A_718, %sub3A_811 : i32
              %swap3A_813 = arith.index_cast %sub3A_812 : i32 to index
              %swap3A_814 = tpu.vector_load %arg10[%swap3A_813] {strides = array<i32>} : memref<4224xi32, #tpu.memory_space<vmem>>, vector<16xi32>,
              %swap3A_815 = vector.shape_cast %swap3A_814 : vector<16xi32> to vector<16xi32>
              %swap3A_816 = vector.shape_cast %select_n3A_714 : vector<16xi32> to vector<16xi32>
              tpu.vector_store %arg10[%swap3A_813], %swap3A_816 {strides = array<i32>} : memref<4224xi32, #tpu.memory_space<vmem>>, vector<16xi32>,
            } else {
            }
            %slice3A_727 = vector.extract_strided_slice %get3A_201 {offsets = [14], sizes = [1], strides = [1]} : vector<16xf32> to vector<1xf32>
            %squeeze3A_728 = vector.extract %slice3A_727[0] : f32 from vector<1xf32>
            %ge3A_729 = arith.cmpf oge, %squeeze3A_728, %scan3A_7 : f32
            %lt3A_730 = arith.constant 4096 : i32
            %lt3A_731 = arith.cmpi slt, %add3A_718, %lt3A_730 : i32
            %and3A_732 = arith.andi %ge3A_729, %lt3A_731 : i1
            %rem3A_733 = arith.constant 16 : i32
            %rem3A_734 = arith.remsi %add3A_718, %rem3A_733 : i32
            %jit3A_735 = arith.constant 16 : i32
            %select_n3A_736 = arith.select %and3A_732, %rem3A_734, %jit3A_735 : i32
            %mul3A_737 = arith.constant 16 : i32
            %mul3A_738 = arith.muli %scan3A_194, %mul3A_737 : i32
            %add3A_739 = arith.addi %mul3A_187, %mul3A_738 : i32
            %add3A_740 = arith.constant 14 : i32
            %add3A_741 = arith.addi %add3A_739, %add3A_740 : i32
            %eq3A_742 = vector.broadcast %select_n3A_736 : i32 to vector<16xi32>
            %eq3A_743 = arith.cmpi eq, %iota3A, %eq3A_742 : vector<16xi32>
            %broadcast_in_dim3A_744 = vector.broadcast %squeeze3A_728 : f32 to vector<16xf32>
            %select_n3A_745 = arith.select %eq3A_743, %broadcast_in_dim3A_744, %select_n3A_710 : vector<16xi1>, vector<16xf32>
            %eq3A_746 = vector.broadcast %select_n3A_736 : i32 to vector<16xi32>
            %eq3A_747 = arith.cmpi eq, %iota3A, %eq3A_746 : vector<16xi32>
            %broadcast_in_dim3A_748 = vector.broadcast %add3A_741 : i32 to vector<16xi32>
            %select_n3A_749 = arith.select %eq3A_747, %broadcast_in_dim3A_748, %select_n3A_714 : vector<16xi1>, vector<16xi32>
            %jit3A_750 = arith.constant 1 : i32
            %jit3A_751 = arith.constant 0 : i32
            %select_n3A_752 = arith.select %and3A_732, %jit3A_750, %jit3A_751 : i32
            %add3A_753 = arith.addi %add3A_718, %select_n3A_752 : i32
            %rem3A_754 = arith.constant 16 : i32
            %rem3A_755 = arith.remsi %add3A_753, %rem3A_754 : i32
            %eq3A_756 = arith.constant 0 : i32
            %eq3A_757 = arith.cmpi eq, %rem3A_755, %eq3A_756 : i32
            %and3A_758 = arith.andi %and3A_732, %eq3A_757 : i1
            %convert_element_type3A_759 = arith.extui %and3A_758 : i1 to i32
            %cond3A_760 = arith.constant 0 : i32
            %cond3A_761 = arith.cmpi ne, %convert_element_type3A_759, %cond3A_760 : i32
            scf.if %cond3A_761 {
              %sub3A_805 = arith.constant 16 : i32
              %sub3A_806 = arith.subi %add3A_753, %sub3A_805 : i32
              %swap3A_807 = arith.index_cast %sub3A_806 : i32 to index
              %swap3A_808 = tpu.vector_load %arg9[%swap3A_807] {strides = array<i32>} : memref<4224xf32, #tpu.memory_space<vmem>>, vector<16xf32>,
              %swap3A_809 = vector.shape_cast %swap3A_808 : vector<16xf32> to vector<16xf32>
              %swap3A_810 = vector.shape_cast %select_n3A_745 : vector<16xf32> to vector<16xf32>
              tpu.vector_store %arg9[%swap3A_807], %swap3A_810 {strides = array<i32>} : memref<4224xf32, #tpu.memory_space<vmem>>, vector<16xf32>,
              %sub3A_811 = arith.constant 16 : i32
              %sub3A_812 = arith.subi %add3A_753, %sub3A_811 : i32
              %swap3A_813 = arith.index_cast %sub3A_812 : i32 to index
              %swap3A_814 = tpu.vector_load %arg10[%swap3A_813] {strides = array<i32>} : memref<4224xi32, #tpu.memory_space<vmem>>, vector<16xi32>,
              %swap3A_815 = vector.shape_cast %swap3A_814 : vector<16xi32> to vector<16xi32>
              %swap3A_816 = vector.shape_cast %select_n3A_749 : vector<16xi32> to vector<16xi32>
              tpu.vector_store %arg10[%swap3A_813], %swap3A_816 {strides = array<i32>} : memref<4224xi32, #tpu.memory_space<vmem>>, vector<16xi32>,
            } else {
            }
            %slice3A_762 = vector.extract_strided_slice %get3A_201 {offsets = [15], sizes = [1], strides = [1]} : vector<16xf32> to vector<1xf32>
            %squeeze3A_763 = vector.extract %slice3A_762[0] : f32 from vector<1xf32>
            %ge3A_764 = arith.cmpf oge, %squeeze3A_763, %scan3A_7 : f32
            %lt3A_765 = arith.constant 4096 : i32
            %lt3A_766 = arith.cmpi slt, %add3A_753, %lt3A_765 : i32
            %and3A_767 = arith.andi %ge3A_764, %lt3A_766 : i1
            %rem3A_768 = arith.constant 16 : i32
            %rem3A_769 = arith.remsi %add3A_753, %rem3A_768 : i32
            %jit3A_770 = arith.constant 16 : i32
            %select_n3A_771 = arith.select %and3A_767, %rem3A_769, %jit3A_770 : i32
            %mul3A_772 = arith.constant 16 : i32
            %mul3A_773 = arith.muli %scan3A_194, %mul3A_772 : i32
            %add3A_774 = arith.addi %mul3A_187, %mul3A_773 : i32
            %add3A_775 = arith.constant 15 : i32
            %add3A_776 = arith.addi %add3A_774, %add3A_775 : i32
            %eq3A_777 = vector.broadcast %select_n3A_771 : i32 to vector<16xi32>
            %eq3A_778 = arith.cmpi eq, %iota3A, %eq3A_777 : vector<16xi32>
            %broadcast_in_dim3A_779 = vector.broadcast %squeeze3A_763 : f32 to vector<16xf32>
            %select_n3A_780 = arith.select %eq3A_778, %broadcast_in_dim3A_779, %select_n3A_745 : vector<16xi1>, vector<16xf32>
            %eq3A_781 = vector.broadcast %select_n3A_771 : i32 to vector<16xi32>
            %eq3A_782 = arith.cmpi eq, %iota3A, %eq3A_781 : vector<16xi32>
            %broadcast_in_dim3A_783 = vector.broadcast %add3A_776 : i32 to vector<16xi32>
            %select_n3A_784 = arith.select %eq3A_782, %broadcast_in_dim3A_783, %select_n3A_749 : vector<16xi1>, vector<16xi32>
            %jit3A_785 = arith.constant 1 : i32
            %jit3A_786 = arith.constant 0 : i32
            %select_n3A_787 = arith.select %and3A_767, %jit3A_785, %jit3A_786 : i32
            %add3A_788 = arith.addi %add3A_753, %select_n3A_787 : i32
            %rem3A_789 = arith.constant 16 : i32
            %rem3A_790 = arith.remsi %add3A_788, %rem3A_789 : i32
            %eq3A_791 = arith.constant 0 : i32
            %eq3A_792 = arith.cmpi eq, %rem3A_790, %eq3A_791 : i32
            %and3A_793 = arith.andi %and3A_767, %eq3A_792 : i1
            %convert_element_type3A_794 = arith.extui %and3A_793 : i1 to i32
            %cond3A_795 = arith.constant 0 : i32
            %cond3A_796 = arith.cmpi ne, %convert_element_type3A_794, %cond3A_795 : i32
            scf.if %cond3A_796 {
              %sub3A_805 = arith.constant 16 : i32
              %sub3A_806 = arith.subi %add3A_788, %sub3A_805 : i32
              %swap3A_807 = arith.index_cast %sub3A_806 : i32 to index
              %swap3A_808 = tpu.vector_load %arg9[%swap3A_807] {strides = array<i32>} : memref<4224xf32, #tpu.memory_space<vmem>>, vector<16xf32>,
              %swap3A_809 = vector.shape_cast %swap3A_808 : vector<16xf32> to vector<16xf32>
              %swap3A_810 = vector.shape_cast %select_n3A_780 : vector<16xf32> to vector<16xf32>
              tpu.vector_store %arg9[%swap3A_807], %swap3A_810 {strides = array<i32>} : memref<4224xf32, #tpu.memory_space<vmem>>, vector<16xf32>,
              %sub3A_811 = arith.constant 16 : i32
              %sub3A_812 = arith.subi %add3A_788, %sub3A_811 : i32
              %swap3A_813 = arith.index_cast %sub3A_812 : i32 to index
              %swap3A_814 = tpu.vector_load %arg10[%swap3A_813] {strides = array<i32>} : memref<4224xi32, #tpu.memory_space<vmem>>, vector<16xi32>,
              %swap3A_815 = vector.shape_cast %swap3A_814 : vector<16xi32> to vector<16xi32>
              %swap3A_816 = vector.shape_cast %select_n3A_784 : vector<16xi32> to vector<16xi32>
              tpu.vector_store %arg10[%swap3A_813], %swap3A_816 {strides = array<i32>} : memref<4224xi32, #tpu.memory_space<vmem>>, vector<16xi32>,
            } else {
            }
            %swap3A_797 = arith.constant 0 : index
            %swap3A_798 = tpu.vector_load %arg14[%swap3A_797] {strides = array<i32>} : memref<16xf32, #tpu.memory_space<vmem>>, vector<16xf32>,
            %swap3A_799 = vector.shape_cast %swap3A_798 : vector<16xf32> to vector<16xf32>
            %swap3A_800 = vector.shape_cast %select_n3A_780 : vector<16xf32> to vector<16xf32>
            tpu.vector_store %arg14[%swap3A_797], %swap3A_800 {strides = array<i32>} : memref<16xf32, #tpu.memory_space<vmem>>, vector<16xf32>,
            %swap3A_801 = arith.constant 0 : index
            %swap3A_802 = tpu.vector_load %arg15[%swap3A_801] {strides = array<i32>} : memref<16xi32, #tpu.memory_space<vmem>>, vector<16xi32>,
            %swap3A_803 = vector.shape_cast %swap3A_802 : vector<16xi32> to vector<16xi32>
            %swap3A_804 = vector.shape_cast %select_n3A_784 : vector<16xi32> to vector<16xi32>
            tpu.vector_store %arg15[%swap3A_801], %swap3A_804 {strides = array<i32>} : memref<16xi32, #tpu.memory_space<vmem>>, vector<16xi32>,
            scf.yield %add3A_788 : i32
          } else {
            scf.yield %scan3A_195 : i32
          }
          scf.yield %cond3A_232 : i32
        }
        %scan3A_193 = arith.constant 8 : i32
        scf.yield %scan3A_192 : i32
      }
      %while3A_176 = arith.constant 1 : i32
      %while3A_177 = scf.for %while3A_178 = %while3A_173 to %while3A_169 step %while3A_176 iter_args(%while3A_179 = %while3A_175) -> (i32)  : i32 {
        %mul3A_180 = arith.constant 128 : i32
        %mul3A_181 = arith.muli %while3A_150, %mul3A_180 : i32
        %add3A_182 = arith.addi %mul3A_181, %while3A_178 : i32
        %get3A = arith.index_cast %add3A_182 : i32 to index
        %get3A_183 = tpu.vector_load %arg7[%get3A] {strides = array<i32>} : memref<4224xi32, #tpu.memory_space<vmem>>, vector<16xi32>,
        %get3A_184 = vector.shape_cast %get3A_183 : vector<16xi32> to vector<16xi32>
        %slice3A = vector.extract_strided_slice %get3A_184 {offsets = [0], sizes = [1], strides = [1]} : vector<16xi32> to vector<1xi32>
        %squeeze3A = vector.extract %slice3A[0] : i32 from vector<1xi32>
        %sub3A_185 = arith.subi %squeeze3A, %mul3A_2 : i32
        %mul3A_186 = arith.constant 128 : i32
        %mul3A_187 = arith.muli %sub3A_185, %mul3A_186 : i32
        %scan3A_188 = arith.constant 0 : i32
        %scan3A_189 = arith.constant 8 : i32
        %scan3A_190 = arith.addi %scan3A_188, %scan3A_189 : i32
        %scan3A_191 = arith.constant 1 : i32
        %scan3A_192 = scf.for %scan3A_194 = %scan3A_188 to %scan3A_190 step %scan3A_191 iter_args(%scan3A_195 = %while3A_179) -> (i32)  : i32 {
          %mul3A_196 = arith.constant 16 : i32
          %mul3A_197 = arith.muli %scan3A_194, %mul3A_196 : i32
          %get3A_198 = arith.index_cast %while3A_178 : i32 to index
          %get3A_199 = arith.index_cast %mul3A_197 : i32 to index
          %get3A_200 = tpu.vector_load %arg8[%get3A_198, %get3A_199] {strides = array<i32>} : memref<128x128xf32, #tpu.memory_space<vmem>>, vector<1x16xf32>,
          %get3A_201 = vector.shape_cast %get3A_200 : vector<1x16xf32> to vector<16xf32>
          %xor3A = arith.constant 8 : i32
          %xor3A_202 = vector.broadcast %xor3A : i32 to vector<16xi32>
          %xor3A_203 = arith.xori %iota3A, %xor3A_202 : vector<16xi32>
          %broadcast_in_dim3A_204 = vector.shape_cast %xor3A_203 : vector<16xi32> to vector<16x1xi32>
          %gather3A = vector.shape_cast %broadcast_in_dim3A_204 : vector<16x1xi32> to vector<16xi32>
          %gather3A_205 = tpu.dynamic_gather %get3A_201[%gather3A] in [0] : vector<16xf32>, vector<16xi32> -> vector<16xf32>
          %max3A = arith.maximumf %get3A_201, %gather3A_205 : vector<16xf32>
          %xor3A_206 = arith.constant 4 : i32
          %xor3A_207 = vector.broadcast %xor3A_206 : i32 to vector<16xi32>
          %xor3A_208 = arith.xori %iota3A, %xor3A_207 : vector<16xi32>
          %broadcast_in_dim3A_209 = vector.shape_cast %xor3A_208 : vector<16xi32> to vector<16x1xi32>
          %gather3A_210 = vector.shape_cast %broadcast_in_dim3A_209 : vector<16x1xi32> to vector<16xi32>
          %gather3A_211 = tpu.dynamic_gather %max3A[%gather3A_210] in [0] : vector<16xf32>, vector<16xi32> -> vector<16xf32>
          %max3A_212 = arith.maximumf %max3A, %gather3A_211 : vector<16xf32>
          %xor3A_213 = arith.constant 2 : i32
          %xor3A_214 = vector.broadcast %xor3A_213 : i32 to vector<16xi32>
          %xor3A_215 = arith.xori %iota3A, %xor3A_214 : vector<16xi32>
          %broadcast_in_dim3A_216 = vector.shape_cast %xor3A_215 : vector<16xi32> to vector<16x1xi32>
          %gather3A_217 = vector.shape_cast %broadcast_in_dim3A_216 : vector<16x1xi32> to vector<16xi32>
          %gather3A_218 = tpu.dynamic_gather %max3A_212[%gather3A_217] in [0] : vector<16xf32>, vector<16xi32> -> vector<16xf32>
          %max3A_219 = arith.maximumf %max3A_212, %gather3A_218 : vector<16xf32>
          %xor3A_220 = arith.constant 1 : i32
          %xor3A_221 = vector.broadcast %xor3A_220 : i32 to vector<16xi32>
          %xor3A_222 = arith.xori %iota3A, %xor3A_221 : vector<16xi32>
          %broadcast_in_dim3A_223 = vector.shape_cast %xor3A_222 : vector<16xi32> to vector<16x1xi32>
          %gather3A_224 = vector.shape_cast %broadcast_in_dim3A_223 : vector<16x1xi32> to vector<16xi32>
          %gather3A_225 = tpu.dynamic_gather %max3A_219[%gather3A_224] in [0] : vector<16xf32>, vector<16xi32> -> vector<16xf32>
          %max3A_226 = arith.maximumf %max3A_219, %gather3A_225 : vector<16xf32>
          %slice3A_227 = vector.extract_strided_slice %max3A_226 {offsets = [0], sizes = [1], strides = [1]} : vector<16xf32> to vector<1xf32>
          %squeeze3A_228 = vector.extract %slice3A_227[0] : f32 from vector<1xf32>
          %ge3A = arith.cmpf oge, %squeeze3A_228, %scan3A_7 : f32
          %convert_element_type3A_229 = arith.extui %ge3A : i1 to i32
          %cond3A_230 = arith.constant 0 : i32
          %cond3A_231 = arith.cmpi ne, %convert_element_type3A_229, %cond3A_230 : i32
          %cond3A_232 = scf.if %cond3A_231 -> (i32) {
            %get3A_233 = arith.constant 0 : index
            %get3A_234 = tpu.vector_load %arg14[%get3A_233] {strides = array<i32>} : memref<16xf32, #tpu.memory_space<vmem>>, vector<16xf32>,
            %get3A_235 = vector.shape_cast %get3A_234 : vector<16xf32> to vector<16xf32>
            %get3A_236 = arith.constant 0 : index
            %get3A_237 = tpu.vector_load %arg15[%get3A_236] {strides = array<i32>} : memref<16xi32, #tpu.memory_space<vmem>>, vector<16xi32>,
            %get3A_238 = vector.shape_cast %get3A_237 : vector<16xi32> to vector<16xi32>
            %slice3A_239 = vector.extract_strided_slice %get3A_201 {offsets = [0], sizes = [1], strides = [1]} : vector<16xf32> to vector<1xf32>
            %squeeze3A_240 = vector.extract %slice3A_239[0] : f32 from vector<1xf32>
            %ge3A_241 = arith.cmpf oge, %squeeze3A_240, %scan3A_7 : f32
            %lt3A = arith.constant 4096 : i32
            %lt3A_242 = arith.cmpi slt, %scan3A_195, %lt3A : i32
            %and3A_243 = arith.andi %ge3A_241, %lt3A_242 : i1
            %rem3A_244 = arith.constant 16 : i32
            %rem3A_245 = arith.remsi %scan3A_195, %rem3A_244 : i32
            %jit3A_246 = arith.constant 16 : i32
            %select_n3A_247 = arith.select %and3A_243, %rem3A_245, %jit3A_246 : i32
            %mul3A_248 = arith.constant 16 : i32
            %mul3A_249 = arith.muli %scan3A_194, %mul3A_248 : i32
            %add3A_250 = arith.addi %mul3A_187, %mul3A_249 : i32
            %add3A_251 = arith.constant 0 : i32
            %add3A_252 = arith.addi %add3A_250, %add3A_251 : i32
            %eq3A = vector.broadcast %select_n3A_247 : i32 to vector<16xi32>
            %eq3A_253 = arith.cmpi eq, %iota3A, %eq3A : vector<16xi32>
            %broadcast_in_dim3A_254 = vector.broadcast %squeeze3A_240 : f32 to vector<16xf32>
            %select_n3A_255 = arith.select %eq3A_253, %broadcast_in_dim3A_254, %get3A_235 : vector<16xi1>, vector<16xf32>
            %eq3A_256 = vector.broadcast %select_n3A_247 : i32 to vector<16xi32>
            %eq3A_257 = arith.cmpi eq, %iota3A, %eq3A_256 : vector<16xi32>
            %broadcast_in_dim3A_258 = vector.broadcast %add3A_252 : i32 to vector<16xi32>
            %select_n3A_259 = arith.select %eq3A_257, %broadcast_in_dim3A_258, %get3A_238 : vector<16xi1>, vector<16xi32>
            %jit3A_260 = arith.constant 1 : i32
            %jit3A_261 = arith.constant 0 : i32
            %select_n3A_262 = arith.select %and3A_243, %jit3A_260, %jit3A_261 : i32
            %add3A_263 = arith.addi %scan3A_195, %select_n3A_262 : i32
            %rem3A_264 = arith.constant 16 : i32
            %rem3A_265 = arith.remsi %add3A_263, %rem3A_264 : i32
            %eq3A_266 = arith.constant 0 : i32
            %eq3A_267 = arith.cmpi eq, %rem3A_265, %eq3A_266 : i32
            %and3A_268 = arith.andi %and3A_243, %eq3A_267 : i1
            %convert_element_type3A_269 = arith.extui %and3A_268 : i1 to i32
            %cond3A_270 = arith.constant 0 : i32
            %cond3A_271 = arith.cmpi ne, %convert_element_type3A_269, %cond3A_270 : i32
            scf.if %cond3A_271 {
              %sub3A_805 = arith.constant 16 : i32
              %sub3A_806 = arith.subi %add3A_263, %sub3A_805 : i32
              %swap3A_807 = arith.index_cast %sub3A_806 : i32 to index
              %swap3A_808 = tpu.vector_load %arg9[%swap3A_807] {strides = array<i32>} : memref<4224xf32, #tpu.memory_space<vmem>>, vector<16xf32>,
              %swap3A_809 = vector.shape_cast %swap3A_808 : vector<16xf32> to vector<16xf32>
              %swap3A_810 = vector.shape_cast %select_n3A_255 : vector<16xf32> to vector<16xf32>
              tpu.vector_store %arg9[%swap3A_807], %swap3A_810 {strides = array<i32>} : memref<4224xf32, #tpu.memory_space<vmem>>, vector<16xf32>,
              %sub3A_811 = arith.constant 16 : i32
              %sub3A_812 = arith.subi %add3A_263, %sub3A_811 : i32
              %swap3A_813 = arith.index_cast %sub3A_812 : i32 to index
              %swap3A_814 = tpu.vector_load %arg10[%swap3A_813] {strides = array<i32>} : memref<4224xi32, #tpu.memory_space<vmem>>, vector<16xi32>,
              %swap3A_815 = vector.shape_cast %swap3A_814 : vector<16xi32> to vector<16xi32>
              %swap3A_816 = vector.shape_cast %select_n3A_259 : vector<16xi32> to vector<16xi32>
              tpu.vector_store %arg10[%swap3A_813], %swap3A_816 {strides = array<i32>} : memref<4224xi32, #tpu.memory_space<vmem>>, vector<16xi32>,
            } else {
            }
            %slice3A_272 = vector.extract_strided_slice %get3A_201 {offsets = [1], sizes = [1], strides = [1]} : vector<16xf32> to vector<1xf32>
            %squeeze3A_273 = vector.extract %slice3A_272[0] : f32 from vector<1xf32>
            %ge3A_274 = arith.cmpf oge, %squeeze3A_273, %scan3A_7 : f32
            %lt3A_275 = arith.constant 4096 : i32
            %lt3A_276 = arith.cmpi slt, %add3A_263, %lt3A_275 : i32
            %and3A_277 = arith.andi %ge3A_274, %lt3A_276 : i1
            %rem3A_278 = arith.constant 16 : i32
            %rem3A_279 = arith.remsi %add3A_263, %rem3A_278 : i32
            %jit3A_280 = arith.constant 16 : i32
            %select_n3A_281 = arith.select %and3A_277, %rem3A_279, %jit3A_280 : i32
            %mul3A_282 = arith.constant 16 : i32
            %mul3A_283 = arith.muli %scan3A_194, %mul3A_282 : i32
            %add3A_284 = arith.addi %mul3A_187, %mul3A_283 : i32
            %add3A_285 = arith.constant 1 : i32
            %add3A_286 = arith.addi %add3A_284, %add3A_285 : i32
            %eq3A_287 = vector.broadcast %select_n3A_281 : i32 to vector<16xi32>
            %eq3A_288 = arith.cmpi eq, %iota3A, %eq3A_287 : vector<16xi32>
            %broadcast_in_dim3A_289 = vector.broadcast %squeeze3A_273 : f32 to vector<16xf32>
            %select_n3A_290 = arith.select %eq3A_288, %broadcast_in_dim3A_289, %select_n3A_255 : vector<16xi1>, vector<16xf32>
            %eq3A_291 = vector.broadcast %select_n3A_281 : i32 to vector<16xi32>
            %eq3A_292 = arith.cmpi eq, %iota3A, %eq3A_291 : vector<16xi32>
            %broadcast_in_dim3A_293 = vector.broadcast %add3A_286 : i32 to vector<16xi32>
            %select_n3A_294 = arith.select %eq3A_292, %broadcast_in_dim3A_293, %select_n3A_259 : vector<16xi1>, vector<16xi32>
            %jit3A_295 = arith.constant 1 : i32
            %jit3A_296 = arith.constant 0 : i32
            %select_n3A_297 = arith.select %and3A_277, %jit3A_295, %jit3A_296 : i32
            %add3A_298 = arith.addi %add3A_263, %select_n3A_297 : i32
            %rem3A_299 = arith.constant 16 : i32
            %rem3A_300 = arith.remsi %add3A_298, %rem3A_299 : i32
            %eq3A_301 = arith.constant 0 : i32
            %eq3A_302 = arith.cmpi eq, %rem3A_300, %eq3A_301 : i32
            %and3A_303 = arith.andi %and3A_277, %eq3A_302 : i1
            %convert_element_type3A_304 = arith.extui %and3A_303 : i1 to i32
            %cond3A_305 = arith.constant 0 : i32
            %cond3A_306 = arith.cmpi ne, %convert_element_type3A_304, %cond3A_305 : i32
            scf.if %cond3A_306 {
              %sub3A_805 = arith.constant 16 : i32
              %sub3A_806 = arith.subi %add3A_298, %sub3A_805 : i32
              %swap3A_807 = arith.index_cast %sub3A_806 : i32 to index
              %swap3A_808 = tpu.vector_load %arg9[%swap3A_807] {strides = array<i32>} : memref<4224xf32, #tpu.memory_space<vmem>>, vector<16xf32>,
              %swap3A_809 = vector.shape_cast %swap3A_808 : vector<16xf32> to vector<16xf32>
              %swap3A_810 = vector.shape_cast %select_n3A_290 : vector<16xf32> to vector<16xf32>
              tpu.vector_store %arg9[%swap3A_807], %swap3A_810 {strides = array<i32>} : memref<4224xf32, #tpu.memory_space<vmem>>, vector<16xf32>,
              %sub3A_811 = arith.constant 16 : i32
              %sub3A_812 = arith.subi %add3A_298, %sub3A_811 : i32
              %swap3A_813 = arith.index_cast %sub3A_812 : i32 to index
              %swap3A_814 = tpu.vector_load %arg10[%swap3A_813] {strides = array<i32>} : memref<4224xi32, #tpu.memory_space<vmem>>, vector<16xi32>,
              %swap3A_815 = vector.shape_cast %swap3A_814 : vector<16xi32> to vector<16xi32>
              %swap3A_816 = vector.shape_cast %select_n3A_294 : vector<16xi32> to vector<16xi32>
              tpu.vector_store %arg10[%swap3A_813], %swap3A_816 {strides = array<i32>} : memref<4224xi32, #tpu.memory_space<vmem>>, vector<16xi32>,
            } else {
            }
            %slice3A_307 = vector.extract_strided_slice %get3A_201 {offsets = [2], sizes = [1], strides = [1]} : vector<16xf32> to vector<1xf32>
            %squeeze3A_308 = vector.extract %slice3A_307[0] : f32 from vector<1xf32>
            %ge3A_309 = arith.cmpf oge, %squeeze3A_308, %scan3A_7 : f32
            %lt3A_310 = arith.constant 4096 : i32
            %lt3A_311 = arith.cmpi slt, %add3A_298, %lt3A_310 : i32
            %and3A_312 = arith.andi %ge3A_309, %lt3A_311 : i1
            %rem3A_313 = arith.constant 16 : i32
            %rem3A_314 = arith.remsi %add3A_298, %rem3A_313 : i32
            %jit3A_315 = arith.constant 16 : i32
            %select_n3A_316 = arith.select %and3A_312, %rem3A_314, %jit3A_315 : i32
            %mul3A_317 = arith.constant 16 : i32
            %mul3A_318 = arith.muli %scan3A_194, %mul3A_317 : i32
            %add3A_319 = arith.addi %mul3A_187, %mul3A_318 : i32
            %add3A_320 = arith.constant 2 : i32
            %add3A_321 = arith.addi %add3A_319, %add3A_320 : i32
            %eq3A_322 = vector.broadcast %select_n3A_316 : i32 to vector<16xi32>
            %eq3A_323 = arith.cmpi eq, %iota3A, %eq3A_322 : vector<16xi32>
            %broadcast_in_dim3A_324 = vector.broadcast %squeeze3A_308 : f32 to vector<16xf32>
            %select_n3A_325 = arith.select %eq3A_323, %broadcast_in_dim3A_324, %select_n3A_290 : vector<16xi1>, vector<16xf32>
            %eq3A_326 = vector.broadcast %select_n3A_316 : i32 to vector<16xi32>
            %eq3A_327 = arith.cmpi eq, %iota3A, %eq3A_326 : vector<16xi32>
            %broadcast_in_dim3A_328 = vector.broadcast %add3A_321 : i32 to vector<16xi32>
            %select_n3A_329 = arith.select %eq3A_327, %broadcast_in_dim3A_328, %select_n3A_294 : vector<16xi1>, vector<16xi32>
            %jit3A_330 = arith.constant 1 : i32
            %jit3A_331 = arith.constant 0 : i32
            %select_n3A_332 = arith.select %and3A_312, %jit3A_330, %jit3A_331 : i32
            %add3A_333 = arith.addi %add3A_298, %select_n3A_332 : i32
            %rem3A_334 = arith.constant 16 : i32
            %rem3A_335 = arith.remsi %add3A_333, %rem3A_334 : i32
            %eq3A_336 = arith.constant 0 : i32
            %eq3A_337 = arith.cmpi eq, %rem3A_335, %eq3A_336 : i32
            %and3A_338 = arith.andi %and3A_312, %eq3A_337 : i1
            %convert_element_type3A_339 = arith.extui %and3A_338 : i1 to i32
            %cond3A_340 = arith.constant 0 : i32
            %cond3A_341 = arith.cmpi ne, %convert_element_type3A_339, %cond3A_340 : i32
            scf.if %cond3A_341 {
              %sub3A_805 = arith.constant 16 : i32
              %sub3A_806 = arith.subi %add3A_333, %sub3A_805 : i32
              %swap3A_807 = arith.index_cast %sub3A_806 : i32 to index
              %swap3A_808 = tpu.vector_load %arg9[%swap3A_807] {strides = array<i32>} : memref<4224xf32, #tpu.memory_space<vmem>>, vector<16xf32>,
              %swap3A_809 = vector.shape_cast %swap3A_808 : vector<16xf32> to vector<16xf32>
              %swap3A_810 = vector.shape_cast %select_n3A_325 : vector<16xf32> to vector<16xf32>
              tpu.vector_store %arg9[%swap3A_807], %swap3A_810 {strides = array<i32>} : memref<4224xf32, #tpu.memory_space<vmem>>, vector<16xf32>,
              %sub3A_811 = arith.constant 16 : i32
              %sub3A_812 = arith.subi %add3A_333, %sub3A_811 : i32
              %swap3A_813 = arith.index_cast %sub3A_812 : i32 to index
              %swap3A_814 = tpu.vector_load %arg10[%swap3A_813] {strides = array<i32>} : memref<4224xi32, #tpu.memory_space<vmem>>, vector<16xi32>,
              %swap3A_815 = vector.shape_cast %swap3A_814 : vector<16xi32> to vector<16xi32>
              %swap3A_816 = vector.shape_cast %select_n3A_329 : vector<16xi32> to vector<16xi32>
              tpu.vector_store %arg10[%swap3A_813], %swap3A_816 {strides = array<i32>} : memref<4224xi32, #tpu.memory_space<vmem>>, vector<16xi32>,
            } else {
            }
            %slice3A_342 = vector.extract_strided_slice %get3A_201 {offsets = [3], sizes = [1], strides = [1]} : vector<16xf32> to vector<1xf32>
            %squeeze3A_343 = vector.extract %slice3A_342[0] : f32 from vector<1xf32>
            %ge3A_344 = arith.cmpf oge, %squeeze3A_343, %scan3A_7 : f32
            %lt3A_345 = arith.constant 4096 : i32
            %lt3A_346 = arith.cmpi slt, %add3A_333, %lt3A_345 : i32
            %and3A_347 = arith.andi %ge3A_344, %lt3A_346 : i1
            %rem3A_348 = arith.constant 16 : i32
            %rem3A_349 = arith.remsi %add3A_333, %rem3A_348 : i32
            %jit3A_350 = arith.constant 16 : i32
            %select_n3A_351 = arith.select %and3A_347, %rem3A_349, %jit3A_350 : i32
            %mul3A_352 = arith.constant 16 : i32
            %mul3A_353 = arith.muli %scan3A_194, %mul3A_352 : i32
            %add3A_354 = arith.addi %mul3A_187, %mul3A_353 : i32
            %add3A_355 = arith.constant 3 : i32
            %add3A_356 = arith.addi %add3A_354, %add3A_355 : i32
            %eq3A_357 = vector.broadcast %select_n3A_351 : i32 to vector<16xi32>
            %eq3A_358 = arith.cmpi eq, %iota3A, %eq3A_357 : vector<16xi32>
            %broadcast_in_dim3A_359 = vector.broadcast %squeeze3A_343 : f32 to vector<16xf32>
            %select_n3A_360 = arith.select %eq3A_358, %broadcast_in_dim3A_359, %select_n3A_325 : vector<16xi1>, vector<16xf32>
            %eq3A_361 = vector.broadcast %select_n3A_351 : i32 to vector<16xi32>
            %eq3A_362 = arith.cmpi eq, %iota3A, %eq3A_361 : vector<16xi32>
            %broadcast_in_dim3A_363 = vector.broadcast %add3A_356 : i32 to vector<16xi32>
            %select_n3A_364 = arith.select %eq3A_362, %broadcast_in_dim3A_363, %select_n3A_329 : vector<16xi1>, vector<16xi32>
            %jit3A_365 = arith.constant 1 : i32
            %jit3A_366 = arith.constant 0 : i32
            %select_n3A_367 = arith.select %and3A_347, %jit3A_365, %jit3A_366 : i32
            %add3A_368 = arith.addi %add3A_333, %select_n3A_367 : i32
            %rem3A_369 = arith.constant 16 : i32
            %rem3A_370 = arith.remsi %add3A_368, %rem3A_369 : i32
            %eq3A_371 = arith.constant 0 : i32
            %eq3A_372 = arith.cmpi eq, %rem3A_370, %eq3A_371 : i32
            %and3A_373 = arith.andi %and3A_347, %eq3A_372 : i1
            %convert_element_type3A_374 = arith.extui %and3A_373 : i1 to i32
            %cond3A_375 = arith.constant 0 : i32
            %cond3A_376 = arith.cmpi ne, %convert_element_type3A_374, %cond3A_375 : i32
            scf.if %cond3A_376 {
              %sub3A_805 = arith.constant 16 : i32
              %sub3A_806 = arith.subi %add3A_368, %sub3A_805 : i32
              %swap3A_807 = arith.index_cast %sub3A_806 : i32 to index
              %swap3A_808 = tpu.vector_load %arg9[%swap3A_807] {strides = array<i32>} : memref<4224xf32, #tpu.memory_space<vmem>>, vector<16xf32>,
              %swap3A_809 = vector.shape_cast %swap3A_808 : vector<16xf32> to vector<16xf32>
              %swap3A_810 = vector.shape_cast %select_n3A_360 : vector<16xf32> to vector<16xf32>
              tpu.vector_store %arg9[%swap3A_807], %swap3A_810 {strides = array<i32>} : memref<4224xf32, #tpu.memory_space<vmem>>, vector<16xf32>,
              %sub3A_811 = arith.constant 16 : i32
              %sub3A_812 = arith.subi %add3A_368, %sub3A_811 : i32
              %swap3A_813 = arith.index_cast %sub3A_812 : i32 to index
              %swap3A_814 = tpu.vector_load %arg10[%swap3A_813] {strides = array<i32>} : memref<4224xi32, #tpu.memory_space<vmem>>, vector<16xi32>,
              %swap3A_815 = vector.shape_cast %swap3A_814 : vector<16xi32> to vector<16xi32>
              %swap3A_816 = vector.shape_cast %select_n3A_364 : vector<16xi32> to vector<16xi32>
              tpu.vector_store %arg10[%swap3A_813], %swap3A_816 {strides = array<i32>} : memref<4224xi32, #tpu.memory_space<vmem>>, vector<16xi32>,
            } else {
            }
            %slice3A_377 = vector.extract_strided_slice %get3A_201 {offsets = [4], sizes = [1], strides = [1]} : vector<16xf32> to vector<1xf32>
            %squeeze3A_378 = vector.extract %slice3A_377[0] : f32 from vector<1xf32>
            %ge3A_379 = arith.cmpf oge, %squeeze3A_378, %scan3A_7 : f32
            %lt3A_380 = arith.constant 4096 : i32
            %lt3A_381 = arith.cmpi slt, %add3A_368, %lt3A_380 : i32
            %and3A_382 = arith.andi %ge3A_379, %lt3A_381 : i1
            %rem3A_383 = arith.constant 16 : i32
            %rem3A_384 = arith.remsi %add3A_368, %rem3A_383 : i32
            %jit3A_385 = arith.constant 16 : i32
            %select_n3A_386 = arith.select %and3A_382, %rem3A_384, %jit3A_385 : i32
            %mul3A_387 = arith.constant 16 : i32
            %mul3A_388 = arith.muli %scan3A_194, %mul3A_387 : i32
            %add3A_389 = arith.addi %mul3A_187, %mul3A_388 : i32
            %add3A_390 = arith.constant 4 : i32
            %add3A_391 = arith.addi %add3A_389, %add3A_390 : i32
            %eq3A_392 = vector.broadcast %select_n3A_386 : i32 to vector<16xi32>
            %eq3A_393 = arith.cmpi eq, %iota3A, %eq3A_392 : vector<16xi32>
            %broadcast_in_dim3A_394 = vector.broadcast %squeeze3A_378 : f32 to vector<16xf32>
            %select_n3A_395 = arith.select %eq3A_393, %broadcast_in_dim3A_394, %select_n3A_360 : vector<16xi1>, vector<16xf32>
            %eq3A_396 = vector.broadcast %select_n3A_386 : i32 to vector<16xi32>
            %eq3A_397 = arith.cmpi eq, %iota3A, %eq3A_396 : vector<16xi32>
            %broadcast_in_dim3A_398 = vector.broadcast %add3A_391 : i32 to vector<16xi32>
            %select_n3A_399 = arith.select %eq3A_397, %broadcast_in_dim3A_398, %select_n3A_364 : vector<16xi1>, vector<16xi32>
            %jit3A_400 = arith.constant 1 : i32
            %jit3A_401 = arith.constant 0 : i32
            %select_n3A_402 = arith.select %and3A_382, %jit3A_400, %jit3A_401 : i32
            %add3A_403 = arith.addi %add3A_368, %select_n3A_402 : i32
            %rem3A_404 = arith.constant 16 : i32
            %rem3A_405 = arith.remsi %add3A_403, %rem3A_404 : i32
            %eq3A_406 = arith.constant 0 : i32
            %eq3A_407 = arith.cmpi eq, %rem3A_405, %eq3A_406 : i32
            %and3A_408 = arith.andi %and3A_382, %eq3A_407 : i1
            %convert_element_type3A_409 = arith.extui %and3A_408 : i1 to i32
            %cond3A_410 = arith.constant 0 : i32
            %cond3A_411 = arith.cmpi ne, %convert_element_type3A_409, %cond3A_410 : i32
            scf.if %cond3A_411 {
              %sub3A_805 = arith.constant 16 : i32
              %sub3A_806 = arith.subi %add3A_403, %sub3A_805 : i32
              %swap3A_807 = arith.index_cast %sub3A_806 : i32 to index
              %swap3A_808 = tpu.vector_load %arg9[%swap3A_807] {strides = array<i32>} : memref<4224xf32, #tpu.memory_space<vmem>>, vector<16xf32>,
              %swap3A_809 = vector.shape_cast %swap3A_808 : vector<16xf32> to vector<16xf32>
              %swap3A_810 = vector.shape_cast %select_n3A_395 : vector<16xf32> to vector<16xf32>
              tpu.vector_store %arg9[%swap3A_807], %swap3A_810 {strides = array<i32>} : memref<4224xf32, #tpu.memory_space<vmem>>, vector<16xf32>,
              %sub3A_811 = arith.constant 16 : i32
              %sub3A_812 = arith.subi %add3A_403, %sub3A_811 : i32
              %swap3A_813 = arith.index_cast %sub3A_812 : i32 to index
              %swap3A_814 = tpu.vector_load %arg10[%swap3A_813] {strides = array<i32>} : memref<4224xi32, #tpu.memory_space<vmem>>, vector<16xi32>,
              %swap3A_815 = vector.shape_cast %swap3A_814 : vector<16xi32> to vector<16xi32>
              %swap3A_816 = vector.shape_cast %select_n3A_399 : vector<16xi32> to vector<16xi32>
              tpu.vector_store %arg10[%swap3A_813], %swap3A_816 {strides = array<i32>} : memref<4224xi32, #tpu.memory_space<vmem>>, vector<16xi32>,
            } else {
            }
            %slice3A_412 = vector.extract_strided_slice %get3A_201 {offsets = [5], sizes = [1], strides = [1]} : vector<16xf32> to vector<1xf32>
            %squeeze3A_413 = vector.extract %slice3A_412[0] : f32 from vector<1xf32>
            %ge3A_414 = arith.cmpf oge, %squeeze3A_413, %scan3A_7 : f32
            %lt3A_415 = arith.constant 4096 : i32
            %lt3A_416 = arith.cmpi slt, %add3A_403, %lt3A_415 : i32
            %and3A_417 = arith.andi %ge3A_414, %lt3A_416 : i1
            %rem3A_418 = arith.constant 16 : i32
            %rem3A_419 = arith.remsi %add3A_403, %rem3A_418 : i32
            %jit3A_420 = arith.constant 16 : i32
            %select_n3A_421 = arith.select %and3A_417, %rem3A_419, %jit3A_420 : i32
            %mul3A_422 = arith.constant 16 : i32
            %mul3A_423 = arith.muli %scan3A_194, %mul3A_422 : i32
            %add3A_424 = arith.addi %mul3A_187, %mul3A_423 : i32
            %add3A_425 = arith.constant 5 : i32
            %add3A_426 = arith.addi %add3A_424, %add3A_425 : i32
            %eq3A_427 = vector.broadcast %select_n3A_421 : i32 to vector<16xi32>
            %eq3A_428 = arith.cmpi eq, %iota3A, %eq3A_427 : vector<16xi32>
            %broadcast_in_dim3A_429 = vector.broadcast %squeeze3A_413 : f32 to vector<16xf32>
            %select_n3A_430 = arith.select %eq3A_428, %broadcast_in_dim3A_429, %select_n3A_395 : vector<16xi1>, vector<16xf32>
            %eq3A_431 = vector.broadcast %select_n3A_421 : i32 to vector<16xi32>
            %eq3A_432 = arith.cmpi eq, %iota3A, %eq3A_431 : vector<16xi32>
            %broadcast_in_dim3A_433 = vector.broadcast %add3A_426 : i32 to vector<16xi32>
            %select_n3A_434 = arith.select %eq3A_432, %broadcast_in_dim3A_433, %select_n3A_399 : vector<16xi1>, vector<16xi32>
            %jit3A_435 = arith.constant 1 : i32
            %jit3A_436 = arith.constant 0 : i32
            %select_n3A_437 = arith.select %and3A_417, %jit3A_435, %jit3A_436 : i32
            %add3A_438 = arith.addi %add3A_403, %select_n3A_437 : i32
            %rem3A_439 = arith.constant 16 : i32
            %rem3A_440 = arith.remsi %add3A_438, %rem3A_439 : i32
            %eq3A_441 = arith.constant 0 : i32
            %eq3A_442 = arith.cmpi eq, %rem3A_440, %eq3A_441 : i32
            %and3A_443 = arith.andi %and3A_417, %eq3A_442 : i1
            %convert_element_type3A_444 = arith.extui %and3A_443 : i1 to i32
            %cond3A_445 = arith.constant 0 : i32
            %cond3A_446 = arith.cmpi ne, %convert_element_type3A_444, %cond3A_445 : i32
            scf.if %cond3A_446 {
              %sub3A_805 = arith.constant 16 : i32
              %sub3A_806 = arith.subi %add3A_438, %sub3A_805 : i32
              %swap3A_807 = arith.index_cast %sub3A_806 : i32 to index
              %swap3A_808 = tpu.vector_load %arg9[%swap3A_807] {strides = array<i32>} : memref<4224xf32, #tpu.memory_space<vmem>>, vector<16xf32>,
              %swap3A_809 = vector.shape_cast %swap3A_808 : vector<16xf32> to vector<16xf32>
              %swap3A_810 = vector.shape_cast %select_n3A_430 : vector<16xf32> to vector<16xf32>
              tpu.vector_store %arg9[%swap3A_807], %swap3A_810 {strides = array<i32>} : memref<4224xf32, #tpu.memory_space<vmem>>, vector<16xf32>,
              %sub3A_811 = arith.constant 16 : i32
              %sub3A_812 = arith.subi %add3A_438, %sub3A_811 : i32
              %swap3A_813 = arith.index_cast %sub3A_812 : i32 to index
              %swap3A_814 = tpu.vector_load %arg10[%swap3A_813] {strides = array<i32>} : memref<4224xi32, #tpu.memory_space<vmem>>, vector<16xi32>,
              %swap3A_815 = vector.shape_cast %swap3A_814 : vector<16xi32> to vector<16xi32>
              %swap3A_816 = vector.shape_cast %select_n3A_434 : vector<16xi32> to vector<16xi32>
              tpu.vector_store %arg10[%swap3A_813], %swap3A_816 {strides = array<i32>} : memref<4224xi32, #tpu.memory_space<vmem>>, vector<16xi32>,
            } else {
            }
            %slice3A_447 = vector.extract_strided_slice %get3A_201 {offsets = [6], sizes = [1], strides = [1]} : vector<16xf32> to vector<1xf32>
            %squeeze3A_448 = vector.extract %slice3A_447[0] : f32 from vector<1xf32>
            %ge3A_449 = arith.cmpf oge, %squeeze3A_448, %scan3A_7 : f32
            %lt3A_450 = arith.constant 4096 : i32
            %lt3A_451 = arith.cmpi slt, %add3A_438, %lt3A_450 : i32
            %and3A_452 = arith.andi %ge3A_449, %lt3A_451 : i1
            %rem3A_453 = arith.constant 16 : i32
            %rem3A_454 = arith.remsi %add3A_438, %rem3A_453 : i32
            %jit3A_455 = arith.constant 16 : i32
            %select_n3A_456 = arith.select %and3A_452, %rem3A_454, %jit3A_455 : i32
            %mul3A_457 = arith.constant 16 : i32
            %mul3A_458 = arith.muli %scan3A_194, %mul3A_457 : i32
            %add3A_459 = arith.addi %mul3A_187, %mul3A_458 : i32
            %add3A_460 = arith.constant 6 : i32
            %add3A_461 = arith.addi %add3A_459, %add3A_460 : i32
            %eq3A_462 = vector.broadcast %select_n3A_456 : i32 to vector<16xi32>
            %eq3A_463 = arith.cmpi eq, %iota3A, %eq3A_462 : vector<16xi32>
            %broadcast_in_dim3A_464 = vector.broadcast %squeeze3A_448 : f32 to vector<16xf32>
            %select_n3A_465 = arith.select %eq3A_463, %broadcast_in_dim3A_464, %select_n3A_430 : vector<16xi1>, vector<16xf32>
            %eq3A_466 = vector.broadcast %select_n3A_456 : i32 to vector<16xi32>
            %eq3A_467 = arith.cmpi eq, %iota3A, %eq3A_466 : vector<16xi32>
            %broadcast_in_dim3A_468 = vector.broadcast %add3A_461 : i32 to vector<16xi32>
            %select_n3A_469 = arith.select %eq3A_467, %broadcast_in_dim3A_468, %select_n3A_434 : vector<16xi1>, vector<16xi32>
            %jit3A_470 = arith.constant 1 : i32
            %jit3A_471 = arith.constant 0 : i32
            %select_n3A_472 = arith.select %and3A_452, %jit3A_470, %jit3A_471 : i32
            %add3A_473 = arith.addi %add3A_438, %select_n3A_472 : i32
            %rem3A_474 = arith.constant 16 : i32
            %rem3A_475 = arith.remsi %add3A_473, %rem3A_474 : i32
            %eq3A_476 = arith.constant 0 : i32
            %eq3A_477 = arith.cmpi eq, %rem3A_475, %eq3A_476 : i32
            %and3A_478 = arith.andi %and3A_452, %eq3A_477 : i1
            %convert_element_type3A_479 = arith.extui %and3A_478 : i1 to i32
            %cond3A_480 = arith.constant 0 : i32
            %cond3A_481 = arith.cmpi ne, %convert_element_type3A_479, %cond3A_480 : i32
            scf.if %cond3A_481 {
              %sub3A_805 = arith.constant 16 : i32
              %sub3A_806 = arith.subi %add3A_473, %sub3A_805 : i32
              %swap3A_807 = arith.index_cast %sub3A_806 : i32 to index
              %swap3A_808 = tpu.vector_load %arg9[%swap3A_807] {strides = array<i32>} : memref<4224xf32, #tpu.memory_space<vmem>>, vector<16xf32>,
              %swap3A_809 = vector.shape_cast %swap3A_808 : vector<16xf32> to vector<16xf32>
              %swap3A_810 = vector.shape_cast %select_n3A_465 : vector<16xf32> to vector<16xf32>
              tpu.vector_store %arg9[%swap3A_807], %swap3A_810 {strides = array<i32>} : memref<4224xf32, #tpu.memory_space<vmem>>, vector<16xf32>,
              %sub3A_811 = arith.constant 16 : i32
              %sub3A_812 = arith.subi %add3A_473, %sub3A_811 : i32
              %swap3A_813 = arith.index_cast %sub3A_812 : i32 to index
              %swap3A_814 = tpu.vector_load %arg10[%swap3A_813] {strides = array<i32>} : memref<4224xi32, #tpu.memory_space<vmem>>, vector<16xi32>,
              %swap3A_815 = vector.shape_cast %swap3A_814 : vector<16xi32> to vector<16xi32>
              %swap3A_816 = vector.shape_cast %select_n3A_469 : vector<16xi32> to vector<16xi32>
              tpu.vector_store %arg10[%swap3A_813], %swap3A_816 {strides = array<i32>} : memref<4224xi32, #tpu.memory_space<vmem>>, vector<16xi32>,
            } else {
            }
            %slice3A_482 = vector.extract_strided_slice %get3A_201 {offsets = [7], sizes = [1], strides = [1]} : vector<16xf32> to vector<1xf32>
            %squeeze3A_483 = vector.extract %slice3A_482[0] : f32 from vector<1xf32>
            %ge3A_484 = arith.cmpf oge, %squeeze3A_483, %scan3A_7 : f32
            %lt3A_485 = arith.constant 4096 : i32
            %lt3A_486 = arith.cmpi slt, %add3A_473, %lt3A_485 : i32
            %and3A_487 = arith.andi %ge3A_484, %lt3A_486 : i1
            %rem3A_488 = arith.constant 16 : i32
            %rem3A_489 = arith.remsi %add3A_473, %rem3A_488 : i32
            %jit3A_490 = arith.constant 16 : i32
            %select_n3A_491 = arith.select %and3A_487, %rem3A_489, %jit3A_490 : i32
            %mul3A_492 = arith.constant 16 : i32
            %mul3A_493 = arith.muli %scan3A_194, %mul3A_492 : i32
            %add3A_494 = arith.addi %mul3A_187, %mul3A_493 : i32
            %add3A_495 = arith.constant 7 : i32
            %add3A_496 = arith.addi %add3A_494, %add3A_495 : i32
            %eq3A_497 = vector.broadcast %select_n3A_491 : i32 to vector<16xi32>
            %eq3A_498 = arith.cmpi eq, %iota3A, %eq3A_497 : vector<16xi32>
            %broadcast_in_dim3A_499 = vector.broadcast %squeeze3A_483 : f32 to vector<16xf32>
            %select_n3A_500 = arith.select %eq3A_498, %broadcast_in_dim3A_499, %select_n3A_465 : vector<16xi1>, vector<16xf32>
            %eq3A_501 = vector.broadcast %select_n3A_491 : i32 to vector<16xi32>
            %eq3A_502 = arith.cmpi eq, %iota3A, %eq3A_501 : vector<16xi32>
            %broadcast_in_dim3A_503 = vector.broadcast %add3A_496 : i32 to vector<16xi32>
            %select_n3A_504 = arith.select %eq3A_502, %broadcast_in_dim3A_503, %select_n3A_469 : vector<16xi1>, vector<16xi32>
            %jit3A_505 = arith.constant 1 : i32
            %jit3A_506 = arith.constant 0 : i32
            %select_n3A_507 = arith.select %and3A_487, %jit3A_505, %jit3A_506 : i32
            %add3A_508 = arith.addi %add3A_473, %select_n3A_507 : i32
            %rem3A_509 = arith.constant 16 : i32
            %rem3A_510 = arith.remsi %add3A_508, %rem3A_509 : i32
            %eq3A_511 = arith.constant 0 : i32
            %eq3A_512 = arith.cmpi eq, %rem3A_510, %eq3A_511 : i32
            %and3A_513 = arith.andi %and3A_487, %eq3A_512 : i1
            %convert_element_type3A_514 = arith.extui %and3A_513 : i1 to i32
            %cond3A_515 = arith.constant 0 : i32
            %cond3A_516 = arith.cmpi ne, %convert_element_type3A_514, %cond3A_515 : i32
            scf.if %cond3A_516 {
              %sub3A_805 = arith.constant 16 : i32
              %sub3A_806 = arith.subi %add3A_508, %sub3A_805 : i32
              %swap3A_807 = arith.index_cast %sub3A_806 : i32 to index
              %swap3A_808 = tpu.vector_load %arg9[%swap3A_807] {strides = array<i32>} : memref<4224xf32, #tpu.memory_space<vmem>>, vector<16xf32>,
              %swap3A_809 = vector.shape_cast %swap3A_808 : vector<16xf32> to vector<16xf32>
              %swap3A_810 = vector.shape_cast %select_n3A_500 : vector<16xf32> to vector<16xf32>
              tpu.vector_store %arg9[%swap3A_807], %swap3A_810 {strides = array<i32>} : memref<4224xf32, #tpu.memory_space<vmem>>, vector<16xf32>,
              %sub3A_811 = arith.constant 16 : i32
              %sub3A_812 = arith.subi %add3A_508, %sub3A_811 : i32
              %swap3A_813 = arith.index_cast %sub3A_812 : i32 to index
              %swap3A_814 = tpu.vector_load %arg10[%swap3A_813] {strides = array<i32>} : memref<4224xi32, #tpu.memory_space<vmem>>, vector<16xi32>,
              %swap3A_815 = vector.shape_cast %swap3A_814 : vector<16xi32> to vector<16xi32>
              %swap3A_816 = vector.shape_cast %select_n3A_504 : vector<16xi32> to vector<16xi32>
              tpu.vector_store %arg10[%swap3A_813], %swap3A_816 {strides = array<i32>} : memref<4224xi32, #tpu.memory_space<vmem>>, vector<16xi32>,
            } else {
            }
            %slice3A_517 = vector.extract_strided_slice %get3A_201 {offsets = [8], sizes = [1], strides = [1]} : vector<16xf32> to vector<1xf32>
            %squeeze3A_518 = vector.extract %slice3A_517[0] : f32 from vector<1xf32>
            %ge3A_519 = arith.cmpf oge, %squeeze3A_518, %scan3A_7 : f32
            %lt3A_520 = arith.constant 4096 : i32
            %lt3A_521 = arith.cmpi slt, %add3A_508, %lt3A_520 : i32
            %and3A_522 = arith.andi %ge3A_519, %lt3A_521 : i1
            %rem3A_523 = arith.constant 16 : i32
            %rem3A_524 = arith.remsi %add3A_508, %rem3A_523 : i32
            %jit3A_525 = arith.constant 16 : i32
            %select_n3A_526 = arith.select %and3A_522, %rem3A_524, %jit3A_525 : i32
            %mul3A_527 = arith.constant 16 : i32
            %mul3A_528 = arith.muli %scan3A_194, %mul3A_527 : i32
            %add3A_529 = arith.addi %mul3A_187, %mul3A_528 : i32
            %add3A_530 = arith.constant 8 : i32
            %add3A_531 = arith.addi %add3A_529, %add3A_530 : i32
            %eq3A_532 = vector.broadcast %select_n3A_526 : i32 to vector<16xi32>
            %eq3A_533 = arith.cmpi eq, %iota3A, %eq3A_532 : vector<16xi32>
            %broadcast_in_dim3A_534 = vector.broadcast %squeeze3A_518 : f32 to vector<16xf32>
            %select_n3A_535 = arith.select %eq3A_533, %broadcast_in_dim3A_534, %select_n3A_500 : vector<16xi1>, vector<16xf32>
            %eq3A_536 = vector.broadcast %select_n3A_526 : i32 to vector<16xi32>
            %eq3A_537 = arith.cmpi eq, %iota3A, %eq3A_536 : vector<16xi32>
            %broadcast_in_dim3A_538 = vector.broadcast %add3A_531 : i32 to vector<16xi32>
            %select_n3A_539 = arith.select %eq3A_537, %broadcast_in_dim3A_538, %select_n3A_504 : vector<16xi1>, vector<16xi32>
            %jit3A_540 = arith.constant 1 : i32
            %jit3A_541 = arith.constant 0 : i32
            %select_n3A_542 = arith.select %and3A_522, %jit3A_540, %jit3A_541 : i32
            %add3A_543 = arith.addi %add3A_508, %select_n3A_542 : i32
            %rem3A_544 = arith.constant 16 : i32
            %rem3A_545 = arith.remsi %add3A_543, %rem3A_544 : i32
            %eq3A_546 = arith.constant 0 : i32
            %eq3A_547 = arith.cmpi eq, %rem3A_545, %eq3A_546 : i32
            %and3A_548 = arith.andi %and3A_522, %eq3A_547 : i1
            %convert_element_type3A_549 = arith.extui %and3A_548 : i1 to i32
            %cond3A_550 = arith.constant 0 : i32
            %cond3A_551 = arith.cmpi ne, %convert_element_type3A_549, %cond3A_550 : i32
            scf.if %cond3A_551 {
              %sub3A_805 = arith.constant 16 : i32
              %sub3A_806 = arith.subi %add3A_543, %sub3A_805 : i32
              %swap3A_807 = arith.index_cast %sub3A_806 : i32 to index
              %swap3A_808 = tpu.vector_load %arg9[%swap3A_807] {strides = array<i32>} : memref<4224xf32, #tpu.memory_space<vmem>>, vector<16xf32>,
              %swap3A_809 = vector.shape_cast %swap3A_808 : vector<16xf32> to vector<16xf32>
              %swap3A_810 = vector.shape_cast %select_n3A_535 : vector<16xf32> to vector<16xf32>
              tpu.vector_store %arg9[%swap3A_807], %swap3A_810 {strides = array<i32>} : memref<4224xf32, #tpu.memory_space<vmem>>, vector<16xf32>,
              %sub3A_811 = arith.constant 16 : i32
              %sub3A_812 = arith.subi %add3A_543, %sub3A_811 : i32
              %swap3A_813 = arith.index_cast %sub3A_812 : i32 to index
              %swap3A_814 = tpu.vector_load %arg10[%swap3A_813] {strides = array<i32>} : memref<4224xi32, #tpu.memory_space<vmem>>, vector<16xi32>,
              %swap3A_815 = vector.shape_cast %swap3A_814 : vector<16xi32> to vector<16xi32>
              %swap3A_816 = vector.shape_cast %select_n3A_539 : vector<16xi32> to vector<16xi32>
              tpu.vector_store %arg10[%swap3A_813], %swap3A_816 {strides = array<i32>} : memref<4224xi32, #tpu.memory_space<vmem>>, vector<16xi32>,
            } else {
            }
            %slice3A_552 = vector.extract_strided_slice %get3A_201 {offsets = [9], sizes = [1], strides = [1]} : vector<16xf32> to vector<1xf32>
            %squeeze3A_553 = vector.extract %slice3A_552[0] : f32 from vector<1xf32>
            %ge3A_554 = arith.cmpf oge, %squeeze3A_553, %scan3A_7 : f32
            %lt3A_555 = arith.constant 4096 : i32
            %lt3A_556 = arith.cmpi slt, %add3A_543, %lt3A_555 : i32
            %and3A_557 = arith.andi %ge3A_554, %lt3A_556 : i1
            %rem3A_558 = arith.constant 16 : i32
            %rem3A_559 = arith.remsi %add3A_543, %rem3A_558 : i32
            %jit3A_560 = arith.constant 16 : i32
            %select_n3A_561 = arith.select %and3A_557, %rem3A_559, %jit3A_560 : i32
            %mul3A_562 = arith.constant 16 : i32
            %mul3A_563 = arith.muli %scan3A_194, %mul3A_562 : i32
            %add3A_564 = arith.addi %mul3A_187, %mul3A_563 : i32
            %add3A_565 = arith.constant 9 : i32
            %add3A_566 = arith.addi %add3A_564, %add3A_565 : i32
            %eq3A_567 = vector.broadcast %select_n3A_561 : i32 to vector<16xi32>
            %eq3A_568 = arith.cmpi eq, %iota3A, %eq3A_567 : vector<16xi32>
            %broadcast_in_dim3A_569 = vector.broadcast %squeeze3A_553 : f32 to vector<16xf32>
            %select_n3A_570 = arith.select %eq3A_568, %broadcast_in_dim3A_569, %select_n3A_535 : vector<16xi1>, vector<16xf32>
            %eq3A_571 = vector.broadcast %select_n3A_561 : i32 to vector<16xi32>
            %eq3A_572 = arith.cmpi eq, %iota3A, %eq3A_571 : vector<16xi32>
            %broadcast_in_dim3A_573 = vector.broadcast %add3A_566 : i32 to vector<16xi32>
            %select_n3A_574 = arith.select %eq3A_572, %broadcast_in_dim3A_573, %select_n3A_539 : vector<16xi1>, vector<16xi32>
            %jit3A_575 = arith.constant 1 : i32
            %jit3A_576 = arith.constant 0 : i32
            %select_n3A_577 = arith.select %and3A_557, %jit3A_575, %jit3A_576 : i32
            %add3A_578 = arith.addi %add3A_543, %select_n3A_577 : i32
            %rem3A_579 = arith.constant 16 : i32
            %rem3A_580 = arith.remsi %add3A_578, %rem3A_579 : i32
            %eq3A_581 = arith.constant 0 : i32
            %eq3A_582 = arith.cmpi eq, %rem3A_580, %eq3A_581 : i32
            %and3A_583 = arith.andi %and3A_557, %eq3A_582 : i1
            %convert_element_type3A_584 = arith.extui %and3A_583 : i1 to i32
            %cond3A_585 = arith.constant 0 : i32
            %cond3A_586 = arith.cmpi ne, %convert_element_type3A_584, %cond3A_585 : i32
            scf.if %cond3A_586 {
              %sub3A_805 = arith.constant 16 : i32
              %sub3A_806 = arith.subi %add3A_578, %sub3A_805 : i32
              %swap3A_807 = arith.index_cast %sub3A_806 : i32 to index
              %swap3A_808 = tpu.vector_load %arg9[%swap3A_807] {strides = array<i32>} : memref<4224xf32, #tpu.memory_space<vmem>>, vector<16xf32>,
              %swap3A_809 = vector.shape_cast %swap3A_808 : vector<16xf32> to vector<16xf32>
              %swap3A_810 = vector.shape_cast %select_n3A_570 : vector<16xf32> to vector<16xf32>
              tpu.vector_store %arg9[%swap3A_807], %swap3A_810 {strides = array<i32>} : memref<4224xf32, #tpu.memory_space<vmem>>, vector<16xf32>,
              %sub3A_811 = arith.constant 16 : i32
              %sub3A_812 = arith.subi %add3A_578, %sub3A_811 : i32
              %swap3A_813 = arith.index_cast %sub3A_812 : i32 to index
              %swap3A_814 = tpu.vector_load %arg10[%swap3A_813] {strides = array<i32>} : memref<4224xi32, #tpu.memory_space<vmem>>, vector<16xi32>,
              %swap3A_815 = vector.shape_cast %swap3A_814 : vector<16xi32> to vector<16xi32>
              %swap3A_816 = vector.shape_cast %select_n3A_574 : vector<16xi32> to vector<16xi32>
              tpu.vector_store %arg10[%swap3A_813], %swap3A_816 {strides = array<i32>} : memref<4224xi32, #tpu.memory_space<vmem>>, vector<16xi32>,
            } else {
            }
            %slice3A_587 = vector.extract_strided_slice %get3A_201 {offsets = [10], sizes = [1], strides = [1]} : vector<16xf32> to vector<1xf32>
            %squeeze3A_588 = vector.extract %slice3A_587[0] : f32 from vector<1xf32>
            %ge3A_589 = arith.cmpf oge, %squeeze3A_588, %scan3A_7 : f32
            %lt3A_590 = arith.constant 4096 : i32
            %lt3A_591 = arith.cmpi slt, %add3A_578, %lt3A_590 : i32
            %and3A_592 = arith.andi %ge3A_589, %lt3A_591 : i1
            %rem3A_593 = arith.constant 16 : i32
            %rem3A_594 = arith.remsi %add3A_578, %rem3A_593 : i32
            %jit3A_595 = arith.constant 16 : i32
            %select_n3A_596 = arith.select %and3A_592, %rem3A_594, %jit3A_595 : i32
            %mul3A_597 = arith.constant 16 : i32
            %mul3A_598 = arith.muli %scan3A_194, %mul3A_597 : i32
            %add3A_599 = arith.addi %mul3A_187, %mul3A_598 : i32
            %add3A_600 = arith.constant 10 : i32
            %add3A_601 = arith.addi %add3A_599, %add3A_600 : i32
            %eq3A_602 = vector.broadcast %select_n3A_596 : i32 to vector<16xi32>
            %eq3A_603 = arith.cmpi eq, %iota3A, %eq3A_602 : vector<16xi32>
            %broadcast_in_dim3A_604 = vector.broadcast %squeeze3A_588 : f32 to vector<16xf32>
            %select_n3A_605 = arith.select %eq3A_603, %broadcast_in_dim3A_604, %select_n3A_570 : vector<16xi1>, vector<16xf32>
            %eq3A_606 = vector.broadcast %select_n3A_596 : i32 to vector<16xi32>
            %eq3A_607 = arith.cmpi eq, %iota3A, %eq3A_606 : vector<16xi32>
            %broadcast_in_dim3A_608 = vector.broadcast %add3A_601 : i32 to vector<16xi32>
            %select_n3A_609 = arith.select %eq3A_607, %broadcast_in_dim3A_608, %select_n3A_574 : vector<16xi1>, vector<16xi32>
            %jit3A_610 = arith.constant 1 : i32
            %jit3A_611 = arith.constant 0 : i32
            %select_n3A_612 = arith.select %and3A_592, %jit3A_610, %jit3A_611 : i32
            %add3A_613 = arith.addi %add3A_578, %select_n3A_612 : i32
            %rem3A_614 = arith.constant 16 : i32
            %rem3A_615 = arith.remsi %add3A_613, %rem3A_614 : i32
            %eq3A_616 = arith.constant 0 : i32
            %eq3A_617 = arith.cmpi eq, %rem3A_615, %eq3A_616 : i32
            %and3A_618 = arith.andi %and3A_592, %eq3A_617 : i1
            %convert_element_type3A_619 = arith.extui %and3A_618 : i1 to i32
            %cond3A_620 = arith.constant 0 : i32
            %cond3A_621 = arith.cmpi ne, %convert_element_type3A_619, %cond3A_620 : i32
            scf.if %cond3A_621 {
              %sub3A_805 = arith.constant 16 : i32
              %sub3A_806 = arith.subi %add3A_613, %sub3A_805 : i32
              %swap3A_807 = arith.index_cast %sub3A_806 : i32 to index
              %swap3A_808 = tpu.vector_load %arg9[%swap3A_807] {strides = array<i32>} : memref<4224xf32, #tpu.memory_space<vmem>>, vector<16xf32>,
              %swap3A_809 = vector.shape_cast %swap3A_808 : vector<16xf32> to vector<16xf32>
              %swap3A_810 = vector.shape_cast %select_n3A_605 : vector<16xf32> to vector<16xf32>
              tpu.vector_store %arg9[%swap3A_807], %swap3A_810 {strides = array<i32>} : memref<4224xf32, #tpu.memory_space<vmem>>, vector<16xf32>,
              %sub3A_811 = arith.constant 16 : i32
              %sub3A_812 = arith.subi %add3A_613, %sub3A_811 : i32
              %swap3A_813 = arith.index_cast %sub3A_812 : i32 to index
              %swap3A_814 = tpu.vector_load %arg10[%swap3A_813] {strides = array<i32>} : memref<4224xi32, #tpu.memory_space<vmem>>, vector<16xi32>,
              %swap3A_815 = vector.shape_cast %swap3A_814 : vector<16xi32> to vector<16xi32>
              %swap3A_816 = vector.shape_cast %select_n3A_609 : vector<16xi32> to vector<16xi32>
              tpu.vector_store %arg10[%swap3A_813], %swap3A_816 {strides = array<i32>} : memref<4224xi32, #tpu.memory_space<vmem>>, vector<16xi32>,
            } else {
            }
            %slice3A_622 = vector.extract_strided_slice %get3A_201 {offsets = [11], sizes = [1], strides = [1]} : vector<16xf32> to vector<1xf32>
            %squeeze3A_623 = vector.extract %slice3A_622[0] : f32 from vector<1xf32>
            %ge3A_624 = arith.cmpf oge, %squeeze3A_623, %scan3A_7 : f32
            %lt3A_625 = arith.constant 4096 : i32
            %lt3A_626 = arith.cmpi slt, %add3A_613, %lt3A_625 : i32
            %and3A_627 = arith.andi %ge3A_624, %lt3A_626 : i1
            %rem3A_628 = arith.constant 16 : i32
            %rem3A_629 = arith.remsi %add3A_613, %rem3A_628 : i32
            %jit3A_630 = arith.constant 16 : i32
            %select_n3A_631 = arith.select %and3A_627, %rem3A_629, %jit3A_630 : i32
            %mul3A_632 = arith.constant 16 : i32
            %mul3A_633 = arith.muli %scan3A_194, %mul3A_632 : i32
            %add3A_634 = arith.addi %mul3A_187, %mul3A_633 : i32
            %add3A_635 = arith.constant 11 : i32
            %add3A_636 = arith.addi %add3A_634, %add3A_635 : i32
            %eq3A_637 = vector.broadcast %select_n3A_631 : i32 to vector<16xi32>
            %eq3A_638 = arith.cmpi eq, %iota3A, %eq3A_637 : vector<16xi32>
            %broadcast_in_dim3A_639 = vector.broadcast %squeeze3A_623 : f32 to vector<16xf32>
            %select_n3A_640 = arith.select %eq3A_638, %broadcast_in_dim3A_639, %select_n3A_605 : vector<16xi1>, vector<16xf32>
            %eq3A_641 = vector.broadcast %select_n3A_631 : i32 to vector<16xi32>
            %eq3A_642 = arith.cmpi eq, %iota3A, %eq3A_641 : vector<16xi32>
            %broadcast_in_dim3A_643 = vector.broadcast %add3A_636 : i32 to vector<16xi32>
            %select_n3A_644 = arith.select %eq3A_642, %broadcast_in_dim3A_643, %select_n3A_609 : vector<16xi1>, vector<16xi32>
            %jit3A_645 = arith.constant 1 : i32
            %jit3A_646 = arith.constant 0 : i32
            %select_n3A_647 = arith.select %and3A_627, %jit3A_645, %jit3A_646 : i32
            %add3A_648 = arith.addi %add3A_613, %select_n3A_647 : i32
            %rem3A_649 = arith.constant 16 : i32
            %rem3A_650 = arith.remsi %add3A_648, %rem3A_649 : i32
            %eq3A_651 = arith.constant 0 : i32
            %eq3A_652 = arith.cmpi eq, %rem3A_650, %eq3A_651 : i32
            %and3A_653 = arith.andi %and3A_627, %eq3A_652 : i1
            %convert_element_type3A_654 = arith.extui %and3A_653 : i1 to i32
            %cond3A_655 = arith.constant 0 : i32
            %cond3A_656 = arith.cmpi ne, %convert_element_type3A_654, %cond3A_655 : i32
            scf.if %cond3A_656 {
              %sub3A_805 = arith.constant 16 : i32
              %sub3A_806 = arith.subi %add3A_648, %sub3A_805 : i32
              %swap3A_807 = arith.index_cast %sub3A_806 : i32 to index
              %swap3A_808 = tpu.vector_load %arg9[%swap3A_807] {strides = array<i32>} : memref<4224xf32, #tpu.memory_space<vmem>>, vector<16xf32>,
              %swap3A_809 = vector.shape_cast %swap3A_808 : vector<16xf32> to vector<16xf32>
              %swap3A_810 = vector.shape_cast %select_n3A_640 : vector<16xf32> to vector<16xf32>
              tpu.vector_store %arg9[%swap3A_807], %swap3A_810 {strides = array<i32>} : memref<4224xf32, #tpu.memory_space<vmem>>, vector<16xf32>,
              %sub3A_811 = arith.constant 16 : i32
              %sub3A_812 = arith.subi %add3A_648, %sub3A_811 : i32
              %swap3A_813 = arith.index_cast %sub3A_812 : i32 to index
              %swap3A_814 = tpu.vector_load %arg10[%swap3A_813] {strides = array<i32>} : memref<4224xi32, #tpu.memory_space<vmem>>, vector<16xi32>,
              %swap3A_815 = vector.shape_cast %swap3A_814 : vector<16xi32> to vector<16xi32>
              %swap3A_816 = vector.shape_cast %select_n3A_644 : vector<16xi32> to vector<16xi32>
              tpu.vector_store %arg10[%swap3A_813], %swap3A_816 {strides = array<i32>} : memref<4224xi32, #tpu.memory_space<vmem>>, vector<16xi32>,
            } else {
            }
            %slice3A_657 = vector.extract_strided_slice %get3A_201 {offsets = [12], sizes = [1], strides = [1]} : vector<16xf32> to vector<1xf32>
            %squeeze3A_658 = vector.extract %slice3A_657[0] : f32 from vector<1xf32>
            %ge3A_659 = arith.cmpf oge, %squeeze3A_658, %scan3A_7 : f32
            %lt3A_660 = arith.constant 4096 : i32
            %lt3A_661 = arith.cmpi slt, %add3A_648, %lt3A_660 : i32
            %and3A_662 = arith.andi %ge3A_659, %lt3A_661 : i1
            %rem3A_663 = arith.constant 16 : i32
            %rem3A_664 = arith.remsi %add3A_648, %rem3A_663 : i32
            %jit3A_665 = arith.constant 16 : i32
            %select_n3A_666 = arith.select %and3A_662, %rem3A_664, %jit3A_665 : i32
            %mul3A_667 = arith.constant 16 : i32
            %mul3A_668 = arith.muli %scan3A_194, %mul3A_667 : i32
            %add3A_669 = arith.addi %mul3A_187, %mul3A_668 : i32
            %add3A_670 = arith.constant 12 : i32
            %add3A_671 = arith.addi %add3A_669, %add3A_670 : i32
            %eq3A_672 = vector.broadcast %select_n3A_666 : i32 to vector<16xi32>
            %eq3A_673 = arith.cmpi eq, %iota3A, %eq3A_672 : vector<16xi32>
            %broadcast_in_dim3A_674 = vector.broadcast %squeeze3A_658 : f32 to vector<16xf32>
            %select_n3A_675 = arith.select %eq3A_673, %broadcast_in_dim3A_674, %select_n3A_640 : vector<16xi1>, vector<16xf32>
            %eq3A_676 = vector.broadcast %select_n3A_666 : i32 to vector<16xi32>
            %eq3A_677 = arith.cmpi eq, %iota3A, %eq3A_676 : vector<16xi32>
            %broadcast_in_dim3A_678 = vector.broadcast %add3A_671 : i32 to vector<16xi32>
            %select_n3A_679 = arith.select %eq3A_677, %broadcast_in_dim3A_678, %select_n3A_644 : vector<16xi1>, vector<16xi32>
            %jit3A_680 = arith.constant 1 : i32
            %jit3A_681 = arith.constant 0 : i32
            %select_n3A_682 = arith.select %and3A_662, %jit3A_680, %jit3A_681 : i32
            %add3A_683 = arith.addi %add3A_648, %select_n3A_682 : i32
            %rem3A_684 = arith.constant 16 : i32
            %rem3A_685 = arith.remsi %add3A_683, %rem3A_684 : i32
            %eq3A_686 = arith.constant 0 : i32
            %eq3A_687 = arith.cmpi eq, %rem3A_685, %eq3A_686 : i32
            %and3A_688 = arith.andi %and3A_662, %eq3A_687 : i1
            %convert_element_type3A_689 = arith.extui %and3A_688 : i1 to i32
            %cond3A_690 = arith.constant 0 : i32
            %cond3A_691 = arith.cmpi ne, %convert_element_type3A_689, %cond3A_690 : i32
            scf.if %cond3A_691 {
              %sub3A_805 = arith.constant 16 : i32
              %sub3A_806 = arith.subi %add3A_683, %sub3A_805 : i32
              %swap3A_807 = arith.index_cast %sub3A_806 : i32 to index
              %swap3A_808 = tpu.vector_load %arg9[%swap3A_807] {strides = array<i32>} : memref<4224xf32, #tpu.memory_space<vmem>>, vector<16xf32>,
              %swap3A_809 = vector.shape_cast %swap3A_808 : vector<16xf32> to vector<16xf32>
              %swap3A_810 = vector.shape_cast %select_n3A_675 : vector<16xf32> to vector<16xf32>
              tpu.vector_store %arg9[%swap3A_807], %swap3A_810 {strides = array<i32>} : memref<4224xf32, #tpu.memory_space<vmem>>, vector<16xf32>,
              %sub3A_811 = arith.constant 16 : i32
              %sub3A_812 = arith.subi %add3A_683, %sub3A_811 : i32
              %swap3A_813 = arith.index_cast %sub3A_812 : i32 to index
              %swap3A_814 = tpu.vector_load %arg10[%swap3A_813] {strides = array<i32>} : memref<4224xi32, #tpu.memory_space<vmem>>, vector<16xi32>,
              %swap3A_815 = vector.shape_cast %swap3A_814 : vector<16xi32> to vector<16xi32>
              %swap3A_816 = vector.shape_cast %select_n3A_679 : vector<16xi32> to vector<16xi32>
              tpu.vector_store %arg10[%swap3A_813], %swap3A_816 {strides = array<i32>} : memref<4224xi32, #tpu.memory_space<vmem>>, vector<16xi32>,
            } else {
            }
            %slice3A_692 = vector.extract_strided_slice %get3A_201 {offsets = [13], sizes = [1], strides = [1]} : vector<16xf32> to vector<1xf32>
            %squeeze3A_693 = vector.extract %slice3A_692[0] : f32 from vector<1xf32>
            %ge3A_694 = arith.cmpf oge, %squeeze3A_693, %scan3A_7 : f32
            %lt3A_695 = arith.constant 4096 : i32
            %lt3A_696 = arith.cmpi slt, %add3A_683, %lt3A_695 : i32
            %and3A_697 = arith.andi %ge3A_694, %lt3A_696 : i1
            %rem3A_698 = arith.constant 16 : i32
            %rem3A_699 = arith.remsi %add3A_683, %rem3A_698 : i32
            %jit3A_700 = arith.constant 16 : i32
            %select_n3A_701 = arith.select %and3A_697, %rem3A_699, %jit3A_700 : i32
            %mul3A_702 = arith.constant 16 : i32
            %mul3A_703 = arith.muli %scan3A_194, %mul3A_702 : i32
            %add3A_704 = arith.addi %mul3A_187, %mul3A_703 : i32
            %add3A_705 = arith.constant 13 : i32
            %add3A_706 = arith.addi %add3A_704, %add3A_705 : i32
            %eq3A_707 = vector.broadcast %select_n3A_701 : i32 to vector<16xi32>
            %eq3A_708 = arith.cmpi eq, %iota3A, %eq3A_707 : vector<16xi32>
            %broadcast_in_dim3A_709 = vector.broadcast %squeeze3A_693 : f32 to vector<16xf32>
            %select_n3A_710 = arith.select %eq3A_708, %broadcast_in_dim3A_709, %select_n3A_675 : vector<16xi1>, vector<16xf32>
            %eq3A_711 = vector.broadcast %select_n3A_701 : i32 to vector<16xi32>
            %eq3A_712 = arith.cmpi eq, %iota3A, %eq3A_711 : vector<16xi32>
            %broadcast_in_dim3A_713 = vector.broadcast %add3A_706 : i32 to vector<16xi32>
            %select_n3A_714 = arith.select %eq3A_712, %broadcast_in_dim3A_713, %select_n3A_679 : vector<16xi1>, vector<16xi32>
            %jit3A_715 = arith.constant 1 : i32
            %jit3A_716 = arith.constant 0 : i32
            %select_n3A_717 = arith.select %and3A_697, %jit3A_715, %jit3A_716 : i32
            %add3A_718 = arith.addi %add3A_683, %select_n3A_717 : i32
            %rem3A_719 = arith.constant 16 : i32
            %rem3A_720 = arith.remsi %add3A_718, %rem3A_719 : i32
            %eq3A_721 = arith.constant 0 : i32
            %eq3A_722 = arith.cmpi eq, %rem3A_720, %eq3A_721 : i32
            %and3A_723 = arith.andi %and3A_697, %eq3A_722 : i1
            %convert_element_type3A_724 = arith.extui %and3A_723 : i1 to i32
            %cond3A_725 = arith.constant 0 : i32
            %cond3A_726 = arith.cmpi ne, %convert_element_type3A_724, %cond3A_725 : i32
            scf.if %cond3A_726 {
              %sub3A_805 = arith.constant 16 : i32
              %sub3A_806 = arith.subi %add3A_718, %sub3A_805 : i32
              %swap3A_807 = arith.index_cast %sub3A_806 : i32 to index
              %swap3A_808 = tpu.vector_load %arg9[%swap3A_807] {strides = array<i32>} : memref<4224xf32, #tpu.memory_space<vmem>>, vector<16xf32>,
              %swap3A_809 = vector.shape_cast %swap3A_808 : vector<16xf32> to vector<16xf32>
              %swap3A_810 = vector.shape_cast %select_n3A_710 : vector<16xf32> to vector<16xf32>
              tpu.vector_store %arg9[%swap3A_807], %swap3A_810 {strides = array<i32>} : memref<4224xf32, #tpu.memory_space<vmem>>, vector<16xf32>,
              %sub3A_811 = arith.constant 16 : i32
              %sub3A_812 = arith.subi %add3A_718, %sub3A_811 : i32
              %swap3A_813 = arith.index_cast %sub3A_812 : i32 to index
              %swap3A_814 = tpu.vector_load %arg10[%swap3A_813] {strides = array<i32>} : memref<4224xi32, #tpu.memory_space<vmem>>, vector<16xi32>,
              %swap3A_815 = vector.shape_cast %swap3A_814 : vector<16xi32> to vector<16xi32>
              %swap3A_816 = vector.shape_cast %select_n3A_714 : vector<16xi32> to vector<16xi32>
              tpu.vector_store %arg10[%swap3A_813], %swap3A_816 {strides = array<i32>} : memref<4224xi32, #tpu.memory_space<vmem>>, vector<16xi32>,
            } else {
            }
            %slice3A_727 = vector.extract_strided_slice %get3A_201 {offsets = [14], sizes = [1], strides = [1]} : vector<16xf32> to vector<1xf32>
            %squeeze3A_728 = vector.extract %slice3A_727[0] : f32 from vector<1xf32>
            %ge3A_729 = arith.cmpf oge, %squeeze3A_728, %scan3A_7 : f32
            %lt3A_730 = arith.constant 4096 : i32
            %lt3A_731 = arith.cmpi slt, %add3A_718, %lt3A_730 : i32
            %and3A_732 = arith.andi %ge3A_729, %lt3A_731 : i1
            %rem3A_733 = arith.constant 16 : i32
            %rem3A_734 = arith.remsi %add3A_718, %rem3A_733 : i32
            %jit3A_735 = arith.constant 16 : i32
            %select_n3A_736 = arith.select %and3A_732, %rem3A_734, %jit3A_735 : i32
            %mul3A_737 = arith.constant 16 : i32
            %mul3A_738 = arith.muli %scan3A_194, %mul3A_737 : i32
            %add3A_739 = arith.addi %mul3A_187, %mul3A_738 : i32
            %add3A_740 = arith.constant 14 : i32
            %add3A_741 = arith.addi %add3A_739, %add3A_740 : i32
            %eq3A_742 = vector.broadcast %select_n3A_736 : i32 to vector<16xi32>
            %eq3A_743 = arith.cmpi eq, %iota3A, %eq3A_742 : vector<16xi32>
            %broadcast_in_dim3A_744 = vector.broadcast %squeeze3A_728 : f32 to vector<16xf32>
            %select_n3A_745 = arith.select %eq3A_743, %broadcast_in_dim3A_744, %select_n3A_710 : vector<16xi1>, vector<16xf32>
            %eq3A_746 = vector.broadcast %select_n3A_736 : i32 to vector<16xi32>
            %eq3A_747 = arith.cmpi eq, %iota3A, %eq3A_746 : vector<16xi32>
            %broadcast_in_dim3A_748 = vector.broadcast %add3A_741 : i32 to vector<16xi32>
            %select_n3A_749 = arith.select %eq3A_747, %broadcast_in_dim3A_748, %select_n3A_714 : vector<16xi1>, vector<16xi32>
            %jit3A_750 = arith.constant 1 : i32
            %jit3A_751 = arith.constant 0 : i32
            %select_n3A_752 = arith.select %and3A_732, %jit3A_750, %jit3A_751 : i32
            %add3A_753 = arith.addi %add3A_718, %select_n3A_752 : i32
            %rem3A_754 = arith.constant 16 : i32
            %rem3A_755 = arith.remsi %add3A_753, %rem3A_754 : i32
            %eq3A_756 = arith.constant 0 : i32
            %eq3A_757 = arith.cmpi eq, %rem3A_755, %eq3A_756 : i32
            %and3A_758 = arith.andi %and3A_732, %eq3A_757 : i1
            %convert_element_type3A_759 = arith.extui %and3A_758 : i1 to i32
            %cond3A_760 = arith.constant 0 : i32
            %cond3A_761 = arith.cmpi ne, %convert_element_type3A_759, %cond3A_760 : i32
            scf.if %cond3A_761 {
              %sub3A_805 = arith.constant 16 : i32
              %sub3A_806 = arith.subi %add3A_753, %sub3A_805 : i32
              %swap3A_807 = arith.index_cast %sub3A_806 : i32 to index
              %swap3A_808 = tpu.vector_load %arg9[%swap3A_807] {strides = array<i32>} : memref<4224xf32, #tpu.memory_space<vmem>>, vector<16xf32>,
              %swap3A_809 = vector.shape_cast %swap3A_808 : vector<16xf32> to vector<16xf32>
              %swap3A_810 = vector.shape_cast %select_n3A_745 : vector<16xf32> to vector<16xf32>
              tpu.vector_store %arg9[%swap3A_807], %swap3A_810 {strides = array<i32>} : memref<4224xf32, #tpu.memory_space<vmem>>, vector<16xf32>,
              %sub3A_811 = arith.constant 16 : i32
              %sub3A_812 = arith.subi %add3A_753, %sub3A_811 : i32
              %swap3A_813 = arith.index_cast %sub3A_812 : i32 to index
              %swap3A_814 = tpu.vector_load %arg10[%swap3A_813] {strides = array<i32>} : memref<4224xi32, #tpu.memory_space<vmem>>, vector<16xi32>,
              %swap3A_815 = vector.shape_cast %swap3A_814 : vector<16xi32> to vector<16xi32>
              %swap3A_816 = vector.shape_cast %select_n3A_749 : vector<16xi32> to vector<16xi32>
              tpu.vector_store %arg10[%swap3A_813], %swap3A_816 {strides = array<i32>} : memref<4224xi32, #tpu.memory_space<vmem>>, vector<16xi32>,
            } else {
            }
            %slice3A_762 = vector.extract_strided_slice %get3A_201 {offsets = [15], sizes = [1], strides = [1]} : vector<16xf32> to vector<1xf32>
            %squeeze3A_763 = vector.extract %slice3A_762[0] : f32 from vector<1xf32>
            %ge3A_764 = arith.cmpf oge, %squeeze3A_763, %scan3A_7 : f32
            %lt3A_765 = arith.constant 4096 : i32
            %lt3A_766 = arith.cmpi slt, %add3A_753, %lt3A_765 : i32
            %and3A_767 = arith.andi %ge3A_764, %lt3A_766 : i1
            %rem3A_768 = arith.constant 16 : i32
            %rem3A_769 = arith.remsi %add3A_753, %rem3A_768 : i32
            %jit3A_770 = arith.constant 16 : i32
            %select_n3A_771 = arith.select %and3A_767, %rem3A_769, %jit3A_770 : i32
            %mul3A_772 = arith.constant 16 : i32
            %mul3A_773 = arith.muli %scan3A_194, %mul3A_772 : i32
            %add3A_774 = arith.addi %mul3A_187, %mul3A_773 : i32
            %add3A_775 = arith.constant 15 : i32
            %add3A_776 = arith.addi %add3A_774, %add3A_775 : i32
            %eq3A_777 = vector.broadcast %select_n3A_771 : i32 to vector<16xi32>
            %eq3A_778 = arith.cmpi eq, %iota3A, %eq3A_777 : vector<16xi32>
            %broadcast_in_dim3A_779 = vector.broadcast %squeeze3A_763 : f32 to vector<16xf32>
            %select_n3A_780 = arith.select %eq3A_778, %broadcast_in_dim3A_779, %select_n3A_745 : vector<16xi1>, vector<16xf32>
            %eq3A_781 = vector.broadcast %select_n3A_771 : i32 to vector<16xi32>
            %eq3A_782 = arith.cmpi eq, %iota3A, %eq3A_781 : vector<16xi32>
            %broadcast_in_dim3A_783 = vector.broadcast %add3A_776 : i32 to vector<16xi32>
            %select_n3A_784 = arith.select %eq3A_782, %broadcast_in_dim3A_783, %select_n3A_749 : vector<16xi1>, vector<16xi32>
            %jit3A_785 = arith.constant 1 : i32
            %jit3A_786 = arith.constant 0 : i32
            %select_n3A_787 = arith.select %and3A_767, %jit3A_785, %jit3A_786 : i32
            %add3A_788 = arith.addi %add3A_753, %select_n3A_787 : i32
            %rem3A_789 = arith.constant 16 : i32
            %rem3A_790 = arith.remsi %add3A_788, %rem3A_789 : i32
            %eq3A_791 = arith.constant 0 : i32
            %eq3A_792 = arith.cmpi eq, %rem3A_790, %eq3A_791 : i32
            %and3A_793 = arith.andi %and3A_767, %eq3A_792 : i1
            %convert_element_type3A_794 = arith.extui %and3A_793 : i1 to i32
            %cond3A_795 = arith.constant 0 : i32
            %cond3A_796 = arith.cmpi ne, %convert_element_type3A_794, %cond3A_795 : i32
            scf.if %cond3A_796 {
              %sub3A_805 = arith.constant 16 : i32
              %sub3A_806 = arith.subi %add3A_788, %sub3A_805 : i32
              %swap3A_807 = arith.index_cast %sub3A_806 : i32 to index
              %swap3A_808 = tpu.vector_load %arg9[%swap3A_807] {strides = array<i32>} : memref<4224xf32, #tpu.memory_space<vmem>>, vector<16xf32>,
              %swap3A_809 = vector.shape_cast %swap3A_808 : vector<16xf32> to vector<16xf32>
              %swap3A_810 = vector.shape_cast %select_n3A_780 : vector<16xf32> to vector<16xf32>
              tpu.vector_store %arg9[%swap3A_807], %swap3A_810 {strides = array<i32>} : memref<4224xf32, #tpu.memory_space<vmem>>, vector<16xf32>,
              %sub3A_811 = arith.constant 16 : i32
              %sub3A_812 = arith.subi %add3A_788, %sub3A_811 : i32
              %swap3A_813 = arith.index_cast %sub3A_812 : i32 to index
              %swap3A_814 = tpu.vector_load %arg10[%swap3A_813] {strides = array<i32>} : memref<4224xi32, #tpu.memory_space<vmem>>, vector<16xi32>,
              %swap3A_815 = vector.shape_cast %swap3A_814 : vector<16xi32> to vector<16xi32>
              %swap3A_816 = vector.shape_cast %select_n3A_784 : vector<16xi32> to vector<16xi32>
              tpu.vector_store %arg10[%swap3A_813], %swap3A_816 {strides = array<i32>} : memref<4224xi32, #tpu.memory_space<vmem>>, vector<16xi32>,
            } else {
            }
            %swap3A_797 = arith.constant 0 : index
            %swap3A_798 = tpu.vector_load %arg14[%swap3A_797] {strides = array<i32>} : memref<16xf32, #tpu.memory_space<vmem>>, vector<16xf32>,
            %swap3A_799 = vector.shape_cast %swap3A_798 : vector<16xf32> to vector<16xf32>
            %swap3A_800 = vector.shape_cast %select_n3A_780 : vector<16xf32> to vector<16xf32>
            tpu.vector_store %arg14[%swap3A_797], %swap3A_800 {strides = array<i32>} : memref<16xf32, #tpu.memory_space<vmem>>, vector<16xf32>,
            %swap3A_801 = arith.constant 0 : index
            %swap3A_802 = tpu.vector_load %arg15[%swap3A_801] {strides = array<i32>} : memref<16xi32, #tpu.memory_space<vmem>>, vector<16xi32>,
            %swap3A_803 = vector.shape_cast %swap3A_802 : vector<16xi32> to vector<16xi32>
            %swap3A_804 = vector.shape_cast %select_n3A_784 : vector<16xi32> to vector<16xi32>
            tpu.vector_store %arg15[%swap3A_801], %swap3A_804 {strides = array<i32>} : memref<16xi32, #tpu.memory_space<vmem>>, vector<16xi32>,
            scf.yield %add3A_788 : i32
          } else {
            scf.yield %scan3A_195 : i32
          }
          scf.yield %cond3A_232 : i32
        }
        %scan3A_193 = arith.constant 8 : i32
        scf.yield %scan3A_192 : i32
      }
      scf.yield %while3A_177 : i32
    }
    %rem3A_78 = arith.constant 16 : i32
    %rem3A_79 = arith.remsi %while3A_77, %rem3A_78 : i32
    %ne3A_80 = arith.constant 0 : i32
    %ne3A_81 = arith.cmpi ne, %rem3A_79, %ne3A_80 : i32
    %convert_element_type3A_82 = arith.extui %ne3A_81 : i1 to i32
    %cond3A_83 = arith.constant 0 : i32
    %cond3A_84 = arith.cmpi ne, %convert_element_type3A_82, %cond3A_83 : i32
    scf.if %cond3A_84 {
      %get3A = arith.constant 0 : index
      %get3A_150 = tpu.vector_load %arg14[%get3A] {strides = array<i32>} : memref<16xf32, #tpu.memory_space<vmem>>, vector<16xf32>,
      %get3A_151 = vector.shape_cast %get3A_150 : vector<16xf32> to vector<16xf32>
      %jit3A_152 = arith.constant 16 : i32
      %div3A_153 = arith.divsi %while3A_77, %jit3A_152 : i32
      %sign3A_154 = arith.constant 0 : i32
      %sign3A_155 = arith.cmpi sgt, %while3A_77, %sign3A_154 : i32
      %sign3A_156 = arith.extui %sign3A_155 : i1 to i32
      %sign3A_157 = arith.constant 0 : i32
      %sign3A_158 = arith.cmpi slt, %while3A_77, %sign3A_157 : i32
      %sign3A_159 = arith.extui %sign3A_158 : i1 to i32
      %sign3A_160 = arith.subi %sign3A_156, %sign3A_159 : i32
      %sign3A_161 = arith.constant 0 : i32
      %sign3A_162 = arith.cmpi sgt, %jit3A_152, %sign3A_161 : i32
      %sign3A_163 = arith.extui %sign3A_162 : i1 to i32
      %sign3A_164 = arith.constant 0 : i32
      %sign3A_165 = arith.cmpi slt, %jit3A_152, %sign3A_164 : i32
      %sign3A_166 = arith.extui %sign3A_165 : i1 to i32
      %sign3A_167 = arith.subi %sign3A_163, %sign3A_166 : i32
      %ne3A_168 = arith.cmpi ne, %sign3A_160, %sign3A_167 : i32
      %rem3A_169 = arith.remsi %while3A_77, %jit3A_152 : i32
      %ne3A_170 = arith.constant 0 : i32
      %ne3A_171 = arith.cmpi ne, %rem3A_169, %ne3A_170 : i32
      %and3A_172 = arith.andi %ne3A_168, %ne3A_171 : i1
      %sub3A_173 = arith.constant 1 : i32
      %sub3A_174 = arith.subi %div3A_153, %sub3A_173 : i32
      %select_n3A_175 = arith.select %and3A_172, %sub3A_174, %div3A_153 : i32
      %mul3A_176 = arith.constant 16 : i32
      %mul3A_177 = arith.muli %select_n3A_175, %mul3A_176 : i32
      %swap3A_178 = arith.index_cast %mul3A_177 : i32 to index
      %swap3A_179 = tpu.vector_load %arg9[%swap3A_178] {strides = array<i32>} : memref<4224xf32, #tpu.memory_space<vmem>>, vector<16xf32>,
      %swap3A_180 = vector.shape_cast %swap3A_179 : vector<16xf32> to vector<16xf32>
      %swap3A_181 = vector.shape_cast %get3A_151 : vector<16xf32> to vector<16xf32>
      tpu.vector_store %arg9[%swap3A_178], %swap3A_181 {strides = array<i32>} : memref<4224xf32, #tpu.memory_space<vmem>>, vector<16xf32>,
      %get3A_182 = arith.constant 0 : index
      %get3A_183 = tpu.vector_load %arg15[%get3A_182] {strides = array<i32>} : memref<16xi32, #tpu.memory_space<vmem>>, vector<16xi32>,
      %get3A_184 = vector.shape_cast %get3A_183 : vector<16xi32> to vector<16xi32>
      %jit3A_185 = arith.constant 16 : i32
      %div3A_186 = arith.divsi %while3A_77, %jit3A_185 : i32
      %sign3A_187 = arith.constant 0 : i32
      %sign3A_188 = arith.cmpi sgt, %while3A_77, %sign3A_187 : i32
      %sign3A_189 = arith.extui %sign3A_188 : i1 to i32
      %sign3A_190 = arith.constant 0 : i32
      %sign3A_191 = arith.cmpi slt, %while3A_77, %sign3A_190 : i32
      %sign3A_192 = arith.extui %sign3A_191 : i1 to i32
      %sign3A_193 = arith.subi %sign3A_189, %sign3A_192 : i32
      %sign3A_194 = arith.constant 0 : i32
      %sign3A_195 = arith.cmpi sgt, %jit3A_185, %sign3A_194 : i32
      %sign3A_196 = arith.extui %sign3A_195 : i1 to i32
      %sign3A_197 = arith.constant 0 : i32
      %sign3A_198 = arith.cmpi slt, %jit3A_185, %sign3A_197 : i32
      %sign3A_199 = arith.extui %sign3A_198 : i1 to i32
      %sign3A_200 = arith.subi %sign3A_196, %sign3A_199 : i32
      %ne3A_201 = arith.cmpi ne, %sign3A_193, %sign3A_200 : i32
      %rem3A_202 = arith.remsi %while3A_77, %jit3A_185 : i32
      %ne3A_203 = arith.constant 0 : i32
      %ne3A_204 = arith.cmpi ne, %rem3A_202, %ne3A_203 : i32
      %and3A_205 = arith.andi %ne3A_201, %ne3A_204 : i1
      %sub3A_206 = arith.constant 1 : i32
      %sub3A_207 = arith.subi %div3A_186, %sub3A_206 : i32
      %select_n3A_208 = arith.select %and3A_205, %sub3A_207, %div3A_186 : i32
      %mul3A_209 = arith.constant 16 : i32
      %mul3A_210 = arith.muli %select_n3A_208, %mul3A_209 : i32
      %swap3A_211 = arith.index_cast %mul3A_210 : i32 to index
      %swap3A_212 = tpu.vector_load %arg10[%swap3A_211] {strides = array<i32>} : memref<4224xi32, #tpu.memory_space<vmem>>, vector<16xi32>,
      %swap3A_213 = vector.shape_cast %swap3A_212 : vector<16xi32> to vector<16xi32>
      %swap3A_214 = vector.shape_cast %get3A_184 : vector<16xi32> to vector<16xi32>
      tpu.vector_store %arg10[%swap3A_211], %swap3A_214 {strides = array<i32>} : memref<4224xi32, #tpu.memory_space<vmem>>, vector<16xi32>,
    } else {
    }
    %min3A = arith.constant 4096 : i32
    %min3A_85 = arith.minsi %while3A_77, %min3A : i32
    %add3A_86 = arith.constant 15 : i32
    %add3A_87 = arith.addi %min3A_85, %add3A_86 : i32
    %jit3A_88 = arith.constant 16 : i32
    %div3A_89 = arith.divsi %add3A_87, %jit3A_88 : i32
    %sign3A_90 = arith.constant 0 : i32
    %sign3A_91 = arith.cmpi sgt, %add3A_87, %sign3A_90 : i32
    %sign3A_92 = arith.extui %sign3A_91 : i1 to i32
    %sign3A_93 = arith.constant 0 : i32
    %sign3A_94 = arith.cmpi slt, %add3A_87, %sign3A_93 : i32
    %sign3A_95 = arith.extui %sign3A_94 : i1 to i32
    %sign3A_96 = arith.subi %sign3A_92, %sign3A_95 : i32
    %sign3A_97 = arith.constant 0 : i32
    %sign3A_98 = arith.cmpi sgt, %jit3A_88, %sign3A_97 : i32
    %sign3A_99 = arith.extui %sign3A_98 : i1 to i32
    %sign3A_100 = arith.constant 0 : i32
    %sign3A_101 = arith.cmpi slt, %jit3A_88, %sign3A_100 : i32
    %sign3A_102 = arith.extui %sign3A_101 : i1 to i32
    %sign3A_103 = arith.subi %sign3A_99, %sign3A_102 : i32
    %ne3A_104 = arith.cmpi ne, %sign3A_96, %sign3A_103 : i32
    %rem3A_105 = arith.remsi %add3A_87, %jit3A_88 : i32
    %ne3A_106 = arith.constant 0 : i32
    %ne3A_107 = arith.cmpi ne, %rem3A_105, %ne3A_106 : i32
    %and3A_108 = arith.andi %ne3A_104, %ne3A_107 : i1
    %sub3A_109 = arith.constant 1 : i32
    %sub3A_110 = arith.subi %div3A_89, %sub3A_109 : i32
    %select_n3A_111 = arith.select %and3A_108, %sub3A_110, %div3A_89 : i32
    %add3A_112 = arith.constant 3 : i32
    %add3A_113 = arith.addi %select_n3A_111, %add3A_112 : i32
    %jit3A_114 = arith.constant 4 : i32
    %div3A_115 = arith.divsi %add3A_113, %jit3A_114 : i32
    %sign3A_116 = arith.constant 0 : i32
    %sign3A_117 = arith.cmpi sgt, %add3A_113, %sign3A_116 : i32
    %sign3A_118 = arith.extui %sign3A_117 : i1 to i32
    %sign3A_119 = arith.constant 0 : i32
    %sign3A_120 = arith.cmpi slt, %add3A_113, %sign3A_119 : i32
    %sign3A_121 = arith.extui %sign3A_120 : i1 to i32
    %sign3A_122 = arith.subi %sign3A_118, %sign3A_121 : i32
    %sign3A_123 = arith.constant 0 : i32
    %sign3A_124 = arith.cmpi sgt, %jit3A_114, %sign3A_123 : i32
    %sign3A_125 = arith.extui %sign3A_124 : i1 to i32
    %sign3A_126 = arith.constant 0 : i32
    %sign3A_127 = arith.cmpi slt, %jit3A_114, %sign3A_126 : i32
    %sign3A_128 = arith.extui %sign3A_127 : i1 to i32
    %sign3A_129 = arith.subi %sign3A_125, %sign3A_128 : i32
    %ne3A_130 = arith.cmpi ne, %sign3A_122, %sign3A_129 : i32
    %rem3A_131 = arith.remsi %add3A_113, %jit3A_114 : i32
    %ne3A_132 = arith.constant 0 : i32
    %ne3A_133 = arith.cmpi ne, %rem3A_131, %ne3A_132 : i32
    %and3A_134 = arith.andi %ne3A_130, %ne3A_133 : i1
    %sub3A_135 = arith.constant 1 : i32
    %sub3A_136 = arith.subi %div3A_115, %sub3A_135 : i32
    %select_n3A_137 = arith.select %and3A_134, %sub3A_136, %div3A_115 : i32
    %broadcast_in_dim3A_138 = arith.constant 0 : i32
    %broadcast_in_dim3A_139 = vector.broadcast %broadcast_in_dim3A_138 : i32 to vector<16xi32>
    %scan3A_140 = arith.constant 0 : i32
    %scan3A_141 = arith.constant 64 : i32
    %scan3A_142 = arith.addi %scan3A_140, %scan3A_141 : i32
    %scan3A_143 = arith.constant 1 : i32
    %scan3A_144 = scf.for %scan3A_150 = %scan3A_140 to %scan3A_142 step %scan3A_143 iter_args(%scan3A_151 = %broadcast_in_dim3A_139) -> (vector<16xi32>)  : i32 {
      %broadcast_in_dim3A_152 = arith.constant -3.000000e+38 : f32
      %broadcast_in_dim3A_153 = vector.broadcast %broadcast_in_dim3A_152 : f32 to vector<16xf32>
      %while3A_154 = arith.constant 0 : i32
      %while3A_155 = arith.subi %select_n3A_137, %while3A_154 : i32
      %while3A_156 = arith.addi %while3A_154, %while3A_155 : i32
      %while3A_157 = arith.constant 1 : i32
      %while3A_158 = arith.divsi %while3A_155, %while3A_157 : i32
      %while3A_159 = arith.muli %while3A_158, %while3A_157 : i32
      %while3A_160 = arith.addi %while3A_154, %while3A_159 : i32
      %while3A_161 = arith.constant 1 : i32
      %while3A_162 = scf.for %while3A_255 = %while3A_154 to %while3A_160 step %while3A_161 iter_args(%while3A_256 = %broadcast_in_dim3A_153) -> (vector<16xf32>)  : i32 {
        %mul3A_257 = arith.constant 4 : i32
        %mul3A_258 = arith.muli %while3A_255, %mul3A_257 : i32
        %add3A_259 = arith.constant 0 : i32
        %add3A_260 = arith.addi %mul3A_258, %add3A_259 : i32
        %mul3A_261 = arith.constant 16 : i32
        %mul3A_262 = arith.muli %add3A_260, %mul3A_261 : i32
        %get3A = arith.index_cast %mul3A_262 : i32 to index
        %get3A_263 = tpu.vector_load %arg9[%get3A] {strides = array<i32>} : memref<4224xf32, #tpu.memory_space<vmem>>, vector<16xf32>,
        %get3A_264 = vector.shape_cast %get3A_263 : vector<16xf32> to vector<16xf32>
        %max3A_265 = arith.maximumf %while3A_256, %get3A_264 : vector<16xf32>
        %mul3A_266 = arith.constant 4 : i32
        %mul3A_267 = arith.muli %while3A_255, %mul3A_266 : i32
        %add3A_268 = arith.constant 1 : i32
        %add3A_269 = arith.addi %mul3A_267, %add3A_268 : i32
        %mul3A_270 = arith.constant 16 : i32
        %mul3A_271 = arith.muli %add3A_269, %mul3A_270 : i32
        %get3A_272 = arith.index_cast %mul3A_271 : i32 to index
        %get3A_273 = tpu.vector_load %arg9[%get3A_272] {strides = array<i32>} : memref<4224xf32, #tpu.memory_space<vmem>>, vector<16xf32>,
        %get3A_274 = vector.shape_cast %get3A_273 : vector<16xf32> to vector<16xf32>
        %max3A_275 = arith.maximumf %max3A_265, %get3A_274 : vector<16xf32>
        %mul3A_276 = arith.constant 4 : i32
        %mul3A_277 = arith.muli %while3A_255, %mul3A_276 : i32
        %add3A_278 = arith.constant 2 : i32
        %add3A_279 = arith.addi %mul3A_277, %add3A_278 : i32
        %mul3A_280 = arith.constant 16 : i32
        %mul3A_281 = arith.muli %add3A_279, %mul3A_280 : i32
        %get3A_282 = arith.index_cast %mul3A_281 : i32 to index
        %get3A_283 = tpu.vector_load %arg9[%get3A_282] {strides = array<i32>} : memref<4224xf32, #tpu.memory_space<vmem>>, vector<16xf32>,
        %get3A_284 = vector.shape_cast %get3A_283 : vector<16xf32> to vector<16xf32>
        %max3A_285 = arith.maximumf %max3A_275, %get3A_284 : vector<16xf32>
        %mul3A_286 = arith.constant 4 : i32
        %mul3A_287 = arith.muli %while3A_255, %mul3A_286 : i32
        %add3A_288 = arith.constant 3 : i32
        %add3A_289 = arith.addi %mul3A_287, %add3A_288 : i32
        %mul3A_290 = arith.constant 16 : i32
        %mul3A_291 = arith.muli %add3A_289, %mul3A_290 : i32
        %get3A_292 = arith.index_cast %mul3A_291 : i32 to index
        %get3A_293 = tpu.vector_load %arg9[%get3A_292] {strides = array<i32>} : memref<4224xf32, #tpu.memory_space<vmem>>, vector<16xf32>,
        %get3A_294 = vector.shape_cast %get3A_293 : vector<16xf32> to vector<16xf32>
        %max3A_295 = arith.maximumf %max3A_285, %get3A_294 : vector<16xf32>
        scf.yield %max3A_295 : vector<16xf32>
      }
      %while3A_163 = arith.constant 1 : i32
      %while3A_164 = scf.for %while3A_255 = %while3A_160 to %while3A_156 step %while3A_163 iter_args(%while3A_256 = %while3A_162) -> (vector<16xf32>)  : i32 {
        %mul3A_257 = arith.constant 4 : i32
        %mul3A_258 = arith.muli %while3A_255, %mul3A_257 : i32
        %add3A_259 = arith.constant 0 : i32
        %add3A_260 = arith.addi %mul3A_258, %add3A_259 : i32
        %mul3A_261 = arith.constant 16 : i32
        %mul3A_262 = arith.muli %add3A_260, %mul3A_261 : i32
        %get3A = arith.index_cast %mul3A_262 : i32 to index
        %get3A_263 = tpu.vector_load %arg9[%get3A] {strides = array<i32>} : memref<4224xf32, #tpu.memory_space<vmem>>, vector<16xf32>,
        %get3A_264 = vector.shape_cast %get3A_263 : vector<16xf32> to vector<16xf32>
        %max3A_265 = arith.maximumf %while3A_256, %get3A_264 : vector<16xf32>
        %mul3A_266 = arith.constant 4 : i32
        %mul3A_267 = arith.muli %while3A_255, %mul3A_266 : i32
        %add3A_268 = arith.constant 1 : i32
        %add3A_269 = arith.addi %mul3A_267, %add3A_268 : i32
        %mul3A_270 = arith.constant 16 : i32
        %mul3A_271 = arith.muli %add3A_269, %mul3A_270 : i32
        %get3A_272 = arith.index_cast %mul3A_271 : i32 to index
        %get3A_273 = tpu.vector_load %arg9[%get3A_272] {strides = array<i32>} : memref<4224xf32, #tpu.memory_space<vmem>>, vector<16xf32>,
        %get3A_274 = vector.shape_cast %get3A_273 : vector<16xf32> to vector<16xf32>
        %max3A_275 = arith.maximumf %max3A_265, %get3A_274 : vector<16xf32>
        %mul3A_276 = arith.constant 4 : i32
        %mul3A_277 = arith.muli %while3A_255, %mul3A_276 : i32
        %add3A_278 = arith.constant 2 : i32
        %add3A_279 = arith.addi %mul3A_277, %add3A_278 : i32
        %mul3A_280 = arith.constant 16 : i32
        %mul3A_281 = arith.muli %add3A_279, %mul3A_280 : i32
        %get3A_282 = arith.index_cast %mul3A_281 : i32 to index
        %get3A_283 = tpu.vector_load %arg9[%get3A_282] {strides = array<i32>} : memref<4224xf32, #tpu.memory_space<vmem>>, vector<16xf32>,
        %get3A_284 = vector.shape_cast %get3A_283 : vector<16xf32> to vector<16xf32>
        %max3A_285 = arith.maximumf %max3A_275, %get3A_284 : vector<16xf32>
        %mul3A_286 = arith.constant 4 : i32
        %mul3A_287 = arith.muli %while3A_255, %mul3A_286 : i32
        %add3A_288 = arith.constant 3 : i32
        %add3A_289 = arith.addi %mul3A_287, %add3A_288 : i32
        %mul3A_290 = arith.constant 16 : i32
        %mul3A_291 = arith.muli %add3A_289, %mul3A_290 : i32
        %get3A_292 = arith.index_cast %mul3A_291 : i32 to index
        %get3A_293 = tpu.vector_load %arg9[%get3A_292] {strides = array<i32>} : memref<4224xf32, #tpu.memory_space<vmem>>, vector<16xf32>,
        %get3A_294 = vector.shape_cast %get3A_293 : vector<16xf32> to vector<16xf32>
        %max3A_295 = arith.maximumf %max3A_285, %get3A_294 : vector<16xf32>
        scf.yield %max3A_295 : vector<16xf32>
      }
      %xor3A = arith.constant 8 : i32
      %xor3A_165 = vector.broadcast %xor3A : i32 to vector<16xi32>
      %xor3A_166 = arith.xori %iota3A, %xor3A_165 : vector<16xi32>
      %broadcast_in_dim3A_167 = vector.shape_cast %xor3A_166 : vector<16xi32> to vector<16x1xi32>
      %gather3A = vector.shape_cast %broadcast_in_dim3A_167 : vector<16x1xi32> to vector<16xi32>
      %gather3A_168 = tpu.dynamic_gather %while3A_164[%gather3A] in [0] : vector<16xf32>, vector<16xi32> -> vector<16xf32>
      %max3A = arith.maximumf %while3A_164, %gather3A_168 : vector<16xf32>
      %xor3A_169 = arith.constant 4 : i32
      %xor3A_170 = vector.broadcast %xor3A_169 : i32 to vector<16xi32>
      %xor3A_171 = arith.xori %iota3A, %xor3A_170 : vector<16xi32>
      %broadcast_in_dim3A_172 = vector.shape_cast %xor3A_171 : vector<16xi32> to vector<16x1xi32>
      %gather3A_173 = vector.shape_cast %broadcast_in_dim3A_172 : vector<16x1xi32> to vector<16xi32>
      %gather3A_174 = tpu.dynamic_gather %max3A[%gather3A_173] in [0] : vector<16xf32>, vector<16xi32> -> vector<16xf32>
      %max3A_175 = arith.maximumf %max3A, %gather3A_174 : vector<16xf32>
      %xor3A_176 = arith.constant 2 : i32
      %xor3A_177 = vector.broadcast %xor3A_176 : i32 to vector<16xi32>
      %xor3A_178 = arith.xori %iota3A, %xor3A_177 : vector<16xi32>
      %broadcast_in_dim3A_179 = vector.shape_cast %xor3A_178 : vector<16xi32> to vector<16x1xi32>
      %gather3A_180 = vector.shape_cast %broadcast_in_dim3A_179 : vector<16x1xi32> to vector<16xi32>
      %gather3A_181 = tpu.dynamic_gather %max3A_175[%gather3A_180] in [0] : vector<16xf32>, vector<16xi32> -> vector<16xf32>
      %max3A_182 = arith.maximumf %max3A_175, %gather3A_181 : vector<16xf32>
      %xor3A_183 = arith.constant 1 : i32
      %xor3A_184 = vector.broadcast %xor3A_183 : i32 to vector<16xi32>
      %xor3A_185 = arith.xori %iota3A, %xor3A_184 : vector<16xi32>
      %broadcast_in_dim3A_186 = vector.shape_cast %xor3A_185 : vector<16xi32> to vector<16x1xi32>
      %gather3A_187 = vector.shape_cast %broadcast_in_dim3A_186 : vector<16x1xi32> to vector<16xi32>
      %gather3A_188 = tpu.dynamic_gather %max3A_182[%gather3A_187] in [0] : vector<16xf32>, vector<16xi32> -> vector<16xf32>
      %max3A_189 = arith.maximumf %max3A_182, %gather3A_188 : vector<16xf32>
      %slice3A = vector.extract_strided_slice %max3A_189 {offsets = [0], sizes = [1], strides = [1]} : vector<16xf32> to vector<1xf32>
      %squeeze3A = vector.extract %slice3A[0] : f32 from vector<1xf32>
      %broadcast_in_dim3A_190 = arith.constant 2147483647 : i32
      %broadcast_in_dim3A_191 = vector.broadcast %broadcast_in_dim3A_190 : i32 to vector<16xi32>
      %while3A_192 = arith.constant 0 : i32
      %while3A_193 = arith.subi %select_n3A_137, %while3A_192 : i32
      %while3A_194 = arith.addi %while3A_192, %while3A_193 : i32
      %while3A_195 = arith.constant 1 : i32
      %while3A_196 = arith.divsi %while3A_193, %while3A_195 : i32
      %while3A_197 = arith.muli %while3A_196, %while3A_195 : i32
      %while3A_198 = arith.addi %while3A_192, %while3A_197 : i32
      %while3A_199 = arith.constant 1 : i32
      %while3A_200 = scf.for %while3A_255 = %while3A_192 to %while3A_198 step %while3A_199 iter_args(%while3A_256 = %broadcast_in_dim3A_191) -> (vector<16xi32>)  : i32 {
        %mul3A_257 = arith.constant 4 : i32
        %mul3A_258 = arith.muli %while3A_255, %mul3A_257 : i32
        %add3A_259 = arith.constant 0 : i32
        %add3A_260 = arith.addi %mul3A_258, %add3A_259 : i32
        %mul3A_261 = arith.constant 16 : i32
        %mul3A_262 = arith.muli %add3A_260, %mul3A_261 : i32
        %get3A = arith.index_cast %mul3A_262 : i32 to index
        %get3A_263 = tpu.vector_load %arg9[%get3A] {strides = array<i32>} : memref<4224xf32, #tpu.memory_space<vmem>>, vector<16xf32>,
        %get3A_264 = vector.shape_cast %get3A_263 : vector<16xf32> to vector<16xf32>
        %eq3A_265 = vector.broadcast %squeeze3A : f32 to vector<16xf32>
        %eq3A_266 = arith.cmpf oeq, %get3A_264, %eq3A_265 : vector<16xf32>
        %mul3A_267 = arith.constant 4 : i32
        %mul3A_268 = arith.muli %while3A_255, %mul3A_267 : i32
        %add3A_269 = arith.constant 0 : i32
        %add3A_270 = arith.addi %mul3A_268, %add3A_269 : i32
        %mul3A_271 = arith.constant 16 : i32
        %mul3A_272 = arith.muli %add3A_270, %mul3A_271 : i32
        %get3A_273 = arith.index_cast %mul3A_272 : i32 to index
        %get3A_274 = tpu.vector_load %arg10[%get3A_273] {strides = array<i32>} : memref<4224xi32, #tpu.memory_space<vmem>>, vector<16xi32>,
        %get3A_275 = vector.shape_cast %get3A_274 : vector<16xi32> to vector<16xi32>
        %jit3A_276 = arith.constant 2147483647 : i32
        %broadcast_in_dim3A_277 = vector.broadcast %jit3A_276 : i32 to vector<16xi32>
        %select_n3A_278 = arith.select %eq3A_266, %get3A_275, %broadcast_in_dim3A_277 : vector<16xi1>, vector<16xi32>
        %min3A_279 = arith.minsi %while3A_256, %select_n3A_278 : vector<16xi32>
        %mul3A_280 = arith.constant 4 : i32
        %mul3A_281 = arith.muli %while3A_255, %mul3A_280 : i32
        %add3A_282 = arith.constant 1 : i32
        %add3A_283 = arith.addi %mul3A_281, %add3A_282 : i32
        %mul3A_284 = arith.constant 16 : i32
        %mul3A_285 = arith.muli %add3A_283, %mul3A_284 : i32
        %get3A_286 = arith.index_cast %mul3A_285 : i32 to index
        %get3A_287 = tpu.vector_load %arg9[%get3A_286] {strides = array<i32>} : memref<4224xf32, #tpu.memory_space<vmem>>, vector<16xf32>,
        %get3A_288 = vector.shape_cast %get3A_287 : vector<16xf32> to vector<16xf32>
        %eq3A_289 = vector.broadcast %squeeze3A : f32 to vector<16xf32>
        %eq3A_290 = arith.cmpf oeq, %get3A_288, %eq3A_289 : vector<16xf32>
        %mul3A_291 = arith.constant 4 : i32
        %mul3A_292 = arith.muli %while3A_255, %mul3A_291 : i32
        %add3A_293 = arith.constant 1 : i32
        %add3A_294 = arith.addi %mul3A_292, %add3A_293 : i32
        %mul3A_295 = arith.constant 16 : i32
        %mul3A_296 = arith.muli %add3A_294, %mul3A_295 : i32
        %get3A_297 = arith.index_cast %mul3A_296 : i32 to index
        %get3A_298 = tpu.vector_load %arg10[%get3A_297] {strides = array<i32>} : memref<4224xi32, #tpu.memory_space<vmem>>, vector<16xi32>,
        %get3A_299 = vector.shape_cast %get3A_298 : vector<16xi32> to vector<16xi32>
        %jit3A_300 = arith.constant 2147483647 : i32
        %broadcast_in_dim3A_301 = vector.broadcast %jit3A_300 : i32 to vector<16xi32>
        %select_n3A_302 = arith.select %eq3A_290, %get3A_299, %broadcast_in_dim3A_301 : vector<16xi1>, vector<16xi32>
        %min3A_303 = arith.minsi %min3A_279, %select_n3A_302 : vector<16xi32>
        %mul3A_304 = arith.constant 4 : i32
        %mul3A_305 = arith.muli %while3A_255, %mul3A_304 : i32
        %add3A_306 = arith.constant 2 : i32
        %add3A_307 = arith.addi %mul3A_305, %add3A_306 : i32
        %mul3A_308 = arith.constant 16 : i32
        %mul3A_309 = arith.muli %add3A_307, %mul3A_308 : i32
        %get3A_310 = arith.index_cast %mul3A_309 : i32 to index
        %get3A_311 = tpu.vector_load %arg9[%get3A_310] {strides = array<i32>} : memref<4224xf32, #tpu.memory_space<vmem>>, vector<16xf32>,
        %get3A_312 = vector.shape_cast %get3A_311 : vector<16xf32> to vector<16xf32>
        %eq3A_313 = vector.broadcast %squeeze3A : f32 to vector<16xf32>
        %eq3A_314 = arith.cmpf oeq, %get3A_312, %eq3A_313 : vector<16xf32>
        %mul3A_315 = arith.constant 4 : i32
        %mul3A_316 = arith.muli %while3A_255, %mul3A_315 : i32
        %add3A_317 = arith.constant 2 : i32
        %add3A_318 = arith.addi %mul3A_316, %add3A_317 : i32
        %mul3A_319 = arith.constant 16 : i32
        %mul3A_320 = arith.muli %add3A_318, %mul3A_319 : i32
        %get3A_321 = arith.index_cast %mul3A_320 : i32 to index
        %get3A_322 = tpu.vector_load %arg10[%get3A_321] {strides = array<i32>} : memref<4224xi32, #tpu.memory_space<vmem>>, vector<16xi32>,
        %get3A_323 = vector.shape_cast %get3A_322 : vector<16xi32> to vector<16xi32>
        %jit3A_324 = arith.constant 2147483647 : i32
        %broadcast_in_dim3A_325 = vector.broadcast %jit3A_324 : i32 to vector<16xi32>
        %select_n3A_326 = arith.select %eq3A_314, %get3A_323, %broadcast_in_dim3A_325 : vector<16xi1>, vector<16xi32>
        %min3A_327 = arith.minsi %min3A_303, %select_n3A_326 : vector<16xi32>
        %mul3A_328 = arith.constant 4 : i32
        %mul3A_329 = arith.muli %while3A_255, %mul3A_328 : i32
        %add3A_330 = arith.constant 3 : i32
        %add3A_331 = arith.addi %mul3A_329, %add3A_330 : i32
        %mul3A_332 = arith.constant 16 : i32
        %mul3A_333 = arith.muli %add3A_331, %mul3A_332 : i32
        %get3A_334 = arith.index_cast %mul3A_333 : i32 to index
        %get3A_335 = tpu.vector_load %arg9[%get3A_334] {strides = array<i32>} : memref<4224xf32, #tpu.memory_space<vmem>>, vector<16xf32>,
        %get3A_336 = vector.shape_cast %get3A_335 : vector<16xf32> to vector<16xf32>
        %eq3A_337 = vector.broadcast %squeeze3A : f32 to vector<16xf32>
        %eq3A_338 = arith.cmpf oeq, %get3A_336, %eq3A_337 : vector<16xf32>
        %mul3A_339 = arith.constant 4 : i32
        %mul3A_340 = arith.muli %while3A_255, %mul3A_339 : i32
        %add3A_341 = arith.constant 3 : i32
        %add3A_342 = arith.addi %mul3A_340, %add3A_341 : i32
        %mul3A_343 = arith.constant 16 : i32
        %mul3A_344 = arith.muli %add3A_342, %mul3A_343 : i32
        %get3A_345 = arith.index_cast %mul3A_344 : i32 to index
        %get3A_346 = tpu.vector_load %arg10[%get3A_345] {strides = array<i32>} : memref<4224xi32, #tpu.memory_space<vmem>>, vector<16xi32>,
        %get3A_347 = vector.shape_cast %get3A_346 : vector<16xi32> to vector<16xi32>
        %jit3A_348 = arith.constant 2147483647 : i32
        %broadcast_in_dim3A_349 = vector.broadcast %jit3A_348 : i32 to vector<16xi32>
        %select_n3A_350 = arith.select %eq3A_338, %get3A_347, %broadcast_in_dim3A_349 : vector<16xi1>, vector<16xi32>
        %min3A_351 = arith.minsi %min3A_327, %select_n3A_350 : vector<16xi32>
        scf.yield %min3A_351 : vector<16xi32>
      }
      %while3A_201 = arith.constant 1 : i32
      %while3A_202 = scf.for %while3A_255 = %while3A_198 to %while3A_194 step %while3A_201 iter_args(%while3A_256 = %while3A_200) -> (vector<16xi32>)  : i32 {
        %mul3A_257 = arith.constant 4 : i32
        %mul3A_258 = arith.muli %while3A_255, %mul3A_257 : i32
        %add3A_259 = arith.constant 0 : i32
        %add3A_260 = arith.addi %mul3A_258, %add3A_259 : i32
        %mul3A_261 = arith.constant 16 : i32
        %mul3A_262 = arith.muli %add3A_260, %mul3A_261 : i32
        %get3A = arith.index_cast %mul3A_262 : i32 to index
        %get3A_263 = tpu.vector_load %arg9[%get3A] {strides = array<i32>} : memref<4224xf32, #tpu.memory_space<vmem>>, vector<16xf32>,
        %get3A_264 = vector.shape_cast %get3A_263 : vector<16xf32> to vector<16xf32>
        %eq3A_265 = vector.broadcast %squeeze3A : f32 to vector<16xf32>
        %eq3A_266 = arith.cmpf oeq, %get3A_264, %eq3A_265 : vector<16xf32>
        %mul3A_267 = arith.constant 4 : i32
        %mul3A_268 = arith.muli %while3A_255, %mul3A_267 : i32
        %add3A_269 = arith.constant 0 : i32
        %add3A_270 = arith.addi %mul3A_268, %add3A_269 : i32
        %mul3A_271 = arith.constant 16 : i32
        %mul3A_272 = arith.muli %add3A_270, %mul3A_271 : i32
        %get3A_273 = arith.index_cast %mul3A_272 : i32 to index
        %get3A_274 = tpu.vector_load %arg10[%get3A_273] {strides = array<i32>} : memref<4224xi32, #tpu.memory_space<vmem>>, vector<16xi32>,
        %get3A_275 = vector.shape_cast %get3A_274 : vector<16xi32> to vector<16xi32>
        %jit3A_276 = arith.constant 2147483647 : i32
        %broadcast_in_dim3A_277 = vector.broadcast %jit3A_276 : i32 to vector<16xi32>
        %select_n3A_278 = arith.select %eq3A_266, %get3A_275, %broadcast_in_dim3A_277 : vector<16xi1>, vector<16xi32>
        %min3A_279 = arith.minsi %while3A_256, %select_n3A_278 : vector<16xi32>
        %mul3A_280 = arith.constant 4 : i32
        %mul3A_281 = arith.muli %while3A_255, %mul3A_280 : i32
        %add3A_282 = arith.constant 1 : i32
        %add3A_283 = arith.addi %mul3A_281, %add3A_282 : i32
        %mul3A_284 = arith.constant 16 : i32
        %mul3A_285 = arith.muli %add3A_283, %mul3A_284 : i32
        %get3A_286 = arith.index_cast %mul3A_285 : i32 to index
        %get3A_287 = tpu.vector_load %arg9[%get3A_286] {strides = array<i32>} : memref<4224xf32, #tpu.memory_space<vmem>>, vector<16xf32>,
        %get3A_288 = vector.shape_cast %get3A_287 : vector<16xf32> to vector<16xf32>
        %eq3A_289 = vector.broadcast %squeeze3A : f32 to vector<16xf32>
        %eq3A_290 = arith.cmpf oeq, %get3A_288, %eq3A_289 : vector<16xf32>
        %mul3A_291 = arith.constant 4 : i32
        %mul3A_292 = arith.muli %while3A_255, %mul3A_291 : i32
        %add3A_293 = arith.constant 1 : i32
        %add3A_294 = arith.addi %mul3A_292, %add3A_293 : i32
        %mul3A_295 = arith.constant 16 : i32
        %mul3A_296 = arith.muli %add3A_294, %mul3A_295 : i32
        %get3A_297 = arith.index_cast %mul3A_296 : i32 to index
        %get3A_298 = tpu.vector_load %arg10[%get3A_297] {strides = array<i32>} : memref<4224xi32, #tpu.memory_space<vmem>>, vector<16xi32>,
        %get3A_299 = vector.shape_cast %get3A_298 : vector<16xi32> to vector<16xi32>
        %jit3A_300 = arith.constant 2147483647 : i32
        %broadcast_in_dim3A_301 = vector.broadcast %jit3A_300 : i32 to vector<16xi32>
        %select_n3A_302 = arith.select %eq3A_290, %get3A_299, %broadcast_in_dim3A_301 : vector<16xi1>, vector<16xi32>
        %min3A_303 = arith.minsi %min3A_279, %select_n3A_302 : vector<16xi32>
        %mul3A_304 = arith.constant 4 : i32
        %mul3A_305 = arith.muli %while3A_255, %mul3A_304 : i32
        %add3A_306 = arith.constant 2 : i32
        %add3A_307 = arith.addi %mul3A_305, %add3A_306 : i32
        %mul3A_308 = arith.constant 16 : i32
        %mul3A_309 = arith.muli %add3A_307, %mul3A_308 : i32
        %get3A_310 = arith.index_cast %mul3A_309 : i32 to index
        %get3A_311 = tpu.vector_load %arg9[%get3A_310] {strides = array<i32>} : memref<4224xf32, #tpu.memory_space<vmem>>, vector<16xf32>,
        %get3A_312 = vector.shape_cast %get3A_311 : vector<16xf32> to vector<16xf32>
        %eq3A_313 = vector.broadcast %squeeze3A : f32 to vector<16xf32>
        %eq3A_314 = arith.cmpf oeq, %get3A_312, %eq3A_313 : vector<16xf32>
        %mul3A_315 = arith.constant 4 : i32
        %mul3A_316 = arith.muli %while3A_255, %mul3A_315 : i32
        %add3A_317 = arith.constant 2 : i32
        %add3A_318 = arith.addi %mul3A_316, %add3A_317 : i32
        %mul3A_319 = arith.constant 16 : i32
        %mul3A_320 = arith.muli %add3A_318, %mul3A_319 : i32
        %get3A_321 = arith.index_cast %mul3A_320 : i32 to index
        %get3A_322 = tpu.vector_load %arg10[%get3A_321] {strides = array<i32>} : memref<4224xi32, #tpu.memory_space<vmem>>, vector<16xi32>,
        %get3A_323 = vector.shape_cast %get3A_322 : vector<16xi32> to vector<16xi32>
        %jit3A_324 = arith.constant 2147483647 : i32
        %broadcast_in_dim3A_325 = vector.broadcast %jit3A_324 : i32 to vector<16xi32>
        %select_n3A_326 = arith.select %eq3A_314, %get3A_323, %broadcast_in_dim3A_325 : vector<16xi1>, vector<16xi32>
        %min3A_327 = arith.minsi %min3A_303, %select_n3A_326 : vector<16xi32>
        %mul3A_328 = arith.constant 4 : i32
        %mul3A_329 = arith.muli %while3A_255, %mul3A_328 : i32
        %add3A_330 = arith.constant 3 : i32
        %add3A_331 = arith.addi %mul3A_329, %add3A_330 : i32
        %mul3A_332 = arith.constant 16 : i32
        %mul3A_333 = arith.muli %add3A_331, %mul3A_332 : i32
        %get3A_334 = arith.index_cast %mul3A_333 : i32 to index
        %get3A_335 = tpu.vector_load %arg9[%get3A_334] {strides = array<i32>} : memref<4224xf32, #tpu.memory_space<vmem>>, vector<16xf32>,
        %get3A_336 = vector.shape_cast %get3A_335 : vector<16xf32> to vector<16xf32>
        %eq3A_337 = vector.broadcast %squeeze3A : f32 to vector<16xf32>
        %eq3A_338 = arith.cmpf oeq, %get3A_336, %eq3A_337 : vector<16xf32>
        %mul3A_339 = arith.constant 4 : i32
        %mul3A_340 = arith.muli %while3A_255, %mul3A_339 : i32
        %add3A_341 = arith.constant 3 : i32
        %add3A_342 = arith.addi %mul3A_340, %add3A_341 : i32
        %mul3A_343 = arith.constant 16 : i32
        %mul3A_344 = arith.muli %add3A_342, %mul3A_343 : i32
        %get3A_345 = arith.index_cast %mul3A_344 : i32 to index
        %get3A_346 = tpu.vector_load %arg10[%get3A_345] {strides = array<i32>} : memref<4224xi32, #tpu.memory_space<vmem>>, vector<16xi32>,
        %get3A_347 = vector.shape_cast %get3A_346 : vector<16xi32> to vector<16xi32>
        %jit3A_348 = arith.constant 2147483647 : i32
        %broadcast_in_dim3A_349 = vector.broadcast %jit3A_348 : i32 to vector<16xi32>
        %select_n3A_350 = arith.select %eq3A_338, %get3A_347, %broadcast_in_dim3A_349 : vector<16xi1>, vector<16xi32>
        %min3A_351 = arith.minsi %min3A_327, %select_n3A_350 : vector<16xi32>
        scf.yield %min3A_351 : vector<16xi32>
      }
      %xor3A_203 = arith.constant 8 : i32
      %xor3A_204 = vector.broadcast %xor3A_203 : i32 to vector<16xi32>
      %xor3A_205 = arith.xori %iota3A, %xor3A_204 : vector<16xi32>
      %broadcast_in_dim3A_206 = vector.shape_cast %xor3A_205 : vector<16xi32> to vector<16x1xi32>
      %gather3A_207 = vector.shape_cast %broadcast_in_dim3A_206 : vector<16x1xi32> to vector<16xi32>
      %gather3A_208 = tpu.dynamic_gather %while3A_202[%gather3A_207] in [0] : vector<16xi32>, vector<16xi32> -> vector<16xi32>
      %min3A_209 = arith.minsi %while3A_202, %gather3A_208 : vector<16xi32>
      %xor3A_210 = arith.constant 4 : i32
      %xor3A_211 = vector.broadcast %xor3A_210 : i32 to vector<16xi32>
      %xor3A_212 = arith.xori %iota3A, %xor3A_211 : vector<16xi32>
      %broadcast_in_dim3A_213 = vector.shape_cast %xor3A_212 : vector<16xi32> to vector<16x1xi32>
      %gather3A_214 = vector.shape_cast %broadcast_in_dim3A_213 : vector<16x1xi32> to vector<16xi32>
      %gather3A_215 = tpu.dynamic_gather %min3A_209[%gather3A_214] in [0] : vector<16xi32>, vector<16xi32> -> vector<16xi32>
      %min3A_216 = arith.minsi %min3A_209, %gather3A_215 : vector<16xi32>
      %xor3A_217 = arith.constant 2 : i32
      %xor3A_218 = vector.broadcast %xor3A_217 : i32 to vector<16xi32>
      %xor3A_219 = arith.xori %iota3A, %xor3A_218 : vector<16xi32>
      %broadcast_in_dim3A_220 = vector.shape_cast %xor3A_219 : vector<16xi32> to vector<16x1xi32>
      %gather3A_221 = vector.shape_cast %broadcast_in_dim3A_220 : vector<16x1xi32> to vector<16xi32>
      %gather3A_222 = tpu.dynamic_gather %min3A_216[%gather3A_221] in [0] : vector<16xi32>, vector<16xi32> -> vector<16xi32>
      %min3A_223 = arith.minsi %min3A_216, %gather3A_222 : vector<16xi32>
      %xor3A_224 = arith.constant 1 : i32
      %xor3A_225 = vector.broadcast %xor3A_224 : i32 to vector<16xi32>
      %xor3A_226 = arith.xori %iota3A, %xor3A_225 : vector<16xi32>
      %broadcast_in_dim3A_227 = vector.shape_cast %xor3A_226 : vector<16xi32> to vector<16x1xi32>
      %gather3A_228 = vector.shape_cast %broadcast_in_dim3A_227 : vector<16x1xi32> to vector<16xi32>
      %gather3A_229 = tpu.dynamic_gather %min3A_223[%gather3A_228] in [0] : vector<16xi32>, vector<16xi32> -> vector<16xi32>
      %min3A_230 = arith.minsi %min3A_223, %gather3A_229 : vector<16xi32>
      %slice3A_231 = vector.extract_strided_slice %min3A_230 {offsets = [0], sizes = [1], strides = [1]} : vector<16xi32> to vector<1xi32>
      %squeeze3A_232 = vector.extract %slice3A_231[0] : i32 from vector<1xi32>
      %while3A_233 = arith.constant 0 : i32
      %while3A_234 = arith.constant 0 : i32
      %while3A_235 = arith.subi %select_n3A_137, %while3A_234 : i32
      %while3A_236 = arith.addi %while3A_234, %while3A_235 : i32
      %while3A_237 = arith.constant 1 : i32
      %while3A_238 = arith.divsi %while3A_235, %while3A_237 : i32
      %while3A_239 = arith.muli %while3A_238, %while3A_237 : i32
      %while3A_240 = arith.addi %while3A_234, %while3A_239 : i32
      %while3A_241 = arith.constant 1 : i32
      scf.for %while3A_255 = %while3A_234 to %while3A_240 step %while3A_241  : i32 {
        %mul3A_256 = arith.constant 4 : i32
        %mul3A_257 = arith.muli %while3A_255, %mul3A_256 : i32
        %add3A_258 = arith.constant 0 : i32
        %add3A_259 = arith.addi %mul3A_257, %add3A_258 : i32
        %mul3A_260 = arith.constant 16 : i32
        %mul3A_261 = arith.muli %add3A_259, %mul3A_260 : i32
        %get3A = arith.index_cast %mul3A_261 : i32 to index
        %get3A_262 = tpu.vector_load %arg9[%get3A] {strides = array<i32>} : memref<4224xf32, #tpu.memory_space<vmem>>, vector<16xf32>,
        %get3A_263 = vector.shape_cast %get3A_262 : vector<16xf32> to vector<16xf32>
        %mul3A_264 = arith.constant 4 : i32
        %mul3A_265 = arith.muli %while3A_255, %mul3A_264 : i32
        %add3A_266 = arith.constant 0 : i32
        %add3A_267 = arith.addi %mul3A_265, %add3A_266 : i32
        %mul3A_268 = arith.constant 16 : i32
        %mul3A_269 = arith.muli %add3A_267, %mul3A_268 : i32
        %get3A_270 = arith.index_cast %mul3A_269 : i32 to index
        %get3A_271 = tpu.vector_load %arg10[%get3A_270] {strides = array<i32>} : memref<4224xi32, #tpu.memory_space<vmem>>, vector<16xi32>,
        %get3A_272 = vector.shape_cast %get3A_271 : vector<16xi32> to vector<16xi32>
        %eq3A_273 = vector.broadcast %squeeze3A : f32 to vector<16xf32>
        %eq3A_274 = arith.cmpf oeq, %get3A_263, %eq3A_273 : vector<16xf32>
        %eq3A_275 = vector.broadcast %squeeze3A_232 : i32 to vector<16xi32>
        %eq3A_276 = arith.cmpi eq, %get3A_272, %eq3A_275 : vector<16xi32>
        %jit3A_277 = arith.constant -3.000000e+38 : f32
        %broadcast_in_dim3A_278 = vector.broadcast %jit3A_277 : f32 to vector<16xf32>
        %select_n3A_279 = arith.select %eq3A_276, %broadcast_in_dim3A_278, %get3A_263 : vector<16xi1>, vector<16xf32>
        %select_n3A_280 = arith.select %eq3A_274, %select_n3A_279, %get3A_263 : vector<16xi1>, vector<16xf32>
        %mul3A_281 = arith.constant 4 : i32
        %mul3A_282 = arith.muli %while3A_255, %mul3A_281 : i32
        %add3A_283 = arith.constant 0 : i32
        %add3A_284 = arith.addi %mul3A_282, %add3A_283 : i32
        %mul3A_285 = arith.constant 16 : i32
        %mul3A_286 = arith.muli %add3A_284, %mul3A_285 : i32
        %swap3A_287 = arith.index_cast %mul3A_286 : i32 to index
        %swap3A_288 = tpu.vector_load %arg9[%swap3A_287] {strides = array<i32>} : memref<4224xf32, #tpu.memory_space<vmem>>, vector<16xf32>,
        %swap3A_289 = vector.shape_cast %swap3A_288 : vector<16xf32> to vector<16xf32>
        %swap3A_290 = vector.shape_cast %select_n3A_280 : vector<16xf32> to vector<16xf32>
        tpu.vector_store %arg9[%swap3A_287], %swap3A_290 {strides = array<i32>} : memref<4224xf32, #tpu.memory_space<vmem>>, vector<16xf32>,
        %mul3A_291 = arith.constant 4 : i32
        %mul3A_292 = arith.muli %while3A_255, %mul3A_291 : i32
        %add3A_293 = arith.constant 1 : i32
        %add3A_294 = arith.addi %mul3A_292, %add3A_293 : i32
        %mul3A_295 = arith.constant 16 : i32
        %mul3A_296 = arith.muli %add3A_294, %mul3A_295 : i32
        %get3A_297 = arith.index_cast %mul3A_296 : i32 to index
        %get3A_298 = tpu.vector_load %arg9[%get3A_297] {strides = array<i32>} : memref<4224xf32, #tpu.memory_space<vmem>>, vector<16xf32>,
        %get3A_299 = vector.shape_cast %get3A_298 : vector<16xf32> to vector<16xf32>
        %mul3A_300 = arith.constant 4 : i32
        %mul3A_301 = arith.muli %while3A_255, %mul3A_300 : i32
        %add3A_302 = arith.constant 1 : i32
        %add3A_303 = arith.addi %mul3A_301, %add3A_302 : i32
        %mul3A_304 = arith.constant 16 : i32
        %mul3A_305 = arith.muli %add3A_303, %mul3A_304 : i32
        %get3A_306 = arith.index_cast %mul3A_305 : i32 to index
        %get3A_307 = tpu.vector_load %arg10[%get3A_306] {strides = array<i32>} : memref<4224xi32, #tpu.memory_space<vmem>>, vector<16xi32>,
        %get3A_308 = vector.shape_cast %get3A_307 : vector<16xi32> to vector<16xi32>
        %eq3A_309 = vector.broadcast %squeeze3A : f32 to vector<16xf32>
        %eq3A_310 = arith.cmpf oeq, %get3A_299, %eq3A_309 : vector<16xf32>
        %eq3A_311 = vector.broadcast %squeeze3A_232 : i32 to vector<16xi32>
        %eq3A_312 = arith.cmpi eq, %get3A_308, %eq3A_311 : vector<16xi32>
        %jit3A_313 = arith.constant -3.000000e+38 : f32
        %broadcast_in_dim3A_314 = vector.broadcast %jit3A_313 : f32 to vector<16xf32>
        %select_n3A_315 = arith.select %eq3A_312, %broadcast_in_dim3A_314, %get3A_299 : vector<16xi1>, vector<16xf32>
        %select_n3A_316 = arith.select %eq3A_310, %select_n3A_315, %get3A_299 : vector<16xi1>, vector<16xf32>
        %mul3A_317 = arith.constant 4 : i32
        %mul3A_318 = arith.muli %while3A_255, %mul3A_317 : i32
        %add3A_319 = arith.constant 1 : i32
        %add3A_320 = arith.addi %mul3A_318, %add3A_319 : i32
        %mul3A_321 = arith.constant 16 : i32
        %mul3A_322 = arith.muli %add3A_320, %mul3A_321 : i32
        %swap3A_323 = arith.index_cast %mul3A_322 : i32 to index
        %swap3A_324 = tpu.vector_load %arg9[%swap3A_323] {strides = array<i32>} : memref<4224xf32, #tpu.memory_space<vmem>>, vector<16xf32>,
        %swap3A_325 = vector.shape_cast %swap3A_324 : vector<16xf32> to vector<16xf32>
        %swap3A_326 = vector.shape_cast %select_n3A_316 : vector<16xf32> to vector<16xf32>
        tpu.vector_store %arg9[%swap3A_323], %swap3A_326 {strides = array<i32>} : memref<4224xf32, #tpu.memory_space<vmem>>, vector<16xf32>,
        %mul3A_327 = arith.constant 4 : i32
        %mul3A_328 = arith.muli %while3A_255, %mul3A_327 : i32
        %add3A_329 = arith.constant 2 : i32
        %add3A_330 = arith.addi %mul3A_328, %add3A_329 : i32
        %mul3A_331 = arith.constant 16 : i32
        %mul3A_332 = arith.muli %add3A_330, %mul3A_331 : i32
        %get3A_333 = arith.index_cast %mul3A_332 : i32 to index
        %get3A_334 = tpu.vector_load %arg9[%get3A_333] {strides = array<i32>} : memref<4224xf32, #tpu.memory_space<vmem>>, vector<16xf32>,
        %get3A_335 = vector.shape_cast %get3A_334 : vector<16xf32> to vector<16xf32>
        %mul3A_336 = arith.constant 4 : i32
        %mul3A_337 = arith.muli %while3A_255, %mul3A_336 : i32
        %add3A_338 = arith.constant 2 : i32
        %add3A_339 = arith.addi %mul3A_337, %add3A_338 : i32
        %mul3A_340 = arith.constant 16 : i32
        %mul3A_341 = arith.muli %add3A_339, %mul3A_340 : i32
        %get3A_342 = arith.index_cast %mul3A_341 : i32 to index
        %get3A_343 = tpu.vector_load %arg10[%get3A_342] {strides = array<i32>} : memref<4224xi32, #tpu.memory_space<vmem>>, vector<16xi32>,
        %get3A_344 = vector.shape_cast %get3A_343 : vector<16xi32> to vector<16xi32>
        %eq3A_345 = vector.broadcast %squeeze3A : f32 to vector<16xf32>
        %eq3A_346 = arith.cmpf oeq, %get3A_335, %eq3A_345 : vector<16xf32>
        %eq3A_347 = vector.broadcast %squeeze3A_232 : i32 to vector<16xi32>
        %eq3A_348 = arith.cmpi eq, %get3A_344, %eq3A_347 : vector<16xi32>
        %jit3A_349 = arith.constant -3.000000e+38 : f32
        %broadcast_in_dim3A_350 = vector.broadcast %jit3A_349 : f32 to vector<16xf32>
        %select_n3A_351 = arith.select %eq3A_348, %broadcast_in_dim3A_350, %get3A_335 : vector<16xi1>, vector<16xf32>
        %select_n3A_352 = arith.select %eq3A_346, %select_n3A_351, %get3A_335 : vector<16xi1>, vector<16xf32>
        %mul3A_353 = arith.constant 4 : i32
        %mul3A_354 = arith.muli %while3A_255, %mul3A_353 : i32
        %add3A_355 = arith.constant 2 : i32
        %add3A_356 = arith.addi %mul3A_354, %add3A_355 : i32
        %mul3A_357 = arith.constant 16 : i32
        %mul3A_358 = arith.muli %add3A_356, %mul3A_357 : i32
        %swap3A_359 = arith.index_cast %mul3A_358 : i32 to index
        %swap3A_360 = tpu.vector_load %arg9[%swap3A_359] {strides = array<i32>} : memref<4224xf32, #tpu.memory_space<vmem>>, vector<16xf32>,
        %swap3A_361 = vector.shape_cast %swap3A_360 : vector<16xf32> to vector<16xf32>
        %swap3A_362 = vector.shape_cast %select_n3A_352 : vector<16xf32> to vector<16xf32>
        tpu.vector_store %arg9[%swap3A_359], %swap3A_362 {strides = array<i32>} : memref<4224xf32, #tpu.memory_space<vmem>>, vector<16xf32>,
        %mul3A_363 = arith.constant 4 : i32
        %mul3A_364 = arith.muli %while3A_255, %mul3A_363 : i32
        %add3A_365 = arith.constant 3 : i32
        %add3A_366 = arith.addi %mul3A_364, %add3A_365 : i32
        %mul3A_367 = arith.constant 16 : i32
        %mul3A_368 = arith.muli %add3A_366, %mul3A_367 : i32
        %get3A_369 = arith.index_cast %mul3A_368 : i32 to index
        %get3A_370 = tpu.vector_load %arg9[%get3A_369] {strides = array<i32>} : memref<4224xf32, #tpu.memory_space<vmem>>, vector<16xf32>,
        %get3A_371 = vector.shape_cast %get3A_370 : vector<16xf32> to vector<16xf32>
        %mul3A_372 = arith.constant 4 : i32
        %mul3A_373 = arith.muli %while3A_255, %mul3A_372 : i32
        %add3A_374 = arith.constant 3 : i32
        %add3A_375 = arith.addi %mul3A_373, %add3A_374 : i32
        %mul3A_376 = arith.constant 16 : i32
        %mul3A_377 = arith.muli %add3A_375, %mul3A_376 : i32
        %get3A_378 = arith.index_cast %mul3A_377 : i32 to index
        %get3A_379 = tpu.vector_load %arg10[%get3A_378] {strides = array<i32>} : memref<4224xi32, #tpu.memory_space<vmem>>, vector<16xi32>,
        %get3A_380 = vector.shape_cast %get3A_379 : vector<16xi32> to vector<16xi32>
        %eq3A_381 = vector.broadcast %squeeze3A : f32 to vector<16xf32>
        %eq3A_382 = arith.cmpf oeq, %get3A_371, %eq3A_381 : vector<16xf32>
        %eq3A_383 = vector.broadcast %squeeze3A_232 : i32 to vector<16xi32>
        %eq3A_384 = arith.cmpi eq, %get3A_380, %eq3A_383 : vector<16xi32>
        %jit3A_385 = arith.constant -3.000000e+38 : f32
        %broadcast_in_dim3A_386 = vector.broadcast %jit3A_385 : f32 to vector<16xf32>
        %select_n3A_387 = arith.select %eq3A_384, %broadcast_in_dim3A_386, %get3A_371 : vector<16xi1>, vector<16xf32>
        %select_n3A_388 = arith.select %eq3A_382, %select_n3A_387, %get3A_371 : vector<16xi1>, vector<16xf32>
        %mul3A_389 = arith.constant 4 : i32
        %mul3A_390 = arith.muli %while3A_255, %mul3A_389 : i32
        %add3A_391 = arith.constant 3 : i32
        %add3A_392 = arith.addi %mul3A_390, %add3A_391 : i32
        %mul3A_393 = arith.constant 16 : i32
        %mul3A_394 = arith.muli %add3A_392, %mul3A_393 : i32
        %swap3A_395 = arith.index_cast %mul3A_394 : i32 to index
        %swap3A_396 = tpu.vector_load %arg9[%swap3A_395] {strides = array<i32>} : memref<4224xf32, #tpu.memory_space<vmem>>, vector<16xf32>,
        %swap3A_397 = vector.shape_cast %swap3A_396 : vector<16xf32> to vector<16xf32>
        %swap3A_398 = vector.shape_cast %select_n3A_388 : vector<16xf32> to vector<16xf32>
        tpu.vector_store %arg9[%swap3A_395], %swap3A_398 {strides = array<i32>} : memref<4224xf32, #tpu.memory_space<vmem>>, vector<16xf32>,
      }
      %while3A_242 = arith.constant 1 : i32
      scf.for %while3A_255 = %while3A_240 to %while3A_236 step %while3A_242  : i32 {
        %mul3A_256 = arith.constant 4 : i32
        %mul3A_257 = arith.muli %while3A_255, %mul3A_256 : i32
        %add3A_258 = arith.constant 0 : i32
        %add3A_259 = arith.addi %mul3A_257, %add3A_258 : i32
        %mul3A_260 = arith.constant 16 : i32
        %mul3A_261 = arith.muli %add3A_259, %mul3A_260 : i32
        %get3A = arith.index_cast %mul3A_261 : i32 to index
        %get3A_262 = tpu.vector_load %arg9[%get3A] {strides = array<i32>} : memref<4224xf32, #tpu.memory_space<vmem>>, vector<16xf32>,
        %get3A_263 = vector.shape_cast %get3A_262 : vector<16xf32> to vector<16xf32>
        %mul3A_264 = arith.constant 4 : i32
        %mul3A_265 = arith.muli %while3A_255, %mul3A_264 : i32
        %add3A_266 = arith.constant 0 : i32
        %add3A_267 = arith.addi %mul3A_265, %add3A_266 : i32
        %mul3A_268 = arith.constant 16 : i32
        %mul3A_269 = arith.muli %add3A_267, %mul3A_268 : i32
        %get3A_270 = arith.index_cast %mul3A_269 : i32 to index
        %get3A_271 = tpu.vector_load %arg10[%get3A_270] {strides = array<i32>} : memref<4224xi32, #tpu.memory_space<vmem>>, vector<16xi32>,
        %get3A_272 = vector.shape_cast %get3A_271 : vector<16xi32> to vector<16xi32>
        %eq3A_273 = vector.broadcast %squeeze3A : f32 to vector<16xf32>
        %eq3A_274 = arith.cmpf oeq, %get3A_263, %eq3A_273 : vector<16xf32>
        %eq3A_275 = vector.broadcast %squeeze3A_232 : i32 to vector<16xi32>
        %eq3A_276 = arith.cmpi eq, %get3A_272, %eq3A_275 : vector<16xi32>
        %jit3A_277 = arith.constant -3.000000e+38 : f32
        %broadcast_in_dim3A_278 = vector.broadcast %jit3A_277 : f32 to vector<16xf32>
        %select_n3A_279 = arith.select %eq3A_276, %broadcast_in_dim3A_278, %get3A_263 : vector<16xi1>, vector<16xf32>
        %select_n3A_280 = arith.select %eq3A_274, %select_n3A_279, %get3A_263 : vector<16xi1>, vector<16xf32>
        %mul3A_281 = arith.constant 4 : i32
        %mul3A_282 = arith.muli %while3A_255, %mul3A_281 : i32
        %add3A_283 = arith.constant 0 : i32
        %add3A_284 = arith.addi %mul3A_282, %add3A_283 : i32
        %mul3A_285 = arith.constant 16 : i32
        %mul3A_286 = arith.muli %add3A_284, %mul3A_285 : i32
        %swap3A_287 = arith.index_cast %mul3A_286 : i32 to index
        %swap3A_288 = tpu.vector_load %arg9[%swap3A_287] {strides = array<i32>} : memref<4224xf32, #tpu.memory_space<vmem>>, vector<16xf32>,
        %swap3A_289 = vector.shape_cast %swap3A_288 : vector<16xf32> to vector<16xf32>
        %swap3A_290 = vector.shape_cast %select_n3A_280 : vector<16xf32> to vector<16xf32>
        tpu.vector_store %arg9[%swap3A_287], %swap3A_290 {strides = array<i32>} : memref<4224xf32, #tpu.memory_space<vmem>>, vector<16xf32>,
        %mul3A_291 = arith.constant 4 : i32
        %mul3A_292 = arith.muli %while3A_255, %mul3A_291 : i32
        %add3A_293 = arith.constant 1 : i32
        %add3A_294 = arith.addi %mul3A_292, %add3A_293 : i32
        %mul3A_295 = arith.constant 16 : i32
        %mul3A_296 = arith.muli %add3A_294, %mul3A_295 : i32
        %get3A_297 = arith.index_cast %mul3A_296 : i32 to index
        %get3A_298 = tpu.vector_load %arg9[%get3A_297] {strides = array<i32>} : memref<4224xf32, #tpu.memory_space<vmem>>, vector<16xf32>,
        %get3A_299 = vector.shape_cast %get3A_298 : vector<16xf32> to vector<16xf32>
        %mul3A_300 = arith.constant 4 : i32
        %mul3A_301 = arith.muli %while3A_255, %mul3A_300 : i32
        %add3A_302 = arith.constant 1 : i32
        %add3A_303 = arith.addi %mul3A_301, %add3A_302 : i32
        %mul3A_304 = arith.constant 16 : i32
        %mul3A_305 = arith.muli %add3A_303, %mul3A_304 : i32
        %get3A_306 = arith.index_cast %mul3A_305 : i32 to index
        %get3A_307 = tpu.vector_load %arg10[%get3A_306] {strides = array<i32>} : memref<4224xi32, #tpu.memory_space<vmem>>, vector<16xi32>,
        %get3A_308 = vector.shape_cast %get3A_307 : vector<16xi32> to vector<16xi32>
        %eq3A_309 = vector.broadcast %squeeze3A : f32 to vector<16xf32>
        %eq3A_310 = arith.cmpf oeq, %get3A_299, %eq3A_309 : vector<16xf32>
        %eq3A_311 = vector.broadcast %squeeze3A_232 : i32 to vector<16xi32>
        %eq3A_312 = arith.cmpi eq, %get3A_308, %eq3A_311 : vector<16xi32>
        %jit3A_313 = arith.constant -3.000000e+38 : f32
        %broadcast_in_dim3A_314 = vector.broadcast %jit3A_313 : f32 to vector<16xf32>
        %select_n3A_315 = arith.select %eq3A_312, %broadcast_in_dim3A_314, %get3A_299 : vector<16xi1>, vector<16xf32>
        %select_n3A_316 = arith.select %eq3A_310, %select_n3A_315, %get3A_299 : vector<16xi1>, vector<16xf32>
        %mul3A_317 = arith.constant 4 : i32
        %mul3A_318 = arith.muli %while3A_255, %mul3A_317 : i32
        %add3A_319 = arith.constant 1 : i32
        %add3A_320 = arith.addi %mul3A_318, %add3A_319 : i32
        %mul3A_321 = arith.constant 16 : i32
        %mul3A_322 = arith.muli %add3A_320, %mul3A_321 : i32
        %swap3A_323 = arith.index_cast %mul3A_322 : i32 to index
        %swap3A_324 = tpu.vector_load %arg9[%swap3A_323] {strides = array<i32>} : memref<4224xf32, #tpu.memory_space<vmem>>, vector<16xf32>,
        %swap3A_325 = vector.shape_cast %swap3A_324 : vector<16xf32> to vector<16xf32>
        %swap3A_326 = vector.shape_cast %select_n3A_316 : vector<16xf32> to vector<16xf32>
        tpu.vector_store %arg9[%swap3A_323], %swap3A_326 {strides = array<i32>} : memref<4224xf32, #tpu.memory_space<vmem>>, vector<16xf32>,
        %mul3A_327 = arith.constant 4 : i32
        %mul3A_328 = arith.muli %while3A_255, %mul3A_327 : i32
        %add3A_329 = arith.constant 2 : i32
        %add3A_330 = arith.addi %mul3A_328, %add3A_329 : i32
        %mul3A_331 = arith.constant 16 : i32
        %mul3A_332 = arith.muli %add3A_330, %mul3A_331 : i32
        %get3A_333 = arith.index_cast %mul3A_332 : i32 to index
        %get3A_334 = tpu.vector_load %arg9[%get3A_333] {strides = array<i32>} : memref<4224xf32, #tpu.memory_space<vmem>>, vector<16xf32>,
        %get3A_335 = vector.shape_cast %get3A_334 : vector<16xf32> to vector<16xf32>
        %mul3A_336 = arith.constant 4 : i32
        %mul3A_337 = arith.muli %while3A_255, %mul3A_336 : i32
        %add3A_338 = arith.constant 2 : i32
        %add3A_339 = arith.addi %mul3A_337, %add3A_338 : i32
        %mul3A_340 = arith.constant 16 : i32
        %mul3A_341 = arith.muli %add3A_339, %mul3A_340 : i32
        %get3A_342 = arith.index_cast %mul3A_341 : i32 to index
        %get3A_343 = tpu.vector_load %arg10[%get3A_342] {strides = array<i32>} : memref<4224xi32, #tpu.memory_space<vmem>>, vector<16xi32>,
        %get3A_344 = vector.shape_cast %get3A_343 : vector<16xi32> to vector<16xi32>
        %eq3A_345 = vector.broadcast %squeeze3A : f32 to vector<16xf32>
        %eq3A_346 = arith.cmpf oeq, %get3A_335, %eq3A_345 : vector<16xf32>
        %eq3A_347 = vector.broadcast %squeeze3A_232 : i32 to vector<16xi32>
        %eq3A_348 = arith.cmpi eq, %get3A_344, %eq3A_347 : vector<16xi32>
        %jit3A_349 = arith.constant -3.000000e+38 : f32
        %broadcast_in_dim3A_350 = vector.broadcast %jit3A_349 : f32 to vector<16xf32>
        %select_n3A_351 = arith.select %eq3A_348, %broadcast_in_dim3A_350, %get3A_335 : vector<16xi1>, vector<16xf32>
        %select_n3A_352 = arith.select %eq3A_346, %select_n3A_351, %get3A_335 : vector<16xi1>, vector<16xf32>
        %mul3A_353 = arith.constant 4 : i32
        %mul3A_354 = arith.muli %while3A_255, %mul3A_353 : i32
        %add3A_355 = arith.constant 2 : i32
        %add3A_356 = arith.addi %mul3A_354, %add3A_355 : i32
        %mul3A_357 = arith.constant 16 : i32
        %mul3A_358 = arith.muli %add3A_356, %mul3A_357 : i32
        %swap3A_359 = arith.index_cast %mul3A_358 : i32 to index
        %swap3A_360 = tpu.vector_load %arg9[%swap3A_359] {strides = array<i32>} : memref<4224xf32, #tpu.memory_space<vmem>>, vector<16xf32>,
        %swap3A_361 = vector.shape_cast %swap3A_360 : vector<16xf32> to vector<16xf32>
        %swap3A_362 = vector.shape_cast %select_n3A_352 : vector<16xf32> to vector<16xf32>
        tpu.vector_store %arg9[%swap3A_359], %swap3A_362 {strides = array<i32>} : memref<4224xf32, #tpu.memory_space<vmem>>, vector<16xf32>,
        %mul3A_363 = arith.constant 4 : i32
        %mul3A_364 = arith.muli %while3A_255, %mul3A_363 : i32
        %add3A_365 = arith.constant 3 : i32
        %add3A_366 = arith.addi %mul3A_364, %add3A_365 : i32
        %mul3A_367 = arith.constant 16 : i32
        %mul3A_368 = arith.muli %add3A_366, %mul3A_367 : i32
        %get3A_369 = arith.index_cast %mul3A_368 : i32 to index
        %get3A_370 = tpu.vector_load %arg9[%get3A_369] {strides = array<i32>} : memref<4224xf32, #tpu.memory_space<vmem>>, vector<16xf32>,
        %get3A_371 = vector.shape_cast %get3A_370 : vector<16xf32> to vector<16xf32>
        %mul3A_372 = arith.constant 4 : i32
        %mul3A_373 = arith.muli %while3A_255, %mul3A_372 : i32
        %add3A_374 = arith.constant 3 : i32
        %add3A_375 = arith.addi %mul3A_373, %add3A_374 : i32
        %mul3A_376 = arith.constant 16 : i32
        %mul3A_377 = arith.muli %add3A_375, %mul3A_376 : i32
        %get3A_378 = arith.index_cast %mul3A_377 : i32 to index
        %get3A_379 = tpu.vector_load %arg10[%get3A_378] {strides = array<i32>} : memref<4224xi32, #tpu.memory_space<vmem>>, vector<16xi32>,
        %get3A_380 = vector.shape_cast %get3A_379 : vector<16xi32> to vector<16xi32>
        %eq3A_381 = vector.broadcast %squeeze3A : f32 to vector<16xf32>
        %eq3A_382 = arith.cmpf oeq, %get3A_371, %eq3A_381 : vector<16xf32>
        %eq3A_383 = vector.broadcast %squeeze3A_232 : i32 to vector<16xi32>
        %eq3A_384 = arith.cmpi eq, %get3A_380, %eq3A_383 : vector<16xi32>
        %jit3A_385 = arith.constant -3.000000e+38 : f32
        %broadcast_in_dim3A_386 = vector.broadcast %jit3A_385 : f32 to vector<16xf32>
        %select_n3A_387 = arith.select %eq3A_384, %broadcast_in_dim3A_386, %get3A_371 : vector<16xi1>, vector<16xf32>
        %select_n3A_388 = arith.select %eq3A_382, %select_n3A_387, %get3A_371 : vector<16xi1>, vector<16xf32>
        %mul3A_389 = arith.constant 4 : i32
        %mul3A_390 = arith.muli %while3A_255, %mul3A_389 : i32
        %add3A_391 = arith.constant 3 : i32
        %add3A_392 = arith.addi %mul3A_390, %add3A_391 : i32
        %mul3A_393 = arith.constant 16 : i32
        %mul3A_394 = arith.muli %add3A_392, %mul3A_393 : i32
        %swap3A_395 = arith.index_cast %mul3A_394 : i32 to index
        %swap3A_396 = tpu.vector_load %arg9[%swap3A_395] {strides = array<i32>} : memref<4224xf32, #tpu.memory_space<vmem>>, vector<16xf32>,
        %swap3A_397 = vector.shape_cast %swap3A_396 : vector<16xf32> to vector<16xf32>
        %swap3A_398 = vector.shape_cast %select_n3A_388 : vector<16xf32> to vector<16xf32>
        tpu.vector_store %arg9[%swap3A_395], %swap3A_398 {strides = array<i32>} : memref<4224xf32, #tpu.memory_space<vmem>>, vector<16xf32>,
      }
      %rem3A_243 = arith.constant 16 : i32
      %rem3A_244 = arith.remsi %scan3A_150, %rem3A_243 : i32
      %eq3A = vector.broadcast %rem3A_244 : i32 to vector<16xi32>
      %eq3A_245 = arith.cmpi eq, %iota3A, %eq3A : vector<16xi32>
      %broadcast_in_dim3A_246 = vector.broadcast %squeeze3A_232 : i32 to vector<16xi32>
      %select_n3A_247 = arith.select %eq3A_245, %broadcast_in_dim3A_246, %scan3A_151 : vector<16xi1>, vector<16xi32>
      %rem3A_248 = arith.constant 16 : i32
      %rem3A_249 = arith.remsi %scan3A_150, %rem3A_248 : i32
      %eq3A_250 = arith.constant 15 : i32
      %eq3A_251 = arith.cmpi eq, %rem3A_249, %eq3A_250 : i32
      %convert_element_type3A_252 = arith.extui %eq3A_251 : i1 to i32
      %cond3A_253 = arith.constant 0 : i32
      %cond3A_254 = arith.cmpi ne, %convert_element_type3A_252, %cond3A_253 : i32
      scf.if %cond3A_254 {
        %jit3A_255 = arith.constant 16 : i32
        %div3A_256 = arith.divsi %scan3A_150, %jit3A_255 : i32
        %sign3A_257 = arith.constant 0 : i32
        %sign3A_258 = arith.cmpi sgt, %scan3A_150, %sign3A_257 : i32
        %sign3A_259 = arith.extui %sign3A_258 : i1 to i32
        %sign3A_260 = arith.constant 0 : i32
        %sign3A_261 = arith.cmpi slt, %scan3A_150, %sign3A_260 : i32
        %sign3A_262 = arith.extui %sign3A_261 : i1 to i32
        %sign3A_263 = arith.subi %sign3A_259, %sign3A_262 : i32
        %sign3A_264 = arith.constant 0 : i32
        %sign3A_265 = arith.cmpi sgt, %jit3A_255, %sign3A_264 : i32
        %sign3A_266 = arith.extui %sign3A_265 : i1 to i32
        %sign3A_267 = arith.constant 0 : i32
        %sign3A_268 = arith.cmpi slt, %jit3A_255, %sign3A_267 : i32
        %sign3A_269 = arith.extui %sign3A_268 : i1 to i32
        %sign3A_270 = arith.subi %sign3A_266, %sign3A_269 : i32
        %ne3A_271 = arith.cmpi ne, %sign3A_263, %sign3A_270 : i32
        %rem3A_272 = arith.remsi %scan3A_150, %jit3A_255 : i32
        %ne3A_273 = arith.constant 0 : i32
        %ne3A_274 = arith.cmpi ne, %rem3A_272, %ne3A_273 : i32
        %and3A_275 = arith.andi %ne3A_271, %ne3A_274 : i1
        %sub3A_276 = arith.constant 1 : i32
        %sub3A_277 = arith.subi %div3A_256, %sub3A_276 : i32
        %select_n3A_278 = arith.select %and3A_275, %sub3A_277, %div3A_256 : i32
        %mul3A_279 = arith.constant 16 : i32
        %mul3A_280 = arith.muli %select_n3A_278, %mul3A_279 : i32
        %swap3A_281 = arith.index_cast %mul3A_280 : i32 to index
        %swap3A_282 = tpu.vector_load %arg11[%swap3A_281] {strides = array<i32>} : memref<64xi32, #tpu.memory_space<vmem>>, vector<16xi32>,
        %swap3A_283 = vector.shape_cast %swap3A_282 : vector<16xi32> to vector<16xi32>
        %swap3A_284 = vector.shape_cast %select_n3A_247 : vector<16xi32> to vector<16xi32>
        tpu.vector_store %arg11[%swap3A_281], %swap3A_284 {strides = array<i32>} : memref<64xi32, #tpu.memory_space<vmem>>, vector<16xi32>,
      } else {
      }
      scf.yield %select_n3A_247 : vector<16xi32>
    }
    %scan3A_145 = arith.constant 64 : i32
    %dma_start3A = arith.constant 0 : i32
    %dma_start3A_146 = arith.constant 0 : i32
    %dma_start3A_147 = tpu.memref_slice %arg4[%dma_start3A, %dma_start3A_146] : memref<1000000x128xf32, #tpu.memory_space<hbm>> -> memref<1000000x128xf32, #tpu.memory_space<hbm>>
    tpu.enqueue_indirect_dma source(%dma_start3A_147 : memref<1000000x128xf32, #tpu.memory_space<hbm>>) target(%arg12 : memref<64x128xf32, #tpu.memory_space<vmem>>) offsets(%arg11 : memref<64xi32, #tpu.memory_space<vmem>>) semaphore(%arg16 : memref<!tpu.dma_semaphore, #tpu.memory_space<semaphore_mem>>)
    %dma_wait3A = arith.constant 0 : i32
    %dma_wait3A_148 = arith.constant 0 : i32
    %dma_wait3A_149 = tpu.memref_slice %arg4[%dma_wait3A, %dma_wait3A_148] : memref<1000000x128xf32, #tpu.memory_space<hbm>> -> memref<1000000x128xf32, #tpu.memory_space<hbm>>
    tpu.wait_indirect_dma semaphore(%arg16 : memref<!tpu.dma_semaphore, #tpu.memory_space<semaphore_mem>>) src(%dma_wait3A_149 : memref<1000000x128xf32, #tpu.memory_space<hbm>>) dst(%arg12 : memref<64x128xf32, #tpu.memory_space<vmem>>)
    "tpu.region"() ({
      %run_scoped3A = tpu.sem_alloc : memref<!tpu.dma_semaphore, #tpu.memory_space<semaphore_mem>>
      %dma_start3A_150 = arith.constant 0 : i32
      %dma_start3A_151 = arith.constant 0 : i32
      %dma_start3A_152 = tpu.memref_slice %arg5[%add3A, %dma_start3A_150, %dma_start3A_151] : memref<32x64x128xf32, #tpu.memory_space<hbm>> -> memref<1x64x128xf32, #tpu.memory_space<hbm>>
      %dma_start3A_153 = tpu.memref_squeeze %dma_start3A_152 : memref<1x64x128xf32, #tpu.memory_space<hbm>> -> memref<64x128xf32, #tpu.memory_space<hbm>>
      %dma_start3A_154 = arith.constant 0 : i32
      %dma_start3A_155 = arith.constant 0 : i32
      %dma_start3A_156 = tpu.memref_slice %arg5[%add3A, %dma_start3A_154, %dma_start3A_155] : memref<32x64x128xf32, #tpu.memory_space<hbm>> -> memref<1x64x128xf32, #tpu.memory_space<hbm>>
      %dma_start3A_157 = tpu.memref_squeeze %dma_start3A_156 : memref<1x64x128xf32, #tpu.memory_space<hbm>> -> memref<64x128xf32, #tpu.memory_space<hbm>>
      tpu.enqueue_dma source(%arg12 : memref<64x128xf32, #tpu.memory_space<vmem>>) target(%dma_start3A_157 : memref<64x128xf32, #tpu.memory_space<hbm>>) target_semaphore(%run_scoped3A : memref<!tpu.dma_semaphore, #tpu.memory_space<semaphore_mem>>)
      %dma_wait3A_158 = arith.constant 0 : i32
      %dma_wait3A_159 = arith.constant 0 : i32
      %dma_wait3A_160 = tpu.memref_slice %arg5[%add3A, %dma_wait3A_158, %dma_wait3A_159] : memref<32x64x128xf32, #tpu.memory_space<hbm>> -> memref<1x64x128xf32, #tpu.memory_space<hbm>>
      %dma_wait3A_161 = tpu.memref_squeeze %dma_wait3A_160 : memref<1x64x128xf32, #tpu.memory_space<hbm>> -> memref<64x128xf32, #tpu.memory_space<hbm>>
      %dma_wait3A_162 = arith.constant 0 : i32
      %dma_wait3A_163 = arith.constant 0 : i32
      %dma_wait3A_164 = tpu.memref_slice %arg5[%add3A, %dma_wait3A_162, %dma_wait3A_163] : memref<32x64x128xf32, #tpu.memory_space<hbm>> -> memref<1x64x128xf32, #tpu.memory_space<hbm>>
      %dma_wait3A_165 = tpu.memref_squeeze %dma_wait3A_164 : memref<1x64x128xf32, #tpu.memory_space<hbm>> -> memref<64x128xf32, #tpu.memory_space<hbm>>
      tpu.wait_dma2 semaphore(%run_scoped3A : memref<!tpu.dma_semaphore, #tpu.memory_space<semaphore_mem>>) src(%arg12 : memref<64x128xf32, #tpu.memory_space<vmem>>) dst(%dma_wait3A_165 : memref<64x128xf32, #tpu.memory_space<hbm>>)
      tpu.yield
    }) : () -> ()
    return
  }
}

module attributes {stable_mosaic.version = 14 : i64} {
  func.func @_phase_a_body(%arg0: i32, %arg1: memref<32x128xf32, #tpu.memory_space<vmem>>, %arg2: memref<16384x128xf32, #tpu.memory_space<vmem>>, %arg3: memref<32x128x128xf32, #tpu.memory_space<vmem>>, %arg4: memref<32x128xf32, #tpu.memory_space<vmem>>) attributes {dimension_semantics = [#tpu.dimension_semantics<arbitrary>], iteration_bounds = array<i64: 62>, scalar_prefetch = 0 : i64, scratch_operands = 0 : i64, tpu.core_type = #tpu.core_type<tc>, window_params = [{pipeline_mode = #tpu.pipeline_mode<synchronous>, transform_indices = @transform_0, window_bounds = array<i64: 32, 128>}, {transform_indices = @transform_1, window_bounds = array<i64: 16384, 128>}, {transform_indices = @transform_2, window_bounds = array<i64: 32, 128, 128>}, {transform_indices = @transform_3, window_bounds = array<i64: 32, 128>}]} {
    %get3A = arith.constant 0 : index
    %get3A_0 = arith.constant 0 : index
    %get3A_1 = vector.load %arg1[%get3A, %get3A_0] : memref<32x128xf32, #tpu.memory_space<vmem>>, vector<32x128xf32>
    %get3A_2 = arith.constant 0 : index
    %get3A_3 = arith.constant 0 : index
    %get3A_4 = vector.load %arg2[%get3A_2, %get3A_3] : memref<16384x128xf32, #tpu.memory_space<vmem>>, vector<16384x128xf32>
    %dot_general3A = arith.constant dense<0.000000e+00> : vector<32x16384xf32>
    %dot_general3A_5 = tpu.matmul %get3A_1, %get3A_4, %dot_general3A {dimension_numbers = #tpu.dot_dimension_numbers<[1], [1], [0], [0], [0, 0, 1, 0], [], []>, transpose_lhs_hint = false} : vector<32x128xf32>, vector<16384x128xf32>, vector<32x16384xf32> -> vector<32x16384xf32>
    %mul3A = arith.constant 16384 : i32
    %mul3A_6 = arith.muli %arg0, %mul3A : i32
    %iota3A = tpu.iota {dimensions = array<i32: 1>} : vector<32x16384xi32>
    %add3A = vector.broadcast %mul3A_6 : i32 to vector<32x16384xi32>
    %add3A_7 = arith.addi %add3A, %iota3A : vector<32x16384xi32>
    %lt3A = arith.constant 1000000 : i32
    %lt3A_8 = vector.broadcast %lt3A : i32 to vector<32x16384xi32>
    %lt3A_9 = arith.cmpi slt, %add3A_7, %lt3A_8 : vector<32x16384xi32>
    %jit3A = arith.constant -3.000000e+38 : f32
    %broadcast_in_dim3A = vector.broadcast %jit3A : f32 to vector<32x16384xf32>
    %select_n3A = arith.select %lt3A_9, %dot_general3A_5, %broadcast_in_dim3A : vector<32x16384xi1>, vector<32x16384xf32>
    %reshape3A = vector.shape_cast %select_n3A : vector<32x16384xf32> to vector<32x128x128xf32>
    %swap3A = arith.constant 0 : index
    %swap3A_10 = arith.constant 0 : index
    %swap3A_11 = arith.constant 0 : index
    %swap3A_12 = vector.load %arg3[%swap3A, %swap3A_10, %swap3A_11] : memref<32x128x128xf32, #tpu.memory_space<vmem>>, vector<32x128x128xf32>
    tpu.vector_store %arg3[%swap3A, %swap3A_10, %swap3A_11], %reshape3A {strides = array<i32>} : memref<32x128x128xf32, #tpu.memory_space<vmem>>, vector<32x128x128xf32>,
    %reduce_max3A = arith.constant dense<0xFF800000> : vector<32x128xf32>
    %reduce_max3A_13 = vector.multi_reduction <maximumf>, %reshape3A, %reduce_max3A [2] : vector<32x128x128xf32> to vector<32x128xf32>
    %swap3A_14 = arith.constant 0 : index
    %swap3A_15 = arith.constant 0 : index
    %swap3A_16 = vector.load %arg4[%swap3A_14, %swap3A_15] : memref<32x128xf32, #tpu.memory_space<vmem>>, vector<32x128xf32>
    tpu.vector_store %arg4[%swap3A_14, %swap3A_15], %reduce_max3A_13 {strides = array<i32>} : memref<32x128xf32, #tpu.memory_space<vmem>>, vector<32x128xf32>,
    return
  }
  func.func @transform_0(%arg0: i32) -> (i32, i32) {
    %c0_i32 = arith.constant 0 : i32
    %c0_i32_0 = arith.constant 0 : i32
    %c0_i32_1 = arith.constant 0 : i32
    return %c0_i32, %c0_i32_0 : i32, i32
  }
  func.func @transform_1(%arg0: i32) -> (i32, i32) {
    %c0_i32 = arith.constant 0 : i32
    %c0_i32_0 = arith.constant 0 : i32
    return %arg0, %c0_i32 : i32, i32
  }
  func.func @transform_2(%arg0: i32) -> (i32, i32, i32) {
    %c0_i32 = arith.constant 0 : i32
    %c0_i32_0 = arith.constant 0 : i32
    %c0_i32_1 = arith.constant 0 : i32
    return %c0_i32, %arg0, %c0_i32_0 : i32, i32, i32
  }
  func.func @transform_3(%arg0: i32) -> (i32, i32) {
    %c0_i32 = arith.constant 0 : i32
    %c0_i32_0 = arith.constant 0 : i32
    return %c0_i32, %arg0 : i32, i32
  }
}

</mosaic_0001>

<sc_bundles>
// kernel: kernel.4.cloned.1.call-start
scs
__scs_entry_jumppad:
0x0: {  	(pc) =	sbr.rel $0x88, $3  }
0x1: {  	(tag) =	ssettag $0x0;
	lr =	simm.s32 $0x1  }
0x2: {  	[smem:$0x3F9E] =	sst lr;
	_ =	strace $0xD0000000  }
0x3: {  	_ = 	snop  }
0x4: {  	_ = 	snop  }
0x5: {  	_ = 	snop  }
0x6: {  	_ = 	snop  }
0x7: {  	_ = 	snop  }
__scs_overlays_trampoline_lowered:
0x8: {  	[smem:$0x3FAD] =	sst s0  }
0x9: {  	[smem:$0x3FAE] =	sst s1  }
0xa: {  	[smem:$0x3FAF] =	sst s2  }
0xb: {  	[smem:$0x3FB0] =	sst s3  }
0xc: {  	[smem:$0x3FB1] =	sst s4  }
0xd: {  	[smem:$0x3FB2] =	sst s5  }
0xe: {  	[smem:$0x3FB3] =	sst s6  }
0xf: {  	[smem:$0x3FB4] =	sst s7  }
0x10: {  	[smem:$0x3FB5] =	sst s8  }
0x11: {  	[smem:$0x3FB6] =	sst s9;
	s0 =	simm.s32 @!p0 $0x0  }
0x12: {  	s1 =	sld [smem:$0x3F9C];
	s0 =	simm.s32 @p0 $0x1  }
0x13: {  	[smem:$0x3FB7] =	sst s0;
	s0 =	simm.s32 @!p1 $0x0  }
0x14: {  	s2 =	sld [smem:$0x3F9B];
	s0 =	simm.s32 @p1 $0x1  }
0x15: {  	[smem:$0x3FB8] =	sst s0;
	s0 =	simm.s32 @!p2 $0x0  }
0x16: {  	s3 =	sld [smem:$0x3FDB];
	s0 =	simm.s32 @p2 $0x1  }
0x17: {  	s4 =	simm.s32 $0x1BF5;
	[smem:$0x3FBA] =	sst s0  }
0x18: {  	s0 =	sld [smem:$0x3F9D];
	_ =	swait.ge [sflag:s4], $0x0  }
0x19: {  	s7 =	sld [smem:$0x3F9E]  }
0x1a: {  	s8 =	sadd.s32 $0xFFFFE003, lr  }
0x1b: {  	s9 =	sadd.s32 $0xFFFFFEF7, lr;
	s5 =	simm.s32 $0xFFFFFFFF;
	p2 =	slt.u32 s8, $0xFFFFF086  }
0x1c: {  	p1 =	slt.u32 s9, $0xF7A;
	s5 =	simm.s32 @!p2 $0x0  }
0x1d: {  	s5 =	simm.s32 @p1 $0x1;
	p0 =	seq.s32 s7, s2  }
0x1e: {  	s7 =	smul.u32 @!p0 $0xF7A, s2;
	p2 =	seq.s32 @!p0 s5, $0x0  }
0x1f: {  	s9 =	smul.u32 $0xF7A, s1;
	s8 =	simm.s32 @!p0 $0x1BF5;
	p2 =	por !p2, p0  }
0x20: {  	[sflag:s8] =	ssyncset.s32 @!p0 $0xFFFFF086;
	s6 =	sadd.s32 @!p0 s3, s7;
	s7 =	simm.s32 @!p0 $0x108  }
0x21: {  	s3 =	sadd.s32 s3, s9;
	s6 =	sadd.s32 @!p0 $0x88, s6;
	s7 =	simm.s32 @p2 $0x1082  }
0x22: {  	[simem:s7], [sflag:s8] =	dma.local @!p0 [hbm:s6], $0xF7A  }
0x23: {  	s9 =	sor.u32 $0xD0000000, s2;
	s6 =	simm.s32 $0x108;
	_ =	swait.ge @!p0 [sflag:s8], $0x0  }
0x24: {  	s3 =	sadd.s32 $0x88, s3;
	s6 =	simm.s32 @!p1 $0x1082;
	[sflag:s4] =	ssyncset.s32 $0xFFFFF086  }
0x25: {  	[simem:s6], [sflag:s4] =	dma.local [hbm:s3], $0xF7A  }
0x26: {  	[smem:$0x3F9E] =	sst s1;
	(tag) =	ssettag s2;
	_ =	strace s9  }
0x27: {  	s1 =	sld [smem:$0x3FAE]  }
0x28: {  	s2 =	sld [smem:$0x3FAF]  }
0x29: {  	s4 =	sld [smem:$0x3FB1]  }
0x2a: {  	p0 =	seq.s32 s5, $0x0;
	s5 =	sld [smem:$0x3FB2]  }
0x2b: {  	s6 =	sld [smem:$0x3FB3]  }
0x2c: {  	s7 =	sld [smem:$0x3FB4]  }
0x2d: {  	s3 =	simm.s32 $0x108;
	s8 =	sld [smem:$0x3FB5]  }
0x2e: {  	s3 =	simm.s32 @!p0 $0x1082;
	s9 =	sld [smem:$0x3FB6]  }
0x2f: {  	lr =	sadd.s32 s0, s3;
	s0 =	sld [smem:$0x3FAD]  }
0x30: {  	s3 =	sld [smem:$0x3FB0]  }
0x31: {  	[smem:$0x3FB9] =	sst s10  }
0x32: {  	s10 =	sld [smem:$0x3FB7];
	_ =	sdelay $0x3  }
0x33: {  	p0 =	seq.s32 s10, $0x1;
	s10 =	sld [smem:$0x3FB9];
	_ =	sdelay $0x3  }
0x34: {  	[smem:$0x3FB9] =	sst s10  }
0x35: {  	s10 =	sld [smem:$0x3FB8];
	_ =	sdelay $0x3  }
0x36: {  	p1 =	seq.s32 s10, $0x1;
	s10 =	sld [smem:$0x3FB9];
	_ =	sdelay $0x3  }
0x37: {  	[smem:$0x3FB9] =	sst s10  }
0x38: {  	s10 =	sld [smem:$0x3FBA]  }
0x39: {  	_ = 	snop;
	(pc) =	sbr.ind lr, $3  }
0x3a: {  	_ = 	snop  }
0x3b: {  	_ = 	snop  }
0x3c: {  	p2 =	seq.s32 s10, $0x1;
	s10 =	sld [smem:$0x3FB9]  }
0x3d: {  	_ =	shalt  }
0x3e: {  	_ =	shalt  }
0x3f: {  	_ =	shalt  }
0x40: {  	_ =	shalt  }
0x41: {  	_ =	shalt  }
0x42: {  	_ =	shalt  }
0x43: {  	_ =	shalt  }
0x44: {  	_ =	shalt  }
0x45: {  	_ =	shalt  }
0x46: {  	_ =	shalt  }
0x47: {  	_ =	shalt  }
0x48: {  	_ =	shalt  }
0x49: {  	_ =	shalt  }
0x4a: {  	_ =	shalt  }
0x4b: {  	_ =	shalt  }
0x4c: {  	_ =	shalt  }
0x4d: {  	_ =	shalt  }
0x4e: {  	_ =	shalt  }
0x4f: {  	_ =	shalt  }
0x50: {  	_ =	shalt  }
0x51: {  	_ =	shalt  }
0x52: {  	_ =	shalt  }
0x53: {  	_ =	shalt  }
0x54: {  	_ =	shalt  }
0x55: {  	_ =	shalt  }
0x56: {  	_ =	shalt  }
0x57: {  	_ =	shalt  }
0x58: {  	_ =	shalt  }
0x59: {  	_ =	shalt  }
0x5a: {  	_ =	shalt  }
0x5b: {  	_ =	shalt  }
0x5c: {  	_ =	shalt  }
0x5d: {  	_ =	shalt  }
0x5e: {  	_ =	shalt  }
0x5f: {  	_ =	shalt  }
0x60: {  	_ =	shalt  }
0x61: {  	_ =	shalt  }
0x62: {  	_ =	shalt  }
0x63: {  	_ =	shalt  }
0x64: {  	_ =	shalt  }
0x65: {  	_ =	shalt  }
0x66: {  	_ =	shalt  }
0x67: {  	_ =	shalt  }
0x68: {  	_ =	shalt  }
0x69: {  	_ =	shalt  }
0x6a: {  	_ =	shalt  }
0x6b: {  	_ =	shalt  }
0x6c: {  	_ =	shalt  }
0x6d: {  	_ =	shalt  }
0x6e: {  	_ =	shalt  }
0x6f: {  	_ =	shalt  }
0x70: {  	_ =	shalt  }
0x71: {  	_ =	shalt  }
0x72: {  	_ =	shalt  }
0x73: {  	_ =	shalt  }
0x74: {  	_ =	shalt  }
0x75: {  	_ =	shalt  }
0x76: {  	_ =	shalt  }
0x77: {  	_ =	shalt  }
0x78: {  	_ =	shalt  }
0x79: {  	_ =	shalt  }
0x7a: {  	_ =	shalt  }
0x7b: {  	_ =	shalt  }
0x7c: {  	_ =	shalt  }
0x7d: {  	_ =	shalt  }
0x7e: {  	_ =	shalt  }
0x7f: {  	_ =	shalt  }
0x80: {  	_ =	shalt  }
0x81: {  	_ =	shalt  }
0x82: {  	_ =	shalt  }
0x83: {  	_ =	shalt  }
0x84: {  	_ =	shalt  }
0x85: {  	_ =	shalt  }
0x86: {  	_ =	shalt  }
0x87: {  	_ =	shalt  }
.Lfunc_end0:
.L_simem_size_0:
called_computation_lowered:
.L_overlay_start_0:
0x88: {  	s2 =	sld [smem:$0x3FD9]  }
0x89: {  	s3 =	sld [smem:$0x3FFE];
	_ =	sdelay $0x1  }
0x8a: {  	s1 =	srdreg.scid  }
0x8b: {  	s0 =	sand.u32 $0x1, s1  }
0x8c: {  	s17 =	sshll.u32 s0, $0xA;
	s2 =	sadd.s32 s3, s2  }
0x8d: {  	s2 =	sadd.s32 s2, s17  }
0x8e: {  	[smem:$0x3FC5] =	sst s2  }
0x8f: {  	_ = 	snop  }
0x90: {  	s2 =	sld [smem:$0x3FC7]  }
0x91: {  	s18 =	sld [smem:$0x3FD0];
	(tm) =	ssettm $0x1  }
0x92: {  	s4 =	sld [smem:$0x3FFB];
	_ =	sdelay $0x3  }
0x93: {  	_ =	strace s4  }
0x94: {  	s4 =	sld [smem:$0x3FFC];
	_ =	sdelay $0x3  }
0x95: {  	_ =	strace s4  }
0x96: {  	s4 =	sld [smem:$0x3FFD];
	_ =	sdelay $0x3  }
0x97: {  	_ =	strace s4  }
0x98: {  	_ =	strace $0x8FFFFFFF  }
0x99: {  	s19 =	sld [smem:$0x3FDB];
	_ =	sdelay $0x1  }
0x9a: {  	s5 =	simm.s32 $_scs_section_size  }
0x9b: {  	s6 =	simm.s32 $_size__tile_overlayer_lowered;
	s7 =	simm.s32 $_tile_overlayer_lowered  }
0x9c: {  	s22 =	simm.s32 $0x1BFF;
	s21 =	sshll.u32 s7, $0x1;
	s4 =	sadd.s32 s5, s19  }
0x9d: {  	s8 =	simm.s32 $0x0;
	s20 =	sshll.u32 s6, $0x1;
	s6 =	sadd.s32 s21, s4  }
0x9e: {  	[timem:s8], [sflag:s22] =	dma.local [hbm:s6], s20  }
0x9f: {  	_ =	swait.ge [sflag:s22], s20  }
0xa0: {  	s5 =	ssub.s32 $0x0, s20;
	[sflag:s22] =	ssyncset.done $0x0  }
0xa1: {  	[sflag:s22] =	ssyncadd.s32 s5;
	_ =	sdelay $0x1  }
0xa2: {  	s23 =	simm.s32 $0x1B8B  }
0xa3: {  	_ =	swait.ge [sflag:s23], $0x1  }
0xa4: {  	[sflag:s23] =	ssyncset.done $0x0  }
0xa5: {  	s25 =	simm.s32 $0x1B8E;
	s24 =	sld [smem:$0x3FFE];
	[sflag:s23] =	ssyncadd.s32 $0xFFFFFFFF  }
0xa6: {  	s26 =	simm.s32 $execute0_lowered;
	[smem:$0x3FD2] =	sst s25  }
0xa7: {  	s6 =	sshll.u32 s26, $0x1;
	_ =	strace $0x80000046;
	[dreg:$0x1] =	wrdreg $0xFFFFFFFF  }
0xa8: {  	s28 =	simm.s32 $_size_execute0_lowered;
	s4 =	sadd.s32 s4, s6;
	[dreg:$0x0] =	wrdreg $0x0  }
0xa9: {  	s6 =	sshll.u32 s28, $0x1;
	[dreg:$0x2] =	wrdreg s4  }
0xaa: {  	[dreg:$0x3] =	wrdreg s6  }
0xab: {  	[dreg:$0x4] =	wrdreg $0xC0  }
0xac: {  	_ =	task [dreg:s8], $0x5FFFF  }
0xad: {  	[dreg:$0x1] =	wrdreg $0xFFFFFFFF  }
0xae: {  	[dreg:$0x0] =	wrdreg $0x60  }
0xaf: {  	[dreg:$0x2] =	wrdreg s24  }
0xb0: {  	[dreg:$0x3] =	wrdreg s2  }
0xb1: {  	[dreg:$0x4] =	wrdreg s18  }
0xb2: {  	[dreg:$0x5] =	wrdreg $0x9  }
0xb3: {  	_ =	task.clear_ibuf [dreg:s8], $0x6FFFF;
	_ =	strace $0x90000046  }
0xb4: {  	s29 =	simm.s32 $0x9;
	_ =	strace $0x80000048  }
0xb5: {  	_ =	swait.ge [sflag:s29], $0x1  }
0xb6: {  	[sflag:s29] =	ssyncadd.s32 $0xFFFFFFFF  }
0xb7: {  	_ =	strace $0x90000048  }
0xb8: {  	_ =	sfence  }
0xb9: {  	s30 =	sld [smem:$0x0];
	_ =	sdelay $0x2  }
0xba: {  	s31 =	sshll.u32 s1, $0xD;
	s1 =	sshrl.u32 s1, $0x2  }
0xbb: {  	s3 =	sand.u32 $0x4000, s31;
	s1 =	sadd.s32 s1, s30  }
0xbc: {  	s0 =	sor.u32 s3, s0;
	s1 =	sshll.u32 s1, $0x11  }
0xbd: {  	s0 =	sor.u32 s1, s0  }
0xbe: {  	s0 =	sadd.s32 $0x8F2B, s0  }
0xbf: {  	[sflag:s0] =	ssyncadd.remote.s32 $0x1  }
0xc0: {  	_ =	sfence.sel $0xFFFF  }
0xc1: {  	[dreg:$0x0] =	wrdreg $0xFFFFFFFF;
	(pc) =	sbr.abs _section_cstart, $3  }
0xc2: {  	[dreg:$0x1] =	wrdreg $0xFFFFFFFF  }
0xc3: {  	_ =	task.clear_ibuf [dreg:s8], $0x2FFFF;
	_ =	strace $0x9FFFFFFF  }
0xc4: {  	(tm) =	ssettm $0x7FFFFFFF  }
0xc5: {  	_ =	shalt  }
tec
execute0_lowered:
.L_overlay_start_1:
0x0: {  	(tag) =	ssettag $0x1  }
0x1: {  	s0 =	rddreg [dreg:$0x0]  }
0x2: {  	s1 =	rddreg [dreg:$0x2];
	s2 =	srdreg.scid  }
0x3: {  	v0 =	vimm.s32 $0xFEDCBA98;
	s8 =	stileid.u32;
	s9 =	simm.s32 $0x0;
	s2 =	sand.u32 $0x1, s2  }
0x4: {  	v1 =	vimm.s32 $0x76543210;
	v2 =	vimm.s32 $0x32107654;
	s3 =	sshll.u32 s8, $0x1;
	s4 =	sshrl.u32 s8, $0x2;
	s23 =	smul.u32 $0x3E00, s8  }
0x5: {  	v3 =	vimm.s32 $0xDCFE98BA;
	v0 =	vunpack.c.l.s4.s8 v0;
	[smem:$0x7FF] =	sst s9;
	s6 =	sadd.s32 $0xA00, s0;
	s8 =	smul.u32 $0x1F0000, s8  }
0x6: {  	v4 =	vimm.s32 $0x54761032;
	v1 =	vunpack.c.l.s4.s8 v1;
	s3 =	sor.u32 s2, s3;
	s4 =	smul.u32 $0xF800, s4;
	_ =	strace $0x80000047  }
0x7: {  	v5 =	vimm.s32 $0xEFCDAB89;
	v6 =	vimm.s32 $0x67452301;
	[dreg:$0x4] =	wrdreg s6;
	s24 =	ssub.s32 $0x2, s2;
	s7 =	smul.u32 $0x1F00, s2;
	v0 =	vunpack.c.0.s8.s32 v0  }
0x8: {  	v2 =	vunpack.c.l.s4.s8 v2;
	v3 =	vunpack.c.l.s4.s8 v3;
	s2 =	smul.u32 $0xFFF08000, s2;
	s5 =	sshll.u32 s3, $0x7;
	v1 =	vunpack.c.0.s8.s32 v1;
	s25 =	sshrl.u32 s24, $0x1  }
0x9: {  	v4 =	vunpack.c.l.s4.s8 v4;
	v5 =	vunpack.c.l.s4.s8 v5;
	s26 =	sshll.u32 s3, $0xA;
	s3 =	smul.u32 $0x1F00, s3;
	s5 =	sand.u32 $0x380, s5;
	v0 =	vand.u32 $0xF, v0  }
0xa: {  	v6 =	vunpack.c.l.s4.s8 v6;
	s28 =	sadd.s32 s1, s26;
	s30 =	sadd.s32 s7, s23;
	s4 =	sor.u32 s4, s5;
	v0 =	vcombine.low v0, v1;
	v1 =	vimm.s32 $0xBA98FEDC  }
.Ltmp0:
0xb: {  	v8 =	vunpack.c.0.s8.s32 v3;
	v4 =	vunpack.c.0.s8.s32 v4;
	[dreg:$0x6] =	wrdreg s28;
	s4 =	sshrl.u32 s4, $0x3;
	v1 =	vunpack.c.l.s4.s8 v1;
	(pc) =	sbr.rel .LBB2_1-.Ltmp0, $4  }
0xc: {  	v5 =	vunpack.c.0.s8.s32 v5;
	v6 =	vunpack.c.0.s8.s32 v6;
	s31 =	ssub.s32 s2, s8;
	[dreg:$0x8] =	wrdreg s30;
	s0 =	sadd.s32 s4, s0  }
0xd: {  	v2 =	vunpack.c.0.s8.s32 v2;
	[dreg:$0x9] =	wrdreg s31;
	v4 =	vcombine.low v4, v8;
	s4 =	ssub.s32 s24, s25;
	s0 =	sadd.s32 $0x3E0A00, s0;
	v7 =	vunpack.c.0.s8.s32 v1  }
0xe: {  	v5 =	vcombine.low v6, v5;
	v6 =	vimm.f32 $-3.000000010e+38;
	s29 =	smax.u32 s4, $0x1;
	[dreg:$0x5] =	wrdreg s0;
	v1 =	vlaneseq.u32  }
0xf: {  	s1 =	simm.s32 $0x0;
	s4 =	simm.s32 $0x2;
	[dreg:$0x7] =	wrdreg s29;
	v3 =	vor.u32 s3, v1;
	v2 =	vcombine.low v2, v7;
	v7 =	vimm.s32 $0x7FFFFFFF  }
.LBB2_38:
0x10: {  	s0 =	rddreg [dreg:$0x1];
	s1 =	simm.s32 $0x40  }
0x11: {  	s2 =	simm.s32 $0x9080;
	s3 =	simm.s32 $0x9100;
	s28 =	simm.s32 $0x1  }
0x12: {  	[tilespmem:s3], [sflag:$0x1] =	stream.indirect.gather [hbm4b:s0+s1], $0x80, s2, s1, $0xb8;
	[tilespmem:$0xB280] =	vst v63  }
0x13: {  	_ =	swait.ge [sflag:s28], $0x2000  }
0x14: {  	s9 =	simm.s32 $0x0;
	[sflag:s28] =	ssyncset.done $0x0  }
0x15: {  	s4 =	simm.s32 $0x2;
	s29 =	rddreg [dreg:$0x6];
	[sflag:s28] =	ssyncadd.s32 $0xFFFFE000  }
0x16: {  	[hbm4b:s29+s9] =	stream.linear.scatter [tilespmem:s3], [sflag:$0x2], $0x2000, $0x38;
	[tilespmem:$0xB280] =	vst v63  }
0x17: {  	_ =	swait.ge [sflag:s4], $0x2000  }
0x18: {  	s30 =	rddreg [dreg:$0xa]  }
0x19: {  	s31 =	rddreg [dreg:$0x7];
	s1 =	sadd.s32 $0x1, s30  }
0x1a: {  	p0 =	sne.s32 s1, s31  }
.Ltmp1:
0x1b: {  	_ = 	snop;
	(pc) =	sbr.rel @!p0 .LBB2_39-.Ltmp1, $3  }
0x1c: {  	_ =	sdelay $0x1  }
0x1d: {  	[sflag:s4] =	ssyncset.done $0x0  }
0x1e: {  	[sflag:s4] =	ssyncadd.s32 $0xFFFFE000  }
.LBB2_1:
0x1f: {  	[dreg:$0xa] =	wrdreg s1  }
0x20: {  	s0 =	rddreg [dreg:$0x5];
	s24 =	simm.s32 $0x80;
	s2 =	simm.s32 $0x400  }
0x21: {  	[tilespmem:s9], [sflag:$0x2] =	stream.strided.gather [hbm4b:s0+s24], $0x1F00, s2, s24, $0x38;
	[tilespmem:$0xB280] =	vst v63  }
0x22: {  	_ =	swait.ge [sflag:s4], $0x1F00  }
0x23: {  	[sflag:s4] =	ssyncset.done $0x0  }
0x24: {  	s25 =	simm.s32 $0x0;
	[sflag:s4] =	ssyncadd.s32 $0xFFFFE100  }
0x25: {  	v8 =	vld [tilespmem:s25+$0x0]  }
0x26: {  	v9 =	vld [tilespmem:s25+$0x10]  }
0x27: {  	v10 =	vld [tilespmem:s25+$0x20]  }
0x28: {  	s26 =	simm.s32 $0x40;
	v11 =	vld [tilespmem:s25+$0x30]  }
0x29: {  	v12 =	vld [tilespmem:s26+$0x0]  }
0x2a: {  	v13 =	vld [tilespmem:s26+$0x10]  }
0x2b: {  	v14 =	vld [tilespmem:s26+$0x20]  }
0x2c: {  	s28 =	simm.s32 $0x80;
	v15 =	vld [tilespmem:s26+$0x30]  }
0x2d: {  	v16 =	vld [tilespmem:s28+$0x0]  }
0x2e: {  	v8 =	vmax.f32 v8, v9;
	v9 =	vld [tilespmem:s28+$0x10]  }
0x2f: {  	v8 =	vmax.f32 v8, v10;
	v10 =	vmax.f32 v12, v13;
	v12 =	vld [tilespmem:s28+$0x20]  }
0x30: {  	v8 =	vmax.f32 v8, v11;
	v10 =	vmax.f32 v10, v14;
	v11 =	vld [tilespmem:s28+$0x30]  }
0x31: {  	v13 =	vperm.xlane v8, v0;
	v10 =	vmax.f32 v10, v15  }
0x32: {  	s29 =	simm.s32 $0xC0;
	v14 =	vperm.xlane v10, v0  }
0x33: {  	v8 =	vmax.f32 v8, v13;
	v13 =	vld [tilespmem:s29+$0x0];
	v9 =	vmax.f32 v16, v9  }
0x34: {  	v15 =	vperm.xlane v8, v2;
	v10 =	vmax.f32 v10, v14;
	v14 =	vld [tilespmem:s29+$0x10];
	v9 =	vmax.f32 v9, v12  }
0x35: {  	v16 =	vld [tilespmem:s29+$0x20];
	v12 =	vperm.xlane v10, v2;
	v9 =	vmax.f32 v9, v11  }
0x36: {  	v11 =	vld [tilespmem:s29+$0x30];
	v8 =	vmax.f32 v8, v15;
	v15 =	vperm.xlane v9, v0  }
0x37: {  	v17 =	vperm.xlane v8, v4;
	v10 =	vmax.f32 v10, v12  }
0x38: {  	s30 =	simm.s32 $0x100;
	v12 =	vperm.xlane v10, v4;
	v9 =	vmax.f32 v9, v15  }
0x39: {  	v15 =	vld [tilespmem:s30+$0x0];
	v8 =	vmax.f32 v8, v17;
	v13 =	vmax.f32 v13, v14;
	v14 =	vperm.xlane v9, v2  }
0x3a: {  	v17 =	vperm.xlane v8, v5;
	v10 =	vmax.f32 v10, v12;
	v12 =	vld [tilespmem:s30+$0x10];
	v13 =	vmax.f32 v13, v16  }
0x3b: {  	v18 =	vld [tilespmem:s30+$0x20];
	v11 =	vmax.f32 v13, v11;
	v9 =	vmax.f32 v9, v14  }
0x3c: {  	v13 =	vld [tilespmem:s30+$0x30];
	v8 =	vmax.f32 v8, v17;
	v14 =	vperm.xlane v11, v0;
	v17 =	vperm.xlane v9, v4;
	_ =	sdelay $0x1  }
0x3d: {  	v16 =	vperm.xlane v10, v5;
	v11 =	vmax.f32 v11, v14;
	v14 =	vmax.f32 v9, v17  }
0x3e: {  	(v2sf) =	vpush v8, $0x0;
	v9 =	vmax.f32 v15, v12;
	v15 =	vperm.xlane v14, v5  }
0x3f: {  	v10 =	vmax.f32 v10, v16;
	v16 =	vmax.f32 v9, v18  }
0x40: {  	(v2sf) =	vpush v10, $0x0;
	v13 =	vmax.f32 v16, v13;
	v16 =	vmax.f32 v14, v15  }
0x41: {  	(v2sf) =	vpush v16, $0x0;
	_ =	sdelay $0x4  }
0x42: {  	s31 =	simm.s32 $0x140  }
0x43: {  	v8 =	vld [tilespmem:s31+$0x0];
	v12 =	vperm.xlane v11, v2  }
0x44: {  	v10 =	vld [tilespmem:s31+$0x10]  }
0x45: {  	v9 =	vld [tilespmem:s31+$0x20];
	v11 =	vmax.f32 v11, v12  }
0x46: {  	s1 =	simm.s32 $0x600;
	s0 =	simm.f32 $3.000000010e+38;
	v12 =	vld [tilespmem:s31+$0x30];
	v15 =	vperm.xlane v13, v0;
	v14 =	vperm.xlane v11, v4  }
.LBB2_2:
0x47: {  	p0 =	sne.s32 s1, $0x7900  }
.Ltmp2:
0x48: {  	s2 =	sshra.s32 s1, $0x2;
	v15 =	vmax.f32 v13, v15;
	v14 =	vmax.f32 v11, v14;
	(pc) =	sbr.rel @p0 .LBB2_2-.Ltmp2, $4  }
0x49: {  	s1 =	sadd.s32 $0x100, s1;
	v11 =	vmax.f32 v8, v10;
	v8 =	vld [tilespmem:s2+$0x0];
	v16 =	vperm.xlane v15, v2;
	v17 =	vperm.xlane v14, v5;
	s3 =	spop (v2sf)  }
0x4a: {  	v10 =	vld [tilespmem:s2+$0x10];
	v11 =	vmax.f32 v11, v9;
	s0 =	smin.f32 s0, s3  }
0x4b: {  	v9 =	vld [tilespmem:s2+$0x20];
	v13 =	vmax.f32 v11, v12;
	v11 =	vmax.f32 v15, v16;
	v16 =	vmax.f32 v14, v17  }
0x4c: {  	v12 =	vld [tilespmem:s2+$0x30];
	v15 =	vperm.xlane v13, v0;
	v14 =	vperm.xlane v11, v4;
	(v2sf) =	vpush v16, $0x0  }
0x4d: {  	_ =	sdelay $0x1  }
0x4e: {  	v8 =	vmax.f32 v8, v10  }
0x4f: {  	v8 =	vmax.f32 v8, v9  }
0x50: {  	v8 =	vmax.f32 v8, v12  }
0x51: {  	v9 =	vperm.xlane v8, v0  }
0x52: {  	v10 =	vmax.f32 v13, v15  }
0x53: {  	v62 =	vperm.xlane v10, v2;
	v8 =	vmax.f32 v8, v9  }
0x54: {  	v9 =	vperm.xlane v8, v2  }
0x55: {  	v10 =	vmax.f32 v10, v62  }
0x56: {  	v12 =	vperm.xlane v10, v4;
	v8 =	vmax.f32 v8, v9  }
0x57: {  	v9 =	vmax.f32 v11, v14;
	v11 =	vperm.xlane v8, v4  }
0x58: {  	v10 =	vmax.f32 v10, v12;
	v63 =	vperm.xlane v9, v5  }
0x59: {  	v12 =	vperm.xlane v10, v5;
	v8 =	vmax.f32 v8, v11  }
0x5a: {  	v9 =	vmax.f32 v9, v63;
	v11 =	vperm.xlane v8, v5  }
0x5b: {  	(v2sf) =	vpush v9, $0x0;
	v9 =	vmax.f32 v10, v12  }
0x5c: {  	(v2sf) =	vpush v9, $0x0;
	v8 =	vmax.f32 v8, v11  }
0x5d: {  	(v2sf) =	vpush v8, $0x0;
	_ =	sdelay $0x8  }
0x5e: {  	s1 =	spop (v2sf)  }
0x5f: {  	s2 =	spop (v2sf)  }
0x60: {  	s0 =	smin.f32 s0, s1;
	s1 =	rddreg [dreg:$0x8]  }
0x61: {  	s0 =	smin.f32 s0, s2;
	s28 =	spop (v2sf)  }
0x62: {  	s0 =	smin.f32 s0, s28;
	s29 =	spop (v2sf)  }
0x63: {  	s0 =	smin.f32 s0, s29;
	s30 =	spop (v2sf)  }
0x64: {  	s0 =	smin.f32 s0, s30;
	s31 =	spop (v2sf)  }
0x65: {  	s2 =	simm.s32 $0x0;
	v8 =	vor.u32 s1, v1;
	s19 =	smin.f32 s0, s31;
	s0 =	simm.s32 $0x40  }
.LBB2_4:
0x66: {  	p0 =	sne.s32 s0, $0x41C0  }
0x67: {  	[tilespmem:s2+$0x1F00] =	vst v8;
	s1 =	sadd.s32 $0x10, s1;
	s2 =	smov.u32 s0;
	s0 =	sadd.s32 $0x40, s0  }
.Ltmp3:
0x68: {  	(pc) =	sbr.rel @p0 .LBB2_4-.Ltmp3, $2  }
0x69: {  	_ =	sdelay $0x2  }
0x6a: {  	v8 =	vor.u32 s1, v1;
	s2 =	sshra.s32 s2, $0x2  }
0x6b: {  	[tilespmem:s2+$0x1F00] =	vst v8;
	s0 =	simm.s32 $0x40;
	s1 =	simm.s32 $0x0  }
.LBB2_6:
0x6c: {  	p0 =	sne.s32 s0, $0x41C0;
	[tilespmem:s1+$0x6F80] =	vst v6;
	s2 =	smov.u32 s0;
	s0 =	sadd.s32 $0x40, s0  }
.Ltmp4:
0x6d: {  	[tilespmem:s1+$0x8000] =	vst v7;
	(pc) =	sbr.rel @p0 .LBB2_6-.Ltmp4, $2  }
0x6e: {  	_ =	sdelay $0x2  }
0x6f: {  	s1 =	sshra.s32 s2, $0x2  }
.Ltmp5:
0x70: {  	(pc) =	sbr.rel .LBB2_8-.Ltmp5, $4  }
0x71: {  	_ = 	snop  }
0x72: {  	[tilespmem:s1+$0x6F80] =	vst v6  }
0x73: {  	[tilespmem:s1+$0x8000] =	vst v7  }
0x74: {  	s6 =	simm.s32 $0x0;
	s20 =	simm.s32 $0x0;
	s22 =	simm.s32 $0x0;
	v8 =	vmov v3;
	[tilespmem:$0xB100] =	vst v3  }
.LBB2_10:
0x75: {  	s22 =	sadd.s32 $0x10, s22  }
0x76: {  	p0 =	sne.s32 s22, $0x1F00  }
.Ltmp6:
0x77: {  	_ = 	snop;
	(pc) =	sbr.rel @!p0 .LBB2_11-.Ltmp6, $2  }
0x78: {  	_ =	sdelay $0x2  }
0x79: {  	s20 =	sadd.s32 $0x10, s20  }
.LBB2_8:
0x7a: {  	v9 =	vld [tilespmem:s20+$0x0];
	_ =	sdelay $0x4  }
0x7b: {  	v10 =	vperm.xlane v9, v0;
	_ =	sdelay $0x1  }
0x7c: {  	v10 =	vmax.f32 v9, v10  }
0x7d: {  	v11 =	vperm.xlane v10, v2;
	_ =	sdelay $0x1  }
0x7e: {  	v10 =	vmax.f32 v10, v11  }
0x7f: {  	v11 =	vperm.xlane v10, v4;
	_ =	sdelay $0x1  }
0x80: {  	v10 =	vmax.f32 v10, v11  }
0x81: {  	v11 =	vperm.xlane v10, v5;
	_ =	sdelay $0x1  }
0x82: {  	v10 =	vmax.f32 v10, v11  }
0x83: {  	(v2sf) =	vpush v10, $0x0;
	_ =	sdelay $0xe  }
0x84: {  	s0 =	spop (v2sf)  }
0x85: {  	p0 =	sge.f32 s0, s19  }
.Ltmp7:
0x86: {  	_ = 	snop;
	(pc) =	sbr.rel @!p0 .LBB2_10-.Ltmp7, $1  }
0x87: {  	_ =	sdelay $0x3  }
0x88: {  	(v2sf) =	vpush v9, $0x0;
	_ =	sdelay $0x2  }
0x89: {  	(v2sf) =	vpush v9, $0x1  }
0x8a: {  	(v2sf) =	vpush v9, $0x2  }
0x8b: {  	(v2sf) =	vpush v9, $0x3  }
0x8c: {  	(v2sf) =	vpush v9, $0x4;
	_ =	sdelay $0x8  }
0x8d: {  	s0 =	spop (v2sf)  }
0x8e: {  	s3 =	sshra.s32 s6, $0x1F;
	p0 =	sge.f32 s0, s19  }
0x8f: {  	p1 =	slt.s32 s6, $0x1000;
	s1 =	simm.s32 $0x1;
	s0 =	sshrl.u32 s3, $0x1C  }
0x90: {  	s2 =	spop (v2sf);
	s0 =	sadd.s32 s0, s6;
	p0 =	por !p1, !p0  }
0x91: {  	p5 =	sge.f32 s2, s19;
	s5 =	spop (v2sf);
	(v2sf) =	vpush v9, $0x5;
	p0 =	por !p0, !p0  }
0x92: {  	s0 =	sand.u32 $0xFFFFFFF0, s0;
	s3 =	spop (v2sf);
	(v2sf) =	vpush v9, $0x6;
	s1 =	simm.s32 @!p0 $0x0  }
0x93: {  	s8 =	spop (v2sf);
	s23 =	sadd.s32 s1, s6;
	s1 =	ssub.s32 s6, s0  }
0x94: {  	(v2sf) =	vpush v9, $0x7;
	s4 =	sshra.s32 s23, $0x1F;
	p2 =	slt.s32 s23, $0x1000;
	s1 =	simm.s32 @!p0 $0x10  }
0x95: {  	[dreg:$0x11] =	wrdreg s1;
	s0 =	sshrl.u32 s4, $0x1C;
	p1 =	por !p5, !p2  }
0x96: {  	s1 =	simm.s32 $0x1;
	s0 =	sadd.s32 s0, s23;
	p1 =	por !p1, !p1  }
0x97: {  	p6 =	sge.f32 s5, s19;
	s0 =	sand.u32 $0xFFFFFFF0, s0;
	s1 =	simm.s32 @!p1 $0x0  }
0x98: {  	p5 =	sge.f32 s3, s19;
	s24 =	ssub.s32 s23, s0;
	s21 =	sadd.s32 s1, s23  }
0x99: {  	p3 =	sne.s32 @p0 s24, $0x0;
	s6 =	sshra.s32 s21, $0x1F;
	p4 =	slt.s32 s21, $0x1000  }
0x9a: {  	s24 =	simm.s32 @!p1 $0x10;
	p0 =	por p3, !p0;
	s0 =	sshrl.u32 s6, $0x1C  }
0x9b: {  	p4 =	por !p6, !p4;
	s6 =	simm.s32 $0x1;
	v10 =	vmov s24;
	s24 =	rddreg [dreg:$0x8]  }
0x9c: {  	s1 =	simm.s32 @!p0 $0x0;
	s0 =	sadd.s32 s0, s21;
	s24 =	sadd.s32 s22, s24  }
0x9d: {  	s1 =	simm.s32 @p0 $0x1;
	p0 =	por !p4, !p4;
	s0 =	sand.u32 $0xFFFFFFF0, s0  }
0x9e: {  	[smem:$0x7F2] =	sst s1;
	s1 =	simm.s32 $0x1;
	s26 =	ssub.s32 s21, s0  }
0x9f: {  	s1 =	simm.s32 @!p0 $0x0;
	p3 =	sne.s32 @p1 s26, $0x0;
	s26 =	simm.s32 @!p0 $0x10  }
0xa0: {  	s4 =	spop (v2sf);
	s25 =	sadd.s32 s1, s21;
	p1 =	por p3, !p1  }
0xa1: {  	s1 =	simm.s32 $0x1;
	p3 =	sge.f32 s8, s19;
	s10 =	spop (v2sf)  }
0xa2: {  	p6 =	slt.s32 s25, $0x1000;
	s0 =	simm.s32 @!p1 $0x0;
	s7 =	sshra.s32 s25, $0x1F  }
0xa3: {  	(v2sf) =	vpush v9, $0x8;
	s14 =	spop (v2sf);
	s0 =	simm.s32 @p1 $0x1;
	p2 =	por !p5, !p6  }
0xa4: {  	(v2sf) =	vpush v9, $0x9;
	[smem:$0x7F3] =	sst s0;
	s0 =	sshrl.u32 s7, $0x1C;
	p1 =	por !p2, !p2  }
0xa5: {  	p6 =	sge.f32 s4, s19;
	s0 =	sadd.s32 s0, s25;
	s1 =	simm.s32 @!p1 $0x0  }
0xa6: {  	(v2sf) =	vpush v9, $0xA;
	s4 =	simm.s32 $0x1;
	s0 =	sand.u32 $0xFFFFFFF0, s0;
	s28 =	sadd.s32 s1, s25  }
0xa7: {  	s1 =	simm.s32 $0x1;
	s2 =	ssub.s32 s25, s0;
	s9 =	sshra.s32 s28, $0x1F  }
0xa8: {  	(v2sf) =	vpush v9, $0xB;
	p5 =	slt.s32 s28, $0x1000;
	p4 =	sne.s32 @p0 s2, $0x0;
	s0 =	sshrl.u32 s9, $0x1C  }
0xa9: {  	p2 =	por !p3, !p5;
	s0 =	sadd.s32 s0, s28;
	p0 =	por p4, !p0  }
0xaa: {  	p2 =	por !p2, !p2;
	s5 =	sand.u32 $0xFFFFFFF0, s0;
	s0 =	simm.s32 @!p0 $0x0  }
0xab: {  	s2 =	simm.s32 @!p1 $0x10;
	s1 =	simm.s32 @!p2 $0x0;
	s0 =	simm.s32 @p0 $0x1  }
0xac: {  	s7 =	sadd.s32 s1, s28;
	[smem:$0x7F4] =	sst s0;
	s0 =	ssub.s32 s28, s5  }
0xad: {  	p5 =	slt.s32 s7, $0x1000;
	s1 =	sshra.s32 s7, $0x1F;
	s5 =	simm.s32 $0x1  }
0xae: {  	p0 =	por !p6, !p5;
	p4 =	sne.s32 @p1 s0, $0x0;
	s1 =	sshrl.u32 s1, $0x1C  }
0xaf: {  	p6 =	sge.f32 s10, s19;
	s0 =	simm.s32 @!p2 $0x10;
	p3 =	por !p0, !p0  }
0xb0: {  	s11 =	sadd.s32 s1, s7;
	p1 =	por p4, !p1;
	[dreg:$0x12] =	wrdreg s0  }
0xb1: {  	s4 =	simm.s32 @!p3 $0x0;
	s1 =	simm.s32 @!p1 $0x0;
	s12 =	sand.u32 $0xFFFFFFF0, s11  }
0xb2: {  	s9 =	spop (v2sf);
	s3 =	sadd.s32 s4, s7;
	s1 =	simm.s32 @p1 $0x1  }
0xb3: {  	s11 =	ssub.s32 s7, s12;
	s15 =	spop (v2sf);
	p5 =	slt.s32 s3, $0x1000  }
0xb4: {  	[smem:$0x7F6] =	sst s1;
	s13 =	sshra.s32 s3, $0x1F;
	p0 =	por !p6, !p5  }
0xb5: {  	s4 =	sshrl.u32 s13, $0x1C;
	p6 =	sge.f32 s14, s19;
	s13 =	spop (v2sf)  }
0xb6: {  	(v2sf) =	vpush v9, $0xC;
	p4 =	por !p0, !p0;
	p0 =	sne.s32 @p2 s11, $0x0;
	s4 =	sadd.s32 s4, s3  }
0xb7: {  	s11 =	simm.s32 @!p3 $0x10;
	s18 =	spop (v2sf);
	p0 =	por p0, !p2  }
0xb8: {  	s5 =	simm.s32 @!p4 $0x0;
	s4 =	sand.u32 $0xFFFFFFF0, s4;
	s0 =	simm.s32 @!p0 $0x0  }
0xb9: {  	s5 =	sadd.s32 s5, s3;
	s4 =	ssub.s32 s3, s4;
	s0 =	simm.s32 @p0 $0x1  }
0xba: {  	p5 =	slt.s32 s5, $0x1000;
	s8 =	sshra.s32 s5, $0x1F;
	p1 =	sne.s32 @p3 s4, $0x0  }
0xbb: {  	s4 =	simm.s32 @!p4 $0x10;
	[smem:$0x7F7] =	sst s0;
	p0 =	por !p6, !p5  }
0xbc: {  	p6 =	sge.f32 s9, s19;
	p1 =	por p1, !p3;
	s8 =	sshrl.u32 s8, $0x1C  }
0xbd: {  	s9 =	simm.s32 $0x1;
	p0 =	por !p0, !p0;
	s8 =	sadd.s32 s8, s5  }
0xbe: {  	s0 =	simm.s32 @!p1 $0x0;
	s6 =	simm.s32 @!p0 $0x0;
	s8 =	sand.u32 $0xFFFFFFF0, s8  }
0xbf: {  	s0 =	simm.s32 @p1 $0x1;
	s6 =	sadd.s32 s6, s5;
	s12 =	ssub.s32 s5, s8  }
0xc0: {  	[smem:$0x7F8] =	sst s0;
	p5 =	slt.s32 s6, $0x1000;
	p2 =	sne.s32 @p4 s12, $0x0  }
0xc1: {  	s16 =	sshra.s32 s6, $0x1F;
	s12 =	simm.s32 @!p0 $0x10;
	p1 =	por !p6, !p5  }
0xc2: {  	p6 =	sge.f32 s15, s19;
	p2 =	por p2, !p4;
	s8 =	sshrl.u32 s16, $0x1C  }
0xc3: {  	s16 =	simm.s32 $0x1;
	p1 =	por !p1, !p1;
	s0 =	simm.s32 @!p2 $0x0  }
0xc4: {  	s8 =	sadd.s32 s8, s6;
	s9 =	simm.s32 @!p1 $0x0;
	s0 =	simm.s32 @p2 $0x1  }
0xc5: {  	s8 =	sand.u32 $0xFFFFFFF0, s8;
	s30 =	spop (v2sf);
	s10 =	sadd.s32 s9, s6  }
0xc6: {  	[smem:$0x7F9] =	sst s0;
	s9 =	simm.s32 $0x1;
	s14 =	ssub.s32 s6, s8  }
0xc7: {  	(v2sf) =	vpush v9, $0xD;
	p3 =	sge.f32 s30, s19;
	p5 =	slt.s32 s10, $0x1000;
	p4 =	sne.s32 @p0 s14, $0x0  }
0xc8: {  	(v2sf) =	vpush v9, $0xE;
	s17 =	sshra.s32 s10, $0x1F;
	p2 =	por !p6, !p5;
	p0 =	por p4, !p0  }
0xc9: {  	(v2sf) =	vpush v9, $0xF;
	s14 =	simm.s32 @!p1 $0x10;
	p2 =	por !p2, !p2;
	s0 =	simm.s32 @!p0 $0x0  }
0xca: {  	p6 =	sge.f32 s13, s19;
	s9 =	simm.s32 @!p2 $0x0;
	s0 =	simm.s32 @p0 $0x1  }
0xcb: {  	s8 =	sadd.s32 s9, s10;
	[smem:$0x7FA] =	sst s0;
	s9 =	sshrl.u32 s17, $0x1C  }
0xcc: {  	p5 =	slt.s32 s8, $0x1000;
	s9 =	sadd.s32 s9, s10;
	s17 =	sshra.s32 s8, $0x1F  }
0xcd: {  	p5 =	por !p6, !p5;
	s9 =	sand.u32 $0xFFFFFFF0, s9;
	p6 =	sge.f32 s18, s19  }
0xce: {  	s29 =	sshrl.u32 s17, $0x1C;
	p4 =	por !p5, !p5;
	s15 =	ssub.s32 s10, s9  }
0xcf: {  	s13 =	sadd.s32 s29, s8;
	s16 =	simm.s32 @!p4 $0x0;
	p0 =	sne.s32 @p1 s15, $0x0  }
0xd0: {  	s13 =	sand.u32 $0xFFFFFFF0, s13;
	s9 =	sadd.s32 s16, s8;
	p0 =	por p0, !p1  }
0xd1: {  	s17 =	ssub.s32 s8, s13;
	s0 =	simm.s32 @!p0 $0x0;
	p5 =	slt.s32 s9, $0x1000  }
0xd2: {  	p1 =	sne.s32 @p2 s17, $0x0;
	s0 =	simm.s32 @p0 $0x1;
	p0 =	por !p6, !p5  }
0xd3: {  	s18 =	simm.s32 $0x1;
	p5 =	por !p0, !p0;
	p0 =	por p1, !p2  }
0xd4: {  	s31 =	sshra.s32 s9, $0x1F;
	[smem:$0x7FB] =	sst s0;
	s0 =	simm.s32 @!p0 $0x0  }
0xd5: {  	s15 =	simm.s32 @!p2 $0x10;
	s16 =	sshrl.u32 s31, $0x1C;
	s0 =	simm.s32 @p0 $0x1  }
0xd6: {  	s18 =	simm.s32 @!p5 $0x0;
	[smem:$0x7FC] =	sst s0;
	s0 =	spop (v2sf)  }
0xd7: {  	s16 =	sadd.s32 s16, s9;
	s13 =	sadd.s32 s18, s9;
	s29 =	spop (v2sf)  }
0xd8: {  	s16 =	sand.u32 $0xFFFFFFF0, s16;
	p6 =	slt.s32 s13, $0x1000;
	s30 =	spop (v2sf)  }
0xd9: {  	s18 =	simm.s32 $0x1;
	p1 =	por !p3, !p6;
	p0 =	sge.f32 s30, s19  }
0xda: {  	p2 =	por !p1, !p1;
	p3 =	sge.f32 s29, s19;
	s29 =	ssub.s32 s9, s16  }
0xdb: {  	p1 =	sge.f32 s0, s19;
	p6 =	sne.s32 @p4 s29, $0x0;
	s0 =	simm.s32 @!p0 $0x0  }
0xdc: {  	s18 =	simm.s32 @!p2 $0x0;
	s0 =	simm.s32 @p0 $0x1;
	p0 =	por p6, !p4  }
0xdd: {  	s16 =	sadd.s32 s18, s13;
	[smem:$0x7F5] =	sst s0;
	s0 =	simm.s32 @!p0 $0x0  }
0xde: {  	s1 =	sshra.s32 s13, $0x1F;
	s0 =	simm.s32 @p0 $0x1;
	p0 =	slt.s32 s16, $0x1000  }
0xdf: {  	s17 =	simm.s32 @!p4 $0x10;
	s31 =	sshrl.u32 s1, $0x1C;
	p4 =	por !p1, !p0  }
0xe0: {  	s18 =	sadd.s32 s31, s13;
	s31 =	simm.s32 $0x1;
	p4 =	por !p4, !p4  }
0xe1: {  	s18 =	sand.u32 $0xFFFFFFF0, s18;
	[smem:$0x7FD] =	sst s0;
	s31 =	simm.s32 @!p4 $0x0  }
0xe2: {  	s30 =	ssub.s32 s13, s18;
	s18 =	sadd.s32 s31, s16;
	s31 =	rddreg [dreg:$0x11]  }
0xe3: {  	s29 =	simm.s32 @!p5 $0x10;
	s0 =	sshra.s32 s16, $0x1F;
	[smem:$0x7F1] =	sst s2  }
0xe4: {  	p6 =	por p5, p5;
	s1 =	sshrl.u32 s0, $0x1C;
	s2 =	sld [smem:$0x7F2]  }
0xe5: {  	p5 =	sne.s32 @p5 s30, $0x0;
	p0 =	por p6, p6;
	s0 =	sadd.s32 s1, s16;
	v9 =	vmov s31  }
0xe6: {  	p5 =	por p5, !p0;
	s0 =	sand.u32 $0xFFFFFFF0, s0;
	p6 =	slt.s32 s18, $0x1000;
	vm0 =	veq.s32 v9, v1  }
0xe7: {  	vm13 =	veq.s32 v10, v1;
	v9 =	vmov s26;
	s26 =	sadd.s32 $0x1, s24;
	v8 =	vsel vm0, s24, v8;
	p1 =	seq.s32 s2, $0x1;
	s2 =	sld [smem:$0x7F1]  }
0xe8: {  	s31 =	ssub.s32 s16, s0;
	p0 =	por !p3, !p6;
	[tilespmem:s23+$0x1EF0] =	vst @!p1 v8;
	v8 =	vsel vm13, s26, v8;
	s26 =	sld [smem:$0x7F3]  }
0xe9: {  	s0 =	simm.s32 $0x1;
	p0 =	por !p0, !p0;
	s23 =	sld [smem:$0x7F4]  }
0xea: {  	s30 =	simm.s32 @!p2 $0x10;
	s1 =	sadd.s32 $0x2, s24;
	s0 =	simm.s32 @!p0 $0x0  }
0xeb: {  	p1 =	sne.s32 @p2 s31, $0x0;
	p6 =	seq.s32 s26, $0x1;
	s26 =	sld [smem:$0x7F5]  }
0xec: {  	vm14 =	veq.s32 v9, v1;
	s31 =	simm.s32 @!p4 $0x10;
	[tilespmem:s21+$0x1EF0] =	vst @!p6 v8;
	p6 =	seq.s32 s23, $0x1;
	s23 =	sld [smem:$0x7F6]  }
0xed: {  	p1 =	por p1, !p2;
	v10 =	vmov s2;
	s2 =	sadd.s32 s0, s18;
	s0 =	sadd.s32 $0xA, s24;
	v8 =	vsel vm14, s1, v8  }
0xee: {  	vm15 =	veq.s32 v10, v1;
	p3 =	slt.s32 s2, $0x1000;
	s21 =	sadd.s32 $0x3, s24;
	[tilespmem:s25+$0x1EF0] =	vst @!p6 v8;
	p6 =	seq.s32 s26, $0x1  }
0xef: {  	s1 =	rddreg [dreg:$0x12];
	v8 =	vsel vm15, s21, v8;
	p2 =	por !p6, !p3;
	p3 =	seq.s32 s23, $0x1  }
0xf0: {  	v10 =	vmov s29;
	s29 =	sadd.s32 $0xD, s24;
	v9 =	vmov s1;
	s21 =	sadd.s32 $0x4, s24;
	[tilespmem:s28+$0x1EF0] =	vst @!p3 v8;
	s28 =	sld [smem:$0x7F7]  }
0xf1: {  	s1 =	sadd.s32 $0x5, s24;
	vm4 =	veq.s32 v9, v1;
	v9 =	vmov s11;
	s26 =	sshra.s32 s18, $0x1F;
	s23 =	sld [smem:$0x7F8]  }
0xf2: {  	s25 =	sadd.s32 $0x6, s24;
	vm5 =	veq.s32 v9, v1;
	v9 =	vmov s4;
	s4 =	sadd.s32 $0x7, s24;
	s11 =	sshrl.u32 s26, $0x1C  }
0xf3: {  	s26 =	sshra.s32 s2, $0x1F;
	v8 =	vsel vm4, s21, v8;
	vm6 =	veq.s32 v9, v1;
	v9 =	vmov s12;
	s21 =	sld [smem:$0x7FA];
	p3 =	seq.s32 s28, $0x1  }
0xf4: {  	p2 =	por !p2, !p2;
	vm7 =	veq.s32 v9, v1;
	v9 =	vmov s14;
	s28 =	sld [smem:$0x7F9];
	[tilespmem:s7+$0x1EF0] =	vst @!p3 v8;
	v8 =	vsel vm5, s1, v8;
	p3 =	seq.s32 s23, $0x1  }
0xf5: {  	vm8 =	veq.s32 v9, v1;
	v9 =	vmov s15;
	s15 =	sshrl.u32 s26, $0x1C;
	s26 =	sld [smem:$0x7FC];
	[tilespmem:s3+$0x1EF0] =	vst @!p3 v8;
	v8 =	vsel vm6, s25, v8;
	s25 =	sadd.s32 s11, s18  }
0xf6: {  	s14 =	sadd.s32 $0xB, s24;
	s3 =	sand.u32 $0xFFFFFFF0, s25;
	s25 =	sld [smem:$0x7FB]  }
0xf7: {  	s1 =	sadd.s32 $0x8, s24;
	s7 =	sadd.s32 $0x9, s24;
	p3 =	seq.s32 s28, $0x1  }
0xf8: {  	vm9 =	veq.s32 v9, v1;
	v9 =	vmov s17;
	s23 =	sadd.s32 $0xC, s24;
	s28 =	sld [smem:$0x7FD];
	[tilespmem:s5+$0x1EF0] =	vst @!p3 v8;
	v8 =	vsel vm7, s4, v8;
	p3 =	seq.s32 s21, $0x1  }
0xf9: {  	vm10 =	veq.s32 v9, v1;
	v9 =	vmov s30;
	s30 =	sadd.s32 $0xE, s24;
	s5 =	sadd.s32 s15, s2;
	[tilespmem:s6+$0x1EF0] =	vst @!p3 v8;
	v8 =	vsel vm8, s1, v8;
	p3 =	seq.s32 s25, $0x1  }
0xfa: {  	p6 =	seq.s32 s26, $0x1;
	s3 =	ssub.s32 s18, s3;
	s5 =	sand.u32 $0xFFFFFFF0, s5;
	[tilespmem:s10+$0x1EF0] =	vst @!p3 v8;
	v8 =	vsel vm9, s7, v8  }
0xfb: {  	vm11 =	veq.s32 v10, v1;
	[tilespmem:s8+$0x1EF0] =	vst @!p6 v8;
	v8 =	vsel vm10, s0, v8;
	s0 =	ssub.s32 s2, s5;
	s5 =	simm.s32 $0x1;
	p6 =	seq.s32 s28, $0x1  }
0xfc: {  	v10 =	vmov s31;
	vm12 =	veq.s32 v9, v1;
	p3 =	sne.s32 @p4 s3, $0x0;
	s3 =	simm.s32 @!p0 $0x10;
	[tilespmem:s9+$0x1EF0] =	vst @!p6 v8;
	v8 =	vsel vm11, s14, v8;
	s5 =	simm.s32 @!p2 $0x0  }
0xfd: {  	vm13 =	veq.s32 v10, v1;
	v9 =	vmov s3;
	p6 =	sne.s32 @p0 s0, $0x0;
	s0 =	simm.s32 @!p2 $0x10;
	[tilespmem:s13+$0x1EF0] =	vst @!p5 v8;
	v8 =	vsel vm12, s23, v8;
	s6 =	sadd.s32 s5, s2  }
.Ltmp8:
0xfe: {  	vm14 =	veq.s32 v9, v1;
	v9 =	vmov s0;
	[tilespmem:s16+$0x1EF0] =	vst @!p1 v8;
	p1 =	por p3, !p4;
	v8 =	vsel vm13, s29, v8;
	s0 =	sand.u32 $0xF, s6;
	(pc) =	sbr.rel .LBB2_10-.Ltmp8, $4  }
0xff: {  	s31 =	sadd.s32 $0xF, s24;
	p0 =	por p6, !p0;
	vm15 =	veq.s32 v9, v1;
	[tilespmem:s18+$0x1EF0] =	vst @!p1 v8;
	v8 =	vsel vm14, s30, v8;
	p1 =	sne.s32 @p2 s0, $0x0  }
0x100: {  	[tilespmem:s2+$0x1EF0] =	vst @!p0 v8;
	v8 =	vsel vm15, s31, v8;
	p0 =	por p1, !p2  }
0x101: {  	[tilespmem:s6+$0x1EF0] =	vst @!p0 v8  }
0x102: {  	[tilespmem:$0xB100] =	vst v8  }
.LBB2_11:
0x103: {  	s0 =	sand.u32 $0xF, s6  }
0x104: {  	s2 =	sadd.s32 $0x7F, s6;
	p0 =	seq.s32 s0, $0x0  }
0x105: {  	s29 =	sand.u32 $0x7F, s2;
	s3 =	sshra.s32 s2, $0x1F;
	p6 =	slt.s32 s2, $0x1  }
0x106: {  	s0 =	sshra.s32 @!p0 s6, $0x1F;
	p1 =	slt.s32 @!p0 s6, $0x1;
	s1 =	simm.s32 @!p0 $0x1  }
0x107: {  	p2 =	sne.s32 s29, $0x0;
	s0 =	sshrl.u32 @!p0 s0, $0x1C;
	p1 =	por !p1, p0  }
0x108: {  	s0 =	sadd.s32 @!p0 s0, s6;
	s1 =	simm.s32 @p1 $0x0;
	p1 =	por !p6, !p2  }
0x109: {  	s30 =	sshrl.u32 s3, $0x19;
	s0 =	sshrl.u32 @!p0 s0, $0x4;
	p1 =	por !p1, !p1  }
0x10a: {  	s0 =	ssub.s32 @!p0 s0, s1;
	s1 =	sadd.s32 s30, s2;
	s2 =	simm.s32 $0x1  }
0x10b: {  	s0 =	sshll.u32 @!p0 s0, $0x6;
	s1 =	sshra.s32 s1, $0x7;
	s2 =	simm.s32 @!p1 $0x0  }
0x10c: {  	s0 =	sshra.s32 @!p0 s0, $0x2;
	s31 =	ssub.s32 s1, s2  }
0x10d: {  	[tilespmem:s0+$0x1F00] =	vst @!p0 v8;
	p0 =	slt.s32 s31, $0x1  }
.Ltmp9:
0x10e: {  	_ = 	snop;
	(pc) =	sbr.rel @!p0 .LBB2_12-.Ltmp9, $4  }
.Ltmp10:
0x10f: {  	_ = 	snop;
	(pc) =	sbr.rel @p0 .LBB2_21-.Ltmp10, $4  }
0x110: {  	_ = 	snop  }
0x111: {  	s7 =	smov.u32 s6;
	[dreg:$0xb] =	wrdreg s6;
	s3 =	simm.s32 $0x0;
	[tilespmem:$0xB180] =	vst v6  }
0x112: {  	s1 =	simm.s32 $0x0;
	[dreg:$0xc] =	wrdreg s31;
	s0 =	simm.s32 $0x0;
	[tilespmem:$0xB200] =	vst v3  }
0x113: {  	_ = 	snop  }
.LBB2_19:
0x114: {  	s3 =	rddreg [dreg:$0xe]  }
0x115: {  	s0 =	rddreg [dreg:$0xc];
	s3 =	sadd.s32 $0x1, s3  }
0x116: {  	p0 =	sne.s32 s3, s0  }
.Ltmp11:
0x117: {  	_ = 	snop;
	(pc) =	sbr.rel @!p0 .LBB2_20-.Ltmp11, $3  }
0x118: {  	_ =	sdelay $0x1  }
0x119: {  	s7 =	rddreg [dreg:$0xd]  }
0x11a: {  	s6 =	rddreg [dreg:$0xb];
	s7 =	sadd.s32 $0xFFFFFF80, s7  }
.LBB2_12:
0x11b: {  	s0 =	sshll.u32 s3, $0x9  }
0x11c: {  	[dreg:$0xe] =	wrdreg s3;
	s2 =	sshra.s32 s0, $0x2;
	s0 =	sshll.u32 s3, $0x7  }
0x11d: {  	s29 =	rddreg [dreg:$0x4];
	s31 =	ssub.s32 s6, s0  }
0x11e: {  	s4 =	simm.s32 $0x80;
	s5 =	simm.s32 $0x2F80;
	p0 =	slt.s32 s31, $0x1  }
.Ltmp12:
0x11f: {  	s30 =	simm.s32 $0x1;
	s2 =	sadd.s32 $0x1F00, s2;
	(pc) =	sbr.rel @p0 .LBB2_19-.Ltmp12, $4  }
0x120: {  	[tilespmem:s5], [sflag:$0x1] =	stream.indirect.gather [hbm4b:s29+s4], $0x80, s2, s4, $0xb8;
	[tilespmem:$0xB280] =	vst v63  }
0x121: {  	_ =	swait.ge [sflag:s30], $0x4000  }
0x122: {  	[sflag:s30] =	ssyncset.done $0x0  }
0x123: {  	[dreg:$0xd] =	wrdreg s7;
	[sflag:s30] =	ssyncadd.s32 $0xFFFFC000  }
.Ltmp13:
0x124: {  	(pc) =	sbr.rel .LBB2_14-.Ltmp13, $4  }
0x125: {  	p0 =	sgt.s32 s7, $0x1;
	s2 =	smov.u32 s7  }
0x126: {  	s2 =	simm.s32 @!p0 $0x1  }
0x127: {  	s0 =	sadd.s32 $0x1F00, s0;
	s2 =	smin.u32 s2, $0x80  }
0x128: {  	s26 =	simm.s32 $0x0;
	s30 =	simm.s32 $0x2F80;
	v8 =	vmov s0;
	[dreg:$0xf] =	wrdreg s2  }
.LBB2_18:
0x129: {  	s26 =	sadd.s32 $0x1, s26;
	s0 =	rddreg [dreg:$0xf]  }
0x12a: {  	p0 =	sne.s32 s26, s0  }
.Ltmp14:
0x12b: {  	_ = 	snop;
	(pc) =	sbr.rel @!p0 .LBB2_19-.Ltmp14, $3  }
0x12c: {  	_ =	sdelay $0x1  }
0x12d: {  	s30 =	rddreg [dreg:$0x10]  }
0x12e: {  	s30 =	sadd.s32 $0x80, s30  }
.LBB2_14:
0x12f: {  	_ =	sdelay $0x3  }
0x130: {  	v9 =	vld.idx.msk [tilespmem:v8+s26+$0x0 ss:$0x1], $0xffff;
	_ =	sdelay $0x4  }
0x131: {  	(v2sf) =	vpush v9, $0x0;
	_ =	sdelay $0xc  }
.Ltmp15:
0x132: {  	_ = 	snop;
	(pc) =	sbr.rel .LBB2_15-.Ltmp15, $4  }
0x133: {  	_ = 	snop  }
0x134: {  	s0 =	spop (v2sf)  }
0x135: {  	s2 =	rddreg [dreg:$0x9];
	s0 =	sshll.u32 s0, $0x7  }
0x136: {  	[dreg:$0x10] =	wrdreg s30;
	s31 =	simm.s32 $0x0;
	s29 =	sadd.s32 s0, s2  }
.LBB2_17:
0x137: {  	s31 =	sadd.s32 $0x10, s31  }
0x138: {  	p0 =	sne.s32 s31, $0x80  }
.Ltmp16:
0x139: {  	_ = 	snop;
	(pc) =	sbr.rel @!p0 .LBB2_18-.Ltmp16, $2  }
0x13a: {  	_ =	sdelay $0x2  }
0x13b: {  	s30 =	sadd.s32 $0x10, s30  }
.LBB2_15:
0x13c: {  	v9 =	vld [tilespmem:s30+$0x0];
	_ =	sdelay $0x4  }
0x13d: {  	v10 =	vperm.xlane v9, v0;
	_ =	sdelay $0x1  }
0x13e: {  	v10 =	vmax.f32 v9, v10  }
0x13f: {  	v11 =	vperm.xlane v10, v2;
	_ =	sdelay $0x1  }
0x140: {  	v10 =	vmax.f32 v10, v11  }
0x141: {  	v11 =	vperm.xlane v10, v4;
	_ =	sdelay $0x1  }
0x142: {  	v10 =	vmax.f32 v10, v11  }
0x143: {  	v11 =	vperm.xlane v10, v5;
	_ =	sdelay $0x1  }
0x144: {  	v10 =	vmax.f32 v10, v11  }
0x145: {  	(v2sf) =	vpush v10, $0x0;
	_ =	sdelay $0xe  }
0x146: {  	s0 =	spop (v2sf)  }
0x147: {  	p0 =	sge.f32 s0, s19  }
.Ltmp17:
0x148: {  	_ = 	snop;
	(pc) =	sbr.rel @!p0 .LBB2_17-.Ltmp17, $1  }
0x149: {  	_ =	sdelay $0x3  }
0x14a: {  	(v2sf) =	vpush v9, $0x0;
	_ =	sdelay $0x2  }
0x14b: {  	(v2sf) =	vpush v9, $0x1  }
0x14c: {  	(v2sf) =	vpush v9, $0x2;
	_ =	sdelay $0xa  }
0x14d: {  	s0 =	spop (v2sf)  }
0x14e: {  	(v2sf) =	vpush v9, $0x3;
	p0 =	sge.f32 s0, s19  }
0x14f: {  	p1 =	slt.s32 s1, $0x1000  }
0x150: {  	s13 =	sshra.s32 s1, $0x1F;
	s3 =	spop (v2sf);
	(v2sf) =	vpush v9, $0x4;
	p0 =	por !p1, !p0  }
0x151: {  	s2 =	simm.s32 $0x1;
	s18 =	spop (v2sf);
	(v2sf) =	vpush v9, $0x5;
	p1 =	por !p0, !p0  }
0x152: {  	s0 =	sshrl.u32 s13, $0x1C;
	s2 =	simm.s32 @!p1 $0x0  }
0x153: {  	s4 =	sadd.s32 s0, s1;
	s0 =	sadd.s32 s2, s1  }
0x154: {  	s15 =	sshra.s32 s0, $0x1F  }
0x155: {  	p5 =	sge.f32 s3, s19;
	s14 =	sand.u32 $0xFFFFFFF0, s4;
	s16 =	sshrl.u32 s15, $0x1C  }
0x156: {  	s17 =	ssub.s32 s1, s14;
	p2 =	slt.s32 s0, $0x1000;
	s1 =	sadd.s32 s16, s0  }
0x157: {  	s3 =	simm.s32 $0x1;
	p0 =	por !p5, !p2;
	s1 =	sand.u32 $0xFFFFFFF0, s1  }
0x158: {  	s2 =	simm.s32 $0x1;
	p0 =	por !p0, !p0;
	s7 =	ssub.s32 s0, s1  }
0x159: {  	p6 =	sge.f32 s18, s19;
	s2 =	simm.s32 @!p0 $0x0;
	p3 =	sne.s32 @p1 s7, $0x0  }
0x15a: {  	s17 =	simm.s32 @!p1 $0x10;
	s1 =	sadd.s32 s2, s0;
	p1 =	por p3, !p1  }
0x15b: {  	p4 =	slt.s32 s1, $0x1000;
	s20 =	sshra.s32 s1, $0x1F;
	s2 =	simm.s32 @!p1 $0x0  }
0x15c: {  	s7 =	simm.s32 @!p0 $0x10;
	p2 =	por !p6, !p4;
	s2 =	simm.s32 @p1 $0x1  }
0x15d: {  	p1 =	por !p2, !p2;
	s21 =	spop (v2sf);
	[smem:$0x7E8] =	sst s2  }
0x15e: {  	s2 =	sshrl.u32 s20, $0x1C;
	s3 =	simm.s32 @!p1 $0x0;
	p3 =	sge.f32 s21, s19  }
0x15f: {  	s23 =	spop (v2sf);
	s2 =	sadd.s32 s2, s1;
	s11 =	sadd.s32 s3, s1  }
0x160: {  	s3 =	simm.s32 $0x1;
	p6 =	sge.f32 s23, s19;
	s25 =	spop (v2sf)  }
0x161: {  	(v2sf) =	vpush v9, $0x6;
	s2 =	sand.u32 $0xFFFFFFF0, s2;
	p5 =	slt.s32 s11, $0x1000;
	s22 =	sshra.s32 s11, $0x1F  }
0x162: {  	s18 =	ssub.s32 s1, s2;
	p2 =	por !p3, !p5;
	s2 =	sshrl.u32 s22, $0x1C  }
0x163: {  	(v2sf) =	vpush v9, $0x7;
	p4 =	sne.s32 @p0 s18, $0x0;
	p2 =	por !p2, !p2;
	s2 =	sadd.s32 s2, s11  }
0x164: {  	s18 =	simm.s32 @!p1 $0x10;
	s3 =	simm.s32 @!p2 $0x0;
	p0 =	por p4, !p0  }
0x165: {  	s2 =	sand.u32 $0xFFFFFFF0, s2;
	s15 =	sadd.s32 s3, s11;
	s3 =	simm.s32 @!p0 $0x0  }
0x166: {  	s10 =	ssub.s32 s11, s2;
	s3 =	simm.s32 @p0 $0x1;
	p5 =	slt.s32 s15, $0x1000  }
0x167: {  	(v2sf) =	vpush v9, $0x8;
	p4 =	sne.s32 @p1 s10, $0x0;
	s24 =	sshra.s32 s15, $0x1F;
	s10 =	simm.s32 @!p2 $0x10  }
0x168: {  	[smem:$0x7E9] =	sst s3;
	p0 =	por !p6, !p5;
	s3 =	simm.s32 $0x1  }
0x169: {  	s2 =	sshrl.u32 s24, $0x1C;
	p6 =	sge.f32 s25, s19;
	p0 =	por !p0, !p0  }
0x16a: {  	p1 =	por p4, !p1;
	s2 =	sadd.s32 s2, s15;
	s3 =	simm.s32 @!p0 $0x0  }
0x16b: {  	s2 =	sand.u32 $0xFFFFFFF0, s2;
	s16 =	sadd.s32 s3, s15;
	s3 =	simm.s32 @!p1 $0x0  }
0x16c: {  	s4 =	ssub.s32 s15, s2;
	s2 =	simm.s32 $0x1;
	s3 =	simm.s32 @p1 $0x1  }
0x16d: {  	p5 =	slt.s32 s16, $0x1000;
	p3 =	sne.s32 @p2 s4, $0x0;
	s28 =	sshra.s32 s16, $0x1F  }
0x16e: {  	s4 =	simm.s32 @!p0 $0x10;
	[smem:$0x7EA] =	sst s3;
	p1 =	por !p6, !p5  }
0x16f: {  	s6 =	sshrl.u32 s28, $0x1C;
	p2 =	por p3, !p2;
	p1 =	por !p1, !p1  }
0x170: {  	s5 =	spop (v2sf);
	s6 =	sadd.s32 s6, s16;
	s2 =	simm.s32 @!p1 $0x0  }
0x171: {  	p6 =	sge.f32 s5, s19;
	s3 =	sadd.s32 s2, s16;
	s2 =	simm.s32 @!p2 $0x0  }
0x172: {  	s9 =	spop (v2sf);
	s2 =	simm.s32 @p2 $0x1;
	p5 =	slt.s32 s3, $0x1000  }
0x173: {  	s8 =	sshra.s32 s3, $0x1F;
	[smem:$0x7EB] =	sst s2;
	p2 =	por !p6, !p5  }
0x174: {  	s2 =	sand.u32 $0xFFFFFFF0, s6;
	s8 =	sshrl.u32 s8, $0x1C;
	p6 =	sge.f32 s9, s19  }
0x175: {  	s13 =	ssub.s32 s16, s2;
	p2 =	por !p2, !p2;
	s2 =	simm.s32 $0x1  }
0x176: {  	s9 =	spop (v2sf);
	s12 =	sadd.s32 s8, s3;
	s2 =	simm.s32 @!p2 $0x0  }
0x177: {  	(v2sf) =	vpush v9, $0x9;
	p4 =	sne.s32 @p0 s13, $0x0;
	s13 =	simm.s32 @!p1 $0x10;
	s5 =	sadd.s32 s2, s3  }
0x178: {  	p0 =	por p4, !p0;
	s2 =	sand.u32 $0xFFFFFFF0, s12;
	p5 =	slt.s32 s5, $0x1000  }
0x179: {  	s6 =	simm.s32 @!p0 $0x0;
	s22 =	ssub.s32 s3, s2;
	s14 =	sshra.s32 s5, $0x1F  }
0x17a: {  	(v2sf) =	vpush v9, $0xA;
	s6 =	simm.s32 @p0 $0x1;
	p4 =	por !p6, !p5;
	p3 =	sne.s32 @p1 s22, $0x0  }
0x17b: {  	[smem:$0x7EC] =	sst s6;
	p0 =	por !p4, !p4;
	s6 =	simm.s32 $0x1  }
0x17c: {  	s2 =	sshrl.u32 s14, $0x1C;
	s22 =	simm.s32 @!p2 $0x10;
	s6 =	simm.s32 @!p0 $0x0  }
0x17d: {  	p5 =	sge.f32 s9, s19;
	p1 =	por p3, !p1;
	s6 =	sadd.s32 s6, s5  }
0x17e: {  	s2 =	sadd.s32 s2, s5;
	s8 =	simm.s32 @!p1 $0x0;
	s20 =	sshra.s32 s6, $0x1F  }
0x17f: {  	s2 =	sand.u32 $0xFFFFFFF0, s2;
	s8 =	simm.s32 @p1 $0x1;
	s23 =	sshrl.u32 s20, $0x1C  }
0x180: {  	s21 =	ssub.s32 s5, s2;
	[smem:$0x7ED] =	sst s8;
	s2 =	sadd.s32 s23, s6  }
0x181: {  	p3 =	sne.s32 @p2 s21, $0x0;
	p4 =	slt.s32 s6, $0x1000;
	s2 =	sand.u32 $0xFFFFFFF0, s2  }
0x182: {  	s8 =	simm.s32 $0x1;
	p1 =	por !p5, !p4;
	s9 =	ssub.s32 s6, s2  }
0x183: {  	(v2sf) =	vpush v9, $0xB;
	p6 =	por p3, !p2;
	p2 =	por !p1, !p1;
	p1 =	sne.s32 @p0 s9, $0x0  }
0x184: {  	s21 =	simm.s32 @!p0 $0x10;
	s8 =	simm.s32 @!p2 $0x0;
	p0 =	por p1, !p0  }
0x185: {  	s12 =	sadd.s32 s8, s6;
	s2 =	simm.s32 @!p0 $0x0  }
0x186: {  	s14 =	spop (v2sf);
	s24 =	sshra.s32 s12, $0x1F;
	s2 =	simm.s32 @p0 $0x1  }
0x187: {  	p5 =	sge.f32 s14, s19;
	[smem:$0x7EE] =	sst s2;
	s2 =	sshrl.u32 s24, $0x1C  }
0x188: {  	(v2sf) =	vpush v9, $0xC;
	p4 =	slt.s32 s12, $0x1000;
	s2 =	sadd.s32 s2, s12  }
0x189: {  	s20 =	spop (v2sf);
	p0 =	por !p5, !p4;
	s2 =	sand.u32 $0xFFFFFFF0, s2  }
0x18a: {  	s8 =	simm.s32 $0x1;
	p1 =	por !p0, !p0;
	s23 =	ssub.s32 s12, s2  }
0x18b: {  	s9 =	simm.s32 @!p2 $0x10;
	s8 =	simm.s32 @!p1 $0x0;
	p3 =	sne.s32 @p2 s23, $0x0  }
0x18c: {  	p5 =	sge.f32 s20, s19;
	s14 =	sadd.s32 s8, s12;
	p2 =	por p3, !p2  }
0x18d: {  	p4 =	slt.s32 s14, $0x1000;
	s8 =	simm.s32 @!p2 $0x0  }
0x18e: {  	s25 =	sshra.s32 s14, $0x1F;
	p0 =	por !p5, !p4;
	s8 =	simm.s32 @p2 $0x1  }
0x18f: {  	p2 =	por !p0, !p0;
	[smem:$0x7EF] =	sst s8;
	s8 =	simm.s32 $0x1  }
0x190: {  	s2 =	sshrl.u32 s25, $0x1C;
	s8 =	simm.s32 @!p2 $0x0  }
0x191: {  	s2 =	sadd.s32 s2, s14;
	s8 =	sadd.s32 s8, s14  }
0x192: {  	s24 =	spop (v2sf);
	s2 =	sand.u32 $0xFFFFFFF0, s2;
	s28 =	sshra.s32 s8, $0x1F  }
0x193: {  	s23 =	simm.s32 @!p1 $0x10;
	s20 =	ssub.s32 s14, s2;
	s28 =	sshrl.u32 s28, $0x1C  }
0x194: {  	v12 =	vmov s17;
	p0 =	sge.f32 s24, s19;
	p5 =	sne.s32 @p1 s20, $0x0;
	s17 =	sadd.s32 s28, s8  }
0x195: {  	v10 =	vld [tilespmem:$0xB180];
	v35 =	vmov s7;
	p4 =	slt.s32 s8, $0x1000;
	s7 =	sand.u32 $0xFFFFFFF0, s17;
	s17 =	sld [smem:$0x7E8]  }
0x196: {  	v11 =	vld [tilespmem:$0xB200];
	(v2sf) =	vpush v9, $0xD;
	s24 =	simm.s32 $0x1;
	p1 =	por p5, !p1;
	p0 =	por !p0, !p4  }
0x197: {  	s25 =	spop (v2sf);
	s2 =	simm.s32 @!p1 $0x0;
	p4 =	por !p0, !p0  }
0x198: {  	v13 =	vbroadcast v9, $0x0;
	s2 =	simm.s32 @p1 $0x1;
	s24 =	simm.s32 @!p4 $0x0;
	p0 =	seq.s32 s17, $0x1  }
0x199: {  	vm0 =	veq.s32 v12, v1;
	s17 =	ssub.s32 s8, s7;
	s7 =	sadd.s32 s24, s8;
	s24 =	sld [smem:$0x7E9]  }
0x19a: {  	v10 =	vsel vm0, v13, v10;
	p1 =	sge.f32 s25, s19;
	[smem:$0x7F0] =	sst s2;
	s2 =	sadd.s32 s31, s29  }
0x19b: {  	v36 =	vbroadcast v9, $0x1;
	(v2sf) =	vpush v9, $0xE;
	v11 =	vsel vm0, s2, v11;
	[tilespmem:s0+$0x6F70] =	vst @!p0 v10;
	p5 =	slt.s32 s7, $0x1000  }
0x19c: {  	v38 =	vbroadcast v9, $0x2;
	vm13 =	veq.s32 v35, v1;
	v37 =	vmov s18;
	[tilespmem:s0+$0x7FF0] =	vst @!p0 v11;
	p0 =	por !p1, !p5;
	p1 =	seq.s32 s24, $0x1;
	s24 =	sld [smem:$0x7EA]  }
0x19d: {  	vm14 =	veq.s32 v37, v1;
	v41 =	vmov s4;
	s4 =	simm.s32 $0x1;
	s28 =	sadd.s32 $0x1, s2;
	v10 =	vsel vm13, v36, v10  }
0x19e: {  	v43 =	vmov s13;
	s13 =	simm.s32 $0x1;
	v45 =	vmov s22;
	s22 =	sld [smem:$0x7EE];
	s20 =	simm.s32 @!p2 $0x10;
	v11 =	vsel vm13, s28, v11;
	[tilespmem:s1+$0x6F70] =	vst @!p1 v10  }
0x19f: {  	s18 =	sadd.s32 $0x3, s2;
	s28 =	sadd.s32 $0x2, s2;
	[tilespmem:s1+$0x7FF0] =	vst @!p1 v11;
	v10 =	vsel vm14, v38, v10;
	p1 =	seq.s32 s24, $0x1  }
0x1a0: {  	v47 =	vmov s21;
	v49 =	vmov s9;
	s21 =	sadd.s32 $0x7, s2;
	s9 =	sadd.s32 $0xA, s2;
	s25 =	sshra.s32 s7, $0x1F;
	v11 =	vsel vm14, s28, v11;
	[tilespmem:s11+$0x6F70] =	vst @!p1 v10  }
0x1a1: {  	(v2sf) =	vpush v9, $0xF;
	p3 =	sne.s32 @p2 s17, $0x0;
	s0 =	sshrl.u32 s25, $0x1C;
	[tilespmem:s11+$0x7FF0] =	vst @!p1 v11;
	s11 =	sld [smem:$0x7EB]  }
0x1a2: {  	v40 =	vbroadcast v9, $0x3;
	v39 =	vmov s10;
	s17 =	simm.s32 @!p4 $0x10;
	p2 =	por p3, !p2;
	s0 =	sadd.s32 s0, s7  }
0x1a3: {  	vm15 =	veq.s32 v39, v1;
	s25 =	sadd.s32 $0x4, s2;
	p0 =	por !p0, !p0;
	s0 =	sand.u32 $0xFFFFFFF0, s0  }
0x1a4: {  	s4 =	simm.s32 @!p0 $0x0;
	v10 =	vsel vm15, v40, v10;
	v11 =	vsel vm15, s18, v11;
	s18 =	sld [smem:$0x7EC];
	p1 =	seq.s32 s11, $0x1  }
0x1a5: {  	v42 =	vbroadcast v9, $0x4;
	s28 =	spop (v2sf);
	s1 =	ssub.s32 s7, s0;
	s0 =	sadd.s32 s4, s7;
	[tilespmem:s15+$0x6F70] =	vst @!p1 v10  }
0x1a6: {  	vm4 =	veq.s32 v41, v1;
	s24 =	sshra.s32 s0, $0x1F;
	[tilespmem:s15+$0x7FF0] =	vst @!p1 v11;
	p1 =	sne.s32 @p4 s1, $0x0;
	s15 =	sld [smem:$0x7ED]  }
0x1a7: {  	v44 =	vbroadcast v9, $0x5;
	s4 =	sshrl.u32 s24, $0x1C;
	v10 =	vsel vm4, v42, v10;
	p5 =	por p1, !p4;
	p1 =	seq.s32 s18, $0x1  }
0x1a8: {  	vm5 =	veq.s32 v43, v1;
	p3 =	sge.f32 s28, s19;
	s4 =	sadd.s32 s4, s0;
	v11 =	vsel vm4, s25, v11;
	s25 =	sadd.s32 $0x5, s2;
	[tilespmem:s16+$0x6F70] =	vst @!p1 v10  }
0x1a9: {  	v46 =	vbroadcast v9, $0x6;
	p4 =	slt.s32 s0, $0x1000;
	s18 =	sand.u32 $0xFFFFFFF0, s4;
	[tilespmem:s16+$0x7FF0] =	vst @!p1 v11;
	v10 =	vsel vm5, v44, v10;
	p1 =	seq.s32 s15, $0x1  }
0x1aa: {  	vm6 =	veq.s32 v45, v1;
	s28 =	spop (v2sf);
	p4 =	por !p3, !p4;
	v11 =	vsel vm5, s25, v11;
	s4 =	ssub.s32 s0, s18;
	[tilespmem:s3+$0x6F70] =	vst @!p1 v10  }
0x1ab: {  	v48 =	vbroadcast v9, $0x7;
	s16 =	sadd.s32 $0x6, s2;
	p4 =	por !p4, !p4;
	p3 =	sne.s32 @p0 s4, $0x0;
	[tilespmem:s3+$0x7FF0] =	vst @!p1 v11;
	v10 =	vsel vm6, v46, v10  }
0x1ac: {  	vm7 =	veq.s32 v47, v1;
	v11 =	vsel vm6, s16, v11;
	s13 =	simm.s32 @!p4 $0x0;
	p1 =	sge.f32 s28, s19;
	s28 =	sld [smem:$0x7EF];
	[tilespmem:s5+$0x6F70] =	vst @!p6 v10  }
0x1ad: {  	v50 =	vbroadcast v9, $0x8;
	[tilespmem:s5+$0x7FF0] =	vst @!p6 v11;
	v10 =	vsel vm7, v48, v10;
	s3 =	sadd.s32 s13, s0;
	p6 =	por p3, !p0;
	p3 =	seq.s32 s22, $0x1  }
0x1ae: {  	vm8 =	veq.s32 v49, v1;
	s1 =	simm.s32 @!p0 $0x10;
	s16 =	sld [smem:$0x7F0];
	v11 =	vsel vm7, s21, v11;
	[tilespmem:s6+$0x6F70] =	vst @!p3 v10;
	p0 =	slt.s32 s3, $0x1000  }
0x1af: {  	v52 =	vbroadcast v9, $0x9;
	v51 =	vmov s23;
	s24 =	sadd.s32 $0x8, s2;
	[tilespmem:s6+$0x7FF0] =	vst @!p3 v11;
	v10 =	vsel vm8, v50, v10;
	p0 =	por !p1, !p0;
	p1 =	seq.s32 s28, $0x1  }
0x1b0: {  	vm9 =	veq.s32 v51, v1;
	v53 =	vmov s20;
	s10 =	sadd.s32 $0xB, s2;
	s20 =	spop (v2sf);
	s25 =	sadd.s32 $0x9, s2;
	v11 =	vsel vm8, s24, v11;
	[tilespmem:s12+$0x6F70] =	vst @!p1 v10  }
0x1b1: {  	v54 =	vbroadcast v9, $0xA;
	s4 =	simm.s32 @!p4 $0x10;
	[tilespmem:s12+$0x7FF0] =	vst @!p1 v11;
	v10 =	vsel vm9, v52, v10;
	p3 =	por !p0, !p0;
	p0 =	seq.s32 s16, $0x1  }
0x1b2: {  	vm10 =	veq.s32 v53, v1;
	s13 =	sadd.s32 $0xC, s2;
	s15 =	sshra.s32 s3, $0x1F;
	s12 =	simm.s32 $0x1;
	v11 =	vsel vm9, s25, v11;
	[tilespmem:s14+$0x6F70] =	vst @!p0 v10  }
0x1b3: {  	v56 =	vbroadcast v9, $0xB;
	v55 =	vmov s17;
	s24 =	sadd.s32 $0xD, s2;
	s18 =	sshrl.u32 s15, $0x1C;
	s12 =	simm.s32 @!p3 $0x0;
	[tilespmem:s14+$0x7FF0] =	vst @!p0 v11;
	v10 =	vsel vm10, v54, v10  }
0x1b4: {  	vm11 =	veq.s32 v55, v1;
	s6 =	sadd.s32 s18, s3;
	p1 =	sge.f32 s20, s19;
	v11 =	vsel vm10, s9, v11;
	s11 =	sadd.s32 s12, s3;
	[tilespmem:s8+$0x6F70] =	vst @!p2 v10  }
0x1b5: {  	v58 =	vbroadcast v9, $0xC;
	v57 =	vmov s1;
	s21 =	sand.u32 $0xFFFFFFF0, s6;
	s6 =	simm.s32 $0x1;
	[tilespmem:s8+$0x7FF0] =	vst @!p2 v11;
	v10 =	vsel vm11, v56, v10;
	s22 =	sshra.s32 s11, $0x1F  }
0x1b6: {  	vm12 =	veq.s32 v57, v1;
	s1 =	ssub.s32 s3, s21;
	v11 =	vsel vm11, s10, v11;
	p2 =	slt.s32 s11, $0x1000;
	[tilespmem:s7+$0x6F70] =	vst @!p5 v10;
	s23 =	sshrl.u32 s22, $0x1C  }
0x1b7: {  	v60 =	vbroadcast v9, $0xD;
	v59 =	vmov s4;
	[tilespmem:s7+$0x7FF0] =	vst @!p5 v11;
	v10 =	vsel vm12, v58, v10;
	p0 =	por !p1, !p2;
	p2 =	sne.s32 @p4 s1, $0x0;
	s5 =	sadd.s32 s23, s11  }
0x1b8: {  	vm13 =	veq.s32 v59, v1;
	v11 =	vsel vm12, s13, v11;
	s1 =	simm.s32 @!p3 $0x10;
	[tilespmem:s0+$0x6F70] =	vst @!p6 v10;
	p0 =	por !p0, !p0;
	s5 =	sand.u32 $0xFFFFFFF0, s5  }
0x1b9: {  	v62 =	vbroadcast v9, $0xE;
	[tilespmem:s0+$0x7FF0] =	vst @!p6 v11;
	v10 =	vsel vm13, v60, v10;
	v61 =	vmov s1;
	p1 =	por p2, !p4;
	s6 =	simm.s32 @!p0 $0x0;
	s5 =	ssub.s32 s11, s5  }
0x1ba: {  	v11 =	vsel vm13, s24, v11;
	vm14 =	veq.s32 v61, v1;
	[tilespmem:s3+$0x6F70] =	vst @!p1 v10;
	s1 =	sadd.s32 s6, s11;
	p2 =	sne.s32 @p3 s5, $0x0;
	s5 =	simm.s32 @!p0 $0x10  }
0x1bb: {  	v9 =	vbroadcast v9, $0xF;
	s25 =	sadd.s32 $0xE, s2;
	[tilespmem:s3+$0x7FF0] =	vst @!p1 v11;
	v10 =	vsel vm14, v62, v10;
	s3 =	sand.u32 $0xF, s1;
	p1 =	por p2, !p3;
	v63 =	vmov s5  }
0x1bc: {  	v11 =	vsel vm14, s25, v11;
	p2 =	sne.s32 @p0 s3, $0x0;
	[tilespmem:s11+$0x6F70] =	vst @!p1 v10;
	vm15 =	veq.s32 v63, v1  }
.Ltmp18:
0x1bd: {  	s28 =	sadd.s32 $0xF, s2;
	[tilespmem:s11+$0x7FF0] =	vst @!p1 v11;
	p0 =	por p2, !p0;
	v9 =	vsel vm15, v9, v10;
	(pc) =	sbr.rel .LBB2_17-.Ltmp18, $4  }
0x1be: {  	v10 =	vsel vm15, s28, v11;
	[tilespmem:s1+$0x6F70] =	vst @!p0 v9  }
0x1bf: {  	[tilespmem:s1+$0x7FF0] =	vst @!p0 v10  }
0x1c0: {  	[tilespmem:$0xB180] =	vst v9  }
0x1c1: {  	[tilespmem:$0xB200] =	vst v10  }
.LBB2_20:
0x1c2: {  	s0 =	sand.u32 $0xF, s1  }
0x1c3: {  	p0 =	seq.s32 s0, $0x0  }
0x1c4: {  	s0 =	sshra.s32 @!p0 s1, $0x1F  }
0x1c5: {  	v8 =	vld @!p0 [tilespmem:$0xB180];
	p1 =	slt.s32 @!p0 s1, $0x1;
	s0 =	sshrl.u32 @!p0 s0, $0x1C  }
0x1c6: {  	s2 =	simm.s32 @!p0 $0x1;
	p1 =	por !p1, p0;
	s0 =	sadd.s32 @!p0 s0, s1  }
0x1c7: {  	s2 =	simm.s32 @p1 $0x0;
	s0 =	sshrl.u32 @!p0 s0, $0x4  }
0x1c8: {  	s0 =	ssub.s32 @!p0 s0, s2  }
0x1c9: {  	s0 =	sshll.u32 @!p0 s0, $0x4  }
0x1ca: {  	[tilespmem:s0+$0x6F80] =	vst @!p0 v8  }
0x1cb: {  	v8 =	vld @!p0 [tilespmem:$0xB200];
	_ =	sdelay $0x4  }
0x1cc: {  	[tilespmem:s0+$0x8000] =	vst @!p0 v8;
	s0 =	smov.u32 s1  }
.LBB2_21:
0x1cd: {  	p0 =	slt.s32 s0, $0x1000  }
0x1ce: {  	p1 =	slt.s32 s0, $0xFFFFFFF2;
	s0 =	simm.s32 @!p0 $0x1000  }
0x1cf: {  	s0 =	sadd.s32 $0xF, s0  }
0x1d0: {  	s1 =	sand.u32 $0xF, s0  }
0x1d1: {  	s2 =	sshra.s32 s0, $0x1F;
	p4 =	sne.s32 s1, $0x0  }
0x1d2: {  	s29 =	sshrl.u32 s2, $0x1C;
	p0 =	por !p1, !p4  }
0x1d3: {  	s1 =	simm.s32 $0x1;
	s0 =	sadd.s32 s29, s0;
	p0 =	por !p0, !p0  }
0x1d4: {  	s0 =	sshra.s32 s0, $0x4;
	s1 =	simm.s32 @!p0 $0x0  }
0x1d5: {  	s0 =	ssub.s32 s0, s1  }
0x1d6: {  	s1 =	sadd.s32 $0x3, s0  }
0x1d7: {  	s30 =	sand.u32 $0x3, s1  }
.Ltmp19:
0x1d8: {  	p5 =	slt.s32 s0, $0xFFFFFFFE;
	p6 =	sne.s32 s30, $0x0;
	(pc) =	sbr.rel .LBB2_22-.Ltmp19, $4  }
0x1d9: {  	s31 =	sshrl.u32 s1, $0x1E;
	p0 =	por !p5, !p6  }
0x1da: {  	s0 =	sadd.s32 s31, s1;
	s1 =	simm.s32 $0x1;
	p0 =	por !p0, !p0  }
0x1db: {  	s0 =	sshra.s32 s0, $0x2;
	s1 =	simm.s32 @!p0 $0x0  }
0x1dc: {  	v8 =	vimm.s32 $0x0;
	s4 =	simm.s32 $0x0;
	s19 =	ssub.s32 s0, s1  }
.LBB2_36:
0x1dd: {  	vm0 =	veq.f32 v11, v9;
	vm1 =	veq.s32 v12, v10  }
0x1de: {  	vm0 =	vmand vm0, vm1  }
0x1df: {  	v11 =	vsel vm0, $0xFF61B1E6, v11  }
0x1e0: {  	[tilespmem:s0+$0xFFFFFFE0] =	vst v11;
	v11 =	vld [tilespmem:s0+$0xFFFFFFF0]  }
0x1e1: {  	v61 =	vld [tilespmem:s1+$0xFFFFFFF0];
	_ =	sdelay $0x4  }
0x1e2: {  	vm10 =	veq.f32 v11, v9;
	vm11 =	veq.s32 v61, v10  }
0x1e3: {  	vm0 =	vmand vm10, vm11  }
0x1e4: {  	v11 =	vsel vm0, $0xFF61B1E6, v11  }
0x1e5: {  	[tilespmem:s0+$0xFFFFFFF0] =	vst v11;
	v11 =	vld [tilespmem:s0+$0x0]  }
0x1e6: {  	v62 =	vld [tilespmem:s1+$0x0];
	_ =	sdelay $0x4  }
0x1e7: {  	vm12 =	veq.f32 v11, v9;
	vm13 =	veq.s32 v62, v10  }
0x1e8: {  	vm0 =	vmand vm12, vm13  }
0x1e9: {  	v11 =	vsel vm0, $0xFF61B1E6, v11  }
0x1ea: {  	[tilespmem:s0+$0x0] =	vst v11;
	v11 =	vld [tilespmem:s0+$0x10]  }
0x1eb: {  	v63 =	vld [tilespmem:s1+$0x10];
	_ =	sdelay $0x4  }
0x1ec: {  	vm14 =	veq.f32 v11, v9;
	vm15 =	veq.s32 v63, v10  }
0x1ed: {  	vm0 =	vmand vm14, vm15  }
0x1ee: {  	v9 =	vsel vm0, $0xFF61B1E6, v11  }
0x1ef: {  	[tilespmem:s2+$0x10] =	vst v9  }
.LBB2_37:
0x1f0: {  	s0 =	sand.u32 $0xF, s4  }
0x1f1: {  	p0 =	sne.s32 s0, $0xF  }
0x1f2: {  	v9 =	vmov s0;
	s0 =	sand.u32 @!p0 $0x30, s4;
	s4 =	sadd.s32 $0x1, s4  }
0x1f3: {  	p1 =	sne.s32 s4, $0x40  }
.Ltmp20:
0x1f4: {  	_ = 	snop;
	(pc) =	sbr.rel @!p1 .LBB2_38-.Ltmp20, $4  }
0x1f5: {  	_ = 	snop  }
0x1f6: {  	vm0 =	veq.s32 v9, v1  }
0x1f7: {  	v8 =	vsel vm0, v10, v8  }
0x1f8: {  	[tilespmem:s0+$0x9080] =	vst @!p0 v8  }
.LBB2_22:
0x1f9: {  	p1 =	slt.s32 s19, $0x1  }
.Ltmp21:
0x1fa: {  	_ = 	snop;
	(pc) =	sbr.rel @p1 .LBB2_26-.Ltmp21, $2  }
0x1fb: {  	_ =	sdelay $0x2  }
0x1fc: {  	v12 =	vimm.f32 $-3.000000010e+38;
	s1 =	simm.s32 $0x6FA0  }
0x1fd: {  	v13 =	vld [tilespmem:s1+$0xFFFFFFE0];
	p0 =	sne.s32 s19, $0x1  }
.Ltmp22:
0x1fe: {  	v9 =	vld [tilespmem:s1+$0xFFFFFFF0];
	(pc) =	sbr.rel @!p0 .LBB2_25-.Ltmp22, $3  }
0x1ff: {  	v10 =	vld [tilespmem:s1+$0x0]  }
0x200: {  	v11 =	vld [tilespmem:s1+$0x10];
	_ =	sdelay $0x1  }
0x201: {  	s0 =	sadd.s32 $0xFFFFFFFF, s19;
	s1 =	sadd.s32 $0x40, s1;
	v12 =	vmax.f32 v12, v13  }
.LBB2_24:
0x202: {  	v13 =	vld [tilespmem:s1+$0xFFFFFFE0];
	p0 =	sne.s32 s0, $0x1;
	s0 =	sadd.s32 $0xFFFFFFFF, s0;
	v12 =	vmax.f32 v12, v9  }
.Ltmp23:
0x203: {  	v9 =	vld [tilespmem:s1+$0xFFFFFFF0];
	v12 =	vmax.f32 v12, v10;
	(pc) =	sbr.rel @p0 .LBB2_24-.Ltmp23, $3  }
0x204: {  	v10 =	vld [tilespmem:s1+$0x0];
	v12 =	vmax.f32 v12, v11  }
0x205: {  	v11 =	vld [tilespmem:s1+$0x10];
	_ =	sdelay $0x1  }
0x206: {  	s1 =	sadd.s32 $0x40, s1;
	v12 =	vmax.f32 v12, v13  }
.LBB2_25:
0x207: {  	v9 =	vmax.f32 v12, v9  }
0x208: {  	v9 =	vmax.f32 v9, v10  }
0x209: {  	v12 =	vmax.f32 v9, v11  }
.LBB2_26:
0x20a: {  	v9 =	vperm.xlane v12, v0;
	_ =	sdelay $0x1  }
0x20b: {  	v9 =	vmax.f32 v12, v9  }
0x20c: {  	v10 =	vperm.xlane v9, v2;
	_ =	sdelay $0x1  }
0x20d: {  	v9 =	vmax.f32 v9, v10  }
0x20e: {  	v10 =	vperm.xlane v9, v4;
	_ =	sdelay $0x1  }
.Ltmp24:
0x20f: {  	v9 =	vmax.f32 v9, v10;
	(pc) =	sbr.rel @p1 .LBB2_27-.Ltmp24, $3  }
0x210: {  	v10 =	vperm.xlane v9, v5;
	_ =	sdelay $0x1  }
0x211: {  	v9 =	vmax.f32 v9, v10  }
0x212: {  	p0 =	sne.s32 s19, $0x1;
	v9 =	vbroadcast v9, $0x0  }
.Ltmp25:
0x213: {  	(pc) =	sbr.rel @!p0 .LBB2_29-.Ltmp25, $3  }
0x214: {  	_ =	sdelay $0x1  }
0x215: {  	s0 =	simm.s32 $0x8020  }
0x216: {  	v10 =	vimm.s32 $0x7FFFFFFF;
	s1 =	simm.s32 $0x6FA0;
	s2 =	sadd.s32 $0xFFFFFFFF, s19;
	p1 =	por $0x0, $0x0;
	v11 =	vld [tilespmem:s0+$0xFFFFFFE0]  }
0x217: {  	v12 =	vld [tilespmem:s1+$0xFFFFFFE0];
	_ =	sdelay $0x1  }
0x218: {  	v13 =	vld [tilespmem:s0+$0xFFFFFFF0]  }
0x219: {  	v14 =	vld [tilespmem:s1+$0xFFFFFFF0]  }
0x21a: {  	vm0 =	vlt.s32 v10, v11  }
0x21b: {  	v15 =	vld [tilespmem:s0+$0x0];
	vm1 =	veq.f32 v12, v9;
	v11 =	vsel vm0, v10, v11  }
0x21c: {  	v16 =	vld [tilespmem:s1+$0x0];
	p2 =	sne.s32 s2, $0x1;
	v11 =	vsel vm1, v11, v10  }
.Ltmp26:
0x21d: {  	vm0 =	vlt.s32 v11, v13;
	(pc) =	sbr.rel @!p2 .LBB2_32-.Ltmp26, $4  }
0x21e: {  	v12 =	vld [tilespmem:s0+$0x10];
	vm1 =	veq.f32 v14, v9;
	v13 =	vsel vm0, v11, v13  }
0x21f: {  	v14 =	vsel vm1, v13, v11;
	v13 =	vld [tilespmem:s1+$0x10]  }
0x220: {  	s0 =	simm.s32 $0x8060;
	vm1 =	vlt.s32 v14, v15  }
0x221: {  	s2 =	sadd.s32 $0xFFFFFFFF, s2;
	p1 =	por $0x1, $0x1;
	vm0 =	veq.f32 v16, v9;
	v11 =	vld [tilespmem:s0+$0xFFFFFFE0];
	s1 =	simm.s32 $0x6FE0;
	v15 =	vsel vm1, v14, v15  }
.LBB2_31:
0x222: {  	p2 =	sne.s32 s2, $0x1;
	v16 =	vld [tilespmem:s1+$0xFFFFFFE0];
	v14 =	vsel vm0, v15, v14  }
0x223: {  	vm0 =	vlt.s32 v14, v12  }
0x224: {  	v15 =	vld [tilespmem:s0+$0xFFFFFFF0];
	vm1 =	veq.f32 v13, v9;
	v12 =	vsel vm0, v14, v12  }
0x225: {  	v13 =	vld [tilespmem:s1+$0xFFFFFFF0];
	v12 =	vsel vm1, v12, v14  }
0x226: {  	vm0 =	vlt.s32 v12, v11  }
0x227: {  	vm1 =	veq.f32 v16, v9;
	v11 =	vsel vm0, v12, v11;
	v16 =	vld [tilespmem:s0+$0x0]  }
0x228: {  	v11 =	vsel vm1, v11, v12;
	v17 =	vld [tilespmem:s1+$0x0]  }
.Ltmp27:
0x229: {  	vm0 =	vlt.s32 v11, v15;
	(pc) =	sbr.rel @p2 .LBB2_31-.Ltmp27, $4  }
0x22a: {  	vm1 =	veq.f32 v13, v9;
	v13 =	vsel vm0, v11, v15;
	v12 =	vld [tilespmem:s0+$0x10]  }
0x22b: {  	v14 =	vsel vm1, v13, v11;
	v13 =	vld [tilespmem:s1+$0x10]  }
0x22c: {  	s0 =	sadd.s32 $0x40, s0;
	vm1 =	vlt.s32 v14, v16  }
0x22d: {  	s2 =	sadd.s32 $0xFFFFFFFF, s2;
	s1 =	sadd.s32 $0x40, s1;
	v11 =	vld [tilespmem:s0+$0xFFFFFFE0];
	vm0 =	veq.f32 v17, v9;
	v15 =	vsel vm1, v14, v16  }
.LBB2_32:
0x22e: {  	v14 =	vsel @p1 vm0, v15, v14  }
0x22f: {  	v58 =	vld [tilespmem:s1+$0xFFFFFFE0];
	vm0 =	vlt.s32 @p1 v14, v12  }
0x230: {  	vm1 =	veq.f32 @p1 v13, v9;
	v12 =	vsel @p1 vm0, v14, v12  }
0x231: {  	v59 =	vld [tilespmem:s0+$0xFFFFFFF0];
	v12 =	vsel @p1 vm1, v12, v14  }
0x232: {  	v60 =	vld [tilespmem:s1+$0xFFFFFFF0];
	v10 =	vpsel p1, v12, v10  }
0x233: {  	vm8 =	vlt.s32 v10, v11  }
0x234: {  	v61 =	vld [tilespmem:s0+$0x0];
	vm9 =	veq.f32 v58, v9;
	v11 =	vsel vm8, v10, v11  }
0x235: {  	v10 =	vsel vm9, v11, v10;
	v11 =	vld [tilespmem:s1+$0x0]  }
0x236: {  	vm10 =	vlt.s32 v10, v59  }
0x237: {  	v62 =	vld [tilespmem:s0+$0x10];
	vm11 =	veq.f32 v60, v9;
	v13 =	vsel vm10, v10, v59  }
0x238: {  	v63 =	vld [tilespmem:s1+$0x10];
	v10 =	vsel vm11, v13, v10  }
0x239: {  	vm12 =	vlt.s32 v10, v61  }
.Ltmp28:
0x23a: {  	vm13 =	veq.f32 v11, v9;
	v11 =	vsel vm12, v10, v61;
	(pc) =	sbr.rel .LBB2_33-.Ltmp28, $4  }
0x23b: {  	v10 =	vsel vm13, v11, v10  }
0x23c: {  	vm14 =	vlt.s32 v10, v62  }
0x23d: {  	vm15 =	veq.f32 v63, v9;
	v11 =	vsel vm14, v10, v62  }
0x23e: {  	v10 =	vsel vm15, v11, v10  }
.LBB2_27:
0x23f: {  	v10 =	vimm.s32 $0x7FFFFFFF  }
.LBB2_33:
0x240: {  	v11 =	vperm.xlane v10, v0;
	_ =	sdelay $0x1  }
0x241: {  	vm0 =	vlt.s32 v10, v11  }
0x242: {  	v10 =	vsel vm0, v10, v11  }
0x243: {  	v11 =	vperm.xlane v10, v2;
	_ =	sdelay $0x1  }
0x244: {  	vm0 =	vlt.s32 v10, v11  }
0x245: {  	v10 =	vsel vm0, v10, v11  }
0x246: {  	v11 =	vperm.xlane v10, v4;
	_ =	sdelay $0x1  }
0x247: {  	vm0 =	vlt.s32 v10, v11  }
0x248: {  	p1 =	sgt.s32 s19, $0x0;
	v10 =	vsel vm0, v10, v11  }
.Ltmp29:
0x249: {  	v11 =	vperm.xlane v10, v5;
	(pc) =	sbr.rel @!p1 .LBB2_37-.Ltmp29, $4  }
0x24a: {  	_ = 	snop  }
0x24b: {  	vm0 =	vlt.s32 v10, v11  }
0x24c: {  	v12 =	vsel vm0, v10, v11  }
0x24d: {  	v10 =	vbroadcast v12, $0x0  }
0x24e: {  	s0 =	simm.s32 $0x6FA0  }
0x24f: {  	s1 =	simm.s32 $0x8020;
	v11 =	vld [tilespmem:s0+$0xFFFFFFE0]  }
.Ltmp30:
0x250: {  	v10 =	vbroadcast v12, $0x0;
	v12 =	vld [tilespmem:s1+$0xFFFFFFE0];
	(pc) =	sbr.rel @!p0 .LBB2_36-.Ltmp30, $2  }
0x251: {  	_ =	sdelay $0x2  }
0x252: {  	s3 =	sadd.s32 $0xFFFFFFFF, s19;
	s2 =	simm.s32 $0x6FA0  }
.LBB2_35:
0x253: {  	p0 =	sne.s32 s3, $0x1;
	_ =	sdelay $0x3  }
0x254: {  	vm0 =	veq.f32 v11, v9;
	vm1 =	veq.s32 v12, v10  }
0x255: {  	vm0 =	vmand vm0, vm1  }
0x256: {  	v11 =	vsel vm0, $0xFF61B1E6, v11  }
0x257: {  	[tilespmem:s0+$0xFFFFFFE0] =	vst v11;
	v11 =	vld [tilespmem:s0+$0xFFFFFFF0]  }
0x258: {  	v12 =	vld [tilespmem:s1+$0xFFFFFFF0];
	_ =	sdelay $0x4  }
0x259: {  	vm0 =	veq.f32 v11, v9;
	vm1 =	veq.s32 v12, v10  }
0x25a: {  	vm0 =	vmand vm0, vm1  }
0x25b: {  	v11 =	vsel vm0, $0xFF61B1E6, v11  }
0x25c: {  	[tilespmem:s0+$0xFFFFFFF0] =	vst v11;
	v11 =	vld [tilespmem:s0+$0x0]  }
0x25d: {  	v12 =	vld [tilespmem:s1+$0x0];
	_ =	sdelay $0x4  }
0x25e: {  	vm0 =	veq.f32 v11, v9;
	vm1 =	veq.s32 v12, v10  }
0x25f: {  	vm0 =	vmand vm0, vm1  }
0x260: {  	v11 =	vsel vm0, $0xFF61B1E6, v11  }
0x261: {  	[tilespmem:s0+$0x0] =	vst v11;
	v11 =	vld [tilespmem:s0+$0x10]  }
0x262: {  	v12 =	vld [tilespmem:s1+$0x10];
	_ =	sdelay $0x4  }
.Ltmp31:
0x263: {  	vm0 =	veq.f32 v11, v9;
	vm1 =	veq.s32 v12, v10;
	(pc) =	sbr.rel @p0 .LBB2_35-.Ltmp31, $4  }
0x264: {  	vm0 =	vmand vm0, vm1  }
0x265: {  	s0 =	sadd.s32 $0x40, s0;
	v12 =	vsel vm0, $0xFF61B1E6, v11  }
0x266: {  	s1 =	sadd.s32 $0x40, s1;
	v11 =	vld [tilespmem:s0+$0xFFFFFFE0];
	[tilespmem:s2+$0x10] =	vst v12;
	s2 =	smov.u32 s0  }
0x267: {  	s3 =	sadd.s32 $0xFFFFFFFF, s3;
	v12 =	vld [tilespmem:s1+$0xFFFFFFE0]  }
.Ltmp32:
0x268: {  	_ = 	snop;
	(pc) =	sbr.rel .LBB2_36-.Ltmp32, $1  }
0x269: {  	_ =	sdelay $0x3  }
.LBB2_29:
.Ltmp33:
0x26a: {  	(pc) =	sbr.rel .LBB2_32-.Ltmp33, $2  }
0x26b: {  	_ =	sdelay $0x2  }
0x26c: {  	_ = 	snop  }
.LBB2_39:
0x26d: {  	_ =	sfence.sel $0x180000  }
0x26e: {  	[bflag:$0x0] =	sbarrier.arrive $0xFFFF  }
0x26f: {  	_ =	strace $0x90000047  }
0x270: {  	s0 =	stileid.u32;
	[bflag:$0x2] =	sbarrier.arrive $0xFFFF  }
0x271: {  	p0 =	sne.s32 s0, $0x0;
	s0 =	rddreg [dreg:$0x3]  }
0x272: {  	s0 =	sadd.s32 @!p0 $0x100000, s0  }
0x273: {  	[sflag:s0] =	ssyncadd.tile.s32 @!p0 $0x1;
	_ =	shalt  }
.Lfunc_end2:
_tile_overlayer_lowered:
.L_overlay_start_2:
0x274: {  	(tag) =	ssettag $0x2  }
0x275: {  	s0 =	rddreg [dreg:$0x0];
	s2 =	stileid.u32  }
0x276: {  	s1 =	rddreg [dreg:$0x1];
	p0 =	sne.s32 s2, $0x0  }
0x277: {  	s3 =	rddreg [dreg:$0x2];
	[bflag:$0x3] =	sbarrier.arrive $0xFFFF;
	s2 =	simm.s32 @!p0 $0x1C02  }
0x278: {  	[timem:s3], [sflag:s2] =	dma.local @!p0 [hbm:s0], s1  }
0x279: {  	s0 =	simm.s32 @!p0 $0x2  }
0x27a: {  	_ =	swait.ge @!p0 [sflag:s0], s1  }
0x27b: {  	s1 =	ssub.s32 @!p0 $0x0, s1;
	[sflag:s0] =	ssyncset.done @!p0 $0x0  }
0x27c: {  	[sflag:s0] =	ssyncadd.s32 @!p0 s1  }
0x27d: {  	[bflag:$0x3] =	sbarrier.arrive $0xFFFF  }
0x27e: {  	_ =	shalt  }

</sc_bundles>
